<compile_context>
chip_gen: v7x
topology: tpu7x:2x2x1
jax: 0.10.2.dev20260603
libtpu: 0.0.44.dev20260713+nightly
codegen_flags: <defaults>
</compile_context>

<pallas_src>
import functools

import jax
import jax.numpy as jnp
from jax import lax
from jax.experimental import pallas as pl
from jax.experimental.pallas import tpu as pltpu
from jax.experimental.pallas import tpu_sc as plsc

NC = 2
NS = 16
LANES = 16
CHUNK = 128
TPC = 3 * CHUNK


@functools.cache
def _build(B, N, D):
    NW = NC * NS
    b_per_w = B // NW
    n_chunks = b_per_w // CHUNK
    groups_per_chunk = CHUNK // LANES

    mesh = plsc.VectorSubcoreMesh(
        core_axis_name="c", subcore_axis_name="s",
        num_cores=NC, num_subcores=NS,
    )

    @functools.partial(
        pl.kernel,
        out_type=jax.ShapeDtypeStruct((B,), jnp.float32),
        mesh=mesh,
        compiler_params=pltpu.CompilerParams(
            needs_layout_passes=False, use_tc_tiling_on_sc=True),
        scratch_types=[
            pltpu.VMEM((3 * b_per_w,), jnp.int32),
            pltpu.VMEM((2 * TPC, D), jnp.float32),
            pltpu.VMEM((b_per_w,), jnp.float32),
            pltpu.SemaphoreType.DMA((2,)),
        ],
    )
    def kern(ijk_hbm, u_hbm, v_hbm, out_hbm, idxv, rows, outv, sem):
        wid = lax.axis_index("s") * NC + lax.axis_index("c")
        base = wid * b_per_w

        pltpu.sync_copy(ijk_hbm.at[pl.ds(base, b_per_w)],
                        idxv.at[pl.ds(0, b_per_w)])
        pltpu.sync_copy(ijk_hbm.at[pl.ds(B + base, b_per_w)],
                        idxv.at[pl.ds(b_per_w, b_per_w)])
        pltpu.sync_copy(ijk_hbm.at[pl.ds(2 * B + base, b_per_w)],
                        idxv.at[pl.ds(2 * b_per_w, b_per_w)])

        def issue_chunk(c, slot):
            def issue_group(g, _):
                off = c * CHUNK + g * LANES
                ivec = idxv[pl.ds(off, LANES)]
                jvec = idxv[pl.ds(b_per_w + off, LANES)]
                kvec = idxv[pl.ds(2 * b_per_w + off, LANES)]
                rbase = slot * TPC + g * LANES
                for l in range(LANES):
                    pltpu.async_copy(
                        u_hbm.at[ivec[l]], rows.at[rbase + l], sem.at[slot])
                    pltpu.async_copy(
                        v_hbm.at[jvec[l]], rows.at[CHUNK + rbase + l],
                        sem.at[slot])
                    pltpu.async_copy(
                        v_hbm.at[kvec[l]], rows.at[2 * CHUNK + rbase + l],
                        sem.at[slot])
                return _

            lax.fori_loop(0, groups_per_chunk, issue_group, None)

        def drain_slot(slot):
            sl = pl.ds(slot * TPC, TPC)
            pltpu.make_async_copy(u_hbm.at[pl.ds(0, TPC)], rows.at[sl],
                                  sem.at[slot]).wait()

        lane = lax.iota(jnp.int32, LANES)

        def compute_chunk(c, slot):
            def group_body(g, _):
                rid = lane + (slot * TPC + g * LANES)

                def d_body(d8, acc):
                    for dd in range(8):
                        col = jnp.full((LANES,), dd, jnp.int32) + d8 * 8
                        u_d = plsc.load_gather(rows, [rid, col])
                        vj_d = plsc.load_gather(rows, [rid + CHUNK, col])
                        vk_d = plsc.load_gather(rows, [rid + 2 * CHUNK, col])
                        dj = u_d - vj_d
                        dk = u_d - vk_d
                        acc = acc + (dk * dk - dj * dj)
                    return acc

                acc = lax.fori_loop(0, D // 8, d_body,
                                    jnp.zeros((LANES,), jnp.float32))
                outv[pl.ds(c * CHUNK + g * LANES, LANES)] = (
                    1.0 / (1.0 + jnp.exp(-acc)))
                return _

            lax.fori_loop(0, groups_per_chunk, group_body, None)

        issue_chunk(0, 0)

        def chunk_body(c, _):
            issue_chunk(c + 1, (c + 1) % 2)
            drain_slot(c % 2)
            compute_chunk(c, c % 2)
            return _

        lax.fori_loop(0, n_chunks - 1, chunk_body, None)
        drain_slot((n_chunks - 1) % 2)
        compute_chunk(n_chunks - 1, (n_chunks - 1) % 2)

        pltpu.sync_copy(outv, out_hbm.at[pl.ds(base, b_per_w)])

    return kern


def kernel(i, j, k, u_weight, v_weight):
    B = i.shape[0]
    N, D = u_weight.shape
    kern = _build(B, N, D)
    ijk = jnp.concatenate(
        [i.astype(jnp.int32), j.astype(jnp.int32), k.astype(jnp.int32)])
    return kern(ijk, u_weight, v_weight)

# --- scband reference (transcript-rebuilt; emitter-appended) ---
"""Pipeline reference for scband-vector-bt-norm-8538394984994 (READ-ONLY COPY).

The authoritative reference and input builder live on the scoring server;
editing this copy changes nothing except your own understanding.
"""

import jax, jax.numpy as jnp
import numpy as np

NUM_MODELS = 100000
D = 64
B = 16384

def setup_inputs(seed: int = 0) -> dict:
    key = jax.random.key(seed)
    k1, k2, k3, k4, k5 = jax.random.split(key, 5)
    i = jax.random.randint(k1, (B,), 0, NUM_MODELS)
    j = jax.random.randint(k2, (B,), 0, NUM_MODELS)
    k = jax.random.randint(k3, (B,), 0, NUM_MODELS)
    u_weight = jax.random.normal(k4, (NUM_MODELS, D), dtype=jnp.float32) * 0.1
    v_weight = jax.random.normal(k5, (NUM_MODELS, D), dtype=jnp.float32) * 0.1
    return {"i": i, "j": j, "k": k, "u_weight": u_weight, "v_weight": v_weight}

def reference(i, j, k, u_weight, v_weight):
    u_i = jnp.take(u_weight, i, axis=0)
    v_j = jnp.take(v_weight, j, axis=0)
    v_k = jnp.take(v_weight, k, axis=0)
    score_j = -jnp.sum((u_i - v_j) ** 2, axis=-1)
    score_k = -jnp.sum((u_i - v_k) ** 2, axis=-1)
    return jax.nn.sigmoid(score_j - score_k)

if __name__ == "__main__":
    import jax
    _d = setup_inputs()
    print(jax.jit(kernel)(*tuple(_d.values())))

</pallas_src>

<mosaic_0001>
#map = affine_map<(d0, d1) -> (0)>
#map1 = affine_map<(d0, d1) -> (0, 0)>
module attributes {stable_mosaic.version = 14 : i64} {
  func.func @kern(%arg0: i32, %arg1: i32, %arg2: memref<49152xi32, #tpu.memory_space<hbm>>, %arg3: memref<100000x64xf32, #tpu.memory_space<hbm>>, %arg4: memref<100000x64xf32, #tpu.memory_space<hbm>>, %arg5: memref<16384xf32, #tpu.memory_space<hbm>>, %arg6: memref<1536xi32, #tpu.memory_space<vmem>>, %arg7: memref<768x64xf32, #tpu.memory_space<vmem>>, %arg8: memref<512xf32, #tpu.memory_space<vmem>>, %arg9: memref<2x!tpu.dma_semaphore, #tpu.memory_space<semaphore_mem>>) attributes {dimension_semantics = [#tpu.dimension_semantics<core_parallel>, #tpu.dimension_semantics<subcore_parallel>], iteration_bounds = array<i64: 2, 16>, scalar_prefetch = 0 : i64, scratch_operands = 4 : i64, tpu.core_type = #tpu.core_type<sc_vector_subcore>, window_params = [{transform_indices = #map}, {transform_indices = #map1}, {transform_indices = #map1}, {transform_indices = #map}]} {
    %mul3A = arith.constant 2 : i32
    %mul3A_0 = arith.muli %arg1, %mul3A : i32
    %add3A = arith.addi %mul3A_0, %arg0 : i32
    %mul3A_1 = arith.constant 512 : i32
    %mul3A_2 = arith.muli %add3A, %mul3A_1 : i32
    "tpu.region"() ({
      %run_scoped3A = tpu.sem_alloc : memref<!tpu.dma_semaphore, #tpu.memory_space<semaphore_mem>>
      %dma_start3A = arith.constant 0 : i32
      %dma_start3A_35 = tpu.memref_slice %arg6[%dma_start3A] : memref<1536xi32, #tpu.memory_space<vmem>> -> memref<512xi32, #tpu.memory_space<vmem>>
      %dma_start3A_36 = tpu.memref_slice %arg2[%mul3A_2] : memref<49152xi32, #tpu.memory_space<hbm>> -> memref<512xi32, #tpu.memory_space<hbm>>
      %dma_start3A_37 = arith.constant 0 : i32
      %dma_start3A_38 = tpu.memref_slice %arg6[%dma_start3A_37] : memref<1536xi32, #tpu.memory_space<vmem>> -> memref<512xi32, #tpu.memory_space<vmem>>
      %dma_start3A_39 = tpu.memref_slice %arg2[%mul3A_2] : memref<49152xi32, #tpu.memory_space<hbm>> -> memref<512xi32, #tpu.memory_space<hbm>>
      tpu.enqueue_dma source(%dma_start3A_39 : memref<512xi32, #tpu.memory_space<hbm>>) target(%dma_start3A_38 : memref<512xi32, #tpu.memory_space<vmem>>) target_semaphore(%run_scoped3A : memref<!tpu.dma_semaphore, #tpu.memory_space<semaphore_mem>>)
      %dma_wait3A_40 = arith.constant 0 : i32
      %dma_wait3A_41 = tpu.memref_slice %arg6[%dma_wait3A_40] : memref<1536xi32, #tpu.memory_space<vmem>> -> memref<512xi32, #tpu.memory_space<vmem>>
      %dma_wait3A_42 = tpu.memref_slice %arg2[%mul3A_2] : memref<49152xi32, #tpu.memory_space<hbm>> -> memref<512xi32, #tpu.memory_space<hbm>>
      %dma_wait3A_43 = arith.constant 0 : i32
      %dma_wait3A_44 = tpu.memref_slice %arg6[%dma_wait3A_43] : memref<1536xi32, #tpu.memory_space<vmem>> -> memref<512xi32, #tpu.memory_space<vmem>>
      %dma_wait3A_45 = tpu.memref_slice %arg2[%mul3A_2] : memref<49152xi32, #tpu.memory_space<hbm>> -> memref<512xi32, #tpu.memory_space<hbm>>
      tpu.wait_dma2 semaphore(%run_scoped3A : memref<!tpu.dma_semaphore, #tpu.memory_space<semaphore_mem>>) src(%dma_wait3A_45 : memref<512xi32, #tpu.memory_space<hbm>>) dst(%dma_wait3A_44 : memref<512xi32, #tpu.memory_space<vmem>>)
      tpu.yield
    }) : () -> ()
    %add3A_3 = arith.constant 16384 : i32
    %add3A_4 = arith.addi %add3A_3, %mul3A_2 : i32
    "tpu.region"() ({
      %run_scoped3A = tpu.sem_alloc : memref<!tpu.dma_semaphore, #tpu.memory_space<semaphore_mem>>
      %dma_start3A = arith.constant 512 : i32
      %dma_start3A_35 = tpu.memref_slice %arg6[%dma_start3A] : memref<1536xi32, #tpu.memory_space<vmem>> -> memref<512xi32, #tpu.memory_space<vmem>>
      %dma_start3A_36 = tpu.memref_slice %arg2[%add3A_4] : memref<49152xi32, #tpu.memory_space<hbm>> -> memref<512xi32, #tpu.memory_space<hbm>>
      %dma_start3A_37 = arith.constant 512 : i32
      %dma_start3A_38 = tpu.memref_slice %arg6[%dma_start3A_37] : memref<1536xi32, #tpu.memory_space<vmem>> -> memref<512xi32, #tpu.memory_space<vmem>>
      %dma_start3A_39 = tpu.memref_slice %arg2[%add3A_4] : memref<49152xi32, #tpu.memory_space<hbm>> -> memref<512xi32, #tpu.memory_space<hbm>>
      tpu.enqueue_dma source(%dma_start3A_39 : memref<512xi32, #tpu.memory_space<hbm>>) target(%dma_start3A_38 : memref<512xi32, #tpu.memory_space<vmem>>) target_semaphore(%run_scoped3A : memref<!tpu.dma_semaphore, #tpu.memory_space<semaphore_mem>>)
      %dma_wait3A_40 = arith.constant 512 : i32
      %dma_wait3A_41 = tpu.memref_slice %arg6[%dma_wait3A_40] : memref<1536xi32, #tpu.memory_space<vmem>> -> memref<512xi32, #tpu.memory_space<vmem>>
      %dma_wait3A_42 = tpu.memref_slice %arg2[%add3A_4] : memref<49152xi32, #tpu.memory_space<hbm>> -> memref<512xi32, #tpu.memory_space<hbm>>
      %dma_wait3A_43 = arith.constant 512 : i32
      %dma_wait3A_44 = tpu.memref_slice %arg6[%dma_wait3A_43] : memref<1536xi32, #tpu.memory_space<vmem>> -> memref<512xi32, #tpu.memory_space<vmem>>
      %dma_wait3A_45 = tpu.memref_slice %arg2[%add3A_4] : memref<49152xi32, #tpu.memory_space<hbm>> -> memref<512xi32, #tpu.memory_space<hbm>>
      tpu.wait_dma2 semaphore(%run_scoped3A : memref<!tpu.dma_semaphore, #tpu.memory_space<semaphore_mem>>) src(%dma_wait3A_45 : memref<512xi32, #tpu.memory_space<hbm>>) dst(%dma_wait3A_44 : memref<512xi32, #tpu.memory_space<vmem>>)
      tpu.yield
    }) : () -> ()
    %add3A_5 = arith.constant 32768 : i32
    %add3A_6 = arith.addi %add3A_5, %mul3A_2 : i32
    "tpu.region"() ({
      %run_scoped3A = tpu.sem_alloc : memref<!tpu.dma_semaphore, #tpu.memory_space<semaphore_mem>>
      %dma_start3A = arith.constant 1024 : i32
      %dma_start3A_35 = tpu.memref_slice %arg6[%dma_start3A] : memref<1536xi32, #tpu.memory_space<vmem>> -> memref<512xi32, #tpu.memory_space<vmem>>
      %dma_start3A_36 = tpu.memref_slice %arg2[%add3A_6] : memref<49152xi32, #tpu.memory_space<hbm>> -> memref<512xi32, #tpu.memory_space<hbm>>
      %dma_start3A_37 = arith.constant 1024 : i32
      %dma_start3A_38 = tpu.memref_slice %arg6[%dma_start3A_37] : memref<1536xi32, #tpu.memory_space<vmem>> -> memref<512xi32, #tpu.memory_space<vmem>>
      %dma_start3A_39 = tpu.memref_slice %arg2[%add3A_6] : memref<49152xi32, #tpu.memory_space<hbm>> -> memref<512xi32, #tpu.memory_space<hbm>>
      tpu.enqueue_dma source(%dma_start3A_39 : memref<512xi32, #tpu.memory_space<hbm>>) target(%dma_start3A_38 : memref<512xi32, #tpu.memory_space<vmem>>) target_semaphore(%run_scoped3A : memref<!tpu.dma_semaphore, #tpu.memory_space<semaphore_mem>>)
      %dma_wait3A_40 = arith.constant 1024 : i32
      %dma_wait3A_41 = tpu.memref_slice %arg6[%dma_wait3A_40] : memref<1536xi32, #tpu.memory_space<vmem>> -> memref<512xi32, #tpu.memory_space<vmem>>
      %dma_wait3A_42 = tpu.memref_slice %arg2[%add3A_6] : memref<49152xi32, #tpu.memory_space<hbm>> -> memref<512xi32, #tpu.memory_space<hbm>>
      %dma_wait3A_43 = arith.constant 1024 : i32
      %dma_wait3A_44 = tpu.memref_slice %arg6[%dma_wait3A_43] : memref<1536xi32, #tpu.memory_space<vmem>> -> memref<512xi32, #tpu.memory_space<vmem>>
      %dma_wait3A_45 = tpu.memref_slice %arg2[%add3A_6] : memref<49152xi32, #tpu.memory_space<hbm>> -> memref<512xi32, #tpu.memory_space<hbm>>
      tpu.wait_dma2 semaphore(%run_scoped3A : memref<!tpu.dma_semaphore, #tpu.memory_space<semaphore_mem>>) src(%dma_wait3A_45 : memref<512xi32, #tpu.memory_space<hbm>>) dst(%dma_wait3A_44 : memref<512xi32, #tpu.memory_space<vmem>>)
      tpu.yield
    }) : () -> ()
    %iota3A = tpu.iota {dimensions = array<i32: 0>} : vector<16xi32>
    %scan3A = arith.constant 0 : i32
    %scan3A_7 = arith.constant 8 : i32
    %scan3A_8 = arith.addi %scan3A, %scan3A_7 : i32
    %scan3A_9 = arith.constant 1 : i32
    scf.for %scan3A_35 = %scan3A to %scan3A_8 step %scan3A_9  : i32 {
      %mul3A_36 = arith.constant 16 : i32
      %mul3A_37 = arith.muli %scan3A_35, %mul3A_36 : i32
      %add3A_38 = arith.constant 0 : i32
      %add3A_39 = arith.addi %add3A_38, %mul3A_37 : i32
      %get3A = arith.index_cast %add3A_39 : i32 to index
      %get3A_40 = tpu.vector_load %arg6[%get3A] {strides = array<i32>} : memref<1536xi32, #tpu.memory_space<vmem>>, vector<16xi32>,
      %add3A_41 = arith.constant 512 : i32
      %add3A_42 = arith.addi %add3A_41, %add3A_39 : i32
      %get3A_43 = arith.index_cast %add3A_42 : i32 to index
      %get3A_44 = tpu.vector_load %arg6[%get3A_43] {strides = array<i32>} : memref<1536xi32, #tpu.memory_space<vmem>>, vector<16xi32>,
      %add3A_45 = arith.constant 1024 : i32
      %add3A_46 = arith.addi %add3A_45, %add3A_39 : i32
      %get3A_47 = arith.index_cast %add3A_46 : i32 to index
      %get3A_48 = tpu.vector_load %arg6[%get3A_47] {strides = array<i32>} : memref<1536xi32, #tpu.memory_space<vmem>>, vector<16xi32>,
      %mul3A_49 = arith.constant 16 : i32
      %mul3A_50 = arith.muli %scan3A_35, %mul3A_49 : i32
      %add3A_51 = arith.constant 0 : i32
      %add3A_52 = arith.addi %add3A_51, %mul3A_50 : i32
      %slice3A = vector.extract_strided_slice %get3A_40 {offsets = [0], sizes = [1], strides = [1]} : vector<16xi32> to vector<1xi32>
      %squeeze3A = vector.extract %slice3A[0] : i32 from vector<1xi32>
      %add3A_53 = arith.constant 0 : i32
      %add3A_54 = arith.addi %add3A_52, %add3A_53 : i32
      %dma_start3A = arith.constant 0 : i32
      %dma_start3A_55 = arith.constant 0 : i32
      %dma_start3A_56 = tpu.memref_slice %arg7[%add3A_54, %dma_start3A_55] : memref<768x64xf32, #tpu.memory_space<vmem>> -> memref<1x64xf32, #tpu.memory_space<vmem>>
      %dma_start3A_57 = tpu.memref_squeeze %dma_start3A_56 : memref<1x64xf32, #tpu.memory_space<vmem>> -> memref<64xf32, #tpu.memory_space<vmem>>
      %dma_start3A_58 = arith.constant 0 : i32
      %dma_start3A_59 = tpu.memref_slice %arg3[%squeeze3A, %dma_start3A_58] : memref<100000x64xf32, #tpu.memory_space<hbm>> -> memref<1x64xf32, #tpu.memory_space<hbm>>
      %dma_start3A_60 = tpu.memref_squeeze %dma_start3A_59 : memref<1x64xf32, #tpu.memory_space<hbm>> -> memref<64xf32, #tpu.memory_space<hbm>>
      %dma_start3A_61 = tpu.memref_slice %arg9[%dma_start3A] : memref<2x!tpu.dma_semaphore, #tpu.memory_space<semaphore_mem>> -> memref<1x!tpu.dma_semaphore, #tpu.memory_space<semaphore_mem>>
      %dma_start3A_62 = tpu.memref_squeeze %dma_start3A_61 : memref<1x!tpu.dma_semaphore, #tpu.memory_space<semaphore_mem>> -> memref<!tpu.dma_semaphore, #tpu.memory_space<semaphore_mem>>
      %dma_start3A_63 = arith.constant 0 : i32
      %dma_start3A_64 = tpu.memref_slice %arg7[%add3A_54, %dma_start3A_63] : memref<768x64xf32, #tpu.memory_space<vmem>> -> memref<1x64xf32, #tpu.memory_space<vmem>>
      %dma_start3A_65 = tpu.memref_squeeze %dma_start3A_64 : memref<1x64xf32, #tpu.memory_space<vmem>> -> memref<64xf32, #tpu.memory_space<vmem>>
      %dma_start3A_66 = arith.constant 0 : i32
      %dma_start3A_67 = tpu.memref_slice %arg3[%squeeze3A, %dma_start3A_66] : memref<100000x64xf32, #tpu.memory_space<hbm>> -> memref<1x64xf32, #tpu.memory_space<hbm>>
      %dma_start3A_68 = tpu.memref_squeeze %dma_start3A_67 : memref<1x64xf32, #tpu.memory_space<hbm>> -> memref<64xf32, #tpu.memory_space<hbm>>
      tpu.enqueue_dma source(%dma_start3A_68 : memref<64xf32, #tpu.memory_space<hbm>>) target(%dma_start3A_65 : memref<64xf32, #tpu.memory_space<vmem>>) target_semaphore(%dma_start3A_62 : memref<!tpu.dma_semaphore, #tpu.memory_space<semaphore_mem>>)
      %slice3A_69 = vector.extract_strided_slice %get3A_44 {offsets = [0], sizes = [1], strides = [1]} : vector<16xi32> to vector<1xi32>
      %squeeze3A_70 = vector.extract %slice3A_69[0] : i32 from vector<1xi32>
      %add3A_71 = arith.constant 128 : i32
      %add3A_72 = arith.addi %add3A_71, %add3A_52 : i32
      %add3A_73 = arith.constant 0 : i32
      %add3A_74 = arith.addi %add3A_72, %add3A_73 : i32
      %dma_start3A_75 = arith.constant 0 : i32
      %dma_start3A_76 = arith.constant 0 : i32
      %dma_start3A_77 = tpu.memref_slice %arg7[%add3A_74, %dma_start3A_76] : memref<768x64xf32, #tpu.memory_space<vmem>> -> memref<1x64xf32, #tpu.memory_space<vmem>>
      %dma_start3A_78 = tpu.memref_squeeze %dma_start3A_77 : memref<1x64xf32, #tpu.memory_space<vmem>> -> memref<64xf32, #tpu.memory_space<vmem>>
      %dma_start3A_79 = arith.constant 0 : i32
      %dma_start3A_80 = tpu.memref_slice %arg4[%squeeze3A_70, %dma_start3A_79] : memref<100000x64xf32, #tpu.memory_space<hbm>> -> memref<1x64xf32, #tpu.memory_space<hbm>>
      %dma_start3A_81 = tpu.memref_squeeze %dma_start3A_80 : memref<1x64xf32, #tpu.memory_space<hbm>> -> memref<64xf32, #tpu.memory_space<hbm>>
      %dma_start3A_82 = tpu.memref_slice %arg9[%dma_start3A_75] : memref<2x!tpu.dma_semaphore, #tpu.memory_space<semaphore_mem>> -> memref<1x!tpu.dma_semaphore, #tpu.memory_space<semaphore_mem>>
      %dma_start3A_83 = tpu.memref_squeeze %dma_start3A_82 : memref<1x!tpu.dma_semaphore, #tpu.memory_space<semaphore_mem>> -> memref<!tpu.dma_semaphore, #tpu.memory_space<semaphore_mem>>
      %dma_start3A_84 = arith.constant 0 : i32
      %dma_start3A_85 = tpu.memref_slice %arg7[%add3A_74, %dma_start3A_84] : memref<768x64xf32, #tpu.memory_space<vmem>> -> memref<1x64xf32, #tpu.memory_space<vmem>>
      %dma_start3A_86 = tpu.memref_squeeze %dma_start3A_85 : memref<1x64xf32, #tpu.memory_space<vmem>> -> memref<64xf32, #tpu.memory_space<vmem>>
      %dma_start3A_87 = arith.constant 0 : i32
      %dma_start3A_88 = tpu.memref_slice %arg4[%squeeze3A_70, %dma_start3A_87] : memref<100000x64xf32, #tpu.memory_space<hbm>> -> memref<1x64xf32, #tpu.memory_space<hbm>>
      %dma_start3A_89 = tpu.memref_squeeze %dma_start3A_88 : memref<1x64xf32, #tpu.memory_space<hbm>> -> memref<64xf32, #tpu.memory_space<hbm>>
      tpu.enqueue_dma source(%dma_start3A_89 : memref<64xf32, #tpu.memory_space<hbm>>) target(%dma_start3A_86 : memref<64xf32, #tpu.memory_space<vmem>>) target_semaphore(%dma_start3A_83 : memref<!tpu.dma_semaphore, #tpu.memory_space<semaphore_mem>>)
      %slice3A_90 = vector.extract_strided_slice %get3A_48 {offsets = [0], sizes = [1], strides = [1]} : vector<16xi32> to vector<1xi32>
      %squeeze3A_91 = vector.extract %slice3A_90[0] : i32 from vector<1xi32>
      %add3A_92 = arith.constant 256 : i32
      %add3A_93 = arith.addi %add3A_92, %add3A_52 : i32
      %add3A_94 = arith.constant 0 : i32
      %add3A_95 = arith.addi %add3A_93, %add3A_94 : i32
      %dma_start3A_96 = arith.constant 0 : i32
      %dma_start3A_97 = arith.constant 0 : i32
      %dma_start3A_98 = tpu.memref_slice %arg7[%add3A_95, %dma_start3A_97] : memref<768x64xf32, #tpu.memory_space<vmem>> -> memref<1x64xf32, #tpu.memory_space<vmem>>
      %dma_start3A_99 = tpu.memref_squeeze %dma_start3A_98 : memref<1x64xf32, #tpu.memory_space<vmem>> -> memref<64xf32, #tpu.memory_space<vmem>>
      %dma_start3A_100 = arith.constant 0 : i32
      %dma_start3A_101 = tpu.memref_slice %arg4[%squeeze3A_91, %dma_start3A_100] : memref<100000x64xf32, #tpu.memory_space<hbm>> -> memref<1x64xf32, #tpu.memory_space<hbm>>
      %dma_start3A_102 = tpu.memref_squeeze %dma_start3A_101 : memref<1x64xf32, #tpu.memory_space<hbm>> -> memref<64xf32, #tpu.memory_space<hbm>>
      %dma_start3A_103 = tpu.memref_slice %arg9[%dma_start3A_96] : memref<2x!tpu.dma_semaphore, #tpu.memory_space<semaphore_mem>> -> memref<1x!tpu.dma_semaphore, #tpu.memory_space<semaphore_mem>>
      %dma_start3A_104 = tpu.memref_squeeze %dma_start3A_103 : memref<1x!tpu.dma_semaphore, #tpu.memory_space<semaphore_mem>> -> memref<!tpu.dma_semaphore, #tpu.memory_space<semaphore_mem>>
      %dma_start3A_105 = arith.constant 0 : i32
      %dma_start3A_106 = tpu.memref_slice %arg7[%add3A_95, %dma_start3A_105] : memref<768x64xf32, #tpu.memory_space<vmem>> -> memref<1x64xf32, #tpu.memory_space<vmem>>
      %dma_start3A_107 = tpu.memref_squeeze %dma_start3A_106 : memref<1x64xf32, #tpu.memory_space<vmem>> -> memref<64xf32, #tpu.memory_space<vmem>>
      %dma_start3A_108 = arith.constant 0 : i32
      %dma_start3A_109 = tpu.memref_slice %arg4[%squeeze3A_91, %dma_start3A_108] : memref<100000x64xf32, #tpu.memory_space<hbm>> -> memref<1x64xf32, #tpu.memory_space<hbm>>
      %dma_start3A_110 = tpu.memref_squeeze %dma_start3A_109 : memref<1x64xf32, #tpu.memory_space<hbm>> -> memref<64xf32, #tpu.memory_space<hbm>>
      tpu.enqueue_dma source(%dma_start3A_110 : memref<64xf32, #tpu.memory_space<hbm>>) target(%dma_start3A_107 : memref<64xf32, #tpu.memory_space<vmem>>) target_semaphore(%dma_start3A_104 : memref<!tpu.dma_semaphore, #tpu.memory_space<semaphore_mem>>)
      %slice3A_111 = vector.extract_strided_slice %get3A_40 {offsets = [1], sizes = [1], strides = [1]} : vector<16xi32> to vector<1xi32>
      %squeeze3A_112 = vector.extract %slice3A_111[0] : i32 from vector<1xi32>
      %add3A_113 = arith.constant 1 : i32
      %add3A_114 = arith.addi %add3A_52, %add3A_113 : i32
      %dma_start3A_115 = arith.constant 0 : i32
      %dma_start3A_116 = arith.constant 0 : i32
      %dma_start3A_117 = tpu.memref_slice %arg7[%add3A_114, %dma_start3A_116] : memref<768x64xf32, #tpu.memory_space<vmem>> -> memref<1x64xf32, #tpu.memory_space<vmem>>
      %dma_start3A_118 = tpu.memref_squeeze %dma_start3A_117 : memref<1x64xf32, #tpu.memory_space<vmem>> -> memref<64xf32, #tpu.memory_space<vmem>>
      %dma_start3A_119 = arith.constant 0 : i32
      %dma_start3A_120 = tpu.memref_slice %arg3[%squeeze3A_112, %dma_start3A_119] : memref<100000x64xf32, #tpu.memory_space<hbm>> -> memref<1x64xf32, #tpu.memory_space<hbm>>
      %dma_start3A_121 = tpu.memref_squeeze %dma_start3A_120 : memref<1x64xf32, #tpu.memory_space<hbm>> -> memref<64xf32, #tpu.memory_space<hbm>>
      %dma_start3A_122 = tpu.memref_slice %arg9[%dma_start3A_115] : memref<2x!tpu.dma_semaphore, #tpu.memory_space<semaphore_mem>> -> memref<1x!tpu.dma_semaphore, #tpu.memory_space<semaphore_mem>>
      %dma_start3A_123 = tpu.memref_squeeze %dma_start3A_122 : memref<1x!tpu.dma_semaphore, #tpu.memory_space<semaphore_mem>> -> memref<!tpu.dma_semaphore, #tpu.memory_space<semaphore_mem>>
      %dma_start3A_124 = arith.constant 0 : i32
      %dma_start3A_125 = tpu.memref_slice %arg7[%add3A_114, %dma_start3A_124] : memref<768x64xf32, #tpu.memory_space<vmem>> -> memref<1x64xf32, #tpu.memory_space<vmem>>
      %dma_start3A_126 = tpu.memref_squeeze %dma_start3A_125 : memref<1x64xf32, #tpu.memory_space<vmem>> -> memref<64xf32, #tpu.memory_space<vmem>>
      %dma_start3A_127 = arith.constant 0 : i32
      %dma_start3A_128 = tpu.memref_slice %arg3[%squeeze3A_112, %dma_start3A_127] : memref<100000x64xf32, #tpu.memory_space<hbm>> -> memref<1x64xf32, #tpu.memory_space<hbm>>
      %dma_start3A_129 = tpu.memref_squeeze %dma_start3A_128 : memref<1x64xf32, #tpu.memory_space<hbm>> -> memref<64xf32, #tpu.memory_space<hbm>>
      tpu.enqueue_dma source(%dma_start3A_129 : memref<64xf32, #tpu.memory_space<hbm>>) target(%dma_start3A_126 : memref<64xf32, #tpu.memory_space<vmem>>) target_semaphore(%dma_start3A_123 : memref<!tpu.dma_semaphore, #tpu.memory_space<semaphore_mem>>)
      %slice3A_130 = vector.extract_strided_slice %get3A_44 {offsets = [1], sizes = [1], strides = [1]} : vector<16xi32> to vector<1xi32>
      %squeeze3A_131 = vector.extract %slice3A_130[0] : i32 from vector<1xi32>
      %add3A_132 = arith.constant 128 : i32
      %add3A_133 = arith.addi %add3A_132, %add3A_52 : i32
      %add3A_134 = arith.constant 1 : i32
      %add3A_135 = arith.addi %add3A_133, %add3A_134 : i32
      %dma_start3A_136 = arith.constant 0 : i32
      %dma_start3A_137 = arith.constant 0 : i32
      %dma_start3A_138 = tpu.memref_slice %arg7[%add3A_135, %dma_start3A_137] : memref<768x64xf32, #tpu.memory_space<vmem>> -> memref<1x64xf32, #tpu.memory_space<vmem>>
      %dma_start3A_139 = tpu.memref_squeeze %dma_start3A_138 : memref<1x64xf32, #tpu.memory_space<vmem>> -> memref<64xf32, #tpu.memory_space<vmem>>
      %dma_start3A_140 = arith.constant 0 : i32
      %dma_start3A_141 = tpu.memref_slice %arg4[%squeeze3A_131, %dma_start3A_140] : memref<100000x64xf32, #tpu.memory_space<hbm>> -> memref<1x64xf32, #tpu.memory_space<hbm>>
      %dma_start3A_142 = tpu.memref_squeeze %dma_start3A_141 : memref<1x64xf32, #tpu.memory_space<hbm>> -> memref<64xf32, #tpu.memory_space<hbm>>
      %dma_start3A_143 = tpu.memref_slice %arg9[%dma_start3A_136] : memref<2x!tpu.dma_semaphore, #tpu.memory_space<semaphore_mem>> -> memref<1x!tpu.dma_semaphore, #tpu.memory_space<semaphore_mem>>
      %dma_start3A_144 = tpu.memref_squeeze %dma_start3A_143 : memref<1x!tpu.dma_semaphore, #tpu.memory_space<semaphore_mem>> -> memref<!tpu.dma_semaphore, #tpu.memory_space<semaphore_mem>>
      %dma_start3A_145 = arith.constant 0 : i32
      %dma_start3A_146 = tpu.memref_slice %arg7[%add3A_135, %dma_start3A_145] : memref<768x64xf32, #tpu.memory_space<vmem>> -> memref<1x64xf32, #tpu.memory_space<vmem>>
      %dma_start3A_147 = tpu.memref_squeeze %dma_start3A_146 : memref<1x64xf32, #tpu.memory_space<vmem>> -> memref<64xf32, #tpu.memory_space<vmem>>
      %dma_start3A_148 = arith.constant 0 : i32
      %dma_start3A_149 = tpu.memref_slice %arg4[%squeeze3A_131, %dma_start3A_148] : memref<100000x64xf32, #tpu.memory_space<hbm>> -> memref<1x64xf32, #tpu.memory_space<hbm>>
      %dma_start3A_150 = tpu.memref_squeeze %dma_start3A_149 : memref<1x64xf32, #tpu.memory_space<hbm>> -> memref<64xf32, #tpu.memory_space<hbm>>
      tpu.enqueue_dma source(%dma_start3A_150 : memref<64xf32, #tpu.memory_space<hbm>>) target(%dma_start3A_147 : memref<64xf32, #tpu.memory_space<vmem>>) target_semaphore(%dma_start3A_144 : memref<!tpu.dma_semaphore, #tpu.memory_space<semaphore_mem>>)
      %slice3A_151 = vector.extract_strided_slice %get3A_48 {offsets = [1], sizes = [1], strides = [1]} : vector<16xi32> to vector<1xi32>
      %squeeze3A_152 = vector.extract %slice3A_151[0] : i32 from vector<1xi32>
      %add3A_153 = arith.constant 256 : i32
      %add3A_154 = arith.addi %add3A_153, %add3A_52 : i32
      %add3A_155 = arith.constant 1 : i32
      %add3A_156 = arith.addi %add3A_154, %add3A_155 : i32
      %dma_start3A_157 = arith.constant 0 : i32
      %dma_start3A_158 = arith.constant 0 : i32
      %dma_start3A_159 = tpu.memref_slice %arg7[%add3A_156, %dma_start3A_158] : memref<768x64xf32, #tpu.memory_space<vmem>> -> memref<1x64xf32, #tpu.memory_space<vmem>>
      %dma_start3A_160 = tpu.memref_squeeze %dma_start3A_159 : memref<1x64xf32, #tpu.memory_space<vmem>> -> memref<64xf32, #tpu.memory_space<vmem>>
      %dma_start3A_161 = arith.constant 0 : i32
      %dma_start3A_162 = tpu.memref_slice %arg4[%squeeze3A_152, %dma_start3A_161] : memref<100000x64xf32, #tpu.memory_space<hbm>> -> memref<1x64xf32, #tpu.memory_space<hbm>>
      %dma_start3A_163 = tpu.memref_squeeze %dma_start3A_162 : memref<1x64xf32, #tpu.memory_space<hbm>> -> memref<64xf32, #tpu.memory_space<hbm>>
      %dma_start3A_164 = tpu.memref_slice %arg9[%dma_start3A_157] : memref<2x!tpu.dma_semaphore, #tpu.memory_space<semaphore_mem>> -> memref<1x!tpu.dma_semaphore, #tpu.memory_space<semaphore_mem>>
      %dma_start3A_165 = tpu.memref_squeeze %dma_start3A_164 : memref<1x!tpu.dma_semaphore, #tpu.memory_space<semaphore_mem>> -> memref<!tpu.dma_semaphore, #tpu.memory_space<semaphore_mem>>
      %dma_start3A_166 = arith.constant 0 : i32
      %dma_start3A_167 = tpu.memref_slice %arg7[%add3A_156, %dma_start3A_166] : memref<768x64xf32, #tpu.memory_space<vmem>> -> memref<1x64xf32, #tpu.memory_space<vmem>>
      %dma_start3A_168 = tpu.memref_squeeze %dma_start3A_167 : memref<1x64xf32, #tpu.memory_space<vmem>> -> memref<64xf32, #tpu.memory_space<vmem>>
      %dma_start3A_169 = arith.constant 0 : i32
      %dma_start3A_170 = tpu.memref_slice %arg4[%squeeze3A_152, %dma_start3A_169] : memref<100000x64xf32, #tpu.memory_space<hbm>> -> memref<1x64xf32, #tpu.memory_space<hbm>>
      %dma_start3A_171 = tpu.memref_squeeze %dma_start3A_170 : memref<1x64xf32, #tpu.memory_space<hbm>> -> memref<64xf32, #tpu.memory_space<hbm>>
      tpu.enqueue_dma source(%dma_start3A_171 : memref<64xf32, #tpu.memory_space<hbm>>) target(%dma_start3A_168 : memref<64xf32, #tpu.memory_space<vmem>>) target_semaphore(%dma_start3A_165 : memref<!tpu.dma_semaphore, #tpu.memory_space<semaphore_mem>>)
      %slice3A_172 = vector.extract_strided_slice %get3A_40 {offsets = [2], sizes = [1], strides = [1]} : vector<16xi32> to vector<1xi32>
      %squeeze3A_173 = vector.extract %slice3A_172[0] : i32 from vector<1xi32>
      %add3A_174 = arith.constant 2 : i32
      %add3A_175 = arith.addi %add3A_52, %add3A_174 : i32
      %dma_start3A_176 = arith.constant 0 : i32
      %dma_start3A_177 = arith.constant 0 : i32
      %dma_start3A_178 = tpu.memref_slice %arg7[%add3A_175, %dma_start3A_177] : memref<768x64xf32, #tpu.memory_space<vmem>> -> memref<1x64xf32, #tpu.memory_space<vmem>>
      %dma_start3A_179 = tpu.memref_squeeze %dma_start3A_178 : memref<1x64xf32, #tpu.memory_space<vmem>> -> memref<64xf32, #tpu.memory_space<vmem>>
      %dma_start3A_180 = arith.constant 0 : i32
      %dma_start3A_181 = tpu.memref_slice %arg3[%squeeze3A_173, %dma_start3A_180] : memref<100000x64xf32, #tpu.memory_space<hbm>> -> memref<1x64xf32, #tpu.memory_space<hbm>>
      %dma_start3A_182 = tpu.memref_squeeze %dma_start3A_181 : memref<1x64xf32, #tpu.memory_space<hbm>> -> memref<64xf32, #tpu.memory_space<hbm>>
      %dma_start3A_183 = tpu.memref_slice %arg9[%dma_start3A_176] : memref<2x!tpu.dma_semaphore, #tpu.memory_space<semaphore_mem>> -> memref<1x!tpu.dma_semaphore, #tpu.memory_space<semaphore_mem>>
      %dma_start3A_184 = tpu.memref_squeeze %dma_start3A_183 : memref<1x!tpu.dma_semaphore, #tpu.memory_space<semaphore_mem>> -> memref<!tpu.dma_semaphore, #tpu.memory_space<semaphore_mem>>
      %dma_start3A_185 = arith.constant 0 : i32
      %dma_start3A_186 = tpu.memref_slice %arg7[%add3A_175, %dma_start3A_185] : memref<768x64xf32, #tpu.memory_space<vmem>> -> memref<1x64xf32, #tpu.memory_space<vmem>>
      %dma_start3A_187 = tpu.memref_squeeze %dma_start3A_186 : memref<1x64xf32, #tpu.memory_space<vmem>> -> memref<64xf32, #tpu.memory_space<vmem>>
      %dma_start3A_188 = arith.constant 0 : i32
      %dma_start3A_189 = tpu.memref_slice %arg3[%squeeze3A_173, %dma_start3A_188] : memref<100000x64xf32, #tpu.memory_space<hbm>> -> memref<1x64xf32, #tpu.memory_space<hbm>>
      %dma_start3A_190 = tpu.memref_squeeze %dma_start3A_189 : memref<1x64xf32, #tpu.memory_space<hbm>> -> memref<64xf32, #tpu.memory_space<hbm>>
      tpu.enqueue_dma source(%dma_start3A_190 : memref<64xf32, #tpu.memory_space<hbm>>) target(%dma_start3A_187 : memref<64xf32, #tpu.memory_space<vmem>>) target_semaphore(%dma_start3A_184 : memref<!tpu.dma_semaphore, #tpu.memory_space<semaphore_mem>>)
      %slice3A_191 = vector.extract_strided_slice %get3A_44 {offsets = [2], sizes = [1], strides = [1]} : vector<16xi32> to vector<1xi32>
      %squeeze3A_192 = vector.extract %slice3A_191[0] : i32 from vector<1xi32>
      %add3A_193 = arith.constant 128 : i32
      %add3A_194 = arith.addi %add3A_193, %add3A_52 : i32
      %add3A_195 = arith.constant 2 : i32
      %add3A_196 = arith.addi %add3A_194, %add3A_195 : i32
      %dma_start3A_197 = arith.constant 0 : i32
      %dma_start3A_198 = arith.constant 0 : i32
      %dma_start3A_199 = tpu.memref_slice %arg7[%add3A_196, %dma_start3A_198] : memref<768x64xf32, #tpu.memory_space<vmem>> -> memref<1x64xf32, #tpu.memory_space<vmem>>
      %dma_start3A_200 = tpu.memref_squeeze %dma_start3A_199 : memref<1x64xf32, #tpu.memory_space<vmem>> -> memref<64xf32, #tpu.memory_space<vmem>>
      %dma_start3A_201 = arith.constant 0 : i32
      %dma_start3A_202 = tpu.memref_slice %arg4[%squeeze3A_192, %dma_start3A_201] : memref<100000x64xf32, #tpu.memory_space<hbm>> -> memref<1x64xf32, #tpu.memory_space<hbm>>
      %dma_start3A_203 = tpu.memref_squeeze %dma_start3A_202 : memref<1x64xf32, #tpu.memory_space<hbm>> -> memref<64xf32, #tpu.memory_space<hbm>>
      %dma_start3A_204 = tpu.memref_slice %arg9[%dma_start3A_197] : memref<2x!tpu.dma_semaphore, #tpu.memory_space<semaphore_mem>> -> memref<1x!tpu.dma_semaphore, #tpu.memory_space<semaphore_mem>>
      %dma_start3A_205 = tpu.memref_squeeze %dma_start3A_204 : memref<1x!tpu.dma_semaphore, #tpu.memory_space<semaphore_mem>> -> memref<!tpu.dma_semaphore, #tpu.memory_space<semaphore_mem>>
      %dma_start3A_206 = arith.constant 0 : i32
      %dma_start3A_207 = tpu.memref_slice %arg7[%add3A_196, %dma_start3A_206] : memref<768x64xf32, #tpu.memory_space<vmem>> -> memref<1x64xf32, #tpu.memory_space<vmem>>
      %dma_start3A_208 = tpu.memref_squeeze %dma_start3A_207 : memref<1x64xf32, #tpu.memory_space<vmem>> -> memref<64xf32, #tpu.memory_space<vmem>>
      %dma_start3A_209 = arith.constant 0 : i32
      %dma_start3A_210 = tpu.memref_slice %arg4[%squeeze3A_192, %dma_start3A_209] : memref<100000x64xf32, #tpu.memory_space<hbm>> -> memref<1x64xf32, #tpu.memory_space<hbm>>
      %dma_start3A_211 = tpu.memref_squeeze %dma_start3A_210 : memref<1x64xf32, #tpu.memory_space<hbm>> -> memref<64xf32, #tpu.memory_space<hbm>>
      tpu.enqueue_dma source(%dma_start3A_211 : memref<64xf32, #tpu.memory_space<hbm>>) target(%dma_start3A_208 : memref<64xf32, #tpu.memory_space<vmem>>) target_semaphore(%dma_start3A_205 : memref<!tpu.dma_semaphore, #tpu.memory_space<semaphore_mem>>)
      %slice3A_212 = vector.extract_strided_slice %get3A_48 {offsets = [2], sizes = [1], strides = [1]} : vector<16xi32> to vector<1xi32>
      %squeeze3A_213 = vector.extract %slice3A_212[0] : i32 from vector<1xi32>
      %add3A_214 = arith.constant 256 : i32
      %add3A_215 = arith.addi %add3A_214, %add3A_52 : i32
      %add3A_216 = arith.constant 2 : i32
      %add3A_217 = arith.addi %add3A_215, %add3A_216 : i32
      %dma_start3A_218 = arith.constant 0 : i32
      %dma_start3A_219 = arith.constant 0 : i32
      %dma_start3A_220 = tpu.memref_slice %arg7[%add3A_217, %dma_start3A_219] : memref<768x64xf32, #tpu.memory_space<vmem>> -> memref<1x64xf32, #tpu.memory_space<vmem>>
      %dma_start3A_221 = tpu.memref_squeeze %dma_start3A_220 : memref<1x64xf32, #tpu.memory_space<vmem>> -> memref<64xf32, #tpu.memory_space<vmem>>
      %dma_start3A_222 = arith.constant 0 : i32
      %dma_start3A_223 = tpu.memref_slice %arg4[%squeeze3A_213, %dma_start3A_222] : memref<100000x64xf32, #tpu.memory_space<hbm>> -> memref<1x64xf32, #tpu.memory_space<hbm>>
      %dma_start3A_224 = tpu.memref_squeeze %dma_start3A_223 : memref<1x64xf32, #tpu.memory_space<hbm>> -> memref<64xf32, #tpu.memory_space<hbm>>
      %dma_start3A_225 = tpu.memref_slice %arg9[%dma_start3A_218] : memref<2x!tpu.dma_semaphore, #tpu.memory_space<semaphore_mem>> -> memref<1x!tpu.dma_semaphore, #tpu.memory_space<semaphore_mem>>
      %dma_start3A_226 = tpu.memref_squeeze %dma_start3A_225 : memref<1x!tpu.dma_semaphore, #tpu.memory_space<semaphore_mem>> -> memref<!tpu.dma_semaphore, #tpu.memory_space<semaphore_mem>>
      %dma_start3A_227 = arith.constant 0 : i32
      %dma_start3A_228 = tpu.memref_slice %arg7[%add3A_217, %dma_start3A_227] : memref<768x64xf32, #tpu.memory_space<vmem>> -> memref<1x64xf32, #tpu.memory_space<vmem>>
      %dma_start3A_229 = tpu.memref_squeeze %dma_start3A_228 : memref<1x64xf32, #tpu.memory_space<vmem>> -> memref<64xf32, #tpu.memory_space<vmem>>
      %dma_start3A_230 = arith.constant 0 : i32
      %dma_start3A_231 = tpu.memref_slice %arg4[%squeeze3A_213, %dma_start3A_230] : memref<100000x64xf32, #tpu.memory_space<hbm>> -> memref<1x64xf32, #tpu.memory_space<hbm>>
      %dma_start3A_232 = tpu.memref_squeeze %dma_start3A_231 : memref<1x64xf32, #tpu.memory_space<hbm>> -> memref<64xf32, #tpu.memory_space<hbm>>
      tpu.enqueue_dma source(%dma_start3A_232 : memref<64xf32, #tpu.memory_space<hbm>>) target(%dma_start3A_229 : memref<64xf32, #tpu.memory_space<vmem>>) target_semaphore(%dma_start3A_226 : memref<!tpu.dma_semaphore, #tpu.memory_space<semaphore_mem>>)
      %slice3A_233 = vector.extract_strided_slice %get3A_40 {offsets = [3], sizes = [1], strides = [1]} : vector<16xi32> to vector<1xi32>
      %squeeze3A_234 = vector.extract %slice3A_233[0] : i32 from vector<1xi32>
      %add3A_235 = arith.constant 3 : i32
      %add3A_236 = arith.addi %add3A_52, %add3A_235 : i32
      %dma_start3A_237 = arith.constant 0 : i32
      %dma_start3A_238 = arith.constant 0 : i32
      %dma_start3A_239 = tpu.memref_slice %arg7[%add3A_236, %dma_start3A_238] : memref<768x64xf32, #tpu.memory_space<vmem>> -> memref<1x64xf32, #tpu.memory_space<vmem>>
      %dma_start3A_240 = tpu.memref_squeeze %dma_start3A_239 : memref<1x64xf32, #tpu.memory_space<vmem>> -> memref<64xf32, #tpu.memory_space<vmem>>
      %dma_start3A_241 = arith.constant 0 : i32
      %dma_start3A_242 = tpu.memref_slice %arg3[%squeeze3A_234, %dma_start3A_241] : memref<100000x64xf32, #tpu.memory_space<hbm>> -> memref<1x64xf32, #tpu.memory_space<hbm>>
      %dma_start3A_243 = tpu.memref_squeeze %dma_start3A_242 : memref<1x64xf32, #tpu.memory_space<hbm>> -> memref<64xf32, #tpu.memory_space<hbm>>
      %dma_start3A_244 = tpu.memref_slice %arg9[%dma_start3A_237] : memref<2x!tpu.dma_semaphore, #tpu.memory_space<semaphore_mem>> -> memref<1x!tpu.dma_semaphore, #tpu.memory_space<semaphore_mem>>
      %dma_start3A_245 = tpu.memref_squeeze %dma_start3A_244 : memref<1x!tpu.dma_semaphore, #tpu.memory_space<semaphore_mem>> -> memref<!tpu.dma_semaphore, #tpu.memory_space<semaphore_mem>>
      %dma_start3A_246 = arith.constant 0 : i32
      %dma_start3A_247 = tpu.memref_slice %arg7[%add3A_236, %dma_start3A_246] : memref<768x64xf32, #tpu.memory_space<vmem>> -> memref<1x64xf32, #tpu.memory_space<vmem>>
      %dma_start3A_248 = tpu.memref_squeeze %dma_start3A_247 : memref<1x64xf32, #tpu.memory_space<vmem>> -> memref<64xf32, #tpu.memory_space<vmem>>
      %dma_start3A_249 = arith.constant 0 : i32
      %dma_start3A_250 = tpu.memref_slice %arg3[%squeeze3A_234, %dma_start3A_249] : memref<100000x64xf32, #tpu.memory_space<hbm>> -> memref<1x64xf32, #tpu.memory_space<hbm>>
      %dma_start3A_251 = tpu.memref_squeeze %dma_start3A_250 : memref<1x64xf32, #tpu.memory_space<hbm>> -> memref<64xf32, #tpu.memory_space<hbm>>
      tpu.enqueue_dma source(%dma_start3A_251 : memref<64xf32, #tpu.memory_space<hbm>>) target(%dma_start3A_248 : memref<64xf32, #tpu.memory_space<vmem>>) target_semaphore(%dma_start3A_245 : memref<!tpu.dma_semaphore, #tpu.memory_space<semaphore_mem>>)
      %slice3A_252 = vector.extract_strided_slice %get3A_44 {offsets = [3], sizes = [1], strides = [1]} : vector<16xi32> to vector<1xi32>
      %squeeze3A_253 = vector.extract %slice3A_252[0] : i32 from vector<1xi32>
      %add3A_254 = arith.constant 128 : i32
      %add3A_255 = arith.addi %add3A_254, %add3A_52 : i32
      %add3A_256 = arith.constant 3 : i32
      %add3A_257 = arith.addi %add3A_255, %add3A_256 : i32
      %dma_start3A_258 = arith.constant 0 : i32
      %dma_start3A_259 = arith.constant 0 : i32
      %dma_start3A_260 = tpu.memref_slice %arg7[%add3A_257, %dma_start3A_259] : memref<768x64xf32, #tpu.memory_space<vmem>> -> memref<1x64xf32, #tpu.memory_space<vmem>>
      %dma_start3A_261 = tpu.memref_squeeze %dma_start3A_260 : memref<1x64xf32, #tpu.memory_space<vmem>> -> memref<64xf32, #tpu.memory_space<vmem>>
      %dma_start3A_262 = arith.constant 0 : i32
      %dma_start3A_263 = tpu.memref_slice %arg4[%squeeze3A_253, %dma_start3A_262] : memref<100000x64xf32, #tpu.memory_space<hbm>> -> memref<1x64xf32, #tpu.memory_space<hbm>>
      %dma_start3A_264 = tpu.memref_squeeze %dma_start3A_263 : memref<1x64xf32, #tpu.memory_space<hbm>> -> memref<64xf32, #tpu.memory_space<hbm>>
      %dma_start3A_265 = tpu.memref_slice %arg9[%dma_start3A_258] : memref<2x!tpu.dma_semaphore, #tpu.memory_space<semaphore_mem>> -> memref<1x!tpu.dma_semaphore, #tpu.memory_space<semaphore_mem>>
      %dma_start3A_266 = tpu.memref_squeeze %dma_start3A_265 : memref<1x!tpu.dma_semaphore, #tpu.memory_space<semaphore_mem>> -> memref<!tpu.dma_semaphore, #tpu.memory_space<semaphore_mem>>
      %dma_start3A_267 = arith.constant 0 : i32
      %dma_start3A_268 = tpu.memref_slice %arg7[%add3A_257, %dma_start3A_267] : memref<768x64xf32, #tpu.memory_space<vmem>> -> memref<1x64xf32, #tpu.memory_space<vmem>>
      %dma_start3A_269 = tpu.memref_squeeze %dma_start3A_268 : memref<1x64xf32, #tpu.memory_space<vmem>> -> memref<64xf32, #tpu.memory_space<vmem>>
      %dma_start3A_270 = arith.constant 0 : i32
      %dma_start3A_271 = tpu.memref_slice %arg4[%squeeze3A_253, %dma_start3A_270] : memref<100000x64xf32, #tpu.memory_space<hbm>> -> memref<1x64xf32, #tpu.memory_space<hbm>>
      %dma_start3A_272 = tpu.memref_squeeze %dma_start3A_271 : memref<1x64xf32, #tpu.memory_space<hbm>> -> memref<64xf32, #tpu.memory_space<hbm>>
      tpu.enqueue_dma source(%dma_start3A_272 : memref<64xf32, #tpu.memory_space<hbm>>) target(%dma_start3A_269 : memref<64xf32, #tpu.memory_space<vmem>>) target_semaphore(%dma_start3A_266 : memref<!tpu.dma_semaphore, #tpu.memory_space<semaphore_mem>>)
      %slice3A_273 = vector.extract_strided_slice %get3A_48 {offsets = [3], sizes = [1], strides = [1]} : vector<16xi32> to vector<1xi32>
      %squeeze3A_274 = vector.extract %slice3A_273[0] : i32 from vector<1xi32>
      %add3A_275 = arith.constant 256 : i32
      %add3A_276 = arith.addi %add3A_275, %add3A_52 : i32
      %add3A_277 = arith.constant 3 : i32
      %add3A_278 = arith.addi %add3A_276, %add3A_277 : i32
      %dma_start3A_279 = arith.constant 0 : i32
      %dma_start3A_280 = arith.constant 0 : i32
      %dma_start3A_281 = tpu.memref_slice %arg7[%add3A_278, %dma_start3A_280] : memref<768x64xf32, #tpu.memory_space<vmem>> -> memref<1x64xf32, #tpu.memory_space<vmem>>
      %dma_start3A_282 = tpu.memref_squeeze %dma_start3A_281 : memref<1x64xf32, #tpu.memory_space<vmem>> -> memref<64xf32, #tpu.memory_space<vmem>>
      %dma_start3A_283 = arith.constant 0 : i32
      %dma_start3A_284 = tpu.memref_slice %arg4[%squeeze3A_274, %dma_start3A_283] : memref<100000x64xf32, #tpu.memory_space<hbm>> -> memref<1x64xf32, #tpu.memory_space<hbm>>
      %dma_start3A_285 = tpu.memref_squeeze %dma_start3A_284 : memref<1x64xf32, #tpu.memory_space<hbm>> -> memref<64xf32, #tpu.memory_space<hbm>>
      %dma_start3A_286 = tpu.memref_slice %arg9[%dma_start3A_279] : memref<2x!tpu.dma_semaphore, #tpu.memory_space<semaphore_mem>> -> memref<1x!tpu.dma_semaphore, #tpu.memory_space<semaphore_mem>>
      %dma_start3A_287 = tpu.memref_squeeze %dma_start3A_286 : memref<1x!tpu.dma_semaphore, #tpu.memory_space<semaphore_mem>> -> memref<!tpu.dma_semaphore, #tpu.memory_space<semaphore_mem>>
      %dma_start3A_288 = arith.constant 0 : i32
      %dma_start3A_289 = tpu.memref_slice %arg7[%add3A_278, %dma_start3A_288] : memref<768x64xf32, #tpu.memory_space<vmem>> -> memref<1x64xf32, #tpu.memory_space<vmem>>
      %dma_start3A_290 = tpu.memref_squeeze %dma_start3A_289 : memref<1x64xf32, #tpu.memory_space<vmem>> -> memref<64xf32, #tpu.memory_space<vmem>>
      %dma_start3A_291 = arith.constant 0 : i32
      %dma_start3A_292 = tpu.memref_slice %arg4[%squeeze3A_274, %dma_start3A_291] : memref<100000x64xf32, #tpu.memory_space<hbm>> -> memref<1x64xf32, #tpu.memory_space<hbm>>
      %dma_start3A_293 = tpu.memref_squeeze %dma_start3A_292 : memref<1x64xf32, #tpu.memory_space<hbm>> -> memref<64xf32, #tpu.memory_space<hbm>>
      tpu.enqueue_dma source(%dma_start3A_293 : memref<64xf32, #tpu.memory_space<hbm>>) target(%dma_start3A_290 : memref<64xf32, #tpu.memory_space<vmem>>) target_semaphore(%dma_start3A_287 : memref<!tpu.dma_semaphore, #tpu.memory_space<semaphore_mem>>)
      %slice3A_294 = vector.extract_strided_slice %get3A_40 {offsets = [4], sizes = [1], strides = [1]} : vector<16xi32> to vector<1xi32>
      %squeeze3A_295 = vector.extract %slice3A_294[0] : i32 from vector<1xi32>
      %add3A_296 = arith.constant 4 : i32
      %add3A_297 = arith.addi %add3A_52, %add3A_296 : i32
      %dma_start3A_298 = arith.constant 0 : i32
      %dma_start3A_299 = arith.constant 0 : i32
      %dma_start3A_300 = tpu.memref_slice %arg7[%add3A_297, %dma_start3A_299] : memref<768x64xf32, #tpu.memory_space<vmem>> -> memref<1x64xf32, #tpu.memory_space<vmem>>
      %dma_start3A_301 = tpu.memref_squeeze %dma_start3A_300 : memref<1x64xf32, #tpu.memory_space<vmem>> -> memref<64xf32, #tpu.memory_space<vmem>>
      %dma_start3A_302 = arith.constant 0 : i32
      %dma_start3A_303 = tpu.memref_slice %arg3[%squeeze3A_295, %dma_start3A_302] : memref<100000x64xf32, #tpu.memory_space<hbm>> -> memref<1x64xf32, #tpu.memory_space<hbm>>
      %dma_start3A_304 = tpu.memref_squeeze %dma_start3A_303 : memref<1x64xf32, #tpu.memory_space<hbm>> -> memref<64xf32, #tpu.memory_space<hbm>>
      %dma_start3A_305 = tpu.memref_slice %arg9[%dma_start3A_298] : memref<2x!tpu.dma_semaphore, #tpu.memory_space<semaphore_mem>> -> memref<1x!tpu.dma_semaphore, #tpu.memory_space<semaphore_mem>>
      %dma_start3A_306 = tpu.memref_squeeze %dma_start3A_305 : memref<1x!tpu.dma_semaphore, #tpu.memory_space<semaphore_mem>> -> memref<!tpu.dma_semaphore, #tpu.memory_space<semaphore_mem>>
      %dma_start3A_307 = arith.constant 0 : i32
      %dma_start3A_308 = tpu.memref_slice %arg7[%add3A_297, %dma_start3A_307] : memref<768x64xf32, #tpu.memory_space<vmem>> -> memref<1x64xf32, #tpu.memory_space<vmem>>
      %dma_start3A_309 = tpu.memref_squeeze %dma_start3A_308 : memref<1x64xf32, #tpu.memory_space<vmem>> -> memref<64xf32, #tpu.memory_space<vmem>>
      %dma_start3A_310 = arith.constant 0 : i32
      %dma_start3A_311 = tpu.memref_slice %arg3[%squeeze3A_295, %dma_start3A_310] : memref<100000x64xf32, #tpu.memory_space<hbm>> -> memref<1x64xf32, #tpu.memory_space<hbm>>
      %dma_start3A_312 = tpu.memref_squeeze %dma_start3A_311 : memref<1x64xf32, #tpu.memory_space<hbm>> -> memref<64xf32, #tpu.memory_space<hbm>>
      tpu.enqueue_dma source(%dma_start3A_312 : memref<64xf32, #tpu.memory_space<hbm>>) target(%dma_start3A_309 : memref<64xf32, #tpu.memory_space<vmem>>) target_semaphore(%dma_start3A_306 : memref<!tpu.dma_semaphore, #tpu.memory_space<semaphore_mem>>)
      %slice3A_313 = vector.extract_strided_slice %get3A_44 {offsets = [4], sizes = [1], strides = [1]} : vector<16xi32> to vector<1xi32>
      %squeeze3A_314 = vector.extract %slice3A_313[0] : i32 from vector<1xi32>
      %add3A_315 = arith.constant 128 : i32
      %add3A_316 = arith.addi %add3A_315, %add3A_52 : i32
      %add3A_317 = arith.constant 4 : i32
      %add3A_318 = arith.addi %add3A_316, %add3A_317 : i32
      %dma_start3A_319 = arith.constant 0 : i32
      %dma_start3A_320 = arith.constant 0 : i32
      %dma_start3A_321 = tpu.memref_slice %arg7[%add3A_318, %dma_start3A_320] : memref<768x64xf32, #tpu.memory_space<vmem>> -> memref<1x64xf32, #tpu.memory_space<vmem>>
      %dma_start3A_322 = tpu.memref_squeeze %dma_start3A_321 : memref<1x64xf32, #tpu.memory_space<vmem>> -> memref<64xf32, #tpu.memory_space<vmem>>
      %dma_start3A_323 = arith.constant 0 : i32
      %dma_start3A_324 = tpu.memref_slice %arg4[%squeeze3A_314, %dma_start3A_323] : memref<100000x64xf32, #tpu.memory_space<hbm>> -> memref<1x64xf32, #tpu.memory_space<hbm>>
      %dma_start3A_325 = tpu.memref_squeeze %dma_start3A_324 : memref<1x64xf32, #tpu.memory_space<hbm>> -> memref<64xf32, #tpu.memory_space<hbm>>
      %dma_start3A_326 = tpu.memref_slice %arg9[%dma_start3A_319] : memref<2x!tpu.dma_semaphore, #tpu.memory_space<semaphore_mem>> -> memref<1x!tpu.dma_semaphore, #tpu.memory_space<semaphore_mem>>
      %dma_start3A_327 = tpu.memref_squeeze %dma_start3A_326 : memref<1x!tpu.dma_semaphore, #tpu.memory_space<semaphore_mem>> -> memref<!tpu.dma_semaphore, #tpu.memory_space<semaphore_mem>>
      %dma_start3A_328 = arith.constant 0 : i32
      %dma_start3A_329 = tpu.memref_slice %arg7[%add3A_318, %dma_start3A_328] : memref<768x64xf32, #tpu.memory_space<vmem>> -> memref<1x64xf32, #tpu.memory_space<vmem>>
      %dma_start3A_330 = tpu.memref_squeeze %dma_start3A_329 : memref<1x64xf32, #tpu.memory_space<vmem>> -> memref<64xf32, #tpu.memory_space<vmem>>
      %dma_start3A_331 = arith.constant 0 : i32
      %dma_start3A_332 = tpu.memref_slice %arg4[%squeeze3A_314, %dma_start3A_331] : memref<100000x64xf32, #tpu.memory_space<hbm>> -> memref<1x64xf32, #tpu.memory_space<hbm>>
      %dma_start3A_333 = tpu.memref_squeeze %dma_start3A_332 : memref<1x64xf32, #tpu.memory_space<hbm>> -> memref<64xf32, #tpu.memory_space<hbm>>
      tpu.enqueue_dma source(%dma_start3A_333 : memref<64xf32, #tpu.memory_space<hbm>>) target(%dma_start3A_330 : memref<64xf32, #tpu.memory_space<vmem>>) target_semaphore(%dma_start3A_327 : memref<!tpu.dma_semaphore, #tpu.memory_space<semaphore_mem>>)
      %slice3A_334 = vector.extract_strided_slice %get3A_48 {offsets = [4], sizes = [1], strides = [1]} : vector<16xi32> to vector<1xi32>
      %squeeze3A_335 = vector.extract %slice3A_334[0] : i32 from vector<1xi32>
      %add3A_336 = arith.constant 256 : i32
      %add3A_337 = arith.addi %add3A_336, %add3A_52 : i32
      %add3A_338 = arith.constant 4 : i32
      %add3A_339 = arith.addi %add3A_337, %add3A_338 : i32
      %dma_start3A_340 = arith.constant 0 : i32
      %dma_start3A_341 = arith.constant 0 : i32
      %dma_start3A_342 = tpu.memref_slice %arg7[%add3A_339, %dma_start3A_341] : memref<768x64xf32, #tpu.memory_space<vmem>> -> memref<1x64xf32, #tpu.memory_space<vmem>>
      %dma_start3A_343 = tpu.memref_squeeze %dma_start3A_342 : memref<1x64xf32, #tpu.memory_space<vmem>> -> memref<64xf32, #tpu.memory_space<vmem>>
      %dma_start3A_344 = arith.constant 0 : i32
      %dma_start3A_345 = tpu.memref_slice %arg4[%squeeze3A_335, %dma_start3A_344] : memref<100000x64xf32, #tpu.memory_space<hbm>> -> memref<1x64xf32, #tpu.memory_space<hbm>>
      %dma_start3A_346 = tpu.memref_squeeze %dma_start3A_345 : memref<1x64xf32, #tpu.memory_space<hbm>> -> memref<64xf32, #tpu.memory_space<hbm>>
      %dma_start3A_347 = tpu.memref_slice %arg9[%dma_start3A_340] : memref<2x!tpu.dma_semaphore, #tpu.memory_space<semaphore_mem>> -> memref<1x!tpu.dma_semaphore, #tpu.memory_space<semaphore_mem>>
      %dma_start3A_348 = tpu.memref_squeeze %dma_start3A_347 : memref<1x!tpu.dma_semaphore, #tpu.memory_space<semaphore_mem>> -> memref<!tpu.dma_semaphore, #tpu.memory_space<semaphore_mem>>
      %dma_start3A_349 = arith.constant 0 : i32
      %dma_start3A_350 = tpu.memref_slice %arg7[%add3A_339, %dma_start3A_349] : memref<768x64xf32, #tpu.memory_space<vmem>> -> memref<1x64xf32, #tpu.memory_space<vmem>>
      %dma_start3A_351 = tpu.memref_squeeze %dma_start3A_350 : memref<1x64xf32, #tpu.memory_space<vmem>> -> memref<64xf32, #tpu.memory_space<vmem>>
      %dma_start3A_352 = arith.constant 0 : i32
      %dma_start3A_353 = tpu.memref_slice %arg4[%squeeze3A_335, %dma_start3A_352] : memref<100000x64xf32, #tpu.memory_space<hbm>> -> memref<1x64xf32, #tpu.memory_space<hbm>>
      %dma_start3A_354 = tpu.memref_squeeze %dma_start3A_353 : memref<1x64xf32, #tpu.memory_space<hbm>> -> memref<64xf32, #tpu.memory_space<hbm>>
      tpu.enqueue_dma source(%dma_start3A_354 : memref<64xf32, #tpu.memory_space<hbm>>) target(%dma_start3A_351 : memref<64xf32, #tpu.memory_space<vmem>>) target_semaphore(%dma_start3A_348 : memref<!tpu.dma_semaphore, #tpu.memory_space<semaphore_mem>>)
      %slice3A_355 = vector.extract_strided_slice %get3A_40 {offsets = [5], sizes = [1], strides = [1]} : vector<16xi32> to vector<1xi32>
      %squeeze3A_356 = vector.extract %slice3A_355[0] : i32 from vector<1xi32>
      %add3A_357 = arith.constant 5 : i32
      %add3A_358 = arith.addi %add3A_52, %add3A_357 : i32
      %dma_start3A_359 = arith.constant 0 : i32
      %dma_start3A_360 = arith.constant 0 : i32
      %dma_start3A_361 = tpu.memref_slice %arg7[%add3A_358, %dma_start3A_360] : memref<768x64xf32, #tpu.memory_space<vmem>> -> memref<1x64xf32, #tpu.memory_space<vmem>>
      %dma_start3A_362 = tpu.memref_squeeze %dma_start3A_361 : memref<1x64xf32, #tpu.memory_space<vmem>> -> memref<64xf32, #tpu.memory_space<vmem>>
      %dma_start3A_363 = arith.constant 0 : i32
      %dma_start3A_364 = tpu.memref_slice %arg3[%squeeze3A_356, %dma_start3A_363] : memref<100000x64xf32, #tpu.memory_space<hbm>> -> memref<1x64xf32, #tpu.memory_space<hbm>>
      %dma_start3A_365 = tpu.memref_squeeze %dma_start3A_364 : memref<1x64xf32, #tpu.memory_space<hbm>> -> memref<64xf32, #tpu.memory_space<hbm>>
      %dma_start3A_366 = tpu.memref_slice %arg9[%dma_start3A_359] : memref<2x!tpu.dma_semaphore, #tpu.memory_space<semaphore_mem>> -> memref<1x!tpu.dma_semaphore, #tpu.memory_space<semaphore_mem>>
      %dma_start3A_367 = tpu.memref_squeeze %dma_start3A_366 : memref<1x!tpu.dma_semaphore, #tpu.memory_space<semaphore_mem>> -> memref<!tpu.dma_semaphore, #tpu.memory_space<semaphore_mem>>
      %dma_start3A_368 = arith.constant 0 : i32
      %dma_start3A_369 = tpu.memref_slice %arg7[%add3A_358, %dma_start3A_368] : memref<768x64xf32, #tpu.memory_space<vmem>> -> memref<1x64xf32, #tpu.memory_space<vmem>>
      %dma_start3A_370 = tpu.memref_squeeze %dma_start3A_369 : memref<1x64xf32, #tpu.memory_space<vmem>> -> memref<64xf32, #tpu.memory_space<vmem>>
      %dma_start3A_371 = arith.constant 0 : i32
      %dma_start3A_372 = tpu.memref_slice %arg3[%squeeze3A_356, %dma_start3A_371] : memref<100000x64xf32, #tpu.memory_space<hbm>> -> memref<1x64xf32, #tpu.memory_space<hbm>>
      %dma_start3A_373 = tpu.memref_squeeze %dma_start3A_372 : memref<1x64xf32, #tpu.memory_space<hbm>> -> memref<64xf32, #tpu.memory_space<hbm>>
      tpu.enqueue_dma source(%dma_start3A_373 : memref<64xf32, #tpu.memory_space<hbm>>) target(%dma_start3A_370 : memref<64xf32, #tpu.memory_space<vmem>>) target_semaphore(%dma_start3A_367 : memref<!tpu.dma_semaphore, #tpu.memory_space<semaphore_mem>>)
      %slice3A_374 = vector.extract_strided_slice %get3A_44 {offsets = [5], sizes = [1], strides = [1]} : vector<16xi32> to vector<1xi32>
      %squeeze3A_375 = vector.extract %slice3A_374[0] : i32 from vector<1xi32>
      %add3A_376 = arith.constant 128 : i32
      %add3A_377 = arith.addi %add3A_376, %add3A_52 : i32
      %add3A_378 = arith.constant 5 : i32
      %add3A_379 = arith.addi %add3A_377, %add3A_378 : i32
      %dma_start3A_380 = arith.constant 0 : i32
      %dma_start3A_381 = arith.constant 0 : i32
      %dma_start3A_382 = tpu.memref_slice %arg7[%add3A_379, %dma_start3A_381] : memref<768x64xf32, #tpu.memory_space<vmem>> -> memref<1x64xf32, #tpu.memory_space<vmem>>
      %dma_start3A_383 = tpu.memref_squeeze %dma_start3A_382 : memref<1x64xf32, #tpu.memory_space<vmem>> -> memref<64xf32, #tpu.memory_space<vmem>>
      %dma_start3A_384 = arith.constant 0 : i32
      %dma_start3A_385 = tpu.memref_slice %arg4[%squeeze3A_375, %dma_start3A_384] : memref<100000x64xf32, #tpu.memory_space<hbm>> -> memref<1x64xf32, #tpu.memory_space<hbm>>
      %dma_start3A_386 = tpu.memref_squeeze %dma_start3A_385 : memref<1x64xf32, #tpu.memory_space<hbm>> -> memref<64xf32, #tpu.memory_space<hbm>>
      %dma_start3A_387 = tpu.memref_slice %arg9[%dma_start3A_380] : memref<2x!tpu.dma_semaphore, #tpu.memory_space<semaphore_mem>> -> memref<1x!tpu.dma_semaphore, #tpu.memory_space<semaphore_mem>>
      %dma_start3A_388 = tpu.memref_squeeze %dma_start3A_387 : memref<1x!tpu.dma_semaphore, #tpu.memory_space<semaphore_mem>> -> memref<!tpu.dma_semaphore, #tpu.memory_space<semaphore_mem>>
      %dma_start3A_389 = arith.constant 0 : i32
      %dma_start3A_390 = tpu.memref_slice %arg7[%add3A_379, %dma_start3A_389] : memref<768x64xf32, #tpu.memory_space<vmem>> -> memref<1x64xf32, #tpu.memory_space<vmem>>
      %dma_start3A_391 = tpu.memref_squeeze %dma_start3A_390 : memref<1x64xf32, #tpu.memory_space<vmem>> -> memref<64xf32, #tpu.memory_space<vmem>>
      %dma_start3A_392 = arith.constant 0 : i32
      %dma_start3A_393 = tpu.memref_slice %arg4[%squeeze3A_375, %dma_start3A_392] : memref<100000x64xf32, #tpu.memory_space<hbm>> -> memref<1x64xf32, #tpu.memory_space<hbm>>
      %dma_start3A_394 = tpu.memref_squeeze %dma_start3A_393 : memref<1x64xf32, #tpu.memory_space<hbm>> -> memref<64xf32, #tpu.memory_space<hbm>>
      tpu.enqueue_dma source(%dma_start3A_394 : memref<64xf32, #tpu.memory_space<hbm>>) target(%dma_start3A_391 : memref<64xf32, #tpu.memory_space<vmem>>) target_semaphore(%dma_start3A_388 : memref<!tpu.dma_semaphore, #tpu.memory_space<semaphore_mem>>)
      %slice3A_395 = vector.extract_strided_slice %get3A_48 {offsets = [5], sizes = [1], strides = [1]} : vector<16xi32> to vector<1xi32>
      %squeeze3A_396 = vector.extract %slice3A_395[0] : i32 from vector<1xi32>
      %add3A_397 = arith.constant 256 : i32
      %add3A_398 = arith.addi %add3A_397, %add3A_52 : i32
      %add3A_399 = arith.constant 5 : i32
      %add3A_400 = arith.addi %add3A_398, %add3A_399 : i32
      %dma_start3A_401 = arith.constant 0 : i32
      %dma_start3A_402 = arith.constant 0 : i32
      %dma_start3A_403 = tpu.memref_slice %arg7[%add3A_400, %dma_start3A_402] : memref<768x64xf32, #tpu.memory_space<vmem>> -> memref<1x64xf32, #tpu.memory_space<vmem>>
      %dma_start3A_404 = tpu.memref_squeeze %dma_start3A_403 : memref<1x64xf32, #tpu.memory_space<vmem>> -> memref<64xf32, #tpu.memory_space<vmem>>
      %dma_start3A_405 = arith.constant 0 : i32
      %dma_start3A_406 = tpu.memref_slice %arg4[%squeeze3A_396, %dma_start3A_405] : memref<100000x64xf32, #tpu.memory_space<hbm>> -> memref<1x64xf32, #tpu.memory_space<hbm>>
      %dma_start3A_407 = tpu.memref_squeeze %dma_start3A_406 : memref<1x64xf32, #tpu.memory_space<hbm>> -> memref<64xf32, #tpu.memory_space<hbm>>
      %dma_start3A_408 = tpu.memref_slice %arg9[%dma_start3A_401] : memref<2x!tpu.dma_semaphore, #tpu.memory_space<semaphore_mem>> -> memref<1x!tpu.dma_semaphore, #tpu.memory_space<semaphore_mem>>
      %dma_start3A_409 = tpu.memref_squeeze %dma_start3A_408 : memref<1x!tpu.dma_semaphore, #tpu.memory_space<semaphore_mem>> -> memref<!tpu.dma_semaphore, #tpu.memory_space<semaphore_mem>>
      %dma_start3A_410 = arith.constant 0 : i32
      %dma_start3A_411 = tpu.memref_slice %arg7[%add3A_400, %dma_start3A_410] : memref<768x64xf32, #tpu.memory_space<vmem>> -> memref<1x64xf32, #tpu.memory_space<vmem>>
      %dma_start3A_412 = tpu.memref_squeeze %dma_start3A_411 : memref<1x64xf32, #tpu.memory_space<vmem>> -> memref<64xf32, #tpu.memory_space<vmem>>
      %dma_start3A_413 = arith.constant 0 : i32
      %dma_start3A_414 = tpu.memref_slice %arg4[%squeeze3A_396, %dma_start3A_413] : memref<100000x64xf32, #tpu.memory_space<hbm>> -> memref<1x64xf32, #tpu.memory_space<hbm>>
      %dma_start3A_415 = tpu.memref_squeeze %dma_start3A_414 : memref<1x64xf32, #tpu.memory_space<hbm>> -> memref<64xf32, #tpu.memory_space<hbm>>
      tpu.enqueue_dma source(%dma_start3A_415 : memref<64xf32, #tpu.memory_space<hbm>>) target(%dma_start3A_412 : memref<64xf32, #tpu.memory_space<vmem>>) target_semaphore(%dma_start3A_409 : memref<!tpu.dma_semaphore, #tpu.memory_space<semaphore_mem>>)
      %slice3A_416 = vector.extract_strided_slice %get3A_40 {offsets = [6], sizes = [1], strides = [1]} : vector<16xi32> to vector<1xi32>
      %squeeze3A_417 = vector.extract %slice3A_416[0] : i32 from vector<1xi32>
      %add3A_418 = arith.constant 6 : i32
      %add3A_419 = arith.addi %add3A_52, %add3A_418 : i32
      %dma_start3A_420 = arith.constant 0 : i32
      %dma_start3A_421 = arith.constant 0 : i32
      %dma_start3A_422 = tpu.memref_slice %arg7[%add3A_419, %dma_start3A_421] : memref<768x64xf32, #tpu.memory_space<vmem>> -> memref<1x64xf32, #tpu.memory_space<vmem>>
      %dma_start3A_423 = tpu.memref_squeeze %dma_start3A_422 : memref<1x64xf32, #tpu.memory_space<vmem>> -> memref<64xf32, #tpu.memory_space<vmem>>
      %dma_start3A_424 = arith.constant 0 : i32
      %dma_start3A_425 = tpu.memref_slice %arg3[%squeeze3A_417, %dma_start3A_424] : memref<100000x64xf32, #tpu.memory_space<hbm>> -> memref<1x64xf32, #tpu.memory_space<hbm>>
      %dma_start3A_426 = tpu.memref_squeeze %dma_start3A_425 : memref<1x64xf32, #tpu.memory_space<hbm>> -> memref<64xf32, #tpu.memory_space<hbm>>
      %dma_start3A_427 = tpu.memref_slice %arg9[%dma_start3A_420] : memref<2x!tpu.dma_semaphore, #tpu.memory_space<semaphore_mem>> -> memref<1x!tpu.dma_semaphore, #tpu.memory_space<semaphore_mem>>
      %dma_start3A_428 = tpu.memref_squeeze %dma_start3A_427 : memref<1x!tpu.dma_semaphore, #tpu.memory_space<semaphore_mem>> -> memref<!tpu.dma_semaphore, #tpu.memory_space<semaphore_mem>>
      %dma_start3A_429 = arith.constant 0 : i32
      %dma_start3A_430 = tpu.memref_slice %arg7[%add3A_419, %dma_start3A_429] : memref<768x64xf32, #tpu.memory_space<vmem>> -> memref<1x64xf32, #tpu.memory_space<vmem>>
      %dma_start3A_431 = tpu.memref_squeeze %dma_start3A_430 : memref<1x64xf32, #tpu.memory_space<vmem>> -> memref<64xf32, #tpu.memory_space<vmem>>
      %dma_start3A_432 = arith.constant 0 : i32
      %dma_start3A_433 = tpu.memref_slice %arg3[%squeeze3A_417, %dma_start3A_432] : memref<100000x64xf32, #tpu.memory_space<hbm>> -> memref<1x64xf32, #tpu.memory_space<hbm>>
      %dma_start3A_434 = tpu.memref_squeeze %dma_start3A_433 : memref<1x64xf32, #tpu.memory_space<hbm>> -> memref<64xf32, #tpu.memory_space<hbm>>
      tpu.enqueue_dma source(%dma_start3A_434 : memref<64xf32, #tpu.memory_space<hbm>>) target(%dma_start3A_431 : memref<64xf32, #tpu.memory_space<vmem>>) target_semaphore(%dma_start3A_428 : memref<!tpu.dma_semaphore, #tpu.memory_space<semaphore_mem>>)
      %slice3A_435 = vector.extract_strided_slice %get3A_44 {offsets = [6], sizes = [1], strides = [1]} : vector<16xi32> to vector<1xi32>
      %squeeze3A_436 = vector.extract %slice3A_435[0] : i32 from vector<1xi32>
      %add3A_437 = arith.constant 128 : i32
      %add3A_438 = arith.addi %add3A_437, %add3A_52 : i32
      %add3A_439 = arith.constant 6 : i32
      %add3A_440 = arith.addi %add3A_438, %add3A_439 : i32
      %dma_start3A_441 = arith.constant 0 : i32
      %dma_start3A_442 = arith.constant 0 : i32
      %dma_start3A_443 = tpu.memref_slice %arg7[%add3A_440, %dma_start3A_442] : memref<768x64xf32, #tpu.memory_space<vmem>> -> memref<1x64xf32, #tpu.memory_space<vmem>>
      %dma_start3A_444 = tpu.memref_squeeze %dma_start3A_443 : memref<1x64xf32, #tpu.memory_space<vmem>> -> memref<64xf32, #tpu.memory_space<vmem>>
      %dma_start3A_445 = arith.constant 0 : i32
      %dma_start3A_446 = tpu.memref_slice %arg4[%squeeze3A_436, %dma_start3A_445] : memref<100000x64xf32, #tpu.memory_space<hbm>> -> memref<1x64xf32, #tpu.memory_space<hbm>>
      %dma_start3A_447 = tpu.memref_squeeze %dma_start3A_446 : memref<1x64xf32, #tpu.memory_space<hbm>> -> memref<64xf32, #tpu.memory_space<hbm>>
      %dma_start3A_448 = tpu.memref_slice %arg9[%dma_start3A_441] : memref<2x!tpu.dma_semaphore, #tpu.memory_space<semaphore_mem>> -> memref<1x!tpu.dma_semaphore, #tpu.memory_space<semaphore_mem>>
      %dma_start3A_449 = tpu.memref_squeeze %dma_start3A_448 : memref<1x!tpu.dma_semaphore, #tpu.memory_space<semaphore_mem>> -> memref<!tpu.dma_semaphore, #tpu.memory_space<semaphore_mem>>
      %dma_start3A_450 = arith.constant 0 : i32
      %dma_start3A_451 = tpu.memref_slice %arg7[%add3A_440, %dma_start3A_450] : memref<768x64xf32, #tpu.memory_space<vmem>> -> memref<1x64xf32, #tpu.memory_space<vmem>>
      %dma_start3A_452 = tpu.memref_squeeze %dma_start3A_451 : memref<1x64xf32, #tpu.memory_space<vmem>> -> memref<64xf32, #tpu.memory_space<vmem>>
      %dma_start3A_453 = arith.constant 0 : i32
      %dma_start3A_454 = tpu.memref_slice %arg4[%squeeze3A_436, %dma_start3A_453] : memref<100000x64xf32, #tpu.memory_space<hbm>> -> memref<1x64xf32, #tpu.memory_space<hbm>>
      %dma_start3A_455 = tpu.memref_squeeze %dma_start3A_454 : memref<1x64xf32, #tpu.memory_space<hbm>> -> memref<64xf32, #tpu.memory_space<hbm>>
      tpu.enqueue_dma source(%dma_start3A_455 : memref<64xf32, #tpu.memory_space<hbm>>) target(%dma_start3A_452 : memref<64xf32, #tpu.memory_space<vmem>>) target_semaphore(%dma_start3A_449 : memref<!tpu.dma_semaphore, #tpu.memory_space<semaphore_mem>>)
      %slice3A_456 = vector.extract_strided_slice %get3A_48 {offsets = [6], sizes = [1], strides = [1]} : vector<16xi32> to vector<1xi32>
      %squeeze3A_457 = vector.extract %slice3A_456[0] : i32 from vector<1xi32>
      %add3A_458 = arith.constant 256 : i32
      %add3A_459 = arith.addi %add3A_458, %add3A_52 : i32
      %add3A_460 = arith.constant 6 : i32
      %add3A_461 = arith.addi %add3A_459, %add3A_460 : i32
      %dma_start3A_462 = arith.constant 0 : i32
      %dma_start3A_463 = arith.constant 0 : i32
      %dma_start3A_464 = tpu.memref_slice %arg7[%add3A_461, %dma_start3A_463] : memref<768x64xf32, #tpu.memory_space<vmem>> -> memref<1x64xf32, #tpu.memory_space<vmem>>
      %dma_start3A_465 = tpu.memref_squeeze %dma_start3A_464 : memref<1x64xf32, #tpu.memory_space<vmem>> -> memref<64xf32, #tpu.memory_space<vmem>>
      %dma_start3A_466 = arith.constant 0 : i32
      %dma_start3A_467 = tpu.memref_slice %arg4[%squeeze3A_457, %dma_start3A_466] : memref<100000x64xf32, #tpu.memory_space<hbm>> -> memref<1x64xf32, #tpu.memory_space<hbm>>
      %dma_start3A_468 = tpu.memref_squeeze %dma_start3A_467 : memref<1x64xf32, #tpu.memory_space<hbm>> -> memref<64xf32, #tpu.memory_space<hbm>>
      %dma_start3A_469 = tpu.memref_slice %arg9[%dma_start3A_462] : memref<2x!tpu.dma_semaphore, #tpu.memory_space<semaphore_mem>> -> memref<1x!tpu.dma_semaphore, #tpu.memory_space<semaphore_mem>>
      %dma_start3A_470 = tpu.memref_squeeze %dma_start3A_469 : memref<1x!tpu.dma_semaphore, #tpu.memory_space<semaphore_mem>> -> memref<!tpu.dma_semaphore, #tpu.memory_space<semaphore_mem>>
      %dma_start3A_471 = arith.constant 0 : i32
      %dma_start3A_472 = tpu.memref_slice %arg7[%add3A_461, %dma_start3A_471] : memref<768x64xf32, #tpu.memory_space<vmem>> -> memref<1x64xf32, #tpu.memory_space<vmem>>
      %dma_start3A_473 = tpu.memref_squeeze %dma_start3A_472 : memref<1x64xf32, #tpu.memory_space<vmem>> -> memref<64xf32, #tpu.memory_space<vmem>>
      %dma_start3A_474 = arith.constant 0 : i32
      %dma_start3A_475 = tpu.memref_slice %arg4[%squeeze3A_457, %dma_start3A_474] : memref<100000x64xf32, #tpu.memory_space<hbm>> -> memref<1x64xf32, #tpu.memory_space<hbm>>
      %dma_start3A_476 = tpu.memref_squeeze %dma_start3A_475 : memref<1x64xf32, #tpu.memory_space<hbm>> -> memref<64xf32, #tpu.memory_space<hbm>>
      tpu.enqueue_dma source(%dma_start3A_476 : memref<64xf32, #tpu.memory_space<hbm>>) target(%dma_start3A_473 : memref<64xf32, #tpu.memory_space<vmem>>) target_semaphore(%dma_start3A_470 : memref<!tpu.dma_semaphore, #tpu.memory_space<semaphore_mem>>)
      %slice3A_477 = vector.extract_strided_slice %get3A_40 {offsets = [7], sizes = [1], strides = [1]} : vector<16xi32> to vector<1xi32>
      %squeeze3A_478 = vector.extract %slice3A_477[0] : i32 from vector<1xi32>
      %add3A_479 = arith.constant 7 : i32
      %add3A_480 = arith.addi %add3A_52, %add3A_479 : i32
      %dma_start3A_481 = arith.constant 0 : i32
      %dma_start3A_482 = arith.constant 0 : i32
      %dma_start3A_483 = tpu.memref_slice %arg7[%add3A_480, %dma_start3A_482] : memref<768x64xf32, #tpu.memory_space<vmem>> -> memref<1x64xf32, #tpu.memory_space<vmem>>
      %dma_start3A_484 = tpu.memref_squeeze %dma_start3A_483 : memref<1x64xf32, #tpu.memory_space<vmem>> -> memref<64xf32, #tpu.memory_space<vmem>>
      %dma_start3A_485 = arith.constant 0 : i32
      %dma_start3A_486 = tpu.memref_slice %arg3[%squeeze3A_478, %dma_start3A_485] : memref<100000x64xf32, #tpu.memory_space<hbm>> -> memref<1x64xf32, #tpu.memory_space<hbm>>
      %dma_start3A_487 = tpu.memref_squeeze %dma_start3A_486 : memref<1x64xf32, #tpu.memory_space<hbm>> -> memref<64xf32, #tpu.memory_space<hbm>>
      %dma_start3A_488 = tpu.memref_slice %arg9[%dma_start3A_481] : memref<2x!tpu.dma_semaphore, #tpu.memory_space<semaphore_mem>> -> memref<1x!tpu.dma_semaphore, #tpu.memory_space<semaphore_mem>>
      %dma_start3A_489 = tpu.memref_squeeze %dma_start3A_488 : memref<1x!tpu.dma_semaphore, #tpu.memory_space<semaphore_mem>> -> memref<!tpu.dma_semaphore, #tpu.memory_space<semaphore_mem>>
      %dma_start3A_490 = arith.constant 0 : i32
      %dma_start3A_491 = tpu.memref_slice %arg7[%add3A_480, %dma_start3A_490] : memref<768x64xf32, #tpu.memory_space<vmem>> -> memref<1x64xf32, #tpu.memory_space<vmem>>
      %dma_start3A_492 = tpu.memref_squeeze %dma_start3A_491 : memref<1x64xf32, #tpu.memory_space<vmem>> -> memref<64xf32, #tpu.memory_space<vmem>>
      %dma_start3A_493 = arith.constant 0 : i32
      %dma_start3A_494 = tpu.memref_slice %arg3[%squeeze3A_478, %dma_start3A_493] : memref<100000x64xf32, #tpu.memory_space<hbm>> -> memref<1x64xf32, #tpu.memory_space<hbm>>
      %dma_start3A_495 = tpu.memref_squeeze %dma_start3A_494 : memref<1x64xf32, #tpu.memory_space<hbm>> -> memref<64xf32, #tpu.memory_space<hbm>>
      tpu.enqueue_dma source(%dma_start3A_495 : memref<64xf32, #tpu.memory_space<hbm>>) target(%dma_start3A_492 : memref<64xf32, #tpu.memory_space<vmem>>) target_semaphore(%dma_start3A_489 : memref<!tpu.dma_semaphore, #tpu.memory_space<semaphore_mem>>)
      %slice3A_496 = vector.extract_strided_slice %get3A_44 {offsets = [7], sizes = [1], strides = [1]} : vector<16xi32> to vector<1xi32>
      %squeeze3A_497 = vector.extract %slice3A_496[0] : i32 from vector<1xi32>
      %add3A_498 = arith.constant 128 : i32
      %add3A_499 = arith.addi %add3A_498, %add3A_52 : i32
      %add3A_500 = arith.constant 7 : i32
      %add3A_501 = arith.addi %add3A_499, %add3A_500 : i32
      %dma_start3A_502 = arith.constant 0 : i32
      %dma_start3A_503 = arith.constant 0 : i32
      %dma_start3A_504 = tpu.memref_slice %arg7[%add3A_501, %dma_start3A_503] : memref<768x64xf32, #tpu.memory_space<vmem>> -> memref<1x64xf32, #tpu.memory_space<vmem>>
      %dma_start3A_505 = tpu.memref_squeeze %dma_start3A_504 : memref<1x64xf32, #tpu.memory_space<vmem>> -> memref<64xf32, #tpu.memory_space<vmem>>
      %dma_start3A_506 = arith.constant 0 : i32
      %dma_start3A_507 = tpu.memref_slice %arg4[%squeeze3A_497, %dma_start3A_506] : memref<100000x64xf32, #tpu.memory_space<hbm>> -> memref<1x64xf32, #tpu.memory_space<hbm>>
      %dma_start3A_508 = tpu.memref_squeeze %dma_start3A_507 : memref<1x64xf32, #tpu.memory_space<hbm>> -> memref<64xf32, #tpu.memory_space<hbm>>
      %dma_start3A_509 = tpu.memref_slice %arg9[%dma_start3A_502] : memref<2x!tpu.dma_semaphore, #tpu.memory_space<semaphore_mem>> -> memref<1x!tpu.dma_semaphore, #tpu.memory_space<semaphore_mem>>
      %dma_start3A_510 = tpu.memref_squeeze %dma_start3A_509 : memref<1x!tpu.dma_semaphore, #tpu.memory_space<semaphore_mem>> -> memref<!tpu.dma_semaphore, #tpu.memory_space<semaphore_mem>>
      %dma_start3A_511 = arith.constant 0 : i32
      %dma_start3A_512 = tpu.memref_slice %arg7[%add3A_501, %dma_start3A_511] : memref<768x64xf32, #tpu.memory_space<vmem>> -> memref<1x64xf32, #tpu.memory_space<vmem>>
      %dma_start3A_513 = tpu.memref_squeeze %dma_start3A_512 : memref<1x64xf32, #tpu.memory_space<vmem>> -> memref<64xf32, #tpu.memory_space<vmem>>
      %dma_start3A_514 = arith.constant 0 : i32
      %dma_start3A_515 = tpu.memref_slice %arg4[%squeeze3A_497, %dma_start3A_514] : memref<100000x64xf32, #tpu.memory_space<hbm>> -> memref<1x64xf32, #tpu.memory_space<hbm>>
      %dma_start3A_516 = tpu.memref_squeeze %dma_start3A_515 : memref<1x64xf32, #tpu.memory_space<hbm>> -> memref<64xf32, #tpu.memory_space<hbm>>
      tpu.enqueue_dma source(%dma_start3A_516 : memref<64xf32, #tpu.memory_space<hbm>>) target(%dma_start3A_513 : memref<64xf32, #tpu.memory_space<vmem>>) target_semaphore(%dma_start3A_510 : memref<!tpu.dma_semaphore, #tpu.memory_space<semaphore_mem>>)
      %slice3A_517 = vector.extract_strided_slice %get3A_48 {offsets = [7], sizes = [1], strides = [1]} : vector<16xi32> to vector<1xi32>
      %squeeze3A_518 = vector.extract %slice3A_517[0] : i32 from vector<1xi32>
      %add3A_519 = arith.constant 256 : i32
      %add3A_520 = arith.addi %add3A_519, %add3A_52 : i32
      %add3A_521 = arith.constant 7 : i32
      %add3A_522 = arith.addi %add3A_520, %add3A_521 : i32
      %dma_start3A_523 = arith.constant 0 : i32
      %dma_start3A_524 = arith.constant 0 : i32
      %dma_start3A_525 = tpu.memref_slice %arg7[%add3A_522, %dma_start3A_524] : memref<768x64xf32, #tpu.memory_space<vmem>> -> memref<1x64xf32, #tpu.memory_space<vmem>>
      %dma_start3A_526 = tpu.memref_squeeze %dma_start3A_525 : memref<1x64xf32, #tpu.memory_space<vmem>> -> memref<64xf32, #tpu.memory_space<vmem>>
      %dma_start3A_527 = arith.constant 0 : i32
      %dma_start3A_528 = tpu.memref_slice %arg4[%squeeze3A_518, %dma_start3A_527] : memref<100000x64xf32, #tpu.memory_space<hbm>> -> memref<1x64xf32, #tpu.memory_space<hbm>>
      %dma_start3A_529 = tpu.memref_squeeze %dma_start3A_528 : memref<1x64xf32, #tpu.memory_space<hbm>> -> memref<64xf32, #tpu.memory_space<hbm>>
      %dma_start3A_530 = tpu.memref_slice %arg9[%dma_start3A_523] : memref<2x!tpu.dma_semaphore, #tpu.memory_space<semaphore_mem>> -> memref<1x!tpu.dma_semaphore, #tpu.memory_space<semaphore_mem>>
      %dma_start3A_531 = tpu.memref_squeeze %dma_start3A_530 : memref<1x!tpu.dma_semaphore, #tpu.memory_space<semaphore_mem>> -> memref<!tpu.dma_semaphore, #tpu.memory_space<semaphore_mem>>
      %dma_start3A_532 = arith.constant 0 : i32
      %dma_start3A_533 = tpu.memref_slice %arg7[%add3A_522, %dma_start3A_532] : memref<768x64xf32, #tpu.memory_space<vmem>> -> memref<1x64xf32, #tpu.memory_space<vmem>>
      %dma_start3A_534 = tpu.memref_squeeze %dma_start3A_533 : memref<1x64xf32, #tpu.memory_space<vmem>> -> memref<64xf32, #tpu.memory_space<vmem>>
      %dma_start3A_535 = arith.constant 0 : i32
      %dma_start3A_536 = tpu.memref_slice %arg4[%squeeze3A_518, %dma_start3A_535] : memref<100000x64xf32, #tpu.memory_space<hbm>> -> memref<1x64xf32, #tpu.memory_space<hbm>>
      %dma_start3A_537 = tpu.memref_squeeze %dma_start3A_536 : memref<1x64xf32, #tpu.memory_space<hbm>> -> memref<64xf32, #tpu.memory_space<hbm>>
      tpu.enqueue_dma source(%dma_start3A_537 : memref<64xf32, #tpu.memory_space<hbm>>) target(%dma_start3A_534 : memref<64xf32, #tpu.memory_space<vmem>>) target_semaphore(%dma_start3A_531 : memref<!tpu.dma_semaphore, #tpu.memory_space<semaphore_mem>>)
      %slice3A_538 = vector.extract_strided_slice %get3A_40 {offsets = [8], sizes = [1], strides = [1]} : vector<16xi32> to vector<1xi32>
      %squeeze3A_539 = vector.extract %slice3A_538[0] : i32 from vector<1xi32>
      %add3A_540 = arith.constant 8 : i32
      %add3A_541 = arith.addi %add3A_52, %add3A_540 : i32
      %dma_start3A_542 = arith.constant 0 : i32
      %dma_start3A_543 = arith.constant 0 : i32
      %dma_start3A_544 = tpu.memref_slice %arg7[%add3A_541, %dma_start3A_543] : memref<768x64xf32, #tpu.memory_space<vmem>> -> memref<1x64xf32, #tpu.memory_space<vmem>>
      %dma_start3A_545 = tpu.memref_squeeze %dma_start3A_544 : memref<1x64xf32, #tpu.memory_space<vmem>> -> memref<64xf32, #tpu.memory_space<vmem>>
      %dma_start3A_546 = arith.constant 0 : i32
      %dma_start3A_547 = tpu.memref_slice %arg3[%squeeze3A_539, %dma_start3A_546] : memref<100000x64xf32, #tpu.memory_space<hbm>> -> memref<1x64xf32, #tpu.memory_space<hbm>>
      %dma_start3A_548 = tpu.memref_squeeze %dma_start3A_547 : memref<1x64xf32, #tpu.memory_space<hbm>> -> memref<64xf32, #tpu.memory_space<hbm>>
      %dma_start3A_549 = tpu.memref_slice %arg9[%dma_start3A_542] : memref<2x!tpu.dma_semaphore, #tpu.memory_space<semaphore_mem>> -> memref<1x!tpu.dma_semaphore, #tpu.memory_space<semaphore_mem>>
      %dma_start3A_550 = tpu.memref_squeeze %dma_start3A_549 : memref<1x!tpu.dma_semaphore, #tpu.memory_space<semaphore_mem>> -> memref<!tpu.dma_semaphore, #tpu.memory_space<semaphore_mem>>
      %dma_start3A_551 = arith.constant 0 : i32
      %dma_start3A_552 = tpu.memref_slice %arg7[%add3A_541, %dma_start3A_551] : memref<768x64xf32, #tpu.memory_space<vmem>> -> memref<1x64xf32, #tpu.memory_space<vmem>>
      %dma_start3A_553 = tpu.memref_squeeze %dma_start3A_552 : memref<1x64xf32, #tpu.memory_space<vmem>> -> memref<64xf32, #tpu.memory_space<vmem>>
      %dma_start3A_554 = arith.constant 0 : i32
      %dma_start3A_555 = tpu.memref_slice %arg3[%squeeze3A_539, %dma_start3A_554] : memref<100000x64xf32, #tpu.memory_space<hbm>> -> memref<1x64xf32, #tpu.memory_space<hbm>>
      %dma_start3A_556 = tpu.memref_squeeze %dma_start3A_555 : memref<1x64xf32, #tpu.memory_space<hbm>> -> memref<64xf32, #tpu.memory_space<hbm>>
      tpu.enqueue_dma source(%dma_start3A_556 : memref<64xf32, #tpu.memory_space<hbm>>) target(%dma_start3A_553 : memref<64xf32, #tpu.memory_space<vmem>>) target_semaphore(%dma_start3A_550 : memref<!tpu.dma_semaphore, #tpu.memory_space<semaphore_mem>>)
      %slice3A_557 = vector.extract_strided_slice %get3A_44 {offsets = [8], sizes = [1], strides = [1]} : vector<16xi32> to vector<1xi32>
      %squeeze3A_558 = vector.extract %slice3A_557[0] : i32 from vector<1xi32>
      %add3A_559 = arith.constant 128 : i32
      %add3A_560 = arith.addi %add3A_559, %add3A_52 : i32
      %add3A_561 = arith.constant 8 : i32
      %add3A_562 = arith.addi %add3A_560, %add3A_561 : i32
      %dma_start3A_563 = arith.constant 0 : i32
      %dma_start3A_564 = arith.constant 0 : i32
      %dma_start3A_565 = tpu.memref_slice %arg7[%add3A_562, %dma_start3A_564] : memref<768x64xf32, #tpu.memory_space<vmem>> -> memref<1x64xf32, #tpu.memory_space<vmem>>
      %dma_start3A_566 = tpu.memref_squeeze %dma_start3A_565 : memref<1x64xf32, #tpu.memory_space<vmem>> -> memref<64xf32, #tpu.memory_space<vmem>>
      %dma_start3A_567 = arith.constant 0 : i32
      %dma_start3A_568 = tpu.memref_slice %arg4[%squeeze3A_558, %dma_start3A_567] : memref<100000x64xf32, #tpu.memory_space<hbm>> -> memref<1x64xf32, #tpu.memory_space<hbm>>
      %dma_start3A_569 = tpu.memref_squeeze %dma_start3A_568 : memref<1x64xf32, #tpu.memory_space<hbm>> -> memref<64xf32, #tpu.memory_space<hbm>>
      %dma_start3A_570 = tpu.memref_slice %arg9[%dma_start3A_563] : memref<2x!tpu.dma_semaphore, #tpu.memory_space<semaphore_mem>> -> memref<1x!tpu.dma_semaphore, #tpu.memory_space<semaphore_mem>>
      %dma_start3A_571 = tpu.memref_squeeze %dma_start3A_570 : memref<1x!tpu.dma_semaphore, #tpu.memory_space<semaphore_mem>> -> memref<!tpu.dma_semaphore, #tpu.memory_space<semaphore_mem>>
      %dma_start3A_572 = arith.constant 0 : i32
      %dma_start3A_573 = tpu.memref_slice %arg7[%add3A_562, %dma_start3A_572] : memref<768x64xf32, #tpu.memory_space<vmem>> -> memref<1x64xf32, #tpu.memory_space<vmem>>
      %dma_start3A_574 = tpu.memref_squeeze %dma_start3A_573 : memref<1x64xf32, #tpu.memory_space<vmem>> -> memref<64xf32, #tpu.memory_space<vmem>>
      %dma_start3A_575 = arith.constant 0 : i32
      %dma_start3A_576 = tpu.memref_slice %arg4[%squeeze3A_558, %dma_start3A_575] : memref<100000x64xf32, #tpu.memory_space<hbm>> -> memref<1x64xf32, #tpu.memory_space<hbm>>
      %dma_start3A_577 = tpu.memref_squeeze %dma_start3A_576 : memref<1x64xf32, #tpu.memory_space<hbm>> -> memref<64xf32, #tpu.memory_space<hbm>>
      tpu.enqueue_dma source(%dma_start3A_577 : memref<64xf32, #tpu.memory_space<hbm>>) target(%dma_start3A_574 : memref<64xf32, #tpu.memory_space<vmem>>) target_semaphore(%dma_start3A_571 : memref<!tpu.dma_semaphore, #tpu.memory_space<semaphore_mem>>)
      %slice3A_578 = vector.extract_strided_slice %get3A_48 {offsets = [8], sizes = [1], strides = [1]} : vector<16xi32> to vector<1xi32>
      %squeeze3A_579 = vector.extract %slice3A_578[0] : i32 from vector<1xi32>
      %add3A_580 = arith.constant 256 : i32
      %add3A_581 = arith.addi %add3A_580, %add3A_52 : i32
      %add3A_582 = arith.constant 8 : i32
      %add3A_583 = arith.addi %add3A_581, %add3A_582 : i32
      %dma_start3A_584 = arith.constant 0 : i32
      %dma_start3A_585 = arith.constant 0 : i32
      %dma_start3A_586 = tpu.memref_slice %arg7[%add3A_583, %dma_start3A_585] : memref<768x64xf32, #tpu.memory_space<vmem>> -> memref<1x64xf32, #tpu.memory_space<vmem>>
      %dma_start3A_587 = tpu.memref_squeeze %dma_start3A_586 : memref<1x64xf32, #tpu.memory_space<vmem>> -> memref<64xf32, #tpu.memory_space<vmem>>
      %dma_start3A_588 = arith.constant 0 : i32
      %dma_start3A_589 = tpu.memref_slice %arg4[%squeeze3A_579, %dma_start3A_588] : memref<100000x64xf32, #tpu.memory_space<hbm>> -> memref<1x64xf32, #tpu.memory_space<hbm>>
      %dma_start3A_590 = tpu.memref_squeeze %dma_start3A_589 : memref<1x64xf32, #tpu.memory_space<hbm>> -> memref<64xf32, #tpu.memory_space<hbm>>
      %dma_start3A_591 = tpu.memref_slice %arg9[%dma_start3A_584] : memref<2x!tpu.dma_semaphore, #tpu.memory_space<semaphore_mem>> -> memref<1x!tpu.dma_semaphore, #tpu.memory_space<semaphore_mem>>
      %dma_start3A_592 = tpu.memref_squeeze %dma_start3A_591 : memref<1x!tpu.dma_semaphore, #tpu.memory_space<semaphore_mem>> -> memref<!tpu.dma_semaphore, #tpu.memory_space<semaphore_mem>>
      %dma_start3A_593 = arith.constant 0 : i32
      %dma_start3A_594 = tpu.memref_slice %arg7[%add3A_583, %dma_start3A_593] : memref<768x64xf32, #tpu.memory_space<vmem>> -> memref<1x64xf32, #tpu.memory_space<vmem>>
      %dma_start3A_595 = tpu.memref_squeeze %dma_start3A_594 : memref<1x64xf32, #tpu.memory_space<vmem>> -> memref<64xf32, #tpu.memory_space<vmem>>
      %dma_start3A_596 = arith.constant 0 : i32
      %dma_start3A_597 = tpu.memref_slice %arg4[%squeeze3A_579, %dma_start3A_596] : memref<100000x64xf32, #tpu.memory_space<hbm>> -> memref<1x64xf32, #tpu.memory_space<hbm>>
      %dma_start3A_598 = tpu.memref_squeeze %dma_start3A_597 : memref<1x64xf32, #tpu.memory_space<hbm>> -> memref<64xf32, #tpu.memory_space<hbm>>
      tpu.enqueue_dma source(%dma_start3A_598 : memref<64xf32, #tpu.memory_space<hbm>>) target(%dma_start3A_595 : memref<64xf32, #tpu.memory_space<vmem>>) target_semaphore(%dma_start3A_592 : memref<!tpu.dma_semaphore, #tpu.memory_space<semaphore_mem>>)
      %slice3A_599 = vector.extract_strided_slice %get3A_40 {offsets = [9], sizes = [1], strides = [1]} : vector<16xi32> to vector<1xi32>
      %squeeze3A_600 = vector.extract %slice3A_599[0] : i32 from vector<1xi32>
      %add3A_601 = arith.constant 9 : i32
      %add3A_602 = arith.addi %add3A_52, %add3A_601 : i32
      %dma_start3A_603 = arith.constant 0 : i32
      %dma_start3A_604 = arith.constant 0 : i32
      %dma_start3A_605 = tpu.memref_slice %arg7[%add3A_602, %dma_start3A_604] : memref<768x64xf32, #tpu.memory_space<vmem>> -> memref<1x64xf32, #tpu.memory_space<vmem>>
      %dma_start3A_606 = tpu.memref_squeeze %dma_start3A_605 : memref<1x64xf32, #tpu.memory_space<vmem>> -> memref<64xf32, #tpu.memory_space<vmem>>
      %dma_start3A_607 = arith.constant 0 : i32
      %dma_start3A_608 = tpu.memref_slice %arg3[%squeeze3A_600, %dma_start3A_607] : memref<100000x64xf32, #tpu.memory_space<hbm>> -> memref<1x64xf32, #tpu.memory_space<hbm>>
      %dma_start3A_609 = tpu.memref_squeeze %dma_start3A_608 : memref<1x64xf32, #tpu.memory_space<hbm>> -> memref<64xf32, #tpu.memory_space<hbm>>
      %dma_start3A_610 = tpu.memref_slice %arg9[%dma_start3A_603] : memref<2x!tpu.dma_semaphore, #tpu.memory_space<semaphore_mem>> -> memref<1x!tpu.dma_semaphore, #tpu.memory_space<semaphore_mem>>
      %dma_start3A_611 = tpu.memref_squeeze %dma_start3A_610 : memref<1x!tpu.dma_semaphore, #tpu.memory_space<semaphore_mem>> -> memref<!tpu.dma_semaphore, #tpu.memory_space<semaphore_mem>>
      %dma_start3A_612 = arith.constant 0 : i32
      %dma_start3A_613 = tpu.memref_slice %arg7[%add3A_602, %dma_start3A_612] : memref<768x64xf32, #tpu.memory_space<vmem>> -> memref<1x64xf32, #tpu.memory_space<vmem>>
      %dma_start3A_614 = tpu.memref_squeeze %dma_start3A_613 : memref<1x64xf32, #tpu.memory_space<vmem>> -> memref<64xf32, #tpu.memory_space<vmem>>
      %dma_start3A_615 = arith.constant 0 : i32
      %dma_start3A_616 = tpu.memref_slice %arg3[%squeeze3A_600, %dma_start3A_615] : memref<100000x64xf32, #tpu.memory_space<hbm>> -> memref<1x64xf32, #tpu.memory_space<hbm>>
      %dma_start3A_617 = tpu.memref_squeeze %dma_start3A_616 : memref<1x64xf32, #tpu.memory_space<hbm>> -> memref<64xf32, #tpu.memory_space<hbm>>
      tpu.enqueue_dma source(%dma_start3A_617 : memref<64xf32, #tpu.memory_space<hbm>>) target(%dma_start3A_614 : memref<64xf32, #tpu.memory_space<vmem>>) target_semaphore(%dma_start3A_611 : memref<!tpu.dma_semaphore, #tpu.memory_space<semaphore_mem>>)
      %slice3A_618 = vector.extract_strided_slice %get3A_44 {offsets = [9], sizes = [1], strides = [1]} : vector<16xi32> to vector<1xi32>
      %squeeze3A_619 = vector.extract %slice3A_618[0] : i32 from vector<1xi32>
      %add3A_620 = arith.constant 128 : i32
      %add3A_621 = arith.addi %add3A_620, %add3A_52 : i32
      %add3A_622 = arith.constant 9 : i32
      %add3A_623 = arith.addi %add3A_621, %add3A_622 : i32
      %dma_start3A_624 = arith.constant 0 : i32
      %dma_start3A_625 = arith.constant 0 : i32
      %dma_start3A_626 = tpu.memref_slice %arg7[%add3A_623, %dma_start3A_625] : memref<768x64xf32, #tpu.memory_space<vmem>> -> memref<1x64xf32, #tpu.memory_space<vmem>>
      %dma_start3A_627 = tpu.memref_squeeze %dma_start3A_626 : memref<1x64xf32, #tpu.memory_space<vmem>> -> memref<64xf32, #tpu.memory_space<vmem>>
      %dma_start3A_628 = arith.constant 0 : i32
      %dma_start3A_629 = tpu.memref_slice %arg4[%squeeze3A_619, %dma_start3A_628] : memref<100000x64xf32, #tpu.memory_space<hbm>> -> memref<1x64xf32, #tpu.memory_space<hbm>>
      %dma_start3A_630 = tpu.memref_squeeze %dma_start3A_629 : memref<1x64xf32, #tpu.memory_space<hbm>> -> memref<64xf32, #tpu.memory_space<hbm>>
      %dma_start3A_631 = tpu.memref_slice %arg9[%dma_start3A_624] : memref<2x!tpu.dma_semaphore, #tpu.memory_space<semaphore_mem>> -> memref<1x!tpu.dma_semaphore, #tpu.memory_space<semaphore_mem>>
      %dma_start3A_632 = tpu.memref_squeeze %dma_start3A_631 : memref<1x!tpu.dma_semaphore, #tpu.memory_space<semaphore_mem>> -> memref<!tpu.dma_semaphore, #tpu.memory_space<semaphore_mem>>
      %dma_start3A_633 = arith.constant 0 : i32
      %dma_start3A_634 = tpu.memref_slice %arg7[%add3A_623, %dma_start3A_633] : memref<768x64xf32, #tpu.memory_space<vmem>> -> memref<1x64xf32, #tpu.memory_space<vmem>>
      %dma_start3A_635 = tpu.memref_squeeze %dma_start3A_634 : memref<1x64xf32, #tpu.memory_space<vmem>> -> memref<64xf32, #tpu.memory_space<vmem>>
      %dma_start3A_636 = arith.constant 0 : i32
      %dma_start3A_637 = tpu.memref_slice %arg4[%squeeze3A_619, %dma_start3A_636] : memref<100000x64xf32, #tpu.memory_space<hbm>> -> memref<1x64xf32, #tpu.memory_space<hbm>>
      %dma_start3A_638 = tpu.memref_squeeze %dma_start3A_637 : memref<1x64xf32, #tpu.memory_space<hbm>> -> memref<64xf32, #tpu.memory_space<hbm>>
      tpu.enqueue_dma source(%dma_start3A_638 : memref<64xf32, #tpu.memory_space<hbm>>) target(%dma_start3A_635 : memref<64xf32, #tpu.memory_space<vmem>>) target_semaphore(%dma_start3A_632 : memref<!tpu.dma_semaphore, #tpu.memory_space<semaphore_mem>>)
      %slice3A_639 = vector.extract_strided_slice %get3A_48 {offsets = [9], sizes = [1], strides = [1]} : vector<16xi32> to vector<1xi32>
      %squeeze3A_640 = vector.extract %slice3A_639[0] : i32 from vector<1xi32>
      %add3A_641 = arith.constant 256 : i32
      %add3A_642 = arith.addi %add3A_641, %add3A_52 : i32
      %add3A_643 = arith.constant 9 : i32
      %add3A_644 = arith.addi %add3A_642, %add3A_643 : i32
      %dma_start3A_645 = arith.constant 0 : i32
      %dma_start3A_646 = arith.constant 0 : i32
      %dma_start3A_647 = tpu.memref_slice %arg7[%add3A_644, %dma_start3A_646] : memref<768x64xf32, #tpu.memory_space<vmem>> -> memref<1x64xf32, #tpu.memory_space<vmem>>
      %dma_start3A_648 = tpu.memref_squeeze %dma_start3A_647 : memref<1x64xf32, #tpu.memory_space<vmem>> -> memref<64xf32, #tpu.memory_space<vmem>>
      %dma_start3A_649 = arith.constant 0 : i32
      %dma_start3A_650 = tpu.memref_slice %arg4[%squeeze3A_640, %dma_start3A_649] : memref<100000x64xf32, #tpu.memory_space<hbm>> -> memref<1x64xf32, #tpu.memory_space<hbm>>
      %dma_start3A_651 = tpu.memref_squeeze %dma_start3A_650 : memref<1x64xf32, #tpu.memory_space<hbm>> -> memref<64xf32, #tpu.memory_space<hbm>>
      %dma_start3A_652 = tpu.memref_slice %arg9[%dma_start3A_645] : memref<2x!tpu.dma_semaphore, #tpu.memory_space<semaphore_mem>> -> memref<1x!tpu.dma_semaphore, #tpu.memory_space<semaphore_mem>>
      %dma_start3A_653 = tpu.memref_squeeze %dma_start3A_652 : memref<1x!tpu.dma_semaphore, #tpu.memory_space<semaphore_mem>> -> memref<!tpu.dma_semaphore, #tpu.memory_space<semaphore_mem>>
      %dma_start3A_654 = arith.constant 0 : i32
      %dma_start3A_655 = tpu.memref_slice %arg7[%add3A_644, %dma_start3A_654] : memref<768x64xf32, #tpu.memory_space<vmem>> -> memref<1x64xf32, #tpu.memory_space<vmem>>
      %dma_start3A_656 = tpu.memref_squeeze %dma_start3A_655 : memref<1x64xf32, #tpu.memory_space<vmem>> -> memref<64xf32, #tpu.memory_space<vmem>>
      %dma_start3A_657 = arith.constant 0 : i32
      %dma_start3A_658 = tpu.memref_slice %arg4[%squeeze3A_640, %dma_start3A_657] : memref<100000x64xf32, #tpu.memory_space<hbm>> -> memref<1x64xf32, #tpu.memory_space<hbm>>
      %dma_start3A_659 = tpu.memref_squeeze %dma_start3A_658 : memref<1x64xf32, #tpu.memory_space<hbm>> -> memref<64xf32, #tpu.memory_space<hbm>>
      tpu.enqueue_dma source(%dma_start3A_659 : memref<64xf32, #tpu.memory_space<hbm>>) target(%dma_start3A_656 : memref<64xf32, #tpu.memory_space<vmem>>) target_semaphore(%dma_start3A_653 : memref<!tpu.dma_semaphore, #tpu.memory_space<semaphore_mem>>)
      %slice3A_660 = vector.extract_strided_slice %get3A_40 {offsets = [10], sizes = [1], strides = [1]} : vector<16xi32> to vector<1xi32>
      %squeeze3A_661 = vector.extract %slice3A_660[0] : i32 from vector<1xi32>
      %add3A_662 = arith.constant 10 : i32
      %add3A_663 = arith.addi %add3A_52, %add3A_662 : i32
      %dma_start3A_664 = arith.constant 0 : i32
      %dma_start3A_665 = arith.constant 0 : i32
      %dma_start3A_666 = tpu.memref_slice %arg7[%add3A_663, %dma_start3A_665] : memref<768x64xf32, #tpu.memory_space<vmem>> -> memref<1x64xf32, #tpu.memory_space<vmem>>
      %dma_start3A_667 = tpu.memref_squeeze %dma_start3A_666 : memref<1x64xf32, #tpu.memory_space<vmem>> -> memref<64xf32, #tpu.memory_space<vmem>>
      %dma_start3A_668 = arith.constant 0 : i32
      %dma_start3A_669 = tpu.memref_slice %arg3[%squeeze3A_661, %dma_start3A_668] : memref<100000x64xf32, #tpu.memory_space<hbm>> -> memref<1x64xf32, #tpu.memory_space<hbm>>
      %dma_start3A_670 = tpu.memref_squeeze %dma_start3A_669 : memref<1x64xf32, #tpu.memory_space<hbm>> -> memref<64xf32, #tpu.memory_space<hbm>>
      %dma_start3A_671 = tpu.memref_slice %arg9[%dma_start3A_664] : memref<2x!tpu.dma_semaphore, #tpu.memory_space<semaphore_mem>> -> memref<1x!tpu.dma_semaphore, #tpu.memory_space<semaphore_mem>>
      %dma_start3A_672 = tpu.memref_squeeze %dma_start3A_671 : memref<1x!tpu.dma_semaphore, #tpu.memory_space<semaphore_mem>> -> memref<!tpu.dma_semaphore, #tpu.memory_space<semaphore_mem>>
      %dma_start3A_673 = arith.constant 0 : i32
      %dma_start3A_674 = tpu.memref_slice %arg7[%add3A_663, %dma_start3A_673] : memref<768x64xf32, #tpu.memory_space<vmem>> -> memref<1x64xf32, #tpu.memory_space<vmem>>
      %dma_start3A_675 = tpu.memref_squeeze %dma_start3A_674 : memref<1x64xf32, #tpu.memory_space<vmem>> -> memref<64xf32, #tpu.memory_space<vmem>>
      %dma_start3A_676 = arith.constant 0 : i32
      %dma_start3A_677 = tpu.memref_slice %arg3[%squeeze3A_661, %dma_start3A_676] : memref<100000x64xf32, #tpu.memory_space<hbm>> -> memref<1x64xf32, #tpu.memory_space<hbm>>
      %dma_start3A_678 = tpu.memref_squeeze %dma_start3A_677 : memref<1x64xf32, #tpu.memory_space<hbm>> -> memref<64xf32, #tpu.memory_space<hbm>>
      tpu.enqueue_dma source(%dma_start3A_678 : memref<64xf32, #tpu.memory_space<hbm>>) target(%dma_start3A_675 : memref<64xf32, #tpu.memory_space<vmem>>) target_semaphore(%dma_start3A_672 : memref<!tpu.dma_semaphore, #tpu.memory_space<semaphore_mem>>)
      %slice3A_679 = vector.extract_strided_slice %get3A_44 {offsets = [10], sizes = [1], strides = [1]} : vector<16xi32> to vector<1xi32>
      %squeeze3A_680 = vector.extract %slice3A_679[0] : i32 from vector<1xi32>
      %add3A_681 = arith.constant 128 : i32
      %add3A_682 = arith.addi %add3A_681, %add3A_52 : i32
      %add3A_683 = arith.constant 10 : i32
      %add3A_684 = arith.addi %add3A_682, %add3A_683 : i32
      %dma_start3A_685 = arith.constant 0 : i32
      %dma_start3A_686 = arith.constant 0 : i32
      %dma_start3A_687 = tpu.memref_slice %arg7[%add3A_684, %dma_start3A_686] : memref<768x64xf32, #tpu.memory_space<vmem>> -> memref<1x64xf32, #tpu.memory_space<vmem>>
      %dma_start3A_688 = tpu.memref_squeeze %dma_start3A_687 : memref<1x64xf32, #tpu.memory_space<vmem>> -> memref<64xf32, #tpu.memory_space<vmem>>
      %dma_start3A_689 = arith.constant 0 : i32
      %dma_start3A_690 = tpu.memref_slice %arg4[%squeeze3A_680, %dma_start3A_689] : memref<100000x64xf32, #tpu.memory_space<hbm>> -> memref<1x64xf32, #tpu.memory_space<hbm>>
      %dma_start3A_691 = tpu.memref_squeeze %dma_start3A_690 : memref<1x64xf32, #tpu.memory_space<hbm>> -> memref<64xf32, #tpu.memory_space<hbm>>
      %dma_start3A_692 = tpu.memref_slice %arg9[%dma_start3A_685] : memref<2x!tpu.dma_semaphore, #tpu.memory_space<semaphore_mem>> -> memref<1x!tpu.dma_semaphore, #tpu.memory_space<semaphore_mem>>
      %dma_start3A_693 = tpu.memref_squeeze %dma_start3A_692 : memref<1x!tpu.dma_semaphore, #tpu.memory_space<semaphore_mem>> -> memref<!tpu.dma_semaphore, #tpu.memory_space<semaphore_mem>>
      %dma_start3A_694 = arith.constant 0 : i32
      %dma_start3A_695 = tpu.memref_slice %arg7[%add3A_684, %dma_start3A_694] : memref<768x64xf32, #tpu.memory_space<vmem>> -> memref<1x64xf32, #tpu.memory_space<vmem>>
      %dma_start3A_696 = tpu.memref_squeeze %dma_start3A_695 : memref<1x64xf32, #tpu.memory_space<vmem>> -> memref<64xf32, #tpu.memory_space<vmem>>
      %dma_start3A_697 = arith.constant 0 : i32
      %dma_start3A_698 = tpu.memref_slice %arg4[%squeeze3A_680, %dma_start3A_697] : memref<100000x64xf32, #tpu.memory_space<hbm>> -> memref<1x64xf32, #tpu.memory_space<hbm>>
      %dma_start3A_699 = tpu.memref_squeeze %dma_start3A_698 : memref<1x64xf32, #tpu.memory_space<hbm>> -> memref<64xf32, #tpu.memory_space<hbm>>
      tpu.enqueue_dma source(%dma_start3A_699 : memref<64xf32, #tpu.memory_space<hbm>>) target(%dma_start3A_696 : memref<64xf32, #tpu.memory_space<vmem>>) target_semaphore(%dma_start3A_693 : memref<!tpu.dma_semaphore, #tpu.memory_space<semaphore_mem>>)
      %slice3A_700 = vector.extract_strided_slice %get3A_48 {offsets = [10], sizes = [1], strides = [1]} : vector<16xi32> to vector<1xi32>
      %squeeze3A_701 = vector.extract %slice3A_700[0] : i32 from vector<1xi32>
      %add3A_702 = arith.constant 256 : i32
      %add3A_703 = arith.addi %add3A_702, %add3A_52 : i32
      %add3A_704 = arith.constant 10 : i32
      %add3A_705 = arith.addi %add3A_703, %add3A_704 : i32
      %dma_start3A_706 = arith.constant 0 : i32
      %dma_start3A_707 = arith.constant 0 : i32
      %dma_start3A_708 = tpu.memref_slice %arg7[%add3A_705, %dma_start3A_707] : memref<768x64xf32, #tpu.memory_space<vmem>> -> memref<1x64xf32, #tpu.memory_space<vmem>>
      %dma_start3A_709 = tpu.memref_squeeze %dma_start3A_708 : memref<1x64xf32, #tpu.memory_space<vmem>> -> memref<64xf32, #tpu.memory_space<vmem>>
      %dma_start3A_710 = arith.constant 0 : i32
      %dma_start3A_711 = tpu.memref_slice %arg4[%squeeze3A_701, %dma_start3A_710] : memref<100000x64xf32, #tpu.memory_space<hbm>> -> memref<1x64xf32, #tpu.memory_space<hbm>>
      %dma_start3A_712 = tpu.memref_squeeze %dma_start3A_711 : memref<1x64xf32, #tpu.memory_space<hbm>> -> memref<64xf32, #tpu.memory_space<hbm>>
      %dma_start3A_713 = tpu.memref_slice %arg9[%dma_start3A_706] : memref<2x!tpu.dma_semaphore, #tpu.memory_space<semaphore_mem>> -> memref<1x!tpu.dma_semaphore, #tpu.memory_space<semaphore_mem>>
      %dma_start3A_714 = tpu.memref_squeeze %dma_start3A_713 : memref<1x!tpu.dma_semaphore, #tpu.memory_space<semaphore_mem>> -> memref<!tpu.dma_semaphore, #tpu.memory_space<semaphore_mem>>
      %dma_start3A_715 = arith.constant 0 : i32
      %dma_start3A_716 = tpu.memref_slice %arg7[%add3A_705, %dma_start3A_715] : memref<768x64xf32, #tpu.memory_space<vmem>> -> memref<1x64xf32, #tpu.memory_space<vmem>>
      %dma_start3A_717 = tpu.memref_squeeze %dma_start3A_716 : memref<1x64xf32, #tpu.memory_space<vmem>> -> memref<64xf32, #tpu.memory_space<vmem>>
      %dma_start3A_718 = arith.constant 0 : i32
      %dma_start3A_719 = tpu.memref_slice %arg4[%squeeze3A_701, %dma_start3A_718] : memref<100000x64xf32, #tpu.memory_space<hbm>> -> memref<1x64xf32, #tpu.memory_space<hbm>>
      %dma_start3A_720 = tpu.memref_squeeze %dma_start3A_719 : memref<1x64xf32, #tpu.memory_space<hbm>> -> memref<64xf32, #tpu.memory_space<hbm>>
      tpu.enqueue_dma source(%dma_start3A_720 : memref<64xf32, #tpu.memory_space<hbm>>) target(%dma_start3A_717 : memref<64xf32, #tpu.memory_space<vmem>>) target_semaphore(%dma_start3A_714 : memref<!tpu.dma_semaphore, #tpu.memory_space<semaphore_mem>>)
      %slice3A_721 = vector.extract_strided_slice %get3A_40 {offsets = [11], sizes = [1], strides = [1]} : vector<16xi32> to vector<1xi32>
      %squeeze3A_722 = vector.extract %slice3A_721[0] : i32 from vector<1xi32>
      %add3A_723 = arith.constant 11 : i32
      %add3A_724 = arith.addi %add3A_52, %add3A_723 : i32
      %dma_start3A_725 = arith.constant 0 : i32
      %dma_start3A_726 = arith.constant 0 : i32
      %dma_start3A_727 = tpu.memref_slice %arg7[%add3A_724, %dma_start3A_726] : memref<768x64xf32, #tpu.memory_space<vmem>> -> memref<1x64xf32, #tpu.memory_space<vmem>>
      %dma_start3A_728 = tpu.memref_squeeze %dma_start3A_727 : memref<1x64xf32, #tpu.memory_space<vmem>> -> memref<64xf32, #tpu.memory_space<vmem>>
      %dma_start3A_729 = arith.constant 0 : i32
      %dma_start3A_730 = tpu.memref_slice %arg3[%squeeze3A_722, %dma_start3A_729] : memref<100000x64xf32, #tpu.memory_space<hbm>> -> memref<1x64xf32, #tpu.memory_space<hbm>>
      %dma_start3A_731 = tpu.memref_squeeze %dma_start3A_730 : memref<1x64xf32, #tpu.memory_space<hbm>> -> memref<64xf32, #tpu.memory_space<hbm>>
      %dma_start3A_732 = tpu.memref_slice %arg9[%dma_start3A_725] : memref<2x!tpu.dma_semaphore, #tpu.memory_space<semaphore_mem>> -> memref<1x!tpu.dma_semaphore, #tpu.memory_space<semaphore_mem>>
      %dma_start3A_733 = tpu.memref_squeeze %dma_start3A_732 : memref<1x!tpu.dma_semaphore, #tpu.memory_space<semaphore_mem>> -> memref<!tpu.dma_semaphore, #tpu.memory_space<semaphore_mem>>
      %dma_start3A_734 = arith.constant 0 : i32
      %dma_start3A_735 = tpu.memref_slice %arg7[%add3A_724, %dma_start3A_734] : memref<768x64xf32, #tpu.memory_space<vmem>> -> memref<1x64xf32, #tpu.memory_space<vmem>>
      %dma_start3A_736 = tpu.memref_squeeze %dma_start3A_735 : memref<1x64xf32, #tpu.memory_space<vmem>> -> memref<64xf32, #tpu.memory_space<vmem>>
      %dma_start3A_737 = arith.constant 0 : i32
      %dma_start3A_738 = tpu.memref_slice %arg3[%squeeze3A_722, %dma_start3A_737] : memref<100000x64xf32, #tpu.memory_space<hbm>> -> memref<1x64xf32, #tpu.memory_space<hbm>>
      %dma_start3A_739 = tpu.memref_squeeze %dma_start3A_738 : memref<1x64xf32, #tpu.memory_space<hbm>> -> memref<64xf32, #tpu.memory_space<hbm>>
      tpu.enqueue_dma source(%dma_start3A_739 : memref<64xf32, #tpu.memory_space<hbm>>) target(%dma_start3A_736 : memref<64xf32, #tpu.memory_space<vmem>>) target_semaphore(%dma_start3A_733 : memref<!tpu.dma_semaphore, #tpu.memory_space<semaphore_mem>>)
      %slice3A_740 = vector.extract_strided_slice %get3A_44 {offsets = [11], sizes = [1], strides = [1]} : vector<16xi32> to vector<1xi32>
      %squeeze3A_741 = vector.extract %slice3A_740[0] : i32 from vector<1xi32>
      %add3A_742 = arith.constant 128 : i32
      %add3A_743 = arith.addi %add3A_742, %add3A_52 : i32
      %add3A_744 = arith.constant 11 : i32
      %add3A_745 = arith.addi %add3A_743, %add3A_744 : i32
      %dma_start3A_746 = arith.constant 0 : i32
      %dma_start3A_747 = arith.constant 0 : i32
      %dma_start3A_748 = tpu.memref_slice %arg7[%add3A_745, %dma_start3A_747] : memref<768x64xf32, #tpu.memory_space<vmem>> -> memref<1x64xf32, #tpu.memory_space<vmem>>
      %dma_start3A_749 = tpu.memref_squeeze %dma_start3A_748 : memref<1x64xf32, #tpu.memory_space<vmem>> -> memref<64xf32, #tpu.memory_space<vmem>>
      %dma_start3A_750 = arith.constant 0 : i32
      %dma_start3A_751 = tpu.memref_slice %arg4[%squeeze3A_741, %dma_start3A_750] : memref<100000x64xf32, #tpu.memory_space<hbm>> -> memref<1x64xf32, #tpu.memory_space<hbm>>
      %dma_start3A_752 = tpu.memref_squeeze %dma_start3A_751 : memref<1x64xf32, #tpu.memory_space<hbm>> -> memref<64xf32, #tpu.memory_space<hbm>>
      %dma_start3A_753 = tpu.memref_slice %arg9[%dma_start3A_746] : memref<2x!tpu.dma_semaphore, #tpu.memory_space<semaphore_mem>> -> memref<1x!tpu.dma_semaphore, #tpu.memory_space<semaphore_mem>>
      %dma_start3A_754 = tpu.memref_squeeze %dma_start3A_753 : memref<1x!tpu.dma_semaphore, #tpu.memory_space<semaphore_mem>> -> memref<!tpu.dma_semaphore, #tpu.memory_space<semaphore_mem>>
      %dma_start3A_755 = arith.constant 0 : i32
      %dma_start3A_756 = tpu.memref_slice %arg7[%add3A_745, %dma_start3A_755] : memref<768x64xf32, #tpu.memory_space<vmem>> -> memref<1x64xf32, #tpu.memory_space<vmem>>
      %dma_start3A_757 = tpu.memref_squeeze %dma_start3A_756 : memref<1x64xf32, #tpu.memory_space<vmem>> -> memref<64xf32, #tpu.memory_space<vmem>>
      %dma_start3A_758 = arith.constant 0 : i32
      %dma_start3A_759 = tpu.memref_slice %arg4[%squeeze3A_741, %dma_start3A_758] : memref<100000x64xf32, #tpu.memory_space<hbm>> -> memref<1x64xf32, #tpu.memory_space<hbm>>
      %dma_start3A_760 = tpu.memref_squeeze %dma_start3A_759 : memref<1x64xf32, #tpu.memory_space<hbm>> -> memref<64xf32, #tpu.memory_space<hbm>>
      tpu.enqueue_dma source(%dma_start3A_760 : memref<64xf32, #tpu.memory_space<hbm>>) target(%dma_start3A_757 : memref<64xf32, #tpu.memory_space<vmem>>) target_semaphore(%dma_start3A_754 : memref<!tpu.dma_semaphore, #tpu.memory_space<semaphore_mem>>)
      %slice3A_761 = vector.extract_strided_slice %get3A_48 {offsets = [11], sizes = [1], strides = [1]} : vector<16xi32> to vector<1xi32>
      %squeeze3A_762 = vector.extract %slice3A_761[0] : i32 from vector<1xi32>
      %add3A_763 = arith.constant 256 : i32
      %add3A_764 = arith.addi %add3A_763, %add3A_52 : i32
      %add3A_765 = arith.constant 11 : i32
      %add3A_766 = arith.addi %add3A_764, %add3A_765 : i32
      %dma_start3A_767 = arith.constant 0 : i32
      %dma_start3A_768 = arith.constant 0 : i32
      %dma_start3A_769 = tpu.memref_slice %arg7[%add3A_766, %dma_start3A_768] : memref<768x64xf32, #tpu.memory_space<vmem>> -> memref<1x64xf32, #tpu.memory_space<vmem>>
      %dma_start3A_770 = tpu.memref_squeeze %dma_start3A_769 : memref<1x64xf32, #tpu.memory_space<vmem>> -> memref<64xf32, #tpu.memory_space<vmem>>
      %dma_start3A_771 = arith.constant 0 : i32
      %dma_start3A_772 = tpu.memref_slice %arg4[%squeeze3A_762, %dma_start3A_771] : memref<100000x64xf32, #tpu.memory_space<hbm>> -> memref<1x64xf32, #tpu.memory_space<hbm>>
      %dma_start3A_773 = tpu.memref_squeeze %dma_start3A_772 : memref<1x64xf32, #tpu.memory_space<hbm>> -> memref<64xf32, #tpu.memory_space<hbm>>
      %dma_start3A_774 = tpu.memref_slice %arg9[%dma_start3A_767] : memref<2x!tpu.dma_semaphore, #tpu.memory_space<semaphore_mem>> -> memref<1x!tpu.dma_semaphore, #tpu.memory_space<semaphore_mem>>
      %dma_start3A_775 = tpu.memref_squeeze %dma_start3A_774 : memref<1x!tpu.dma_semaphore, #tpu.memory_space<semaphore_mem>> -> memref<!tpu.dma_semaphore, #tpu.memory_space<semaphore_mem>>
      %dma_start3A_776 = arith.constant 0 : i32
      %dma_start3A_777 = tpu.memref_slice %arg7[%add3A_766, %dma_start3A_776] : memref<768x64xf32, #tpu.memory_space<vmem>> -> memref<1x64xf32, #tpu.memory_space<vmem>>
      %dma_start3A_778 = tpu.memref_squeeze %dma_start3A_777 : memref<1x64xf32, #tpu.memory_space<vmem>> -> memref<64xf32, #tpu.memory_space<vmem>>
      %dma_start3A_779 = arith.constant 0 : i32
      %dma_start3A_780 = tpu.memref_slice %arg4[%squeeze3A_762, %dma_start3A_779] : memref<100000x64xf32, #tpu.memory_space<hbm>> -> memref<1x64xf32, #tpu.memory_space<hbm>>
      %dma_start3A_781 = tpu.memref_squeeze %dma_start3A_780 : memref<1x64xf32, #tpu.memory_space<hbm>> -> memref<64xf32, #tpu.memory_space<hbm>>
      tpu.enqueue_dma source(%dma_start3A_781 : memref<64xf32, #tpu.memory_space<hbm>>) target(%dma_start3A_778 : memref<64xf32, #tpu.memory_space<vmem>>) target_semaphore(%dma_start3A_775 : memref<!tpu.dma_semaphore, #tpu.memory_space<semaphore_mem>>)
      %slice3A_782 = vector.extract_strided_slice %get3A_40 {offsets = [12], sizes = [1], strides = [1]} : vector<16xi32> to vector<1xi32>
      %squeeze3A_783 = vector.extract %slice3A_782[0] : i32 from vector<1xi32>
      %add3A_784 = arith.constant 12 : i32
      %add3A_785 = arith.addi %add3A_52, %add3A_784 : i32
      %dma_start3A_786 = arith.constant 0 : i32
      %dma_start3A_787 = arith.constant 0 : i32
      %dma_start3A_788 = tpu.memref_slice %arg7[%add3A_785, %dma_start3A_787] : memref<768x64xf32, #tpu.memory_space<vmem>> -> memref<1x64xf32, #tpu.memory_space<vmem>>
      %dma_start3A_789 = tpu.memref_squeeze %dma_start3A_788 : memref<1x64xf32, #tpu.memory_space<vmem>> -> memref<64xf32, #tpu.memory_space<vmem>>
      %dma_start3A_790 = arith.constant 0 : i32
      %dma_start3A_791 = tpu.memref_slice %arg3[%squeeze3A_783, %dma_start3A_790] : memref<100000x64xf32, #tpu.memory_space<hbm>> -> memref<1x64xf32, #tpu.memory_space<hbm>>
      %dma_start3A_792 = tpu.memref_squeeze %dma_start3A_791 : memref<1x64xf32, #tpu.memory_space<hbm>> -> memref<64xf32, #tpu.memory_space<hbm>>
      %dma_start3A_793 = tpu.memref_slice %arg9[%dma_start3A_786] : memref<2x!tpu.dma_semaphore, #tpu.memory_space<semaphore_mem>> -> memref<1x!tpu.dma_semaphore, #tpu.memory_space<semaphore_mem>>
      %dma_start3A_794 = tpu.memref_squeeze %dma_start3A_793 : memref<1x!tpu.dma_semaphore, #tpu.memory_space<semaphore_mem>> -> memref<!tpu.dma_semaphore, #tpu.memory_space<semaphore_mem>>
      %dma_start3A_795 = arith.constant 0 : i32
      %dma_start3A_796 = tpu.memref_slice %arg7[%add3A_785, %dma_start3A_795] : memref<768x64xf32, #tpu.memory_space<vmem>> -> memref<1x64xf32, #tpu.memory_space<vmem>>
      %dma_start3A_797 = tpu.memref_squeeze %dma_start3A_796 : memref<1x64xf32, #tpu.memory_space<vmem>> -> memref<64xf32, #tpu.memory_space<vmem>>
      %dma_start3A_798 = arith.constant 0 : i32
      %dma_start3A_799 = tpu.memref_slice %arg3[%squeeze3A_783, %dma_start3A_798] : memref<100000x64xf32, #tpu.memory_space<hbm>> -> memref<1x64xf32, #tpu.memory_space<hbm>>
      %dma_start3A_800 = tpu.memref_squeeze %dma_start3A_799 : memref<1x64xf32, #tpu.memory_space<hbm>> -> memref<64xf32, #tpu.memory_space<hbm>>
      tpu.enqueue_dma source(%dma_start3A_800 : memref<64xf32, #tpu.memory_space<hbm>>) target(%dma_start3A_797 : memref<64xf32, #tpu.memory_space<vmem>>) target_semaphore(%dma_start3A_794 : memref<!tpu.dma_semaphore, #tpu.memory_space<semaphore_mem>>)
      %slice3A_801 = vector.extract_strided_slice %get3A_44 {offsets = [12], sizes = [1], strides = [1]} : vector<16xi32> to vector<1xi32>
      %squeeze3A_802 = vector.extract %slice3A_801[0] : i32 from vector<1xi32>
      %add3A_803 = arith.constant 128 : i32
      %add3A_804 = arith.addi %add3A_803, %add3A_52 : i32
      %add3A_805 = arith.constant 12 : i32
      %add3A_806 = arith.addi %add3A_804, %add3A_805 : i32
      %dma_start3A_807 = arith.constant 0 : i32
      %dma_start3A_808 = arith.constant 0 : i32
      %dma_start3A_809 = tpu.memref_slice %arg7[%add3A_806, %dma_start3A_808] : memref<768x64xf32, #tpu.memory_space<vmem>> -> memref<1x64xf32, #tpu.memory_space<vmem>>
      %dma_start3A_810 = tpu.memref_squeeze %dma_start3A_809 : memref<1x64xf32, #tpu.memory_space<vmem>> -> memref<64xf32, #tpu.memory_space<vmem>>
      %dma_start3A_811 = arith.constant 0 : i32
      %dma_start3A_812 = tpu.memref_slice %arg4[%squeeze3A_802, %dma_start3A_811] : memref<100000x64xf32, #tpu.memory_space<hbm>> -> memref<1x64xf32, #tpu.memory_space<hbm>>
      %dma_start3A_813 = tpu.memref_squeeze %dma_start3A_812 : memref<1x64xf32, #tpu.memory_space<hbm>> -> memref<64xf32, #tpu.memory_space<hbm>>
      %dma_start3A_814 = tpu.memref_slice %arg9[%dma_start3A_807] : memref<2x!tpu.dma_semaphore, #tpu.memory_space<semaphore_mem>> -> memref<1x!tpu.dma_semaphore, #tpu.memory_space<semaphore_mem>>
      %dma_start3A_815 = tpu.memref_squeeze %dma_start3A_814 : memref<1x!tpu.dma_semaphore, #tpu.memory_space<semaphore_mem>> -> memref<!tpu.dma_semaphore, #tpu.memory_space<semaphore_mem>>
      %dma_start3A_816 = arith.constant 0 : i32
      %dma_start3A_817 = tpu.memref_slice %arg7[%add3A_806, %dma_start3A_816] : memref<768x64xf32, #tpu.memory_space<vmem>> -> memref<1x64xf32, #tpu.memory_space<vmem>>
      %dma_start3A_818 = tpu.memref_squeeze %dma_start3A_817 : memref<1x64xf32, #tpu.memory_space<vmem>> -> memref<64xf32, #tpu.memory_space<vmem>>
      %dma_start3A_819 = arith.constant 0 : i32
      %dma_start3A_820 = tpu.memref_slice %arg4[%squeeze3A_802, %dma_start3A_819] : memref<100000x64xf32, #tpu.memory_space<hbm>> -> memref<1x64xf32, #tpu.memory_space<hbm>>
      %dma_start3A_821 = tpu.memref_squeeze %dma_start3A_820 : memref<1x64xf32, #tpu.memory_space<hbm>> -> memref<64xf32, #tpu.memory_space<hbm>>
      tpu.enqueue_dma source(%dma_start3A_821 : memref<64xf32, #tpu.memory_space<hbm>>) target(%dma_start3A_818 : memref<64xf32, #tpu.memory_space<vmem>>) target_semaphore(%dma_start3A_815 : memref<!tpu.dma_semaphore, #tpu.memory_space<semaphore_mem>>)
      %slice3A_822 = vector.extract_strided_slice %get3A_48 {offsets = [12], sizes = [1], strides = [1]} : vector<16xi32> to vector<1xi32>
      %squeeze3A_823 = vector.extract %slice3A_822[0] : i32 from vector<1xi32>
      %add3A_824 = arith.constant 256 : i32
      %add3A_825 = arith.addi %add3A_824, %add3A_52 : i32
      %add3A_826 = arith.constant 12 : i32
      %add3A_827 = arith.addi %add3A_825, %add3A_826 : i32
      %dma_start3A_828 = arith.constant 0 : i32
      %dma_start3A_829 = arith.constant 0 : i32
      %dma_start3A_830 = tpu.memref_slice %arg7[%add3A_827, %dma_start3A_829] : memref<768x64xf32, #tpu.memory_space<vmem>> -> memref<1x64xf32, #tpu.memory_space<vmem>>
      %dma_start3A_831 = tpu.memref_squeeze %dma_start3A_830 : memref<1x64xf32, #tpu.memory_space<vmem>> -> memref<64xf32, #tpu.memory_space<vmem>>
      %dma_start3A_832 = arith.constant 0 : i32
      %dma_start3A_833 = tpu.memref_slice %arg4[%squeeze3A_823, %dma_start3A_832] : memref<100000x64xf32, #tpu.memory_space<hbm>> -> memref<1x64xf32, #tpu.memory_space<hbm>>
      %dma_start3A_834 = tpu.memref_squeeze %dma_start3A_833 : memref<1x64xf32, #tpu.memory_space<hbm>> -> memref<64xf32, #tpu.memory_space<hbm>>
      %dma_start3A_835 = tpu.memref_slice %arg9[%dma_start3A_828] : memref<2x!tpu.dma_semaphore, #tpu.memory_space<semaphore_mem>> -> memref<1x!tpu.dma_semaphore, #tpu.memory_space<semaphore_mem>>
      %dma_start3A_836 = tpu.memref_squeeze %dma_start3A_835 : memref<1x!tpu.dma_semaphore, #tpu.memory_space<semaphore_mem>> -> memref<!tpu.dma_semaphore, #tpu.memory_space<semaphore_mem>>
      %dma_start3A_837 = arith.constant 0 : i32
      %dma_start3A_838 = tpu.memref_slice %arg7[%add3A_827, %dma_start3A_837] : memref<768x64xf32, #tpu.memory_space<vmem>> -> memref<1x64xf32, #tpu.memory_space<vmem>>
      %dma_start3A_839 = tpu.memref_squeeze %dma_start3A_838 : memref<1x64xf32, #tpu.memory_space<vmem>> -> memref<64xf32, #tpu.memory_space<vmem>>
      %dma_start3A_840 = arith.constant 0 : i32
      %dma_start3A_841 = tpu.memref_slice %arg4[%squeeze3A_823, %dma_start3A_840] : memref<100000x64xf32, #tpu.memory_space<hbm>> -> memref<1x64xf32, #tpu.memory_space<hbm>>
      %dma_start3A_842 = tpu.memref_squeeze %dma_start3A_841 : memref<1x64xf32, #tpu.memory_space<hbm>> -> memref<64xf32, #tpu.memory_space<hbm>>
      tpu.enqueue_dma source(%dma_start3A_842 : memref<64xf32, #tpu.memory_space<hbm>>) target(%dma_start3A_839 : memref<64xf32, #tpu.memory_space<vmem>>) target_semaphore(%dma_start3A_836 : memref<!tpu.dma_semaphore, #tpu.memory_space<semaphore_mem>>)
      %slice3A_843 = vector.extract_strided_slice %get3A_40 {offsets = [13], sizes = [1], strides = [1]} : vector<16xi32> to vector<1xi32>
      %squeeze3A_844 = vector.extract %slice3A_843[0] : i32 from vector<1xi32>
      %add3A_845 = arith.constant 13 : i32
      %add3A_846 = arith.addi %add3A_52, %add3A_845 : i32
      %dma_start3A_847 = arith.constant 0 : i32
      %dma_start3A_848 = arith.constant 0 : i32
      %dma_start3A_849 = tpu.memref_slice %arg7[%add3A_846, %dma_start3A_848] : memref<768x64xf32, #tpu.memory_space<vmem>> -> memref<1x64xf32, #tpu.memory_space<vmem>>
      %dma_start3A_850 = tpu.memref_squeeze %dma_start3A_849 : memref<1x64xf32, #tpu.memory_space<vmem>> -> memref<64xf32, #tpu.memory_space<vmem>>
      %dma_start3A_851 = arith.constant 0 : i32
      %dma_start3A_852 = tpu.memref_slice %arg3[%squeeze3A_844, %dma_start3A_851] : memref<100000x64xf32, #tpu.memory_space<hbm>> -> memref<1x64xf32, #tpu.memory_space<hbm>>
      %dma_start3A_853 = tpu.memref_squeeze %dma_start3A_852 : memref<1x64xf32, #tpu.memory_space<hbm>> -> memref<64xf32, #tpu.memory_space<hbm>>
      %dma_start3A_854 = tpu.memref_slice %arg9[%dma_start3A_847] : memref<2x!tpu.dma_semaphore, #tpu.memory_space<semaphore_mem>> -> memref<1x!tpu.dma_semaphore, #tpu.memory_space<semaphore_mem>>
      %dma_start3A_855 = tpu.memref_squeeze %dma_start3A_854 : memref<1x!tpu.dma_semaphore, #tpu.memory_space<semaphore_mem>> -> memref<!tpu.dma_semaphore, #tpu.memory_space<semaphore_mem>>
      %dma_start3A_856 = arith.constant 0 : i32
      %dma_start3A_857 = tpu.memref_slice %arg7[%add3A_846, %dma_start3A_856] : memref<768x64xf32, #tpu.memory_space<vmem>> -> memref<1x64xf32, #tpu.memory_space<vmem>>
      %dma_start3A_858 = tpu.memref_squeeze %dma_start3A_857 : memref<1x64xf32, #tpu.memory_space<vmem>> -> memref<64xf32, #tpu.memory_space<vmem>>
      %dma_start3A_859 = arith.constant 0 : i32
      %dma_start3A_860 = tpu.memref_slice %arg3[%squeeze3A_844, %dma_start3A_859] : memref<100000x64xf32, #tpu.memory_space<hbm>> -> memref<1x64xf32, #tpu.memory_space<hbm>>
      %dma_start3A_861 = tpu.memref_squeeze %dma_start3A_860 : memref<1x64xf32, #tpu.memory_space<hbm>> -> memref<64xf32, #tpu.memory_space<hbm>>
      tpu.enqueue_dma source(%dma_start3A_861 : memref<64xf32, #tpu.memory_space<hbm>>) target(%dma_start3A_858 : memref<64xf32, #tpu.memory_space<vmem>>) target_semaphore(%dma_start3A_855 : memref<!tpu.dma_semaphore, #tpu.memory_space<semaphore_mem>>)
      %slice3A_862 = vector.extract_strided_slice %get3A_44 {offsets = [13], sizes = [1], strides = [1]} : vector<16xi32> to vector<1xi32>
      %squeeze3A_863 = vector.extract %slice3A_862[0] : i32 from vector<1xi32>
      %add3A_864 = arith.constant 128 : i32
      %add3A_865 = arith.addi %add3A_864, %add3A_52 : i32
      %add3A_866 = arith.constant 13 : i32
      %add3A_867 = arith.addi %add3A_865, %add3A_866 : i32
      %dma_start3A_868 = arith.constant 0 : i32
      %dma_start3A_869 = arith.constant 0 : i32
      %dma_start3A_870 = tpu.memref_slice %arg7[%add3A_867, %dma_start3A_869] : memref<768x64xf32, #tpu.memory_space<vmem>> -> memref<1x64xf32, #tpu.memory_space<vmem>>
      %dma_start3A_871 = tpu.memref_squeeze %dma_start3A_870 : memref<1x64xf32, #tpu.memory_space<vmem>> -> memref<64xf32, #tpu.memory_space<vmem>>
      %dma_start3A_872 = arith.constant 0 : i32
      %dma_start3A_873 = tpu.memref_slice %arg4[%squeeze3A_863, %dma_start3A_872] : memref<100000x64xf32, #tpu.memory_space<hbm>> -> memref<1x64xf32, #tpu.memory_space<hbm>>
      %dma_start3A_874 = tpu.memref_squeeze %dma_start3A_873 : memref<1x64xf32, #tpu.memory_space<hbm>> -> memref<64xf32, #tpu.memory_space<hbm>>
      %dma_start3A_875 = tpu.memref_slice %arg9[%dma_start3A_868] : memref<2x!tpu.dma_semaphore, #tpu.memory_space<semaphore_mem>> -> memref<1x!tpu.dma_semaphore, #tpu.memory_space<semaphore_mem>>
      %dma_start3A_876 = tpu.memref_squeeze %dma_start3A_875 : memref<1x!tpu.dma_semaphore, #tpu.memory_space<semaphore_mem>> -> memref<!tpu.dma_semaphore, #tpu.memory_space<semaphore_mem>>
      %dma_start3A_877 = arith.constant 0 : i32
      %dma_start3A_878 = tpu.memref_slice %arg7[%add3A_867, %dma_start3A_877] : memref<768x64xf32, #tpu.memory_space<vmem>> -> memref<1x64xf32, #tpu.memory_space<vmem>>
      %dma_start3A_879 = tpu.memref_squeeze %dma_start3A_878 : memref<1x64xf32, #tpu.memory_space<vmem>> -> memref<64xf32, #tpu.memory_space<vmem>>
      %dma_start3A_880 = arith.constant 0 : i32
      %dma_start3A_881 = tpu.memref_slice %arg4[%squeeze3A_863, %dma_start3A_880] : memref<100000x64xf32, #tpu.memory_space<hbm>> -> memref<1x64xf32, #tpu.memory_space<hbm>>
      %dma_start3A_882 = tpu.memref_squeeze %dma_start3A_881 : memref<1x64xf32, #tpu.memory_space<hbm>> -> memref<64xf32, #tpu.memory_space<hbm>>
      tpu.enqueue_dma source(%dma_start3A_882 : memref<64xf32, #tpu.memory_space<hbm>>) target(%dma_start3A_879 : memref<64xf32, #tpu.memory_space<vmem>>) target_semaphore(%dma_start3A_876 : memref<!tpu.dma_semaphore, #tpu.memory_space<semaphore_mem>>)
      %slice3A_883 = vector.extract_strided_slice %get3A_48 {offsets = [13], sizes = [1], strides = [1]} : vector<16xi32> to vector<1xi32>
      %squeeze3A_884 = vector.extract %slice3A_883[0] : i32 from vector<1xi32>
      %add3A_885 = arith.constant 256 : i32
      %add3A_886 = arith.addi %add3A_885, %add3A_52 : i32
      %add3A_887 = arith.constant 13 : i32
      %add3A_888 = arith.addi %add3A_886, %add3A_887 : i32
      %dma_start3A_889 = arith.constant 0 : i32
      %dma_start3A_890 = arith.constant 0 : i32
      %dma_start3A_891 = tpu.memref_slice %arg7[%add3A_888, %dma_start3A_890] : memref<768x64xf32, #tpu.memory_space<vmem>> -> memref<1x64xf32, #tpu.memory_space<vmem>>
      %dma_start3A_892 = tpu.memref_squeeze %dma_start3A_891 : memref<1x64xf32, #tpu.memory_space<vmem>> -> memref<64xf32, #tpu.memory_space<vmem>>
      %dma_start3A_893 = arith.constant 0 : i32
      %dma_start3A_894 = tpu.memref_slice %arg4[%squeeze3A_884, %dma_start3A_893] : memref<100000x64xf32, #tpu.memory_space<hbm>> -> memref<1x64xf32, #tpu.memory_space<hbm>>
      %dma_start3A_895 = tpu.memref_squeeze %dma_start3A_894 : memref<1x64xf32, #tpu.memory_space<hbm>> -> memref<64xf32, #tpu.memory_space<hbm>>
      %dma_start3A_896 = tpu.memref_slice %arg9[%dma_start3A_889] : memref<2x!tpu.dma_semaphore, #tpu.memory_space<semaphore_mem>> -> memref<1x!tpu.dma_semaphore, #tpu.memory_space<semaphore_mem>>
      %dma_start3A_897 = tpu.memref_squeeze %dma_start3A_896 : memref<1x!tpu.dma_semaphore, #tpu.memory_space<semaphore_mem>> -> memref<!tpu.dma_semaphore, #tpu.memory_space<semaphore_mem>>
      %dma_start3A_898 = arith.constant 0 : i32
      %dma_start3A_899 = tpu.memref_slice %arg7[%add3A_888, %dma_start3A_898] : memref<768x64xf32, #tpu.memory_space<vmem>> -> memref<1x64xf32, #tpu.memory_space<vmem>>
      %dma_start3A_900 = tpu.memref_squeeze %dma_start3A_899 : memref<1x64xf32, #tpu.memory_space<vmem>> -> memref<64xf32, #tpu.memory_space<vmem>>
      %dma_start3A_901 = arith.constant 0 : i32
      %dma_start3A_902 = tpu.memref_slice %arg4[%squeeze3A_884, %dma_start3A_901] : memref<100000x64xf32, #tpu.memory_space<hbm>> -> memref<1x64xf32, #tpu.memory_space<hbm>>
      %dma_start3A_903 = tpu.memref_squeeze %dma_start3A_902 : memref<1x64xf32, #tpu.memory_space<hbm>> -> memref<64xf32, #tpu.memory_space<hbm>>
      tpu.enqueue_dma source(%dma_start3A_903 : memref<64xf32, #tpu.memory_space<hbm>>) target(%dma_start3A_900 : memref<64xf32, #tpu.memory_space<vmem>>) target_semaphore(%dma_start3A_897 : memref<!tpu.dma_semaphore, #tpu.memory_space<semaphore_mem>>)
      %slice3A_904 = vector.extract_strided_slice %get3A_40 {offsets = [14], sizes = [1], strides = [1]} : vector<16xi32> to vector<1xi32>
      %squeeze3A_905 = vector.extract %slice3A_904[0] : i32 from vector<1xi32>
      %add3A_906 = arith.constant 14 : i32
      %add3A_907 = arith.addi %add3A_52, %add3A_906 : i32
      %dma_start3A_908 = arith.constant 0 : i32
      %dma_start3A_909 = arith.constant 0 : i32
      %dma_start3A_910 = tpu.memref_slice %arg7[%add3A_907, %dma_start3A_909] : memref<768x64xf32, #tpu.memory_space<vmem>> -> memref<1x64xf32, #tpu.memory_space<vmem>>
      %dma_start3A_911 = tpu.memref_squeeze %dma_start3A_910 : memref<1x64xf32, #tpu.memory_space<vmem>> -> memref<64xf32, #tpu.memory_space<vmem>>
      %dma_start3A_912 = arith.constant 0 : i32
      %dma_start3A_913 = tpu.memref_slice %arg3[%squeeze3A_905, %dma_start3A_912] : memref<100000x64xf32, #tpu.memory_space<hbm>> -> memref<1x64xf32, #tpu.memory_space<hbm>>
      %dma_start3A_914 = tpu.memref_squeeze %dma_start3A_913 : memref<1x64xf32, #tpu.memory_space<hbm>> -> memref<64xf32, #tpu.memory_space<hbm>>
      %dma_start3A_915 = tpu.memref_slice %arg9[%dma_start3A_908] : memref<2x!tpu.dma_semaphore, #tpu.memory_space<semaphore_mem>> -> memref<1x!tpu.dma_semaphore, #tpu.memory_space<semaphore_mem>>
      %dma_start3A_916 = tpu.memref_squeeze %dma_start3A_915 : memref<1x!tpu.dma_semaphore, #tpu.memory_space<semaphore_mem>> -> memref<!tpu.dma_semaphore, #tpu.memory_space<semaphore_mem>>
      %dma_start3A_917 = arith.constant 0 : i32
      %dma_start3A_918 = tpu.memref_slice %arg7[%add3A_907, %dma_start3A_917] : memref<768x64xf32, #tpu.memory_space<vmem>> -> memref<1x64xf32, #tpu.memory_space<vmem>>
      %dma_start3A_919 = tpu.memref_squeeze %dma_start3A_918 : memref<1x64xf32, #tpu.memory_space<vmem>> -> memref<64xf32, #tpu.memory_space<vmem>>
      %dma_start3A_920 = arith.constant 0 : i32
      %dma_start3A_921 = tpu.memref_slice %arg3[%squeeze3A_905, %dma_start3A_920] : memref<100000x64xf32, #tpu.memory_space<hbm>> -> memref<1x64xf32, #tpu.memory_space<hbm>>
      %dma_start3A_922 = tpu.memref_squeeze %dma_start3A_921 : memref<1x64xf32, #tpu.memory_space<hbm>> -> memref<64xf32, #tpu.memory_space<hbm>>
      tpu.enqueue_dma source(%dma_start3A_922 : memref<64xf32, #tpu.memory_space<hbm>>) target(%dma_start3A_919 : memref<64xf32, #tpu.memory_space<vmem>>) target_semaphore(%dma_start3A_916 : memref<!tpu.dma_semaphore, #tpu.memory_space<semaphore_mem>>)
      %slice3A_923 = vector.extract_strided_slice %get3A_44 {offsets = [14], sizes = [1], strides = [1]} : vector<16xi32> to vector<1xi32>
      %squeeze3A_924 = vector.extract %slice3A_923[0] : i32 from vector<1xi32>
      %add3A_925 = arith.constant 128 : i32
      %add3A_926 = arith.addi %add3A_925, %add3A_52 : i32
      %add3A_927 = arith.constant 14 : i32
      %add3A_928 = arith.addi %add3A_926, %add3A_927 : i32
      %dma_start3A_929 = arith.constant 0 : i32
      %dma_start3A_930 = arith.constant 0 : i32
      %dma_start3A_931 = tpu.memref_slice %arg7[%add3A_928, %dma_start3A_930] : memref<768x64xf32, #tpu.memory_space<vmem>> -> memref<1x64xf32, #tpu.memory_space<vmem>>
      %dma_start3A_932 = tpu.memref_squeeze %dma_start3A_931 : memref<1x64xf32, #tpu.memory_space<vmem>> -> memref<64xf32, #tpu.memory_space<vmem>>
      %dma_start3A_933 = arith.constant 0 : i32
      %dma_start3A_934 = tpu.memref_slice %arg4[%squeeze3A_924, %dma_start3A_933] : memref<100000x64xf32, #tpu.memory_space<hbm>> -> memref<1x64xf32, #tpu.memory_space<hbm>>
      %dma_start3A_935 = tpu.memref_squeeze %dma_start3A_934 : memref<1x64xf32, #tpu.memory_space<hbm>> -> memref<64xf32, #tpu.memory_space<hbm>>
      %dma_start3A_936 = tpu.memref_slice %arg9[%dma_start3A_929] : memref<2x!tpu.dma_semaphore, #tpu.memory_space<semaphore_mem>> -> memref<1x!tpu.dma_semaphore, #tpu.memory_space<semaphore_mem>>
      %dma_start3A_937 = tpu.memref_squeeze %dma_start3A_936 : memref<1x!tpu.dma_semaphore, #tpu.memory_space<semaphore_mem>> -> memref<!tpu.dma_semaphore, #tpu.memory_space<semaphore_mem>>
      %dma_start3A_938 = arith.constant 0 : i32
      %dma_start3A_939 = tpu.memref_slice %arg7[%add3A_928, %dma_start3A_938] : memref<768x64xf32, #tpu.memory_space<vmem>> -> memref<1x64xf32, #tpu.memory_space<vmem>>
      %dma_start3A_940 = tpu.memref_squeeze %dma_start3A_939 : memref<1x64xf32, #tpu.memory_space<vmem>> -> memref<64xf32, #tpu.memory_space<vmem>>
      %dma_start3A_941 = arith.constant 0 : i32
      %dma_start3A_942 = tpu.memref_slice %arg4[%squeeze3A_924, %dma_start3A_941] : memref<100000x64xf32, #tpu.memory_space<hbm>> -> memref<1x64xf32, #tpu.memory_space<hbm>>
      %dma_start3A_943 = tpu.memref_squeeze %dma_start3A_942 : memref<1x64xf32, #tpu.memory_space<hbm>> -> memref<64xf32, #tpu.memory_space<hbm>>
      tpu.enqueue_dma source(%dma_start3A_943 : memref<64xf32, #tpu.memory_space<hbm>>) target(%dma_start3A_940 : memref<64xf32, #tpu.memory_space<vmem>>) target_semaphore(%dma_start3A_937 : memref<!tpu.dma_semaphore, #tpu.memory_space<semaphore_mem>>)
      %slice3A_944 = vector.extract_strided_slice %get3A_48 {offsets = [14], sizes = [1], strides = [1]} : vector<16xi32> to vector<1xi32>
      %squeeze3A_945 = vector.extract %slice3A_944[0] : i32 from vector<1xi32>
      %add3A_946 = arith.constant 256 : i32
      %add3A_947 = arith.addi %add3A_946, %add3A_52 : i32
      %add3A_948 = arith.constant 14 : i32
      %add3A_949 = arith.addi %add3A_947, %add3A_948 : i32
      %dma_start3A_950 = arith.constant 0 : i32
      %dma_start3A_951 = arith.constant 0 : i32
      %dma_start3A_952 = tpu.memref_slice %arg7[%add3A_949, %dma_start3A_951] : memref<768x64xf32, #tpu.memory_space<vmem>> -> memref<1x64xf32, #tpu.memory_space<vmem>>
      %dma_start3A_953 = tpu.memref_squeeze %dma_start3A_952 : memref<1x64xf32, #tpu.memory_space<vmem>> -> memref<64xf32, #tpu.memory_space<vmem>>
      %dma_start3A_954 = arith.constant 0 : i32
      %dma_start3A_955 = tpu.memref_slice %arg4[%squeeze3A_945, %dma_start3A_954] : memref<100000x64xf32, #tpu.memory_space<hbm>> -> memref<1x64xf32, #tpu.memory_space<hbm>>
      %dma_start3A_956 = tpu.memref_squeeze %dma_start3A_955 : memref<1x64xf32, #tpu.memory_space<hbm>> -> memref<64xf32, #tpu.memory_space<hbm>>
      %dma_start3A_957 = tpu.memref_slice %arg9[%dma_start3A_950] : memref<2x!tpu.dma_semaphore, #tpu.memory_space<semaphore_mem>> -> memref<1x!tpu.dma_semaphore, #tpu.memory_space<semaphore_mem>>
      %dma_start3A_958 = tpu.memref_squeeze %dma_start3A_957 : memref<1x!tpu.dma_semaphore, #tpu.memory_space<semaphore_mem>> -> memref<!tpu.dma_semaphore, #tpu.memory_space<semaphore_mem>>
      %dma_start3A_959 = arith.constant 0 : i32
      %dma_start3A_960 = tpu.memref_slice %arg7[%add3A_949, %dma_start3A_959] : memref<768x64xf32, #tpu.memory_space<vmem>> -> memref<1x64xf32, #tpu.memory_space<vmem>>
      %dma_start3A_961 = tpu.memref_squeeze %dma_start3A_960 : memref<1x64xf32, #tpu.memory_space<vmem>> -> memref<64xf32, #tpu.memory_space<vmem>>
      %dma_start3A_962 = arith.constant 0 : i32
      %dma_start3A_963 = tpu.memref_slice %arg4[%squeeze3A_945, %dma_start3A_962] : memref<100000x64xf32, #tpu.memory_space<hbm>> -> memref<1x64xf32, #tpu.memory_space<hbm>>
      %dma_start3A_964 = tpu.memref_squeeze %dma_start3A_963 : memref<1x64xf32, #tpu.memory_space<hbm>> -> memref<64xf32, #tpu.memory_space<hbm>>
      tpu.enqueue_dma source(%dma_start3A_964 : memref<64xf32, #tpu.memory_space<hbm>>) target(%dma_start3A_961 : memref<64xf32, #tpu.memory_space<vmem>>) target_semaphore(%dma_start3A_958 : memref<!tpu.dma_semaphore, #tpu.memory_space<semaphore_mem>>)
      %slice3A_965 = vector.extract_strided_slice %get3A_40 {offsets = [15], sizes = [1], strides = [1]} : vector<16xi32> to vector<1xi32>
      %squeeze3A_966 = vector.extract %slice3A_965[0] : i32 from vector<1xi32>
      %add3A_967 = arith.constant 15 : i32
      %add3A_968 = arith.addi %add3A_52, %add3A_967 : i32
      %dma_start3A_969 = arith.constant 0 : i32
      %dma_start3A_970 = arith.constant 0 : i32
      %dma_start3A_971 = tpu.memref_slice %arg7[%add3A_968, %dma_start3A_970] : memref<768x64xf32, #tpu.memory_space<vmem>> -> memref<1x64xf32, #tpu.memory_space<vmem>>
      %dma_start3A_972 = tpu.memref_squeeze %dma_start3A_971 : memref<1x64xf32, #tpu.memory_space<vmem>> -> memref<64xf32, #tpu.memory_space<vmem>>
      %dma_start3A_973 = arith.constant 0 : i32
      %dma_start3A_974 = tpu.memref_slice %arg3[%squeeze3A_966, %dma_start3A_973] : memref<100000x64xf32, #tpu.memory_space<hbm>> -> memref<1x64xf32, #tpu.memory_space<hbm>>
      %dma_start3A_975 = tpu.memref_squeeze %dma_start3A_974 : memref<1x64xf32, #tpu.memory_space<hbm>> -> memref<64xf32, #tpu.memory_space<hbm>>
      %dma_start3A_976 = tpu.memref_slice %arg9[%dma_start3A_969] : memref<2x!tpu.dma_semaphore, #tpu.memory_space<semaphore_mem>> -> memref<1x!tpu.dma_semaphore, #tpu.memory_space<semaphore_mem>>
      %dma_start3A_977 = tpu.memref_squeeze %dma_start3A_976 : memref<1x!tpu.dma_semaphore, #tpu.memory_space<semaphore_mem>> -> memref<!tpu.dma_semaphore, #tpu.memory_space<semaphore_mem>>
      %dma_start3A_978 = arith.constant 0 : i32
      %dma_start3A_979 = tpu.memref_slice %arg7[%add3A_968, %dma_start3A_978] : memref<768x64xf32, #tpu.memory_space<vmem>> -> memref<1x64xf32, #tpu.memory_space<vmem>>
      %dma_start3A_980 = tpu.memref_squeeze %dma_start3A_979 : memref<1x64xf32, #tpu.memory_space<vmem>> -> memref<64xf32, #tpu.memory_space<vmem>>
      %dma_start3A_981 = arith.constant 0 : i32
      %dma_start3A_982 = tpu.memref_slice %arg3[%squeeze3A_966, %dma_start3A_981] : memref<100000x64xf32, #tpu.memory_space<hbm>> -> memref<1x64xf32, #tpu.memory_space<hbm>>
      %dma_start3A_983 = tpu.memref_squeeze %dma_start3A_982 : memref<1x64xf32, #tpu.memory_space<hbm>> -> memref<64xf32, #tpu.memory_space<hbm>>
      tpu.enqueue_dma source(%dma_start3A_983 : memref<64xf32, #tpu.memory_space<hbm>>) target(%dma_start3A_980 : memref<64xf32, #tpu.memory_space<vmem>>) target_semaphore(%dma_start3A_977 : memref<!tpu.dma_semaphore, #tpu.memory_space<semaphore_mem>>)
      %slice3A_984 = vector.extract_strided_slice %get3A_44 {offsets = [15], sizes = [1], strides = [1]} : vector<16xi32> to vector<1xi32>
      %squeeze3A_985 = vector.extract %slice3A_984[0] : i32 from vector<1xi32>
      %add3A_986 = arith.constant 128 : i32
      %add3A_987 = arith.addi %add3A_986, %add3A_52 : i32
      %add3A_988 = arith.constant 15 : i32
      %add3A_989 = arith.addi %add3A_987, %add3A_988 : i32
      %dma_start3A_990 = arith.constant 0 : i32
      %dma_start3A_991 = arith.constant 0 : i32
      %dma_start3A_992 = tpu.memref_slice %arg7[%add3A_989, %dma_start3A_991] : memref<768x64xf32, #tpu.memory_space<vmem>> -> memref<1x64xf32, #tpu.memory_space<vmem>>
      %dma_start3A_993 = tpu.memref_squeeze %dma_start3A_992 : memref<1x64xf32, #tpu.memory_space<vmem>> -> memref<64xf32, #tpu.memory_space<vmem>>
      %dma_start3A_994 = arith.constant 0 : i32
      %dma_start3A_995 = tpu.memref_slice %arg4[%squeeze3A_985, %dma_start3A_994] : memref<100000x64xf32, #tpu.memory_space<hbm>> -> memref<1x64xf32, #tpu.memory_space<hbm>>
      %dma_start3A_996 = tpu.memref_squeeze %dma_start3A_995 : memref<1x64xf32, #tpu.memory_space<hbm>> -> memref<64xf32, #tpu.memory_space<hbm>>
      %dma_start3A_997 = tpu.memref_slice %arg9[%dma_start3A_990] : memref<2x!tpu.dma_semaphore, #tpu.memory_space<semaphore_mem>> -> memref<1x!tpu.dma_semaphore, #tpu.memory_space<semaphore_mem>>
      %dma_start3A_998 = tpu.memref_squeeze %dma_start3A_997 : memref<1x!tpu.dma_semaphore, #tpu.memory_space<semaphore_mem>> -> memref<!tpu.dma_semaphore, #tpu.memory_space<semaphore_mem>>
      %dma_start3A_999 = arith.constant 0 : i32
      %dma_start3A_1000 = tpu.memref_slice %arg7[%add3A_989, %dma_start3A_999] : memref<768x64xf32, #tpu.memory_space<vmem>> -> memref<1x64xf32, #tpu.memory_space<vmem>>
      %dma_start3A_1001 = tpu.memref_squeeze %dma_start3A_1000 : memref<1x64xf32, #tpu.memory_space<vmem>> -> memref<64xf32, #tpu.memory_space<vmem>>
      %dma_start3A_1002 = arith.constant 0 : i32
      %dma_start3A_1003 = tpu.memref_slice %arg4[%squeeze3A_985, %dma_start3A_1002] : memref<100000x64xf32, #tpu.memory_space<hbm>> -> memref<1x64xf32, #tpu.memory_space<hbm>>
      %dma_start3A_1004 = tpu.memref_squeeze %dma_start3A_1003 : memref<1x64xf32, #tpu.memory_space<hbm>> -> memref<64xf32, #tpu.memory_space<hbm>>
      tpu.enqueue_dma source(%dma_start3A_1004 : memref<64xf32, #tpu.memory_space<hbm>>) target(%dma_start3A_1001 : memref<64xf32, #tpu.memory_space<vmem>>) target_semaphore(%dma_start3A_998 : memref<!tpu.dma_semaphore, #tpu.memory_space<semaphore_mem>>)
      %slice3A_1005 = vector.extract_strided_slice %get3A_48 {offsets = [15], sizes = [1], strides = [1]} : vector<16xi32> to vector<1xi32>
      %squeeze3A_1006 = vector.extract %slice3A_1005[0] : i32 from vector<1xi32>
      %add3A_1007 = arith.constant 256 : i32
      %add3A_1008 = arith.addi %add3A_1007, %add3A_52 : i32
      %add3A_1009 = arith.constant 15 : i32
      %add3A_1010 = arith.addi %add3A_1008, %add3A_1009 : i32
      %dma_start3A_1011 = arith.constant 0 : i32
      %dma_start3A_1012 = arith.constant 0 : i32
      %dma_start3A_1013 = tpu.memref_slice %arg7[%add3A_1010, %dma_start3A_1012] : memref<768x64xf32, #tpu.memory_space<vmem>> -> memref<1x64xf32, #tpu.memory_space<vmem>>
      %dma_start3A_1014 = tpu.memref_squeeze %dma_start3A_1013 : memref<1x64xf32, #tpu.memory_space<vmem>> -> memref<64xf32, #tpu.memory_space<vmem>>
      %dma_start3A_1015 = arith.constant 0 : i32
      %dma_start3A_1016 = tpu.memref_slice %arg4[%squeeze3A_1006, %dma_start3A_1015] : memref<100000x64xf32, #tpu.memory_space<hbm>> -> memref<1x64xf32, #tpu.memory_space<hbm>>
      %dma_start3A_1017 = tpu.memref_squeeze %dma_start3A_1016 : memref<1x64xf32, #tpu.memory_space<hbm>> -> memref<64xf32, #tpu.memory_space<hbm>>
      %dma_start3A_1018 = tpu.memref_slice %arg9[%dma_start3A_1011] : memref<2x!tpu.dma_semaphore, #tpu.memory_space<semaphore_mem>> -> memref<1x!tpu.dma_semaphore, #tpu.memory_space<semaphore_mem>>
      %dma_start3A_1019 = tpu.memref_squeeze %dma_start3A_1018 : memref<1x!tpu.dma_semaphore, #tpu.memory_space<semaphore_mem>> -> memref<!tpu.dma_semaphore, #tpu.memory_space<semaphore_mem>>
      %dma_start3A_1020 = arith.constant 0 : i32
      %dma_start3A_1021 = tpu.memref_slice %arg7[%add3A_1010, %dma_start3A_1020] : memref<768x64xf32, #tpu.memory_space<vmem>> -> memref<1x64xf32, #tpu.memory_space<vmem>>
      %dma_start3A_1022 = tpu.memref_squeeze %dma_start3A_1021 : memref<1x64xf32, #tpu.memory_space<vmem>> -> memref<64xf32, #tpu.memory_space<vmem>>
      %dma_start3A_1023 = arith.constant 0 : i32
      %dma_start3A_1024 = tpu.memref_slice %arg4[%squeeze3A_1006, %dma_start3A_1023] : memref<100000x64xf32, #tpu.memory_space<hbm>> -> memref<1x64xf32, #tpu.memory_space<hbm>>
      %dma_start3A_1025 = tpu.memref_squeeze %dma_start3A_1024 : memref<1x64xf32, #tpu.memory_space<hbm>> -> memref<64xf32, #tpu.memory_space<hbm>>
      tpu.enqueue_dma source(%dma_start3A_1025 : memref<64xf32, #tpu.memory_space<hbm>>) target(%dma_start3A_1022 : memref<64xf32, #tpu.memory_space<vmem>>) target_semaphore(%dma_start3A_1019 : memref<!tpu.dma_semaphore, #tpu.memory_space<semaphore_mem>>)
    }
    %scan3A_10 = arith.constant 8 : i32
    %scan3A_11 = arith.constant 0 : i32
    %scan3A_12 = arith.constant 3 : i32
    %scan3A_13 = arith.addi %scan3A_11, %scan3A_12 : i32
    %scan3A_14 = arith.constant 1 : i32
    scf.for %scan3A_35 = %scan3A_11 to %scan3A_13 step %scan3A_14  : i32 {
      %add3A_36 = arith.constant 1 : i32
      %add3A_37 = arith.addi %scan3A_35, %add3A_36 : i32
      %add3A_38 = arith.constant 1 : i32
      %add3A_39 = arith.addi %scan3A_35, %add3A_38 : i32
      %jit3A = arith.constant 2 : i32
      %eq3A = arith.constant 0 : i32
      %eq3A_40 = arith.cmpi eq, %jit3A, %eq3A : i32
      %jit3A_41 = arith.constant 1 : i32
      %select_n3A = arith.select %eq3A_40, %jit3A_41, %jit3A : i32
      %rem3A = arith.remsi %add3A_39, %select_n3A : i32
      %ne3A = arith.constant 0 : i32
      %ne3A_42 = arith.cmpi ne, %rem3A, %ne3A : i32
      %lt3A = arith.constant 0 : i32
      %lt3A_43 = arith.cmpi slt, %rem3A, %lt3A : i32
      %lt3A_44 = arith.constant 0 : i32
      %lt3A_45 = arith.cmpi slt, %select_n3A, %lt3A_44 : i32
      %ne3A_46 = arith.xori %lt3A_43, %lt3A_45 : i1
      %and3A = arith.andi %ne3A_46, %ne3A_42 : i1
      %add3A_47 = arith.addi %rem3A, %select_n3A : i32
      %select_n3A_48 = arith.select %and3A, %add3A_47, %rem3A : i32
      %scan3A_49 = arith.constant 0 : i32
      %scan3A_50 = arith.constant 8 : i32
      %scan3A_51 = arith.addi %scan3A_49, %scan3A_50 : i32
      %scan3A_52 = arith.constant 1 : i32
      scf.for %scan3A_105 = %scan3A_49 to %scan3A_51 step %scan3A_52  : i32 {
        %mul3A_106 = arith.constant 128 : i32
        %mul3A_107 = arith.muli %add3A_37, %mul3A_106 : i32
        %mul3A_108 = arith.constant 16 : i32
        %mul3A_109 = arith.muli %scan3A_105, %mul3A_108 : i32
        %add3A_110 = arith.addi %mul3A_107, %mul3A_109 : i32
        %get3A = arith.index_cast %add3A_110 : i32 to index
        %get3A_111 = tpu.vector_load %arg6[%get3A] {strides = array<i32>} : memref<1536xi32, #tpu.memory_space<vmem>>, vector<16xi32>,
        %add3A_112 = arith.constant 512 : i32
        %add3A_113 = arith.addi %add3A_112, %add3A_110 : i32
        %get3A_114 = arith.index_cast %add3A_113 : i32 to index
        %get3A_115 = tpu.vector_load %arg6[%get3A_114] {strides = array<i32>} : memref<1536xi32, #tpu.memory_space<vmem>>, vector<16xi32>,
        %add3A_116 = arith.constant 1024 : i32
        %add3A_117 = arith.addi %add3A_116, %add3A_110 : i32
        %get3A_118 = arith.index_cast %add3A_117 : i32 to index
        %get3A_119 = tpu.vector_load %arg6[%get3A_118] {strides = array<i32>} : memref<1536xi32, #tpu.memory_space<vmem>>, vector<16xi32>,
        %mul3A_120 = arith.constant 384 : i32
        %mul3A_121 = arith.muli %select_n3A_48, %mul3A_120 : i32
        %mul3A_122 = arith.constant 16 : i32
        %mul3A_123 = arith.muli %scan3A_105, %mul3A_122 : i32
        %add3A_124 = arith.addi %mul3A_121, %mul3A_123 : i32
        %slice3A = vector.extract_strided_slice %get3A_111 {offsets = [0], sizes = [1], strides = [1]} : vector<16xi32> to vector<1xi32>
        %squeeze3A = vector.extract %slice3A[0] : i32 from vector<1xi32>
        %add3A_125 = arith.constant 0 : i32
        %add3A_126 = arith.addi %add3A_124, %add3A_125 : i32
        %dma_start3A = arith.constant 0 : i32
        %dma_start3A_127 = tpu.memref_slice %arg7[%add3A_126, %dma_start3A] : memref<768x64xf32, #tpu.memory_space<vmem>> -> memref<1x64xf32, #tpu.memory_space<vmem>>
        %dma_start3A_128 = tpu.memref_squeeze %dma_start3A_127 : memref<1x64xf32, #tpu.memory_space<vmem>> -> memref<64xf32, #tpu.memory_space<vmem>>
        %dma_start3A_129 = arith.constant 0 : i32
        %dma_start3A_130 = tpu.memref_slice %arg3[%squeeze3A, %dma_start3A_129] : memref<100000x64xf32, #tpu.memory_space<hbm>> -> memref<1x64xf32, #tpu.memory_space<hbm>>
        %dma_start3A_131 = tpu.memref_squeeze %dma_start3A_130 : memref<1x64xf32, #tpu.memory_space<hbm>> -> memref<64xf32, #tpu.memory_space<hbm>>
        %dma_start3A_132 = tpu.memref_slice %arg9[%select_n3A_48] : memref<2x!tpu.dma_semaphore, #tpu.memory_space<semaphore_mem>> -> memref<1x!tpu.dma_semaphore, #tpu.memory_space<semaphore_mem>>
        %dma_start3A_133 = tpu.memref_squeeze %dma_start3A_132 : memref<1x!tpu.dma_semaphore, #tpu.memory_space<semaphore_mem>> -> memref<!tpu.dma_semaphore, #tpu.memory_space<semaphore_mem>>
        %dma_start3A_134 = arith.constant 0 : i32
        %dma_start3A_135 = tpu.memref_slice %arg7[%add3A_126, %dma_start3A_134] : memref<768x64xf32, #tpu.memory_space<vmem>> -> memref<1x64xf32, #tpu.memory_space<vmem>>
        %dma_start3A_136 = tpu.memref_squeeze %dma_start3A_135 : memref<1x64xf32, #tpu.memory_space<vmem>> -> memref<64xf32, #tpu.memory_space<vmem>>
        %dma_start3A_137 = arith.constant 0 : i32
        %dma_start3A_138 = tpu.memref_slice %arg3[%squeeze3A, %dma_start3A_137] : memref<100000x64xf32, #tpu.memory_space<hbm>> -> memref<1x64xf32, #tpu.memory_space<hbm>>
        %dma_start3A_139 = tpu.memref_squeeze %dma_start3A_138 : memref<1x64xf32, #tpu.memory_space<hbm>> -> memref<64xf32, #tpu.memory_space<hbm>>
        tpu.enqueue_dma source(%dma_start3A_139 : memref<64xf32, #tpu.memory_space<hbm>>) target(%dma_start3A_136 : memref<64xf32, #tpu.memory_space<vmem>>) target_semaphore(%dma_start3A_133 : memref<!tpu.dma_semaphore, #tpu.memory_space<semaphore_mem>>)
        %slice3A_140 = vector.extract_strided_slice %get3A_115 {offsets = [0], sizes = [1], strides = [1]} : vector<16xi32> to vector<1xi32>
        %squeeze3A_141 = vector.extract %slice3A_140[0] : i32 from vector<1xi32>
        %add3A_142 = arith.constant 128 : i32
        %add3A_143 = arith.addi %add3A_142, %add3A_124 : i32
        %add3A_144 = arith.constant 0 : i32
        %add3A_145 = arith.addi %add3A_143, %add3A_144 : i32
        %dma_start3A_146 = arith.constant 0 : i32
        %dma_start3A_147 = tpu.memref_slice %arg7[%add3A_145, %dma_start3A_146] : memref<768x64xf32, #tpu.memory_space<vmem>> -> memref<1x64xf32, #tpu.memory_space<vmem>>
        %dma_start3A_148 = tpu.memref_squeeze %dma_start3A_147 : memref<1x64xf32, #tpu.memory_space<vmem>> -> memref<64xf32, #tpu.memory_space<vmem>>
        %dma_start3A_149 = arith.constant 0 : i32
        %dma_start3A_150 = tpu.memref_slice %arg4[%squeeze3A_141, %dma_start3A_149] : memref<100000x64xf32, #tpu.memory_space<hbm>> -> memref<1x64xf32, #tpu.memory_space<hbm>>
        %dma_start3A_151 = tpu.memref_squeeze %dma_start3A_150 : memref<1x64xf32, #tpu.memory_space<hbm>> -> memref<64xf32, #tpu.memory_space<hbm>>
        %dma_start3A_152 = tpu.memref_slice %arg9[%select_n3A_48] : memref<2x!tpu.dma_semaphore, #tpu.memory_space<semaphore_mem>> -> memref<1x!tpu.dma_semaphore, #tpu.memory_space<semaphore_mem>>
        %dma_start3A_153 = tpu.memref_squeeze %dma_start3A_152 : memref<1x!tpu.dma_semaphore, #tpu.memory_space<semaphore_mem>> -> memref<!tpu.dma_semaphore, #tpu.memory_space<semaphore_mem>>
        %dma_start3A_154 = arith.constant 0 : i32
        %dma_start3A_155 = tpu.memref_slice %arg7[%add3A_145, %dma_start3A_154] : memref<768x64xf32, #tpu.memory_space<vmem>> -> memref<1x64xf32, #tpu.memory_space<vmem>>
        %dma_start3A_156 = tpu.memref_squeeze %dma_start3A_155 : memref<1x64xf32, #tpu.memory_space<vmem>> -> memref<64xf32, #tpu.memory_space<vmem>>
        %dma_start3A_157 = arith.constant 0 : i32
        %dma_start3A_158 = tpu.memref_slice %arg4[%squeeze3A_141, %dma_start3A_157] : memref<100000x64xf32, #tpu.memory_space<hbm>> -> memref<1x64xf32, #tpu.memory_space<hbm>>
        %dma_start3A_159 = tpu.memref_squeeze %dma_start3A_158 : memref<1x64xf32, #tpu.memory_space<hbm>> -> memref<64xf32, #tpu.memory_space<hbm>>
        tpu.enqueue_dma source(%dma_start3A_159 : memref<64xf32, #tpu.memory_space<hbm>>) target(%dma_start3A_156 : memref<64xf32, #tpu.memory_space<vmem>>) target_semaphore(%dma_start3A_153 : memref<!tpu.dma_semaphore, #tpu.memory_space<semaphore_mem>>)
        %slice3A_160 = vector.extract_strided_slice %get3A_119 {offsets = [0], sizes = [1], strides = [1]} : vector<16xi32> to vector<1xi32>
        %squeeze3A_161 = vector.extract %slice3A_160[0] : i32 from vector<1xi32>
        %add3A_162 = arith.constant 256 : i32
        %add3A_163 = arith.addi %add3A_162, %add3A_124 : i32
        %add3A_164 = arith.constant 0 : i32
        %add3A_165 = arith.addi %add3A_163, %add3A_164 : i32
        %dma_start3A_166 = arith.constant 0 : i32
        %dma_start3A_167 = tpu.memref_slice %arg7[%add3A_165, %dma_start3A_166] : memref<768x64xf32, #tpu.memory_space<vmem>> -> memref<1x64xf32, #tpu.memory_space<vmem>>
        %dma_start3A_168 = tpu.memref_squeeze %dma_start3A_167 : memref<1x64xf32, #tpu.memory_space<vmem>> -> memref<64xf32, #tpu.memory_space<vmem>>
        %dma_start3A_169 = arith.constant 0 : i32
        %dma_start3A_170 = tpu.memref_slice %arg4[%squeeze3A_161, %dma_start3A_169] : memref<100000x64xf32, #tpu.memory_space<hbm>> -> memref<1x64xf32, #tpu.memory_space<hbm>>
        %dma_start3A_171 = tpu.memref_squeeze %dma_start3A_170 : memref<1x64xf32, #tpu.memory_space<hbm>> -> memref<64xf32, #tpu.memory_space<hbm>>
        %dma_start3A_172 = tpu.memref_slice %arg9[%select_n3A_48] : memref<2x!tpu.dma_semaphore, #tpu.memory_space<semaphore_mem>> -> memref<1x!tpu.dma_semaphore, #tpu.memory_space<semaphore_mem>>
        %dma_start3A_173 = tpu.memref_squeeze %dma_start3A_172 : memref<1x!tpu.dma_semaphore, #tpu.memory_space<semaphore_mem>> -> memref<!tpu.dma_semaphore, #tpu.memory_space<semaphore_mem>>
        %dma_start3A_174 = arith.constant 0 : i32
        %dma_start3A_175 = tpu.memref_slice %arg7[%add3A_165, %dma_start3A_174] : memref<768x64xf32, #tpu.memory_space<vmem>> -> memref<1x64xf32, #tpu.memory_space<vmem>>
        %dma_start3A_176 = tpu.memref_squeeze %dma_start3A_175 : memref<1x64xf32, #tpu.memory_space<vmem>> -> memref<64xf32, #tpu.memory_space<vmem>>
        %dma_start3A_177 = arith.constant 0 : i32
        %dma_start3A_178 = tpu.memref_slice %arg4[%squeeze3A_161, %dma_start3A_177] : memref<100000x64xf32, #tpu.memory_space<hbm>> -> memref<1x64xf32, #tpu.memory_space<hbm>>
        %dma_start3A_179 = tpu.memref_squeeze %dma_start3A_178 : memref<1x64xf32, #tpu.memory_space<hbm>> -> memref<64xf32, #tpu.memory_space<hbm>>
        tpu.enqueue_dma source(%dma_start3A_179 : memref<64xf32, #tpu.memory_space<hbm>>) target(%dma_start3A_176 : memref<64xf32, #tpu.memory_space<vmem>>) target_semaphore(%dma_start3A_173 : memref<!tpu.dma_semaphore, #tpu.memory_space<semaphore_mem>>)
        %slice3A_180 = vector.extract_strided_slice %get3A_111 {offsets = [1], sizes = [1], strides = [1]} : vector<16xi32> to vector<1xi32>
        %squeeze3A_181 = vector.extract %slice3A_180[0] : i32 from vector<1xi32>
        %add3A_182 = arith.constant 1 : i32
        %add3A_183 = arith.addi %add3A_124, %add3A_182 : i32
        %dma_start3A_184 = arith.constant 0 : i32
        %dma_start3A_185 = tpu.memref_slice %arg7[%add3A_183, %dma_start3A_184] : memref<768x64xf32, #tpu.memory_space<vmem>> -> memref<1x64xf32, #tpu.memory_space<vmem>>
        %dma_start3A_186 = tpu.memref_squeeze %dma_start3A_185 : memref<1x64xf32, #tpu.memory_space<vmem>> -> memref<64xf32, #tpu.memory_space<vmem>>
        %dma_start3A_187 = arith.constant 0 : i32
        %dma_start3A_188 = tpu.memref_slice %arg3[%squeeze3A_181, %dma_start3A_187] : memref<100000x64xf32, #tpu.memory_space<hbm>> -> memref<1x64xf32, #tpu.memory_space<hbm>>
        %dma_start3A_189 = tpu.memref_squeeze %dma_start3A_188 : memref<1x64xf32, #tpu.memory_space<hbm>> -> memref<64xf32, #tpu.memory_space<hbm>>
        %dma_start3A_190 = tpu.memref_slice %arg9[%select_n3A_48] : memref<2x!tpu.dma_semaphore, #tpu.memory_space<semaphore_mem>> -> memref<1x!tpu.dma_semaphore, #tpu.memory_space<semaphore_mem>>
        %dma_start3A_191 = tpu.memref_squeeze %dma_start3A_190 : memref<1x!tpu.dma_semaphore, #tpu.memory_space<semaphore_mem>> -> memref<!tpu.dma_semaphore, #tpu.memory_space<semaphore_mem>>
        %dma_start3A_192 = arith.constant 0 : i32
        %dma_start3A_193 = tpu.memref_slice %arg7[%add3A_183, %dma_start3A_192] : memref<768x64xf32, #tpu.memory_space<vmem>> -> memref<1x64xf32, #tpu.memory_space<vmem>>
        %dma_start3A_194 = tpu.memref_squeeze %dma_start3A_193 : memref<1x64xf32, #tpu.memory_space<vmem>> -> memref<64xf32, #tpu.memory_space<vmem>>
        %dma_start3A_195 = arith.constant 0 : i32
        %dma_start3A_196 = tpu.memref_slice %arg3[%squeeze3A_181, %dma_start3A_195] : memref<100000x64xf32, #tpu.memory_space<hbm>> -> memref<1x64xf32, #tpu.memory_space<hbm>>
        %dma_start3A_197 = tpu.memref_squeeze %dma_start3A_196 : memref<1x64xf32, #tpu.memory_space<hbm>> -> memref<64xf32, #tpu.memory_space<hbm>>
        tpu.enqueue_dma source(%dma_start3A_197 : memref<64xf32, #tpu.memory_space<hbm>>) target(%dma_start3A_194 : memref<64xf32, #tpu.memory_space<vmem>>) target_semaphore(%dma_start3A_191 : memref<!tpu.dma_semaphore, #tpu.memory_space<semaphore_mem>>)
        %slice3A_198 = vector.extract_strided_slice %get3A_115 {offsets = [1], sizes = [1], strides = [1]} : vector<16xi32> to vector<1xi32>
        %squeeze3A_199 = vector.extract %slice3A_198[0] : i32 from vector<1xi32>
        %add3A_200 = arith.constant 128 : i32
        %add3A_201 = arith.addi %add3A_200, %add3A_124 : i32
        %add3A_202 = arith.constant 1 : i32
        %add3A_203 = arith.addi %add3A_201, %add3A_202 : i32
        %dma_start3A_204 = arith.constant 0 : i32
        %dma_start3A_205 = tpu.memref_slice %arg7[%add3A_203, %dma_start3A_204] : memref<768x64xf32, #tpu.memory_space<vmem>> -> memref<1x64xf32, #tpu.memory_space<vmem>>
        %dma_start3A_206 = tpu.memref_squeeze %dma_start3A_205 : memref<1x64xf32, #tpu.memory_space<vmem>> -> memref<64xf32, #tpu.memory_space<vmem>>
        %dma_start3A_207 = arith.constant 0 : i32
        %dma_start3A_208 = tpu.memref_slice %arg4[%squeeze3A_199, %dma_start3A_207] : memref<100000x64xf32, #tpu.memory_space<hbm>> -> memref<1x64xf32, #tpu.memory_space<hbm>>
        %dma_start3A_209 = tpu.memref_squeeze %dma_start3A_208 : memref<1x64xf32, #tpu.memory_space<hbm>> -> memref<64xf32, #tpu.memory_space<hbm>>
        %dma_start3A_210 = tpu.memref_slice %arg9[%select_n3A_48] : memref<2x!tpu.dma_semaphore, #tpu.memory_space<semaphore_mem>> -> memref<1x!tpu.dma_semaphore, #tpu.memory_space<semaphore_mem>>
        %dma_start3A_211 = tpu.memref_squeeze %dma_start3A_210 : memref<1x!tpu.dma_semaphore, #tpu.memory_space<semaphore_mem>> -> memref<!tpu.dma_semaphore, #tpu.memory_space<semaphore_mem>>
        %dma_start3A_212 = arith.constant 0 : i32
        %dma_start3A_213 = tpu.memref_slice %arg7[%add3A_203, %dma_start3A_212] : memref<768x64xf32, #tpu.memory_space<vmem>> -> memref<1x64xf32, #tpu.memory_space<vmem>>
        %dma_start3A_214 = tpu.memref_squeeze %dma_start3A_213 : memref<1x64xf32, #tpu.memory_space<vmem>> -> memref<64xf32, #tpu.memory_space<vmem>>
        %dma_start3A_215 = arith.constant 0 : i32
        %dma_start3A_216 = tpu.memref_slice %arg4[%squeeze3A_199, %dma_start3A_215] : memref<100000x64xf32, #tpu.memory_space<hbm>> -> memref<1x64xf32, #tpu.memory_space<hbm>>
        %dma_start3A_217 = tpu.memref_squeeze %dma_start3A_216 : memref<1x64xf32, #tpu.memory_space<hbm>> -> memref<64xf32, #tpu.memory_space<hbm>>
        tpu.enqueue_dma source(%dma_start3A_217 : memref<64xf32, #tpu.memory_space<hbm>>) target(%dma_start3A_214 : memref<64xf32, #tpu.memory_space<vmem>>) target_semaphore(%dma_start3A_211 : memref<!tpu.dma_semaphore, #tpu.memory_space<semaphore_mem>>)
        %slice3A_218 = vector.extract_strided_slice %get3A_119 {offsets = [1], sizes = [1], strides = [1]} : vector<16xi32> to vector<1xi32>
        %squeeze3A_219 = vector.extract %slice3A_218[0] : i32 from vector<1xi32>
        %add3A_220 = arith.constant 256 : i32
        %add3A_221 = arith.addi %add3A_220, %add3A_124 : i32
        %add3A_222 = arith.constant 1 : i32
        %add3A_223 = arith.addi %add3A_221, %add3A_222 : i32
        %dma_start3A_224 = arith.constant 0 : i32
        %dma_start3A_225 = tpu.memref_slice %arg7[%add3A_223, %dma_start3A_224] : memref<768x64xf32, #tpu.memory_space<vmem>> -> memref<1x64xf32, #tpu.memory_space<vmem>>
        %dma_start3A_226 = tpu.memref_squeeze %dma_start3A_225 : memref<1x64xf32, #tpu.memory_space<vmem>> -> memref<64xf32, #tpu.memory_space<vmem>>
        %dma_start3A_227 = arith.constant 0 : i32
        %dma_start3A_228 = tpu.memref_slice %arg4[%squeeze3A_219, %dma_start3A_227] : memref<100000x64xf32, #tpu.memory_space<hbm>> -> memref<1x64xf32, #tpu.memory_space<hbm>>
        %dma_start3A_229 = tpu.memref_squeeze %dma_start3A_228 : memref<1x64xf32, #tpu.memory_space<hbm>> -> memref<64xf32, #tpu.memory_space<hbm>>
        %dma_start3A_230 = tpu.memref_slice %arg9[%select_n3A_48] : memref<2x!tpu.dma_semaphore, #tpu.memory_space<semaphore_mem>> -> memref<1x!tpu.dma_semaphore, #tpu.memory_space<semaphore_mem>>
        %dma_start3A_231 = tpu.memref_squeeze %dma_start3A_230 : memref<1x!tpu.dma_semaphore, #tpu.memory_space<semaphore_mem>> -> memref<!tpu.dma_semaphore, #tpu.memory_space<semaphore_mem>>
        %dma_start3A_232 = arith.constant 0 : i32
        %dma_start3A_233 = tpu.memref_slice %arg7[%add3A_223, %dma_start3A_232] : memref<768x64xf32, #tpu.memory_space<vmem>> -> memref<1x64xf32, #tpu.memory_space<vmem>>
        %dma_start3A_234 = tpu.memref_squeeze %dma_start3A_233 : memref<1x64xf32, #tpu.memory_space<vmem>> -> memref<64xf32, #tpu.memory_space<vmem>>
        %dma_start3A_235 = arith.constant 0 : i32
        %dma_start3A_236 = tpu.memref_slice %arg4[%squeeze3A_219, %dma_start3A_235] : memref<100000x64xf32, #tpu.memory_space<hbm>> -> memref<1x64xf32, #tpu.memory_space<hbm>>
        %dma_start3A_237 = tpu.memref_squeeze %dma_start3A_236 : memref<1x64xf32, #tpu.memory_space<hbm>> -> memref<64xf32, #tpu.memory_space<hbm>>
        tpu.enqueue_dma source(%dma_start3A_237 : memref<64xf32, #tpu.memory_space<hbm>>) target(%dma_start3A_234 : memref<64xf32, #tpu.memory_space<vmem>>) target_semaphore(%dma_start3A_231 : memref<!tpu.dma_semaphore, #tpu.memory_space<semaphore_mem>>)
        %slice3A_238 = vector.extract_strided_slice %get3A_111 {offsets = [2], sizes = [1], strides = [1]} : vector<16xi32> to vector<1xi32>
        %squeeze3A_239 = vector.extract %slice3A_238[0] : i32 from vector<1xi32>
        %add3A_240 = arith.constant 2 : i32
        %add3A_241 = arith.addi %add3A_124, %add3A_240 : i32
        %dma_start3A_242 = arith.constant 0 : i32
        %dma_start3A_243 = tpu.memref_slice %arg7[%add3A_241, %dma_start3A_242] : memref<768x64xf32, #tpu.memory_space<vmem>> -> memref<1x64xf32, #tpu.memory_space<vmem>>
        %dma_start3A_244 = tpu.memref_squeeze %dma_start3A_243 : memref<1x64xf32, #tpu.memory_space<vmem>> -> memref<64xf32, #tpu.memory_space<vmem>>
        %dma_start3A_245 = arith.constant 0 : i32
        %dma_start3A_246 = tpu.memref_slice %arg3[%squeeze3A_239, %dma_start3A_245] : memref<100000x64xf32, #tpu.memory_space<hbm>> -> memref<1x64xf32, #tpu.memory_space<hbm>>
        %dma_start3A_247 = tpu.memref_squeeze %dma_start3A_246 : memref<1x64xf32, #tpu.memory_space<hbm>> -> memref<64xf32, #tpu.memory_space<hbm>>
        %dma_start3A_248 = tpu.memref_slice %arg9[%select_n3A_48] : memref<2x!tpu.dma_semaphore, #tpu.memory_space<semaphore_mem>> -> memref<1x!tpu.dma_semaphore, #tpu.memory_space<semaphore_mem>>
        %dma_start3A_249 = tpu.memref_squeeze %dma_start3A_248 : memref<1x!tpu.dma_semaphore, #tpu.memory_space<semaphore_mem>> -> memref<!tpu.dma_semaphore, #tpu.memory_space<semaphore_mem>>
        %dma_start3A_250 = arith.constant 0 : i32
        %dma_start3A_251 = tpu.memref_slice %arg7[%add3A_241, %dma_start3A_250] : memref<768x64xf32, #tpu.memory_space<vmem>> -> memref<1x64xf32, #tpu.memory_space<vmem>>
        %dma_start3A_252 = tpu.memref_squeeze %dma_start3A_251 : memref<1x64xf32, #tpu.memory_space<vmem>> -> memref<64xf32, #tpu.memory_space<vmem>>
        %dma_start3A_253 = arith.constant 0 : i32
        %dma_start3A_254 = tpu.memref_slice %arg3[%squeeze3A_239, %dma_start3A_253] : memref<100000x64xf32, #tpu.memory_space<hbm>> -> memref<1x64xf32, #tpu.memory_space<hbm>>
        %dma_start3A_255 = tpu.memref_squeeze %dma_start3A_254 : memref<1x64xf32, #tpu.memory_space<hbm>> -> memref<64xf32, #tpu.memory_space<hbm>>
        tpu.enqueue_dma source(%dma_start3A_255 : memref<64xf32, #tpu.memory_space<hbm>>) target(%dma_start3A_252 : memref<64xf32, #tpu.memory_space<vmem>>) target_semaphore(%dma_start3A_249 : memref<!tpu.dma_semaphore, #tpu.memory_space<semaphore_mem>>)
        %slice3A_256 = vector.extract_strided_slice %get3A_115 {offsets = [2], sizes = [1], strides = [1]} : vector<16xi32> to vector<1xi32>
        %squeeze3A_257 = vector.extract %slice3A_256[0] : i32 from vector<1xi32>
        %add3A_258 = arith.constant 128 : i32
        %add3A_259 = arith.addi %add3A_258, %add3A_124 : i32
        %add3A_260 = arith.constant 2 : i32
        %add3A_261 = arith.addi %add3A_259, %add3A_260 : i32
        %dma_start3A_262 = arith.constant 0 : i32
        %dma_start3A_263 = tpu.memref_slice %arg7[%add3A_261, %dma_start3A_262] : memref<768x64xf32, #tpu.memory_space<vmem>> -> memref<1x64xf32, #tpu.memory_space<vmem>>
        %dma_start3A_264 = tpu.memref_squeeze %dma_start3A_263 : memref<1x64xf32, #tpu.memory_space<vmem>> -> memref<64xf32, #tpu.memory_space<vmem>>
        %dma_start3A_265 = arith.constant 0 : i32
        %dma_start3A_266 = tpu.memref_slice %arg4[%squeeze3A_257, %dma_start3A_265] : memref<100000x64xf32, #tpu.memory_space<hbm>> -> memref<1x64xf32, #tpu.memory_space<hbm>>
        %dma_start3A_267 = tpu.memref_squeeze %dma_start3A_266 : memref<1x64xf32, #tpu.memory_space<hbm>> -> memref<64xf32, #tpu.memory_space<hbm>>
        %dma_start3A_268 = tpu.memref_slice %arg9[%select_n3A_48] : memref<2x!tpu.dma_semaphore, #tpu.memory_space<semaphore_mem>> -> memref<1x!tpu.dma_semaphore, #tpu.memory_space<semaphore_mem>>
        %dma_start3A_269 = tpu.memref_squeeze %dma_start3A_268 : memref<1x!tpu.dma_semaphore, #tpu.memory_space<semaphore_mem>> -> memref<!tpu.dma_semaphore, #tpu.memory_space<semaphore_mem>>
        %dma_start3A_270 = arith.constant 0 : i32
        %dma_start3A_271 = tpu.memref_slice %arg7[%add3A_261, %dma_start3A_270] : memref<768x64xf32, #tpu.memory_space<vmem>> -> memref<1x64xf32, #tpu.memory_space<vmem>>
        %dma_start3A_272 = tpu.memref_squeeze %dma_start3A_271 : memref<1x64xf32, #tpu.memory_space<vmem>> -> memref<64xf32, #tpu.memory_space<vmem>>
        %dma_start3A_273 = arith.constant 0 : i32
        %dma_start3A_274 = tpu.memref_slice %arg4[%squeeze3A_257, %dma_start3A_273] : memref<100000x64xf32, #tpu.memory_space<hbm>> -> memref<1x64xf32, #tpu.memory_space<hbm>>
        %dma_start3A_275 = tpu.memref_squeeze %dma_start3A_274 : memref<1x64xf32, #tpu.memory_space<hbm>> -> memref<64xf32, #tpu.memory_space<hbm>>
        tpu.enqueue_dma source(%dma_start3A_275 : memref<64xf32, #tpu.memory_space<hbm>>) target(%dma_start3A_272 : memref<64xf32, #tpu.memory_space<vmem>>) target_semaphore(%dma_start3A_269 : memref<!tpu.dma_semaphore, #tpu.memory_space<semaphore_mem>>)
        %slice3A_276 = vector.extract_strided_slice %get3A_119 {offsets = [2], sizes = [1], strides = [1]} : vector<16xi32> to vector<1xi32>
        %squeeze3A_277 = vector.extract %slice3A_276[0] : i32 from vector<1xi32>
        %add3A_278 = arith.constant 256 : i32
        %add3A_279 = arith.addi %add3A_278, %add3A_124 : i32
        %add3A_280 = arith.constant 2 : i32
        %add3A_281 = arith.addi %add3A_279, %add3A_280 : i32
        %dma_start3A_282 = arith.constant 0 : i32
        %dma_start3A_283 = tpu.memref_slice %arg7[%add3A_281, %dma_start3A_282] : memref<768x64xf32, #tpu.memory_space<vmem>> -> memref<1x64xf32, #tpu.memory_space<vmem>>
        %dma_start3A_284 = tpu.memref_squeeze %dma_start3A_283 : memref<1x64xf32, #tpu.memory_space<vmem>> -> memref<64xf32, #tpu.memory_space<vmem>>
        %dma_start3A_285 = arith.constant 0 : i32
        %dma_start3A_286 = tpu.memref_slice %arg4[%squeeze3A_277, %dma_start3A_285] : memref<100000x64xf32, #tpu.memory_space<hbm>> -> memref<1x64xf32, #tpu.memory_space<hbm>>
        %dma_start3A_287 = tpu.memref_squeeze %dma_start3A_286 : memref<1x64xf32, #tpu.memory_space<hbm>> -> memref<64xf32, #tpu.memory_space<hbm>>
        %dma_start3A_288 = tpu.memref_slice %arg9[%select_n3A_48] : memref<2x!tpu.dma_semaphore, #tpu.memory_space<semaphore_mem>> -> memref<1x!tpu.dma_semaphore, #tpu.memory_space<semaphore_mem>>
        %dma_start3A_289 = tpu.memref_squeeze %dma_start3A_288 : memref<1x!tpu.dma_semaphore, #tpu.memory_space<semaphore_mem>> -> memref<!tpu.dma_semaphore, #tpu.memory_space<semaphore_mem>>
        %dma_start3A_290 = arith.constant 0 : i32
        %dma_start3A_291 = tpu.memref_slice %arg7[%add3A_281, %dma_start3A_290] : memref<768x64xf32, #tpu.memory_space<vmem>> -> memref<1x64xf32, #tpu.memory_space<vmem>>
        %dma_start3A_292 = tpu.memref_squeeze %dma_start3A_291 : memref<1x64xf32, #tpu.memory_space<vmem>> -> memref<64xf32, #tpu.memory_space<vmem>>
        %dma_start3A_293 = arith.constant 0 : i32
        %dma_start3A_294 = tpu.memref_slice %arg4[%squeeze3A_277, %dma_start3A_293] : memref<100000x64xf32, #tpu.memory_space<hbm>> -> memref<1x64xf32, #tpu.memory_space<hbm>>
        %dma_start3A_295 = tpu.memref_squeeze %dma_start3A_294 : memref<1x64xf32, #tpu.memory_space<hbm>> -> memref<64xf32, #tpu.memory_space<hbm>>
        tpu.enqueue_dma source(%dma_start3A_295 : memref<64xf32, #tpu.memory_space<hbm>>) target(%dma_start3A_292 : memref<64xf32, #tpu.memory_space<vmem>>) target_semaphore(%dma_start3A_289 : memref<!tpu.dma_semaphore, #tpu.memory_space<semaphore_mem>>)
        %slice3A_296 = vector.extract_strided_slice %get3A_111 {offsets = [3], sizes = [1], strides = [1]} : vector<16xi32> to vector<1xi32>
        %squeeze3A_297 = vector.extract %slice3A_296[0] : i32 from vector<1xi32>
        %add3A_298 = arith.constant 3 : i32
        %add3A_299 = arith.addi %add3A_124, %add3A_298 : i32
        %dma_start3A_300 = arith.constant 0 : i32
        %dma_start3A_301 = tpu.memref_slice %arg7[%add3A_299, %dma_start3A_300] : memref<768x64xf32, #tpu.memory_space<vmem>> -> memref<1x64xf32, #tpu.memory_space<vmem>>
        %dma_start3A_302 = tpu.memref_squeeze %dma_start3A_301 : memref<1x64xf32, #tpu.memory_space<vmem>> -> memref<64xf32, #tpu.memory_space<vmem>>
        %dma_start3A_303 = arith.constant 0 : i32
        %dma_start3A_304 = tpu.memref_slice %arg3[%squeeze3A_297, %dma_start3A_303] : memref<100000x64xf32, #tpu.memory_space<hbm>> -> memref<1x64xf32, #tpu.memory_space<hbm>>
        %dma_start3A_305 = tpu.memref_squeeze %dma_start3A_304 : memref<1x64xf32, #tpu.memory_space<hbm>> -> memref<64xf32, #tpu.memory_space<hbm>>
        %dma_start3A_306 = tpu.memref_slice %arg9[%select_n3A_48] : memref<2x!tpu.dma_semaphore, #tpu.memory_space<semaphore_mem>> -> memref<1x!tpu.dma_semaphore, #tpu.memory_space<semaphore_mem>>
        %dma_start3A_307 = tpu.memref_squeeze %dma_start3A_306 : memref<1x!tpu.dma_semaphore, #tpu.memory_space<semaphore_mem>> -> memref<!tpu.dma_semaphore, #tpu.memory_space<semaphore_mem>>
        %dma_start3A_308 = arith.constant 0 : i32
        %dma_start3A_309 = tpu.memref_slice %arg7[%add3A_299, %dma_start3A_308] : memref<768x64xf32, #tpu.memory_space<vmem>> -> memref<1x64xf32, #tpu.memory_space<vmem>>
        %dma_start3A_310 = tpu.memref_squeeze %dma_start3A_309 : memref<1x64xf32, #tpu.memory_space<vmem>> -> memref<64xf32, #tpu.memory_space<vmem>>
        %dma_start3A_311 = arith.constant 0 : i32
        %dma_start3A_312 = tpu.memref_slice %arg3[%squeeze3A_297, %dma_start3A_311] : memref<100000x64xf32, #tpu.memory_space<hbm>> -> memref<1x64xf32, #tpu.memory_space<hbm>>
        %dma_start3A_313 = tpu.memref_squeeze %dma_start3A_312 : memref<1x64xf32, #tpu.memory_space<hbm>> -> memref<64xf32, #tpu.memory_space<hbm>>
        tpu.enqueue_dma source(%dma_start3A_313 : memref<64xf32, #tpu.memory_space<hbm>>) target(%dma_start3A_310 : memref<64xf32, #tpu.memory_space<vmem>>) target_semaphore(%dma_start3A_307 : memref<!tpu.dma_semaphore, #tpu.memory_space<semaphore_mem>>)
        %slice3A_314 = vector.extract_strided_slice %get3A_115 {offsets = [3], sizes = [1], strides = [1]} : vector<16xi32> to vector<1xi32>
        %squeeze3A_315 = vector.extract %slice3A_314[0] : i32 from vector<1xi32>
        %add3A_316 = arith.constant 128 : i32
        %add3A_317 = arith.addi %add3A_316, %add3A_124 : i32
        %add3A_318 = arith.constant 3 : i32
        %add3A_319 = arith.addi %add3A_317, %add3A_318 : i32
        %dma_start3A_320 = arith.constant 0 : i32
        %dma_start3A_321 = tpu.memref_slice %arg7[%add3A_319, %dma_start3A_320] : memref<768x64xf32, #tpu.memory_space<vmem>> -> memref<1x64xf32, #tpu.memory_space<vmem>>
        %dma_start3A_322 = tpu.memref_squeeze %dma_start3A_321 : memref<1x64xf32, #tpu.memory_space<vmem>> -> memref<64xf32, #tpu.memory_space<vmem>>
        %dma_start3A_323 = arith.constant 0 : i32
        %dma_start3A_324 = tpu.memref_slice %arg4[%squeeze3A_315, %dma_start3A_323] : memref<100000x64xf32, #tpu.memory_space<hbm>> -> memref<1x64xf32, #tpu.memory_space<hbm>>
        %dma_start3A_325 = tpu.memref_squeeze %dma_start3A_324 : memref<1x64xf32, #tpu.memory_space<hbm>> -> memref<64xf32, #tpu.memory_space<hbm>>
        %dma_start3A_326 = tpu.memref_slice %arg9[%select_n3A_48] : memref<2x!tpu.dma_semaphore, #tpu.memory_space<semaphore_mem>> -> memref<1x!tpu.dma_semaphore, #tpu.memory_space<semaphore_mem>>
        %dma_start3A_327 = tpu.memref_squeeze %dma_start3A_326 : memref<1x!tpu.dma_semaphore, #tpu.memory_space<semaphore_mem>> -> memref<!tpu.dma_semaphore, #tpu.memory_space<semaphore_mem>>
        %dma_start3A_328 = arith.constant 0 : i32
        %dma_start3A_329 = tpu.memref_slice %arg7[%add3A_319, %dma_start3A_328] : memref<768x64xf32, #tpu.memory_space<vmem>> -> memref<1x64xf32, #tpu.memory_space<vmem>>
        %dma_start3A_330 = tpu.memref_squeeze %dma_start3A_329 : memref<1x64xf32, #tpu.memory_space<vmem>> -> memref<64xf32, #tpu.memory_space<vmem>>
        %dma_start3A_331 = arith.constant 0 : i32
        %dma_start3A_332 = tpu.memref_slice %arg4[%squeeze3A_315, %dma_start3A_331] : memref<100000x64xf32, #tpu.memory_space<hbm>> -> memref<1x64xf32, #tpu.memory_space<hbm>>
        %dma_start3A_333 = tpu.memref_squeeze %dma_start3A_332 : memref<1x64xf32, #tpu.memory_space<hbm>> -> memref<64xf32, #tpu.memory_space<hbm>>
        tpu.enqueue_dma source(%dma_start3A_333 : memref<64xf32, #tpu.memory_space<hbm>>) target(%dma_start3A_330 : memref<64xf32, #tpu.memory_space<vmem>>) target_semaphore(%dma_start3A_327 : memref<!tpu.dma_semaphore, #tpu.memory_space<semaphore_mem>>)
        %slice3A_334 = vector.extract_strided_slice %get3A_119 {offsets = [3], sizes = [1], strides = [1]} : vector<16xi32> to vector<1xi32>
        %squeeze3A_335 = vector.extract %slice3A_334[0] : i32 from vector<1xi32>
        %add3A_336 = arith.constant 256 : i32
        %add3A_337 = arith.addi %add3A_336, %add3A_124 : i32
        %add3A_338 = arith.constant 3 : i32
        %add3A_339 = arith.addi %add3A_337, %add3A_338 : i32
        %dma_start3A_340 = arith.constant 0 : i32
        %dma_start3A_341 = tpu.memref_slice %arg7[%add3A_339, %dma_start3A_340] : memref<768x64xf32, #tpu.memory_space<vmem>> -> memref<1x64xf32, #tpu.memory_space<vmem>>
        %dma_start3A_342 = tpu.memref_squeeze %dma_start3A_341 : memref<1x64xf32, #tpu.memory_space<vmem>> -> memref<64xf32, #tpu.memory_space<vmem>>
        %dma_start3A_343 = arith.constant 0 : i32
        %dma_start3A_344 = tpu.memref_slice %arg4[%squeeze3A_335, %dma_start3A_343] : memref<100000x64xf32, #tpu.memory_space<hbm>> -> memref<1x64xf32, #tpu.memory_space<hbm>>
        %dma_start3A_345 = tpu.memref_squeeze %dma_start3A_344 : memref<1x64xf32, #tpu.memory_space<hbm>> -> memref<64xf32, #tpu.memory_space<hbm>>
        %dma_start3A_346 = tpu.memref_slice %arg9[%select_n3A_48] : memref<2x!tpu.dma_semaphore, #tpu.memory_space<semaphore_mem>> -> memref<1x!tpu.dma_semaphore, #tpu.memory_space<semaphore_mem>>
        %dma_start3A_347 = tpu.memref_squeeze %dma_start3A_346 : memref<1x!tpu.dma_semaphore, #tpu.memory_space<semaphore_mem>> -> memref<!tpu.dma_semaphore, #tpu.memory_space<semaphore_mem>>
        %dma_start3A_348 = arith.constant 0 : i32
        %dma_start3A_349 = tpu.memref_slice %arg7[%add3A_339, %dma_start3A_348] : memref<768x64xf32, #tpu.memory_space<vmem>> -> memref<1x64xf32, #tpu.memory_space<vmem>>
        %dma_start3A_350 = tpu.memref_squeeze %dma_start3A_349 : memref<1x64xf32, #tpu.memory_space<vmem>> -> memref<64xf32, #tpu.memory_space<vmem>>
        %dma_start3A_351 = arith.constant 0 : i32
        %dma_start3A_352 = tpu.memref_slice %arg4[%squeeze3A_335, %dma_start3A_351] : memref<100000x64xf32, #tpu.memory_space<hbm>> -> memref<1x64xf32, #tpu.memory_space<hbm>>
        %dma_start3A_353 = tpu.memref_squeeze %dma_start3A_352 : memref<1x64xf32, #tpu.memory_space<hbm>> -> memref<64xf32, #tpu.memory_space<hbm>>
        tpu.enqueue_dma source(%dma_start3A_353 : memref<64xf32, #tpu.memory_space<hbm>>) target(%dma_start3A_350 : memref<64xf32, #tpu.memory_space<vmem>>) target_semaphore(%dma_start3A_347 : memref<!tpu.dma_semaphore, #tpu.memory_space<semaphore_mem>>)
        %slice3A_354 = vector.extract_strided_slice %get3A_111 {offsets = [4], sizes = [1], strides = [1]} : vector<16xi32> to vector<1xi32>
        %squeeze3A_355 = vector.extract %slice3A_354[0] : i32 from vector<1xi32>
        %add3A_356 = arith.constant 4 : i32
        %add3A_357 = arith.addi %add3A_124, %add3A_356 : i32
        %dma_start3A_358 = arith.constant 0 : i32
        %dma_start3A_359 = tpu.memref_slice %arg7[%add3A_357, %dma_start3A_358] : memref<768x64xf32, #tpu.memory_space<vmem>> -> memref<1x64xf32, #tpu.memory_space<vmem>>
        %dma_start3A_360 = tpu.memref_squeeze %dma_start3A_359 : memref<1x64xf32, #tpu.memory_space<vmem>> -> memref<64xf32, #tpu.memory_space<vmem>>
        %dma_start3A_361 = arith.constant 0 : i32
        %dma_start3A_362 = tpu.memref_slice %arg3[%squeeze3A_355, %dma_start3A_361] : memref<100000x64xf32, #tpu.memory_space<hbm>> -> memref<1x64xf32, #tpu.memory_space<hbm>>
        %dma_start3A_363 = tpu.memref_squeeze %dma_start3A_362 : memref<1x64xf32, #tpu.memory_space<hbm>> -> memref<64xf32, #tpu.memory_space<hbm>>
        %dma_start3A_364 = tpu.memref_slice %arg9[%select_n3A_48] : memref<2x!tpu.dma_semaphore, #tpu.memory_space<semaphore_mem>> -> memref<1x!tpu.dma_semaphore, #tpu.memory_space<semaphore_mem>>
        %dma_start3A_365 = tpu.memref_squeeze %dma_start3A_364 : memref<1x!tpu.dma_semaphore, #tpu.memory_space<semaphore_mem>> -> memref<!tpu.dma_semaphore, #tpu.memory_space<semaphore_mem>>
        %dma_start3A_366 = arith.constant 0 : i32
        %dma_start3A_367 = tpu.memref_slice %arg7[%add3A_357, %dma_start3A_366] : memref<768x64xf32, #tpu.memory_space<vmem>> -> memref<1x64xf32, #tpu.memory_space<vmem>>
        %dma_start3A_368 = tpu.memref_squeeze %dma_start3A_367 : memref<1x64xf32, #tpu.memory_space<vmem>> -> memref<64xf32, #tpu.memory_space<vmem>>
        %dma_start3A_369 = arith.constant 0 : i32
        %dma_start3A_370 = tpu.memref_slice %arg3[%squeeze3A_355, %dma_start3A_369] : memref<100000x64xf32, #tpu.memory_space<hbm>> -> memref<1x64xf32, #tpu.memory_space<hbm>>
        %dma_start3A_371 = tpu.memref_squeeze %dma_start3A_370 : memref<1x64xf32, #tpu.memory_space<hbm>> -> memref<64xf32, #tpu.memory_space<hbm>>
        tpu.enqueue_dma source(%dma_start3A_371 : memref<64xf32, #tpu.memory_space<hbm>>) target(%dma_start3A_368 : memref<64xf32, #tpu.memory_space<vmem>>) target_semaphore(%dma_start3A_365 : memref<!tpu.dma_semaphore, #tpu.memory_space<semaphore_mem>>)
        %slice3A_372 = vector.extract_strided_slice %get3A_115 {offsets = [4], sizes = [1], strides = [1]} : vector<16xi32> to vector<1xi32>
        %squeeze3A_373 = vector.extract %slice3A_372[0] : i32 from vector<1xi32>
        %add3A_374 = arith.constant 128 : i32
        %add3A_375 = arith.addi %add3A_374, %add3A_124 : i32
        %add3A_376 = arith.constant 4 : i32
        %add3A_377 = arith.addi %add3A_375, %add3A_376 : i32
        %dma_start3A_378 = arith.constant 0 : i32
        %dma_start3A_379 = tpu.memref_slice %arg7[%add3A_377, %dma_start3A_378] : memref<768x64xf32, #tpu.memory_space<vmem>> -> memref<1x64xf32, #tpu.memory_space<vmem>>
        %dma_start3A_380 = tpu.memref_squeeze %dma_start3A_379 : memref<1x64xf32, #tpu.memory_space<vmem>> -> memref<64xf32, #tpu.memory_space<vmem>>
        %dma_start3A_381 = arith.constant 0 : i32
        %dma_start3A_382 = tpu.memref_slice %arg4[%squeeze3A_373, %dma_start3A_381] : memref<100000x64xf32, #tpu.memory_space<hbm>> -> memref<1x64xf32, #tpu.memory_space<hbm>>
        %dma_start3A_383 = tpu.memref_squeeze %dma_start3A_382 : memref<1x64xf32, #tpu.memory_space<hbm>> -> memref<64xf32, #tpu.memory_space<hbm>>
        %dma_start3A_384 = tpu.memref_slice %arg9[%select_n3A_48] : memref<2x!tpu.dma_semaphore, #tpu.memory_space<semaphore_mem>> -> memref<1x!tpu.dma_semaphore, #tpu.memory_space<semaphore_mem>>
        %dma_start3A_385 = tpu.memref_squeeze %dma_start3A_384 : memref<1x!tpu.dma_semaphore, #tpu.memory_space<semaphore_mem>> -> memref<!tpu.dma_semaphore, #tpu.memory_space<semaphore_mem>>
        %dma_start3A_386 = arith.constant 0 : i32
        %dma_start3A_387 = tpu.memref_slice %arg7[%add3A_377, %dma_start3A_386] : memref<768x64xf32, #tpu.memory_space<vmem>> -> memref<1x64xf32, #tpu.memory_space<vmem>>
        %dma_start3A_388 = tpu.memref_squeeze %dma_start3A_387 : memref<1x64xf32, #tpu.memory_space<vmem>> -> memref<64xf32, #tpu.memory_space<vmem>>
        %dma_start3A_389 = arith.constant 0 : i32
        %dma_start3A_390 = tpu.memref_slice %arg4[%squeeze3A_373, %dma_start3A_389] : memref<100000x64xf32, #tpu.memory_space<hbm>> -> memref<1x64xf32, #tpu.memory_space<hbm>>
        %dma_start3A_391 = tpu.memref_squeeze %dma_start3A_390 : memref<1x64xf32, #tpu.memory_space<hbm>> -> memref<64xf32, #tpu.memory_space<hbm>>
        tpu.enqueue_dma source(%dma_start3A_391 : memref<64xf32, #tpu.memory_space<hbm>>) target(%dma_start3A_388 : memref<64xf32, #tpu.memory_space<vmem>>) target_semaphore(%dma_start3A_385 : memref<!tpu.dma_semaphore, #tpu.memory_space<semaphore_mem>>)
        %slice3A_392 = vector.extract_strided_slice %get3A_119 {offsets = [4], sizes = [1], strides = [1]} : vector<16xi32> to vector<1xi32>
        %squeeze3A_393 = vector.extract %slice3A_392[0] : i32 from vector<1xi32>
        %add3A_394 = arith.constant 256 : i32
        %add3A_395 = arith.addi %add3A_394, %add3A_124 : i32
        %add3A_396 = arith.constant 4 : i32
        %add3A_397 = arith.addi %add3A_395, %add3A_396 : i32
        %dma_start3A_398 = arith.constant 0 : i32
        %dma_start3A_399 = tpu.memref_slice %arg7[%add3A_397, %dma_start3A_398] : memref<768x64xf32, #tpu.memory_space<vmem>> -> memref<1x64xf32, #tpu.memory_space<vmem>>
        %dma_start3A_400 = tpu.memref_squeeze %dma_start3A_399 : memref<1x64xf32, #tpu.memory_space<vmem>> -> memref<64xf32, #tpu.memory_space<vmem>>
        %dma_start3A_401 = arith.constant 0 : i32
        %dma_start3A_402 = tpu.memref_slice %arg4[%squeeze3A_393, %dma_start3A_401] : memref<100000x64xf32, #tpu.memory_space<hbm>> -> memref<1x64xf32, #tpu.memory_space<hbm>>
        %dma_start3A_403 = tpu.memref_squeeze %dma_start3A_402 : memref<1x64xf32, #tpu.memory_space<hbm>> -> memref<64xf32, #tpu.memory_space<hbm>>
        %dma_start3A_404 = tpu.memref_slice %arg9[%select_n3A_48] : memref<2x!tpu.dma_semaphore, #tpu.memory_space<semaphore_mem>> -> memref<1x!tpu.dma_semaphore, #tpu.memory_space<semaphore_mem>>
        %dma_start3A_405 = tpu.memref_squeeze %dma_start3A_404 : memref<1x!tpu.dma_semaphore, #tpu.memory_space<semaphore_mem>> -> memref<!tpu.dma_semaphore, #tpu.memory_space<semaphore_mem>>
        %dma_start3A_406 = arith.constant 0 : i32
        %dma_start3A_407 = tpu.memref_slice %arg7[%add3A_397, %dma_start3A_406] : memref<768x64xf32, #tpu.memory_space<vmem>> -> memref<1x64xf32, #tpu.memory_space<vmem>>
        %dma_start3A_408 = tpu.memref_squeeze %dma_start3A_407 : memref<1x64xf32, #tpu.memory_space<vmem>> -> memref<64xf32, #tpu.memory_space<vmem>>
        %dma_start3A_409 = arith.constant 0 : i32
        %dma_start3A_410 = tpu.memref_slice %arg4[%squeeze3A_393, %dma_start3A_409] : memref<100000x64xf32, #tpu.memory_space<hbm>> -> memref<1x64xf32, #tpu.memory_space<hbm>>
        %dma_start3A_411 = tpu.memref_squeeze %dma_start3A_410 : memref<1x64xf32, #tpu.memory_space<hbm>> -> memref<64xf32, #tpu.memory_space<hbm>>
        tpu.enqueue_dma source(%dma_start3A_411 : memref<64xf32, #tpu.memory_space<hbm>>) target(%dma_start3A_408 : memref<64xf32, #tpu.memory_space<vmem>>) target_semaphore(%dma_start3A_405 : memref<!tpu.dma_semaphore, #tpu.memory_space<semaphore_mem>>)
        %slice3A_412 = vector.extract_strided_slice %get3A_111 {offsets = [5], sizes = [1], strides = [1]} : vector<16xi32> to vector<1xi32>
        %squeeze3A_413 = vector.extract %slice3A_412[0] : i32 from vector<1xi32>
        %add3A_414 = arith.constant 5 : i32
        %add3A_415 = arith.addi %add3A_124, %add3A_414 : i32
        %dma_start3A_416 = arith.constant 0 : i32
        %dma_start3A_417 = tpu.memref_slice %arg7[%add3A_415, %dma_start3A_416] : memref<768x64xf32, #tpu.memory_space<vmem>> -> memref<1x64xf32, #tpu.memory_space<vmem>>
        %dma_start3A_418 = tpu.memref_squeeze %dma_start3A_417 : memref<1x64xf32, #tpu.memory_space<vmem>> -> memref<64xf32, #tpu.memory_space<vmem>>
        %dma_start3A_419 = arith.constant 0 : i32
        %dma_start3A_420 = tpu.memref_slice %arg3[%squeeze3A_413, %dma_start3A_419] : memref<100000x64xf32, #tpu.memory_space<hbm>> -> memref<1x64xf32, #tpu.memory_space<hbm>>
        %dma_start3A_421 = tpu.memref_squeeze %dma_start3A_420 : memref<1x64xf32, #tpu.memory_space<hbm>> -> memref<64xf32, #tpu.memory_space<hbm>>
        %dma_start3A_422 = tpu.memref_slice %arg9[%select_n3A_48] : memref<2x!tpu.dma_semaphore, #tpu.memory_space<semaphore_mem>> -> memref<1x!tpu.dma_semaphore, #tpu.memory_space<semaphore_mem>>
        %dma_start3A_423 = tpu.memref_squeeze %dma_start3A_422 : memref<1x!tpu.dma_semaphore, #tpu.memory_space<semaphore_mem>> -> memref<!tpu.dma_semaphore, #tpu.memory_space<semaphore_mem>>
        %dma_start3A_424 = arith.constant 0 : i32
        %dma_start3A_425 = tpu.memref_slice %arg7[%add3A_415, %dma_start3A_424] : memref<768x64xf32, #tpu.memory_space<vmem>> -> memref<1x64xf32, #tpu.memory_space<vmem>>
        %dma_start3A_426 = tpu.memref_squeeze %dma_start3A_425 : memref<1x64xf32, #tpu.memory_space<vmem>> -> memref<64xf32, #tpu.memory_space<vmem>>
        %dma_start3A_427 = arith.constant 0 : i32
        %dma_start3A_428 = tpu.memref_slice %arg3[%squeeze3A_413, %dma_start3A_427] : memref<100000x64xf32, #tpu.memory_space<hbm>> -> memref<1x64xf32, #tpu.memory_space<hbm>>
        %dma_start3A_429 = tpu.memref_squeeze %dma_start3A_428 : memref<1x64xf32, #tpu.memory_space<hbm>> -> memref<64xf32, #tpu.memory_space<hbm>>
        tpu.enqueue_dma source(%dma_start3A_429 : memref<64xf32, #tpu.memory_space<hbm>>) target(%dma_start3A_426 : memref<64xf32, #tpu.memory_space<vmem>>) target_semaphore(%dma_start3A_423 : memref<!tpu.dma_semaphore, #tpu.memory_space<semaphore_mem>>)
        %slice3A_430 = vector.extract_strided_slice %get3A_115 {offsets = [5], sizes = [1], strides = [1]} : vector<16xi32> to vector<1xi32>
        %squeeze3A_431 = vector.extract %slice3A_430[0] : i32 from vector<1xi32>
        %add3A_432 = arith.constant 128 : i32
        %add3A_433 = arith.addi %add3A_432, %add3A_124 : i32
        %add3A_434 = arith.constant 5 : i32
        %add3A_435 = arith.addi %add3A_433, %add3A_434 : i32
        %dma_start3A_436 = arith.constant 0 : i32
        %dma_start3A_437 = tpu.memref_slice %arg7[%add3A_435, %dma_start3A_436] : memref<768x64xf32, #tpu.memory_space<vmem>> -> memref<1x64xf32, #tpu.memory_space<vmem>>
        %dma_start3A_438 = tpu.memref_squeeze %dma_start3A_437 : memref<1x64xf32, #tpu.memory_space<vmem>> -> memref<64xf32, #tpu.memory_space<vmem>>
        %dma_start3A_439 = arith.constant 0 : i32
        %dma_start3A_440 = tpu.memref_slice %arg4[%squeeze3A_431, %dma_start3A_439] : memref<100000x64xf32, #tpu.memory_space<hbm>> -> memref<1x64xf32, #tpu.memory_space<hbm>>
        %dma_start3A_441 = tpu.memref_squeeze %dma_start3A_440 : memref<1x64xf32, #tpu.memory_space<hbm>> -> memref<64xf32, #tpu.memory_space<hbm>>
        %dma_start3A_442 = tpu.memref_slice %arg9[%select_n3A_48] : memref<2x!tpu.dma_semaphore, #tpu.memory_space<semaphore_mem>> -> memref<1x!tpu.dma_semaphore, #tpu.memory_space<semaphore_mem>>
        %dma_start3A_443 = tpu.memref_squeeze %dma_start3A_442 : memref<1x!tpu.dma_semaphore, #tpu.memory_space<semaphore_mem>> -> memref<!tpu.dma_semaphore, #tpu.memory_space<semaphore_mem>>
        %dma_start3A_444 = arith.constant 0 : i32
        %dma_start3A_445 = tpu.memref_slice %arg7[%add3A_435, %dma_start3A_444] : memref<768x64xf32, #tpu.memory_space<vmem>> -> memref<1x64xf32, #tpu.memory_space<vmem>>
        %dma_start3A_446 = tpu.memref_squeeze %dma_start3A_445 : memref<1x64xf32, #tpu.memory_space<vmem>> -> memref<64xf32, #tpu.memory_space<vmem>>
        %dma_start3A_447 = arith.constant 0 : i32
        %dma_start3A_448 = tpu.memref_slice %arg4[%squeeze3A_431, %dma_start3A_447] : memref<100000x64xf32, #tpu.memory_space<hbm>> -> memref<1x64xf32, #tpu.memory_space<hbm>>
        %dma_start3A_449 = tpu.memref_squeeze %dma_start3A_448 : memref<1x64xf32, #tpu.memory_space<hbm>> -> memref<64xf32, #tpu.memory_space<hbm>>
        tpu.enqueue_dma source(%dma_start3A_449 : memref<64xf32, #tpu.memory_space<hbm>>) target(%dma_start3A_446 : memref<64xf32, #tpu.memory_space<vmem>>) target_semaphore(%dma_start3A_443 : memref<!tpu.dma_semaphore, #tpu.memory_space<semaphore_mem>>)
        %slice3A_450 = vector.extract_strided_slice %get3A_119 {offsets = [5], sizes = [1], strides = [1]} : vector<16xi32> to vector<1xi32>
        %squeeze3A_451 = vector.extract %slice3A_450[0] : i32 from vector<1xi32>
        %add3A_452 = arith.constant 256 : i32
        %add3A_453 = arith.addi %add3A_452, %add3A_124 : i32
        %add3A_454 = arith.constant 5 : i32
        %add3A_455 = arith.addi %add3A_453, %add3A_454 : i32
        %dma_start3A_456 = arith.constant 0 : i32
        %dma_start3A_457 = tpu.memref_slice %arg7[%add3A_455, %dma_start3A_456] : memref<768x64xf32, #tpu.memory_space<vmem>> -> memref<1x64xf32, #tpu.memory_space<vmem>>
        %dma_start3A_458 = tpu.memref_squeeze %dma_start3A_457 : memref<1x64xf32, #tpu.memory_space<vmem>> -> memref<64xf32, #tpu.memory_space<vmem>>
        %dma_start3A_459 = arith.constant 0 : i32
        %dma_start3A_460 = tpu.memref_slice %arg4[%squeeze3A_451, %dma_start3A_459] : memref<100000x64xf32, #tpu.memory_space<hbm>> -> memref<1x64xf32, #tpu.memory_space<hbm>>
        %dma_start3A_461 = tpu.memref_squeeze %dma_start3A_460 : memref<1x64xf32, #tpu.memory_space<hbm>> -> memref<64xf32, #tpu.memory_space<hbm>>
        %dma_start3A_462 = tpu.memref_slice %arg9[%select_n3A_48] : memref<2x!tpu.dma_semaphore, #tpu.memory_space<semaphore_mem>> -> memref<1x!tpu.dma_semaphore, #tpu.memory_space<semaphore_mem>>
        %dma_start3A_463 = tpu.memref_squeeze %dma_start3A_462 : memref<1x!tpu.dma_semaphore, #tpu.memory_space<semaphore_mem>> -> memref<!tpu.dma_semaphore, #tpu.memory_space<semaphore_mem>>
        %dma_start3A_464 = arith.constant 0 : i32
        %dma_start3A_465 = tpu.memref_slice %arg7[%add3A_455, %dma_start3A_464] : memref<768x64xf32, #tpu.memory_space<vmem>> -> memref<1x64xf32, #tpu.memory_space<vmem>>
        %dma_start3A_466 = tpu.memref_squeeze %dma_start3A_465 : memref<1x64xf32, #tpu.memory_space<vmem>> -> memref<64xf32, #tpu.memory_space<vmem>>
        %dma_start3A_467 = arith.constant 0 : i32
        %dma_start3A_468 = tpu.memref_slice %arg4[%squeeze3A_451, %dma_start3A_467] : memref<100000x64xf32, #tpu.memory_space<hbm>> -> memref<1x64xf32, #tpu.memory_space<hbm>>
        %dma_start3A_469 = tpu.memref_squeeze %dma_start3A_468 : memref<1x64xf32, #tpu.memory_space<hbm>> -> memref<64xf32, #tpu.memory_space<hbm>>
        tpu.enqueue_dma source(%dma_start3A_469 : memref<64xf32, #tpu.memory_space<hbm>>) target(%dma_start3A_466 : memref<64xf32, #tpu.memory_space<vmem>>) target_semaphore(%dma_start3A_463 : memref<!tpu.dma_semaphore, #tpu.memory_space<semaphore_mem>>)
        %slice3A_470 = vector.extract_strided_slice %get3A_111 {offsets = [6], sizes = [1], strides = [1]} : vector<16xi32> to vector<1xi32>
        %squeeze3A_471 = vector.extract %slice3A_470[0] : i32 from vector<1xi32>
        %add3A_472 = arith.constant 6 : i32
        %add3A_473 = arith.addi %add3A_124, %add3A_472 : i32
        %dma_start3A_474 = arith.constant 0 : i32
        %dma_start3A_475 = tpu.memref_slice %arg7[%add3A_473, %dma_start3A_474] : memref<768x64xf32, #tpu.memory_space<vmem>> -> memref<1x64xf32, #tpu.memory_space<vmem>>
        %dma_start3A_476 = tpu.memref_squeeze %dma_start3A_475 : memref<1x64xf32, #tpu.memory_space<vmem>> -> memref<64xf32, #tpu.memory_space<vmem>>
        %dma_start3A_477 = arith.constant 0 : i32
        %dma_start3A_478 = tpu.memref_slice %arg3[%squeeze3A_471, %dma_start3A_477] : memref<100000x64xf32, #tpu.memory_space<hbm>> -> memref<1x64xf32, #tpu.memory_space<hbm>>
        %dma_start3A_479 = tpu.memref_squeeze %dma_start3A_478 : memref<1x64xf32, #tpu.memory_space<hbm>> -> memref<64xf32, #tpu.memory_space<hbm>>
        %dma_start3A_480 = tpu.memref_slice %arg9[%select_n3A_48] : memref<2x!tpu.dma_semaphore, #tpu.memory_space<semaphore_mem>> -> memref<1x!tpu.dma_semaphore, #tpu.memory_space<semaphore_mem>>
        %dma_start3A_481 = tpu.memref_squeeze %dma_start3A_480 : memref<1x!tpu.dma_semaphore, #tpu.memory_space<semaphore_mem>> -> memref<!tpu.dma_semaphore, #tpu.memory_space<semaphore_mem>>
        %dma_start3A_482 = arith.constant 0 : i32
        %dma_start3A_483 = tpu.memref_slice %arg7[%add3A_473, %dma_start3A_482] : memref<768x64xf32, #tpu.memory_space<vmem>> -> memref<1x64xf32, #tpu.memory_space<vmem>>
        %dma_start3A_484 = tpu.memref_squeeze %dma_start3A_483 : memref<1x64xf32, #tpu.memory_space<vmem>> -> memref<64xf32, #tpu.memory_space<vmem>>
        %dma_start3A_485 = arith.constant 0 : i32
        %dma_start3A_486 = tpu.memref_slice %arg3[%squeeze3A_471, %dma_start3A_485] : memref<100000x64xf32, #tpu.memory_space<hbm>> -> memref<1x64xf32, #tpu.memory_space<hbm>>
        %dma_start3A_487 = tpu.memref_squeeze %dma_start3A_486 : memref<1x64xf32, #tpu.memory_space<hbm>> -> memref<64xf32, #tpu.memory_space<hbm>>
        tpu.enqueue_dma source(%dma_start3A_487 : memref<64xf32, #tpu.memory_space<hbm>>) target(%dma_start3A_484 : memref<64xf32, #tpu.memory_space<vmem>>) target_semaphore(%dma_start3A_481 : memref<!tpu.dma_semaphore, #tpu.memory_space<semaphore_mem>>)
        %slice3A_488 = vector.extract_strided_slice %get3A_115 {offsets = [6], sizes = [1], strides = [1]} : vector<16xi32> to vector<1xi32>
        %squeeze3A_489 = vector.extract %slice3A_488[0] : i32 from vector<1xi32>
        %add3A_490 = arith.constant 128 : i32
        %add3A_491 = arith.addi %add3A_490, %add3A_124 : i32
        %add3A_492 = arith.constant 6 : i32
        %add3A_493 = arith.addi %add3A_491, %add3A_492 : i32
        %dma_start3A_494 = arith.constant 0 : i32
        %dma_start3A_495 = tpu.memref_slice %arg7[%add3A_493, %dma_start3A_494] : memref<768x64xf32, #tpu.memory_space<vmem>> -> memref<1x64xf32, #tpu.memory_space<vmem>>
        %dma_start3A_496 = tpu.memref_squeeze %dma_start3A_495 : memref<1x64xf32, #tpu.memory_space<vmem>> -> memref<64xf32, #tpu.memory_space<vmem>>
        %dma_start3A_497 = arith.constant 0 : i32
        %dma_start3A_498 = tpu.memref_slice %arg4[%squeeze3A_489, %dma_start3A_497] : memref<100000x64xf32, #tpu.memory_space<hbm>> -> memref<1x64xf32, #tpu.memory_space<hbm>>
        %dma_start3A_499 = tpu.memref_squeeze %dma_start3A_498 : memref<1x64xf32, #tpu.memory_space<hbm>> -> memref<64xf32, #tpu.memory_space<hbm>>
        %dma_start3A_500 = tpu.memref_slice %arg9[%select_n3A_48] : memref<2x!tpu.dma_semaphore, #tpu.memory_space<semaphore_mem>> -> memref<1x!tpu.dma_semaphore, #tpu.memory_space<semaphore_mem>>
        %dma_start3A_501 = tpu.memref_squeeze %dma_start3A_500 : memref<1x!tpu.dma_semaphore, #tpu.memory_space<semaphore_mem>> -> memref<!tpu.dma_semaphore, #tpu.memory_space<semaphore_mem>>
        %dma_start3A_502 = arith.constant 0 : i32
        %dma_start3A_503 = tpu.memref_slice %arg7[%add3A_493, %dma_start3A_502] : memref<768x64xf32, #tpu.memory_space<vmem>> -> memref<1x64xf32, #tpu.memory_space<vmem>>
        %dma_start3A_504 = tpu.memref_squeeze %dma_start3A_503 : memref<1x64xf32, #tpu.memory_space<vmem>> -> memref<64xf32, #tpu.memory_space<vmem>>
        %dma_start3A_505 = arith.constant 0 : i32
        %dma_start3A_506 = tpu.memref_slice %arg4[%squeeze3A_489, %dma_start3A_505] : memref<100000x64xf32, #tpu.memory_space<hbm>> -> memref<1x64xf32, #tpu.memory_space<hbm>>
        %dma_start3A_507 = tpu.memref_squeeze %dma_start3A_506 : memref<1x64xf32, #tpu.memory_space<hbm>> -> memref<64xf32, #tpu.memory_space<hbm>>
        tpu.enqueue_dma source(%dma_start3A_507 : memref<64xf32, #tpu.memory_space<hbm>>) target(%dma_start3A_504 : memref<64xf32, #tpu.memory_space<vmem>>) target_semaphore(%dma_start3A_501 : memref<!tpu.dma_semaphore, #tpu.memory_space<semaphore_mem>>)
        %slice3A_508 = vector.extract_strided_slice %get3A_119 {offsets = [6], sizes = [1], strides = [1]} : vector<16xi32> to vector<1xi32>
        %squeeze3A_509 = vector.extract %slice3A_508[0] : i32 from vector<1xi32>
        %add3A_510 = arith.constant 256 : i32
        %add3A_511 = arith.addi %add3A_510, %add3A_124 : i32
        %add3A_512 = arith.constant 6 : i32
        %add3A_513 = arith.addi %add3A_511, %add3A_512 : i32
        %dma_start3A_514 = arith.constant 0 : i32
        %dma_start3A_515 = tpu.memref_slice %arg7[%add3A_513, %dma_start3A_514] : memref<768x64xf32, #tpu.memory_space<vmem>> -> memref<1x64xf32, #tpu.memory_space<vmem>>
        %dma_start3A_516 = tpu.memref_squeeze %dma_start3A_515 : memref<1x64xf32, #tpu.memory_space<vmem>> -> memref<64xf32, #tpu.memory_space<vmem>>
        %dma_start3A_517 = arith.constant 0 : i32
        %dma_start3A_518 = tpu.memref_slice %arg4[%squeeze3A_509, %dma_start3A_517] : memref<100000x64xf32, #tpu.memory_space<hbm>> -> memref<1x64xf32, #tpu.memory_space<hbm>>
        %dma_start3A_519 = tpu.memref_squeeze %dma_start3A_518 : memref<1x64xf32, #tpu.memory_space<hbm>> -> memref<64xf32, #tpu.memory_space<hbm>>
        %dma_start3A_520 = tpu.memref_slice %arg9[%select_n3A_48] : memref<2x!tpu.dma_semaphore, #tpu.memory_space<semaphore_mem>> -> memref<1x!tpu.dma_semaphore, #tpu.memory_space<semaphore_mem>>
        %dma_start3A_521 = tpu.memref_squeeze %dma_start3A_520 : memref<1x!tpu.dma_semaphore, #tpu.memory_space<semaphore_mem>> -> memref<!tpu.dma_semaphore, #tpu.memory_space<semaphore_mem>>
        %dma_start3A_522 = arith.constant 0 : i32
        %dma_start3A_523 = tpu.memref_slice %arg7[%add3A_513, %dma_start3A_522] : memref<768x64xf32, #tpu.memory_space<vmem>> -> memref<1x64xf32, #tpu.memory_space<vmem>>
        %dma_start3A_524 = tpu.memref_squeeze %dma_start3A_523 : memref<1x64xf32, #tpu.memory_space<vmem>> -> memref<64xf32, #tpu.memory_space<vmem>>
        %dma_start3A_525 = arith.constant 0 : i32
        %dma_start3A_526 = tpu.memref_slice %arg4[%squeeze3A_509, %dma_start3A_525] : memref<100000x64xf32, #tpu.memory_space<hbm>> -> memref<1x64xf32, #tpu.memory_space<hbm>>
        %dma_start3A_527 = tpu.memref_squeeze %dma_start3A_526 : memref<1x64xf32, #tpu.memory_space<hbm>> -> memref<64xf32, #tpu.memory_space<hbm>>
        tpu.enqueue_dma source(%dma_start3A_527 : memref<64xf32, #tpu.memory_space<hbm>>) target(%dma_start3A_524 : memref<64xf32, #tpu.memory_space<vmem>>) target_semaphore(%dma_start3A_521 : memref<!tpu.dma_semaphore, #tpu.memory_space<semaphore_mem>>)
        %slice3A_528 = vector.extract_strided_slice %get3A_111 {offsets = [7], sizes = [1], strides = [1]} : vector<16xi32> to vector<1xi32>
        %squeeze3A_529 = vector.extract %slice3A_528[0] : i32 from vector<1xi32>
        %add3A_530 = arith.constant 7 : i32
        %add3A_531 = arith.addi %add3A_124, %add3A_530 : i32
        %dma_start3A_532 = arith.constant 0 : i32
        %dma_start3A_533 = tpu.memref_slice %arg7[%add3A_531, %dma_start3A_532] : memref<768x64xf32, #tpu.memory_space<vmem>> -> memref<1x64xf32, #tpu.memory_space<vmem>>
        %dma_start3A_534 = tpu.memref_squeeze %dma_start3A_533 : memref<1x64xf32, #tpu.memory_space<vmem>> -> memref<64xf32, #tpu.memory_space<vmem>>
        %dma_start3A_535 = arith.constant 0 : i32
        %dma_start3A_536 = tpu.memref_slice %arg3[%squeeze3A_529, %dma_start3A_535] : memref<100000x64xf32, #tpu.memory_space<hbm>> -> memref<1x64xf32, #tpu.memory_space<hbm>>
        %dma_start3A_537 = tpu.memref_squeeze %dma_start3A_536 : memref<1x64xf32, #tpu.memory_space<hbm>> -> memref<64xf32, #tpu.memory_space<hbm>>
        %dma_start3A_538 = tpu.memref_slice %arg9[%select_n3A_48] : memref<2x!tpu.dma_semaphore, #tpu.memory_space<semaphore_mem>> -> memref<1x!tpu.dma_semaphore, #tpu.memory_space<semaphore_mem>>
        %dma_start3A_539 = tpu.memref_squeeze %dma_start3A_538 : memref<1x!tpu.dma_semaphore, #tpu.memory_space<semaphore_mem>> -> memref<!tpu.dma_semaphore, #tpu.memory_space<semaphore_mem>>
        %dma_start3A_540 = arith.constant 0 : i32
        %dma_start3A_541 = tpu.memref_slice %arg7[%add3A_531, %dma_start3A_540] : memref<768x64xf32, #tpu.memory_space<vmem>> -> memref<1x64xf32, #tpu.memory_space<vmem>>
        %dma_start3A_542 = tpu.memref_squeeze %dma_start3A_541 : memref<1x64xf32, #tpu.memory_space<vmem>> -> memref<64xf32, #tpu.memory_space<vmem>>
        %dma_start3A_543 = arith.constant 0 : i32
        %dma_start3A_544 = tpu.memref_slice %arg3[%squeeze3A_529, %dma_start3A_543] : memref<100000x64xf32, #tpu.memory_space<hbm>> -> memref<1x64xf32, #tpu.memory_space<hbm>>
        %dma_start3A_545 = tpu.memref_squeeze %dma_start3A_544 : memref<1x64xf32, #tpu.memory_space<hbm>> -> memref<64xf32, #tpu.memory_space<hbm>>
        tpu.enqueue_dma source(%dma_start3A_545 : memref<64xf32, #tpu.memory_space<hbm>>) target(%dma_start3A_542 : memref<64xf32, #tpu.memory_space<vmem>>) target_semaphore(%dma_start3A_539 : memref<!tpu.dma_semaphore, #tpu.memory_space<semaphore_mem>>)
        %slice3A_546 = vector.extract_strided_slice %get3A_115 {offsets = [7], sizes = [1], strides = [1]} : vector<16xi32> to vector<1xi32>
        %squeeze3A_547 = vector.extract %slice3A_546[0] : i32 from vector<1xi32>
        %add3A_548 = arith.constant 128 : i32
        %add3A_549 = arith.addi %add3A_548, %add3A_124 : i32
        %add3A_550 = arith.constant 7 : i32
        %add3A_551 = arith.addi %add3A_549, %add3A_550 : i32
        %dma_start3A_552 = arith.constant 0 : i32
        %dma_start3A_553 = tpu.memref_slice %arg7[%add3A_551, %dma_start3A_552] : memref<768x64xf32, #tpu.memory_space<vmem>> -> memref<1x64xf32, #tpu.memory_space<vmem>>
        %dma_start3A_554 = tpu.memref_squeeze %dma_start3A_553 : memref<1x64xf32, #tpu.memory_space<vmem>> -> memref<64xf32, #tpu.memory_space<vmem>>
        %dma_start3A_555 = arith.constant 0 : i32
        %dma_start3A_556 = tpu.memref_slice %arg4[%squeeze3A_547, %dma_start3A_555] : memref<100000x64xf32, #tpu.memory_space<hbm>> -> memref<1x64xf32, #tpu.memory_space<hbm>>
        %dma_start3A_557 = tpu.memref_squeeze %dma_start3A_556 : memref<1x64xf32, #tpu.memory_space<hbm>> -> memref<64xf32, #tpu.memory_space<hbm>>
        %dma_start3A_558 = tpu.memref_slice %arg9[%select_n3A_48] : memref<2x!tpu.dma_semaphore, #tpu.memory_space<semaphore_mem>> -> memref<1x!tpu.dma_semaphore, #tpu.memory_space<semaphore_mem>>
        %dma_start3A_559 = tpu.memref_squeeze %dma_start3A_558 : memref<1x!tpu.dma_semaphore, #tpu.memory_space<semaphore_mem>> -> memref<!tpu.dma_semaphore, #tpu.memory_space<semaphore_mem>>
        %dma_start3A_560 = arith.constant 0 : i32
        %dma_start3A_561 = tpu.memref_slice %arg7[%add3A_551, %dma_start3A_560] : memref<768x64xf32, #tpu.memory_space<vmem>> -> memref<1x64xf32, #tpu.memory_space<vmem>>
        %dma_start3A_562 = tpu.memref_squeeze %dma_start3A_561 : memref<1x64xf32, #tpu.memory_space<vmem>> -> memref<64xf32, #tpu.memory_space<vmem>>
        %dma_start3A_563 = arith.constant 0 : i32
        %dma_start3A_564 = tpu.memref_slice %arg4[%squeeze3A_547, %dma_start3A_563] : memref<100000x64xf32, #tpu.memory_space<hbm>> -> memref<1x64xf32, #tpu.memory_space<hbm>>
        %dma_start3A_565 = tpu.memref_squeeze %dma_start3A_564 : memref<1x64xf32, #tpu.memory_space<hbm>> -> memref<64xf32, #tpu.memory_space<hbm>>
        tpu.enqueue_dma source(%dma_start3A_565 : memref<64xf32, #tpu.memory_space<hbm>>) target(%dma_start3A_562 : memref<64xf32, #tpu.memory_space<vmem>>) target_semaphore(%dma_start3A_559 : memref<!tpu.dma_semaphore, #tpu.memory_space<semaphore_mem>>)
        %slice3A_566 = vector.extract_strided_slice %get3A_119 {offsets = [7], sizes = [1], strides = [1]} : vector<16xi32> to vector<1xi32>
        %squeeze3A_567 = vector.extract %slice3A_566[0] : i32 from vector<1xi32>
        %add3A_568 = arith.constant 256 : i32
        %add3A_569 = arith.addi %add3A_568, %add3A_124 : i32
        %add3A_570 = arith.constant 7 : i32
        %add3A_571 = arith.addi %add3A_569, %add3A_570 : i32
        %dma_start3A_572 = arith.constant 0 : i32
        %dma_start3A_573 = tpu.memref_slice %arg7[%add3A_571, %dma_start3A_572] : memref<768x64xf32, #tpu.memory_space<vmem>> -> memref<1x64xf32, #tpu.memory_space<vmem>>
        %dma_start3A_574 = tpu.memref_squeeze %dma_start3A_573 : memref<1x64xf32, #tpu.memory_space<vmem>> -> memref<64xf32, #tpu.memory_space<vmem>>
        %dma_start3A_575 = arith.constant 0 : i32
        %dma_start3A_576 = tpu.memref_slice %arg4[%squeeze3A_567, %dma_start3A_575] : memref<100000x64xf32, #tpu.memory_space<hbm>> -> memref<1x64xf32, #tpu.memory_space<hbm>>
        %dma_start3A_577 = tpu.memref_squeeze %dma_start3A_576 : memref<1x64xf32, #tpu.memory_space<hbm>> -> memref<64xf32, #tpu.memory_space<hbm>>
        %dma_start3A_578 = tpu.memref_slice %arg9[%select_n3A_48] : memref<2x!tpu.dma_semaphore, #tpu.memory_space<semaphore_mem>> -> memref<1x!tpu.dma_semaphore, #tpu.memory_space<semaphore_mem>>
        %dma_start3A_579 = tpu.memref_squeeze %dma_start3A_578 : memref<1x!tpu.dma_semaphore, #tpu.memory_space<semaphore_mem>> -> memref<!tpu.dma_semaphore, #tpu.memory_space<semaphore_mem>>
        %dma_start3A_580 = arith.constant 0 : i32
        %dma_start3A_581 = tpu.memref_slice %arg7[%add3A_571, %dma_start3A_580] : memref<768x64xf32, #tpu.memory_space<vmem>> -> memref<1x64xf32, #tpu.memory_space<vmem>>
        %dma_start3A_582 = tpu.memref_squeeze %dma_start3A_581 : memref<1x64xf32, #tpu.memory_space<vmem>> -> memref<64xf32, #tpu.memory_space<vmem>>
        %dma_start3A_583 = arith.constant 0 : i32
        %dma_start3A_584 = tpu.memref_slice %arg4[%squeeze3A_567, %dma_start3A_583] : memref<100000x64xf32, #tpu.memory_space<hbm>> -> memref<1x64xf32, #tpu.memory_space<hbm>>
        %dma_start3A_585 = tpu.memref_squeeze %dma_start3A_584 : memref<1x64xf32, #tpu.memory_space<hbm>> -> memref<64xf32, #tpu.memory_space<hbm>>
        tpu.enqueue_dma source(%dma_start3A_585 : memref<64xf32, #tpu.memory_space<hbm>>) target(%dma_start3A_582 : memref<64xf32, #tpu.memory_space<vmem>>) target_semaphore(%dma_start3A_579 : memref<!tpu.dma_semaphore, #tpu.memory_space<semaphore_mem>>)
        %slice3A_586 = vector.extract_strided_slice %get3A_111 {offsets = [8], sizes = [1], strides = [1]} : vector<16xi32> to vector<1xi32>
        %squeeze3A_587 = vector.extract %slice3A_586[0] : i32 from vector<1xi32>
        %add3A_588 = arith.constant 8 : i32
        %add3A_589 = arith.addi %add3A_124, %add3A_588 : i32
        %dma_start3A_590 = arith.constant 0 : i32
        %dma_start3A_591 = tpu.memref_slice %arg7[%add3A_589, %dma_start3A_590] : memref<768x64xf32, #tpu.memory_space<vmem>> -> memref<1x64xf32, #tpu.memory_space<vmem>>
        %dma_start3A_592 = tpu.memref_squeeze %dma_start3A_591 : memref<1x64xf32, #tpu.memory_space<vmem>> -> memref<64xf32, #tpu.memory_space<vmem>>
        %dma_start3A_593 = arith.constant 0 : i32
        %dma_start3A_594 = tpu.memref_slice %arg3[%squeeze3A_587, %dma_start3A_593] : memref<100000x64xf32, #tpu.memory_space<hbm>> -> memref<1x64xf32, #tpu.memory_space<hbm>>
        %dma_start3A_595 = tpu.memref_squeeze %dma_start3A_594 : memref<1x64xf32, #tpu.memory_space<hbm>> -> memref<64xf32, #tpu.memory_space<hbm>>
        %dma_start3A_596 = tpu.memref_slice %arg9[%select_n3A_48] : memref<2x!tpu.dma_semaphore, #tpu.memory_space<semaphore_mem>> -> memref<1x!tpu.dma_semaphore, #tpu.memory_space<semaphore_mem>>
        %dma_start3A_597 = tpu.memref_squeeze %dma_start3A_596 : memref<1x!tpu.dma_semaphore, #tpu.memory_space<semaphore_mem>> -> memref<!tpu.dma_semaphore, #tpu.memory_space<semaphore_mem>>
        %dma_start3A_598 = arith.constant 0 : i32
        %dma_start3A_599 = tpu.memref_slice %arg7[%add3A_589, %dma_start3A_598] : memref<768x64xf32, #tpu.memory_space<vmem>> -> memref<1x64xf32, #tpu.memory_space<vmem>>
        %dma_start3A_600 = tpu.memref_squeeze %dma_start3A_599 : memref<1x64xf32, #tpu.memory_space<vmem>> -> memref<64xf32, #tpu.memory_space<vmem>>
        %dma_start3A_601 = arith.constant 0 : i32
        %dma_start3A_602 = tpu.memref_slice %arg3[%squeeze3A_587, %dma_start3A_601] : memref<100000x64xf32, #tpu.memory_space<hbm>> -> memref<1x64xf32, #tpu.memory_space<hbm>>
        %dma_start3A_603 = tpu.memref_squeeze %dma_start3A_602 : memref<1x64xf32, #tpu.memory_space<hbm>> -> memref<64xf32, #tpu.memory_space<hbm>>
        tpu.enqueue_dma source(%dma_start3A_603 : memref<64xf32, #tpu.memory_space<hbm>>) target(%dma_start3A_600 : memref<64xf32, #tpu.memory_space<vmem>>) target_semaphore(%dma_start3A_597 : memref<!tpu.dma_semaphore, #tpu.memory_space<semaphore_mem>>)
        %slice3A_604 = vector.extract_strided_slice %get3A_115 {offsets = [8], sizes = [1], strides = [1]} : vector<16xi32> to vector<1xi32>
        %squeeze3A_605 = vector.extract %slice3A_604[0] : i32 from vector<1xi32>
        %add3A_606 = arith.constant 128 : i32
        %add3A_607 = arith.addi %add3A_606, %add3A_124 : i32
        %add3A_608 = arith.constant 8 : i32
        %add3A_609 = arith.addi %add3A_607, %add3A_608 : i32
        %dma_start3A_610 = arith.constant 0 : i32
        %dma_start3A_611 = tpu.memref_slice %arg7[%add3A_609, %dma_start3A_610] : memref<768x64xf32, #tpu.memory_space<vmem>> -> memref<1x64xf32, #tpu.memory_space<vmem>>
        %dma_start3A_612 = tpu.memref_squeeze %dma_start3A_611 : memref<1x64xf32, #tpu.memory_space<vmem>> -> memref<64xf32, #tpu.memory_space<vmem>>
        %dma_start3A_613 = arith.constant 0 : i32
        %dma_start3A_614 = tpu.memref_slice %arg4[%squeeze3A_605, %dma_start3A_613] : memref<100000x64xf32, #tpu.memory_space<hbm>> -> memref<1x64xf32, #tpu.memory_space<hbm>>
        %dma_start3A_615 = tpu.memref_squeeze %dma_start3A_614 : memref<1x64xf32, #tpu.memory_space<hbm>> -> memref<64xf32, #tpu.memory_space<hbm>>
        %dma_start3A_616 = tpu.memref_slice %arg9[%select_n3A_48] : memref<2x!tpu.dma_semaphore, #tpu.memory_space<semaphore_mem>> -> memref<1x!tpu.dma_semaphore, #tpu.memory_space<semaphore_mem>>
        %dma_start3A_617 = tpu.memref_squeeze %dma_start3A_616 : memref<1x!tpu.dma_semaphore, #tpu.memory_space<semaphore_mem>> -> memref<!tpu.dma_semaphore, #tpu.memory_space<semaphore_mem>>
        %dma_start3A_618 = arith.constant 0 : i32
        %dma_start3A_619 = tpu.memref_slice %arg7[%add3A_609, %dma_start3A_618] : memref<768x64xf32, #tpu.memory_space<vmem>> -> memref<1x64xf32, #tpu.memory_space<vmem>>
        %dma_start3A_620 = tpu.memref_squeeze %dma_start3A_619 : memref<1x64xf32, #tpu.memory_space<vmem>> -> memref<64xf32, #tpu.memory_space<vmem>>
        %dma_start3A_621 = arith.constant 0 : i32
        %dma_start3A_622 = tpu.memref_slice %arg4[%squeeze3A_605, %dma_start3A_621] : memref<100000x64xf32, #tpu.memory_space<hbm>> -> memref<1x64xf32, #tpu.memory_space<hbm>>
        %dma_start3A_623 = tpu.memref_squeeze %dma_start3A_622 : memref<1x64xf32, #tpu.memory_space<hbm>> -> memref<64xf32, #tpu.memory_space<hbm>>
        tpu.enqueue_dma source(%dma_start3A_623 : memref<64xf32, #tpu.memory_space<hbm>>) target(%dma_start3A_620 : memref<64xf32, #tpu.memory_space<vmem>>) target_semaphore(%dma_start3A_617 : memref<!tpu.dma_semaphore, #tpu.memory_space<semaphore_mem>>)
        %slice3A_624 = vector.extract_strided_slice %get3A_119 {offsets = [8], sizes = [1], strides = [1]} : vector<16xi32> to vector<1xi32>
        %squeeze3A_625 = vector.extract %slice3A_624[0] : i32 from vector<1xi32>
        %add3A_626 = arith.constant 256 : i32
        %add3A_627 = arith.addi %add3A_626, %add3A_124 : i32
        %add3A_628 = arith.constant 8 : i32
        %add3A_629 = arith.addi %add3A_627, %add3A_628 : i32
        %dma_start3A_630 = arith.constant 0 : i32
        %dma_start3A_631 = tpu.memref_slice %arg7[%add3A_629, %dma_start3A_630] : memref<768x64xf32, #tpu.memory_space<vmem>> -> memref<1x64xf32, #tpu.memory_space<vmem>>
        %dma_start3A_632 = tpu.memref_squeeze %dma_start3A_631 : memref<1x64xf32, #tpu.memory_space<vmem>> -> memref<64xf32, #tpu.memory_space<vmem>>
        %dma_start3A_633 = arith.constant 0 : i32
        %dma_start3A_634 = tpu.memref_slice %arg4[%squeeze3A_625, %dma_start3A_633] : memref<100000x64xf32, #tpu.memory_space<hbm>> -> memref<1x64xf32, #tpu.memory_space<hbm>>
        %dma_start3A_635 = tpu.memref_squeeze %dma_start3A_634 : memref<1x64xf32, #tpu.memory_space<hbm>> -> memref<64xf32, #tpu.memory_space<hbm>>
        %dma_start3A_636 = tpu.memref_slice %arg9[%select_n3A_48] : memref<2x!tpu.dma_semaphore, #tpu.memory_space<semaphore_mem>> -> memref<1x!tpu.dma_semaphore, #tpu.memory_space<semaphore_mem>>
        %dma_start3A_637 = tpu.memref_squeeze %dma_start3A_636 : memref<1x!tpu.dma_semaphore, #tpu.memory_space<semaphore_mem>> -> memref<!tpu.dma_semaphore, #tpu.memory_space<semaphore_mem>>
        %dma_start3A_638 = arith.constant 0 : i32
        %dma_start3A_639 = tpu.memref_slice %arg7[%add3A_629, %dma_start3A_638] : memref<768x64xf32, #tpu.memory_space<vmem>> -> memref<1x64xf32, #tpu.memory_space<vmem>>
        %dma_start3A_640 = tpu.memref_squeeze %dma_start3A_639 : memref<1x64xf32, #tpu.memory_space<vmem>> -> memref<64xf32, #tpu.memory_space<vmem>>
        %dma_start3A_641 = arith.constant 0 : i32
        %dma_start3A_642 = tpu.memref_slice %arg4[%squeeze3A_625, %dma_start3A_641] : memref<100000x64xf32, #tpu.memory_space<hbm>> -> memref<1x64xf32, #tpu.memory_space<hbm>>
        %dma_start3A_643 = tpu.memref_squeeze %dma_start3A_642 : memref<1x64xf32, #tpu.memory_space<hbm>> -> memref<64xf32, #tpu.memory_space<hbm>>
        tpu.enqueue_dma source(%dma_start3A_643 : memref<64xf32, #tpu.memory_space<hbm>>) target(%dma_start3A_640 : memref<64xf32, #tpu.memory_space<vmem>>) target_semaphore(%dma_start3A_637 : memref<!tpu.dma_semaphore, #tpu.memory_space<semaphore_mem>>)
        %slice3A_644 = vector.extract_strided_slice %get3A_111 {offsets = [9], sizes = [1], strides = [1]} : vector<16xi32> to vector<1xi32>
        %squeeze3A_645 = vector.extract %slice3A_644[0] : i32 from vector<1xi32>
        %add3A_646 = arith.constant 9 : i32
        %add3A_647 = arith.addi %add3A_124, %add3A_646 : i32
        %dma_start3A_648 = arith.constant 0 : i32
        %dma_start3A_649 = tpu.memref_slice %arg7[%add3A_647, %dma_start3A_648] : memref<768x64xf32, #tpu.memory_space<vmem>> -> memref<1x64xf32, #tpu.memory_space<vmem>>
        %dma_start3A_650 = tpu.memref_squeeze %dma_start3A_649 : memref<1x64xf32, #tpu.memory_space<vmem>> -> memref<64xf32, #tpu.memory_space<vmem>>
        %dma_start3A_651 = arith.constant 0 : i32
        %dma_start3A_652 = tpu.memref_slice %arg3[%squeeze3A_645, %dma_start3A_651] : memref<100000x64xf32, #tpu.memory_space<hbm>> -> memref<1x64xf32, #tpu.memory_space<hbm>>
        %dma_start3A_653 = tpu.memref_squeeze %dma_start3A_652 : memref<1x64xf32, #tpu.memory_space<hbm>> -> memref<64xf32, #tpu.memory_space<hbm>>
        %dma_start3A_654 = tpu.memref_slice %arg9[%select_n3A_48] : memref<2x!tpu.dma_semaphore, #tpu.memory_space<semaphore_mem>> -> memref<1x!tpu.dma_semaphore, #tpu.memory_space<semaphore_mem>>
        %dma_start3A_655 = tpu.memref_squeeze %dma_start3A_654 : memref<1x!tpu.dma_semaphore, #tpu.memory_space<semaphore_mem>> -> memref<!tpu.dma_semaphore, #tpu.memory_space<semaphore_mem>>
        %dma_start3A_656 = arith.constant 0 : i32
        %dma_start3A_657 = tpu.memref_slice %arg7[%add3A_647, %dma_start3A_656] : memref<768x64xf32, #tpu.memory_space<vmem>> -> memref<1x64xf32, #tpu.memory_space<vmem>>
        %dma_start3A_658 = tpu.memref_squeeze %dma_start3A_657 : memref<1x64xf32, #tpu.memory_space<vmem>> -> memref<64xf32, #tpu.memory_space<vmem>>
        %dma_start3A_659 = arith.constant 0 : i32
        %dma_start3A_660 = tpu.memref_slice %arg3[%squeeze3A_645, %dma_start3A_659] : memref<100000x64xf32, #tpu.memory_space<hbm>> -> memref<1x64xf32, #tpu.memory_space<hbm>>
        %dma_start3A_661 = tpu.memref_squeeze %dma_start3A_660 : memref<1x64xf32, #tpu.memory_space<hbm>> -> memref<64xf32, #tpu.memory_space<hbm>>
        tpu.enqueue_dma source(%dma_start3A_661 : memref<64xf32, #tpu.memory_space<hbm>>) target(%dma_start3A_658 : memref<64xf32, #tpu.memory_space<vmem>>) target_semaphore(%dma_start3A_655 : memref<!tpu.dma_semaphore, #tpu.memory_space<semaphore_mem>>)
        %slice3A_662 = vector.extract_strided_slice %get3A_115 {offsets = [9], sizes = [1], strides = [1]} : vector<16xi32> to vector<1xi32>
        %squeeze3A_663 = vector.extract %slice3A_662[0] : i32 from vector<1xi32>
        %add3A_664 = arith.constant 128 : i32
        %add3A_665 = arith.addi %add3A_664, %add3A_124 : i32
        %add3A_666 = arith.constant 9 : i32
        %add3A_667 = arith.addi %add3A_665, %add3A_666 : i32
        %dma_start3A_668 = arith.constant 0 : i32
        %dma_start3A_669 = tpu.memref_slice %arg7[%add3A_667, %dma_start3A_668] : memref<768x64xf32, #tpu.memory_space<vmem>> -> memref<1x64xf32, #tpu.memory_space<vmem>>
        %dma_start3A_670 = tpu.memref_squeeze %dma_start3A_669 : memref<1x64xf32, #tpu.memory_space<vmem>> -> memref<64xf32, #tpu.memory_space<vmem>>
        %dma_start3A_671 = arith.constant 0 : i32
        %dma_start3A_672 = tpu.memref_slice %arg4[%squeeze3A_663, %dma_start3A_671] : memref<100000x64xf32, #tpu.memory_space<hbm>> -> memref<1x64xf32, #tpu.memory_space<hbm>>
        %dma_start3A_673 = tpu.memref_squeeze %dma_start3A_672 : memref<1x64xf32, #tpu.memory_space<hbm>> -> memref<64xf32, #tpu.memory_space<hbm>>
        %dma_start3A_674 = tpu.memref_slice %arg9[%select_n3A_48] : memref<2x!tpu.dma_semaphore, #tpu.memory_space<semaphore_mem>> -> memref<1x!tpu.dma_semaphore, #tpu.memory_space<semaphore_mem>>
        %dma_start3A_675 = tpu.memref_squeeze %dma_start3A_674 : memref<1x!tpu.dma_semaphore, #tpu.memory_space<semaphore_mem>> -> memref<!tpu.dma_semaphore, #tpu.memory_space<semaphore_mem>>
        %dma_start3A_676 = arith.constant 0 : i32
        %dma_start3A_677 = tpu.memref_slice %arg7[%add3A_667, %dma_start3A_676] : memref<768x64xf32, #tpu.memory_space<vmem>> -> memref<1x64xf32, #tpu.memory_space<vmem>>
        %dma_start3A_678 = tpu.memref_squeeze %dma_start3A_677 : memref<1x64xf32, #tpu.memory_space<vmem>> -> memref<64xf32, #tpu.memory_space<vmem>>
        %dma_start3A_679 = arith.constant 0 : i32
        %dma_start3A_680 = tpu.memref_slice %arg4[%squeeze3A_663, %dma_start3A_679] : memref<100000x64xf32, #tpu.memory_space<hbm>> -> memref<1x64xf32, #tpu.memory_space<hbm>>
        %dma_start3A_681 = tpu.memref_squeeze %dma_start3A_680 : memref<1x64xf32, #tpu.memory_space<hbm>> -> memref<64xf32, #tpu.memory_space<hbm>>
        tpu.enqueue_dma source(%dma_start3A_681 : memref<64xf32, #tpu.memory_space<hbm>>) target(%dma_start3A_678 : memref<64xf32, #tpu.memory_space<vmem>>) target_semaphore(%dma_start3A_675 : memref<!tpu.dma_semaphore, #tpu.memory_space<semaphore_mem>>)
        %slice3A_682 = vector.extract_strided_slice %get3A_119 {offsets = [9], sizes = [1], strides = [1]} : vector<16xi32> to vector<1xi32>
        %squeeze3A_683 = vector.extract %slice3A_682[0] : i32 from vector<1xi32>
        %add3A_684 = arith.constant 256 : i32
        %add3A_685 = arith.addi %add3A_684, %add3A_124 : i32
        %add3A_686 = arith.constant 9 : i32
        %add3A_687 = arith.addi %add3A_685, %add3A_686 : i32
        %dma_start3A_688 = arith.constant 0 : i32
        %dma_start3A_689 = tpu.memref_slice %arg7[%add3A_687, %dma_start3A_688] : memref<768x64xf32, #tpu.memory_space<vmem>> -> memref<1x64xf32, #tpu.memory_space<vmem>>
        %dma_start3A_690 = tpu.memref_squeeze %dma_start3A_689 : memref<1x64xf32, #tpu.memory_space<vmem>> -> memref<64xf32, #tpu.memory_space<vmem>>
        %dma_start3A_691 = arith.constant 0 : i32
        %dma_start3A_692 = tpu.memref_slice %arg4[%squeeze3A_683, %dma_start3A_691] : memref<100000x64xf32, #tpu.memory_space<hbm>> -> memref<1x64xf32, #tpu.memory_space<hbm>>
        %dma_start3A_693 = tpu.memref_squeeze %dma_start3A_692 : memref<1x64xf32, #tpu.memory_space<hbm>> -> memref<64xf32, #tpu.memory_space<hbm>>
        %dma_start3A_694 = tpu.memref_slice %arg9[%select_n3A_48] : memref<2x!tpu.dma_semaphore, #tpu.memory_space<semaphore_mem>> -> memref<1x!tpu.dma_semaphore, #tpu.memory_space<semaphore_mem>>
        %dma_start3A_695 = tpu.memref_squeeze %dma_start3A_694 : memref<1x!tpu.dma_semaphore, #tpu.memory_space<semaphore_mem>> -> memref<!tpu.dma_semaphore, #tpu.memory_space<semaphore_mem>>
        %dma_start3A_696 = arith.constant 0 : i32
        %dma_start3A_697 = tpu.memref_slice %arg7[%add3A_687, %dma_start3A_696] : memref<768x64xf32, #tpu.memory_space<vmem>> -> memref<1x64xf32, #tpu.memory_space<vmem>>
        %dma_start3A_698 = tpu.memref_squeeze %dma_start3A_697 : memref<1x64xf32, #tpu.memory_space<vmem>> -> memref<64xf32, #tpu.memory_space<vmem>>
        %dma_start3A_699 = arith.constant 0 : i32
        %dma_start3A_700 = tpu.memref_slice %arg4[%squeeze3A_683, %dma_start3A_699] : memref<100000x64xf32, #tpu.memory_space<hbm>> -> memref<1x64xf32, #tpu.memory_space<hbm>>
        %dma_start3A_701 = tpu.memref_squeeze %dma_start3A_700 : memref<1x64xf32, #tpu.memory_space<hbm>> -> memref<64xf32, #tpu.memory_space<hbm>>
        tpu.enqueue_dma source(%dma_start3A_701 : memref<64xf32, #tpu.memory_space<hbm>>) target(%dma_start3A_698 : memref<64xf32, #tpu.memory_space<vmem>>) target_semaphore(%dma_start3A_695 : memref<!tpu.dma_semaphore, #tpu.memory_space<semaphore_mem>>)
        %slice3A_702 = vector.extract_strided_slice %get3A_111 {offsets = [10], sizes = [1], strides = [1]} : vector<16xi32> to vector<1xi32>
        %squeeze3A_703 = vector.extract %slice3A_702[0] : i32 from vector<1xi32>
        %add3A_704 = arith.constant 10 : i32
        %add3A_705 = arith.addi %add3A_124, %add3A_704 : i32
        %dma_start3A_706 = arith.constant 0 : i32
        %dma_start3A_707 = tpu.memref_slice %arg7[%add3A_705, %dma_start3A_706] : memref<768x64xf32, #tpu.memory_space<vmem>> -> memref<1x64xf32, #tpu.memory_space<vmem>>
        %dma_start3A_708 = tpu.memref_squeeze %dma_start3A_707 : memref<1x64xf32, #tpu.memory_space<vmem>> -> memref<64xf32, #tpu.memory_space<vmem>>
        %dma_start3A_709 = arith.constant 0 : i32
        %dma_start3A_710 = tpu.memref_slice %arg3[%squeeze3A_703, %dma_start3A_709] : memref<100000x64xf32, #tpu.memory_space<hbm>> -> memref<1x64xf32, #tpu.memory_space<hbm>>
        %dma_start3A_711 = tpu.memref_squeeze %dma_start3A_710 : memref<1x64xf32, #tpu.memory_space<hbm>> -> memref<64xf32, #tpu.memory_space<hbm>>
        %dma_start3A_712 = tpu.memref_slice %arg9[%select_n3A_48] : memref<2x!tpu.dma_semaphore, #tpu.memory_space<semaphore_mem>> -> memref<1x!tpu.dma_semaphore, #tpu.memory_space<semaphore_mem>>
        %dma_start3A_713 = tpu.memref_squeeze %dma_start3A_712 : memref<1x!tpu.dma_semaphore, #tpu.memory_space<semaphore_mem>> -> memref<!tpu.dma_semaphore, #tpu.memory_space<semaphore_mem>>
        %dma_start3A_714 = arith.constant 0 : i32
        %dma_start3A_715 = tpu.memref_slice %arg7[%add3A_705, %dma_start3A_714] : memref<768x64xf32, #tpu.memory_space<vmem>> -> memref<1x64xf32, #tpu.memory_space<vmem>>
        %dma_start3A_716 = tpu.memref_squeeze %dma_start3A_715 : memref<1x64xf32, #tpu.memory_space<vmem>> -> memref<64xf32, #tpu.memory_space<vmem>>
        %dma_start3A_717 = arith.constant 0 : i32
        %dma_start3A_718 = tpu.memref_slice %arg3[%squeeze3A_703, %dma_start3A_717] : memref<100000x64xf32, #tpu.memory_space<hbm>> -> memref<1x64xf32, #tpu.memory_space<hbm>>
        %dma_start3A_719 = tpu.memref_squeeze %dma_start3A_718 : memref<1x64xf32, #tpu.memory_space<hbm>> -> memref<64xf32, #tpu.memory_space<hbm>>
        tpu.enqueue_dma source(%dma_start3A_719 : memref<64xf32, #tpu.memory_space<hbm>>) target(%dma_start3A_716 : memref<64xf32, #tpu.memory_space<vmem>>) target_semaphore(%dma_start3A_713 : memref<!tpu.dma_semaphore, #tpu.memory_space<semaphore_mem>>)
        %slice3A_720 = vector.extract_strided_slice %get3A_115 {offsets = [10], sizes = [1], strides = [1]} : vector<16xi32> to vector<1xi32>
        %squeeze3A_721 = vector.extract %slice3A_720[0] : i32 from vector<1xi32>
        %add3A_722 = arith.constant 128 : i32
        %add3A_723 = arith.addi %add3A_722, %add3A_124 : i32
        %add3A_724 = arith.constant 10 : i32
        %add3A_725 = arith.addi %add3A_723, %add3A_724 : i32
        %dma_start3A_726 = arith.constant 0 : i32
        %dma_start3A_727 = tpu.memref_slice %arg7[%add3A_725, %dma_start3A_726] : memref<768x64xf32, #tpu.memory_space<vmem>> -> memref<1x64xf32, #tpu.memory_space<vmem>>
        %dma_start3A_728 = tpu.memref_squeeze %dma_start3A_727 : memref<1x64xf32, #tpu.memory_space<vmem>> -> memref<64xf32, #tpu.memory_space<vmem>>
        %dma_start3A_729 = arith.constant 0 : i32
        %dma_start3A_730 = tpu.memref_slice %arg4[%squeeze3A_721, %dma_start3A_729] : memref<100000x64xf32, #tpu.memory_space<hbm>> -> memref<1x64xf32, #tpu.memory_space<hbm>>
        %dma_start3A_731 = tpu.memref_squeeze %dma_start3A_730 : memref<1x64xf32, #tpu.memory_space<hbm>> -> memref<64xf32, #tpu.memory_space<hbm>>
        %dma_start3A_732 = tpu.memref_slice %arg9[%select_n3A_48] : memref<2x!tpu.dma_semaphore, #tpu.memory_space<semaphore_mem>> -> memref<1x!tpu.dma_semaphore, #tpu.memory_space<semaphore_mem>>
        %dma_start3A_733 = tpu.memref_squeeze %dma_start3A_732 : memref<1x!tpu.dma_semaphore, #tpu.memory_space<semaphore_mem>> -> memref<!tpu.dma_semaphore, #tpu.memory_space<semaphore_mem>>
        %dma_start3A_734 = arith.constant 0 : i32
        %dma_start3A_735 = tpu.memref_slice %arg7[%add3A_725, %dma_start3A_734] : memref<768x64xf32, #tpu.memory_space<vmem>> -> memref<1x64xf32, #tpu.memory_space<vmem>>
        %dma_start3A_736 = tpu.memref_squeeze %dma_start3A_735 : memref<1x64xf32, #tpu.memory_space<vmem>> -> memref<64xf32, #tpu.memory_space<vmem>>
        %dma_start3A_737 = arith.constant 0 : i32
        %dma_start3A_738 = tpu.memref_slice %arg4[%squeeze3A_721, %dma_start3A_737] : memref<100000x64xf32, #tpu.memory_space<hbm>> -> memref<1x64xf32, #tpu.memory_space<hbm>>
        %dma_start3A_739 = tpu.memref_squeeze %dma_start3A_738 : memref<1x64xf32, #tpu.memory_space<hbm>> -> memref<64xf32, #tpu.memory_space<hbm>>
        tpu.enqueue_dma source(%dma_start3A_739 : memref<64xf32, #tpu.memory_space<hbm>>) target(%dma_start3A_736 : memref<64xf32, #tpu.memory_space<vmem>>) target_semaphore(%dma_start3A_733 : memref<!tpu.dma_semaphore, #tpu.memory_space<semaphore_mem>>)
        %slice3A_740 = vector.extract_strided_slice %get3A_119 {offsets = [10], sizes = [1], strides = [1]} : vector<16xi32> to vector<1xi32>
        %squeeze3A_741 = vector.extract %slice3A_740[0] : i32 from vector<1xi32>
        %add3A_742 = arith.constant 256 : i32
        %add3A_743 = arith.addi %add3A_742, %add3A_124 : i32
        %add3A_744 = arith.constant 10 : i32
        %add3A_745 = arith.addi %add3A_743, %add3A_744 : i32
        %dma_start3A_746 = arith.constant 0 : i32
        %dma_start3A_747 = tpu.memref_slice %arg7[%add3A_745, %dma_start3A_746] : memref<768x64xf32, #tpu.memory_space<vmem>> -> memref<1x64xf32, #tpu.memory_space<vmem>>
        %dma_start3A_748 = tpu.memref_squeeze %dma_start3A_747 : memref<1x64xf32, #tpu.memory_space<vmem>> -> memref<64xf32, #tpu.memory_space<vmem>>
        %dma_start3A_749 = arith.constant 0 : i32
        %dma_start3A_750 = tpu.memref_slice %arg4[%squeeze3A_741, %dma_start3A_749] : memref<100000x64xf32, #tpu.memory_space<hbm>> -> memref<1x64xf32, #tpu.memory_space<hbm>>
        %dma_start3A_751 = tpu.memref_squeeze %dma_start3A_750 : memref<1x64xf32, #tpu.memory_space<hbm>> -> memref<64xf32, #tpu.memory_space<hbm>>
        %dma_start3A_752 = tpu.memref_slice %arg9[%select_n3A_48] : memref<2x!tpu.dma_semaphore, #tpu.memory_space<semaphore_mem>> -> memref<1x!tpu.dma_semaphore, #tpu.memory_space<semaphore_mem>>
        %dma_start3A_753 = tpu.memref_squeeze %dma_start3A_752 : memref<1x!tpu.dma_semaphore, #tpu.memory_space<semaphore_mem>> -> memref<!tpu.dma_semaphore, #tpu.memory_space<semaphore_mem>>
        %dma_start3A_754 = arith.constant 0 : i32
        %dma_start3A_755 = tpu.memref_slice %arg7[%add3A_745, %dma_start3A_754] : memref<768x64xf32, #tpu.memory_space<vmem>> -> memref<1x64xf32, #tpu.memory_space<vmem>>
        %dma_start3A_756 = tpu.memref_squeeze %dma_start3A_755 : memref<1x64xf32, #tpu.memory_space<vmem>> -> memref<64xf32, #tpu.memory_space<vmem>>
        %dma_start3A_757 = arith.constant 0 : i32
        %dma_start3A_758 = tpu.memref_slice %arg4[%squeeze3A_741, %dma_start3A_757] : memref<100000x64xf32, #tpu.memory_space<hbm>> -> memref<1x64xf32, #tpu.memory_space<hbm>>
        %dma_start3A_759 = tpu.memref_squeeze %dma_start3A_758 : memref<1x64xf32, #tpu.memory_space<hbm>> -> memref<64xf32, #tpu.memory_space<hbm>>
        tpu.enqueue_dma source(%dma_start3A_759 : memref<64xf32, #tpu.memory_space<hbm>>) target(%dma_start3A_756 : memref<64xf32, #tpu.memory_space<vmem>>) target_semaphore(%dma_start3A_753 : memref<!tpu.dma_semaphore, #tpu.memory_space<semaphore_mem>>)
        %slice3A_760 = vector.extract_strided_slice %get3A_111 {offsets = [11], sizes = [1], strides = [1]} : vector<16xi32> to vector<1xi32>
        %squeeze3A_761 = vector.extract %slice3A_760[0] : i32 from vector<1xi32>
        %add3A_762 = arith.constant 11 : i32
        %add3A_763 = arith.addi %add3A_124, %add3A_762 : i32
        %dma_start3A_764 = arith.constant 0 : i32
        %dma_start3A_765 = tpu.memref_slice %arg7[%add3A_763, %dma_start3A_764] : memref<768x64xf32, #tpu.memory_space<vmem>> -> memref<1x64xf32, #tpu.memory_space<vmem>>
        %dma_start3A_766 = tpu.memref_squeeze %dma_start3A_765 : memref<1x64xf32, #tpu.memory_space<vmem>> -> memref<64xf32, #tpu.memory_space<vmem>>
        %dma_start3A_767 = arith.constant 0 : i32
        %dma_start3A_768 = tpu.memref_slice %arg3[%squeeze3A_761, %dma_start3A_767] : memref<100000x64xf32, #tpu.memory_space<hbm>> -> memref<1x64xf32, #tpu.memory_space<hbm>>
        %dma_start3A_769 = tpu.memref_squeeze %dma_start3A_768 : memref<1x64xf32, #tpu.memory_space<hbm>> -> memref<64xf32, #tpu.memory_space<hbm>>
        %dma_start3A_770 = tpu.memref_slice %arg9[%select_n3A_48] : memref<2x!tpu.dma_semaphore, #tpu.memory_space<semaphore_mem>> -> memref<1x!tpu.dma_semaphore, #tpu.memory_space<semaphore_mem>>
        %dma_start3A_771 = tpu.memref_squeeze %dma_start3A_770 : memref<1x!tpu.dma_semaphore, #tpu.memory_space<semaphore_mem>> -> memref<!tpu.dma_semaphore, #tpu.memory_space<semaphore_mem>>
        %dma_start3A_772 = arith.constant 0 : i32
        %dma_start3A_773 = tpu.memref_slice %arg7[%add3A_763, %dma_start3A_772] : memref<768x64xf32, #tpu.memory_space<vmem>> -> memref<1x64xf32, #tpu.memory_space<vmem>>
        %dma_start3A_774 = tpu.memref_squeeze %dma_start3A_773 : memref<1x64xf32, #tpu.memory_space<vmem>> -> memref<64xf32, #tpu.memory_space<vmem>>
        %dma_start3A_775 = arith.constant 0 : i32
        %dma_start3A_776 = tpu.memref_slice %arg3[%squeeze3A_761, %dma_start3A_775] : memref<100000x64xf32, #tpu.memory_space<hbm>> -> memref<1x64xf32, #tpu.memory_space<hbm>>
        %dma_start3A_777 = tpu.memref_squeeze %dma_start3A_776 : memref<1x64xf32, #tpu.memory_space<hbm>> -> memref<64xf32, #tpu.memory_space<hbm>>
        tpu.enqueue_dma source(%dma_start3A_777 : memref<64xf32, #tpu.memory_space<hbm>>) target(%dma_start3A_774 : memref<64xf32, #tpu.memory_space<vmem>>) target_semaphore(%dma_start3A_771 : memref<!tpu.dma_semaphore, #tpu.memory_space<semaphore_mem>>)
        %slice3A_778 = vector.extract_strided_slice %get3A_115 {offsets = [11], sizes = [1], strides = [1]} : vector<16xi32> to vector<1xi32>
        %squeeze3A_779 = vector.extract %slice3A_778[0] : i32 from vector<1xi32>
        %add3A_780 = arith.constant 128 : i32
        %add3A_781 = arith.addi %add3A_780, %add3A_124 : i32
        %add3A_782 = arith.constant 11 : i32
        %add3A_783 = arith.addi %add3A_781, %add3A_782 : i32
        %dma_start3A_784 = arith.constant 0 : i32
        %dma_start3A_785 = tpu.memref_slice %arg7[%add3A_783, %dma_start3A_784] : memref<768x64xf32, #tpu.memory_space<vmem>> -> memref<1x64xf32, #tpu.memory_space<vmem>>
        %dma_start3A_786 = tpu.memref_squeeze %dma_start3A_785 : memref<1x64xf32, #tpu.memory_space<vmem>> -> memref<64xf32, #tpu.memory_space<vmem>>
        %dma_start3A_787 = arith.constant 0 : i32
        %dma_start3A_788 = tpu.memref_slice %arg4[%squeeze3A_779, %dma_start3A_787] : memref<100000x64xf32, #tpu.memory_space<hbm>> -> memref<1x64xf32, #tpu.memory_space<hbm>>
        %dma_start3A_789 = tpu.memref_squeeze %dma_start3A_788 : memref<1x64xf32, #tpu.memory_space<hbm>> -> memref<64xf32, #tpu.memory_space<hbm>>
        %dma_start3A_790 = tpu.memref_slice %arg9[%select_n3A_48] : memref<2x!tpu.dma_semaphore, #tpu.memory_space<semaphore_mem>> -> memref<1x!tpu.dma_semaphore, #tpu.memory_space<semaphore_mem>>
        %dma_start3A_791 = tpu.memref_squeeze %dma_start3A_790 : memref<1x!tpu.dma_semaphore, #tpu.memory_space<semaphore_mem>> -> memref<!tpu.dma_semaphore, #tpu.memory_space<semaphore_mem>>
        %dma_start3A_792 = arith.constant 0 : i32
        %dma_start3A_793 = tpu.memref_slice %arg7[%add3A_783, %dma_start3A_792] : memref<768x64xf32, #tpu.memory_space<vmem>> -> memref<1x64xf32, #tpu.memory_space<vmem>>
        %dma_start3A_794 = tpu.memref_squeeze %dma_start3A_793 : memref<1x64xf32, #tpu.memory_space<vmem>> -> memref<64xf32, #tpu.memory_space<vmem>>
        %dma_start3A_795 = arith.constant 0 : i32
        %dma_start3A_796 = tpu.memref_slice %arg4[%squeeze3A_779, %dma_start3A_795] : memref<100000x64xf32, #tpu.memory_space<hbm>> -> memref<1x64xf32, #tpu.memory_space<hbm>>
        %dma_start3A_797 = tpu.memref_squeeze %dma_start3A_796 : memref<1x64xf32, #tpu.memory_space<hbm>> -> memref<64xf32, #tpu.memory_space<hbm>>
        tpu.enqueue_dma source(%dma_start3A_797 : memref<64xf32, #tpu.memory_space<hbm>>) target(%dma_start3A_794 : memref<64xf32, #tpu.memory_space<vmem>>) target_semaphore(%dma_start3A_791 : memref<!tpu.dma_semaphore, #tpu.memory_space<semaphore_mem>>)
        %slice3A_798 = vector.extract_strided_slice %get3A_119 {offsets = [11], sizes = [1], strides = [1]} : vector<16xi32> to vector<1xi32>
        %squeeze3A_799 = vector.extract %slice3A_798[0] : i32 from vector<1xi32>
        %add3A_800 = arith.constant 256 : i32
        %add3A_801 = arith.addi %add3A_800, %add3A_124 : i32
        %add3A_802 = arith.constant 11 : i32
        %add3A_803 = arith.addi %add3A_801, %add3A_802 : i32
        %dma_start3A_804 = arith.constant 0 : i32
        %dma_start3A_805 = tpu.memref_slice %arg7[%add3A_803, %dma_start3A_804] : memref<768x64xf32, #tpu.memory_space<vmem>> -> memref<1x64xf32, #tpu.memory_space<vmem>>
        %dma_start3A_806 = tpu.memref_squeeze %dma_start3A_805 : memref<1x64xf32, #tpu.memory_space<vmem>> -> memref<64xf32, #tpu.memory_space<vmem>>
        %dma_start3A_807 = arith.constant 0 : i32
        %dma_start3A_808 = tpu.memref_slice %arg4[%squeeze3A_799, %dma_start3A_807] : memref<100000x64xf32, #tpu.memory_space<hbm>> -> memref<1x64xf32, #tpu.memory_space<hbm>>
        %dma_start3A_809 = tpu.memref_squeeze %dma_start3A_808 : memref<1x64xf32, #tpu.memory_space<hbm>> -> memref<64xf32, #tpu.memory_space<hbm>>
        %dma_start3A_810 = tpu.memref_slice %arg9[%select_n3A_48] : memref<2x!tpu.dma_semaphore, #tpu.memory_space<semaphore_mem>> -> memref<1x!tpu.dma_semaphore, #tpu.memory_space<semaphore_mem>>
        %dma_start3A_811 = tpu.memref_squeeze %dma_start3A_810 : memref<1x!tpu.dma_semaphore, #tpu.memory_space<semaphore_mem>> -> memref<!tpu.dma_semaphore, #tpu.memory_space<semaphore_mem>>
        %dma_start3A_812 = arith.constant 0 : i32
        %dma_start3A_813 = tpu.memref_slice %arg7[%add3A_803, %dma_start3A_812] : memref<768x64xf32, #tpu.memory_space<vmem>> -> memref<1x64xf32, #tpu.memory_space<vmem>>
        %dma_start3A_814 = tpu.memref_squeeze %dma_start3A_813 : memref<1x64xf32, #tpu.memory_space<vmem>> -> memref<64xf32, #tpu.memory_space<vmem>>
        %dma_start3A_815 = arith.constant 0 : i32
        %dma_start3A_816 = tpu.memref_slice %arg4[%squeeze3A_799, %dma_start3A_815] : memref<100000x64xf32, #tpu.memory_space<hbm>> -> memref<1x64xf32, #tpu.memory_space<hbm>>
        %dma_start3A_817 = tpu.memref_squeeze %dma_start3A_816 : memref<1x64xf32, #tpu.memory_space<hbm>> -> memref<64xf32, #tpu.memory_space<hbm>>
        tpu.enqueue_dma source(%dma_start3A_817 : memref<64xf32, #tpu.memory_space<hbm>>) target(%dma_start3A_814 : memref<64xf32, #tpu.memory_space<vmem>>) target_semaphore(%dma_start3A_811 : memref<!tpu.dma_semaphore, #tpu.memory_space<semaphore_mem>>)
        %slice3A_818 = vector.extract_strided_slice %get3A_111 {offsets = [12], sizes = [1], strides = [1]} : vector<16xi32> to vector<1xi32>
        %squeeze3A_819 = vector.extract %slice3A_818[0] : i32 from vector<1xi32>
        %add3A_820 = arith.constant 12 : i32
        %add3A_821 = arith.addi %add3A_124, %add3A_820 : i32
        %dma_start3A_822 = arith.constant 0 : i32
        %dma_start3A_823 = tpu.memref_slice %arg7[%add3A_821, %dma_start3A_822] : memref<768x64xf32, #tpu.memory_space<vmem>> -> memref<1x64xf32, #tpu.memory_space<vmem>>
        %dma_start3A_824 = tpu.memref_squeeze %dma_start3A_823 : memref<1x64xf32, #tpu.memory_space<vmem>> -> memref<64xf32, #tpu.memory_space<vmem>>
        %dma_start3A_825 = arith.constant 0 : i32
        %dma_start3A_826 = tpu.memref_slice %arg3[%squeeze3A_819, %dma_start3A_825] : memref<100000x64xf32, #tpu.memory_space<hbm>> -> memref<1x64xf32, #tpu.memory_space<hbm>>
        %dma_start3A_827 = tpu.memref_squeeze %dma_start3A_826 : memref<1x64xf32, #tpu.memory_space<hbm>> -> memref<64xf32, #tpu.memory_space<hbm>>
        %dma_start3A_828 = tpu.memref_slice %arg9[%select_n3A_48] : memref<2x!tpu.dma_semaphore, #tpu.memory_space<semaphore_mem>> -> memref<1x!tpu.dma_semaphore, #tpu.memory_space<semaphore_mem>>
        %dma_start3A_829 = tpu.memref_squeeze %dma_start3A_828 : memref<1x!tpu.dma_semaphore, #tpu.memory_space<semaphore_mem>> -> memref<!tpu.dma_semaphore, #tpu.memory_space<semaphore_mem>>
        %dma_start3A_830 = arith.constant 0 : i32
        %dma_start3A_831 = tpu.memref_slice %arg7[%add3A_821, %dma_start3A_830] : memref<768x64xf32, #tpu.memory_space<vmem>> -> memref<1x64xf32, #tpu.memory_space<vmem>>
        %dma_start3A_832 = tpu.memref_squeeze %dma_start3A_831 : memref<1x64xf32, #tpu.memory_space<vmem>> -> memref<64xf32, #tpu.memory_space<vmem>>
        %dma_start3A_833 = arith.constant 0 : i32
        %dma_start3A_834 = tpu.memref_slice %arg3[%squeeze3A_819, %dma_start3A_833] : memref<100000x64xf32, #tpu.memory_space<hbm>> -> memref<1x64xf32, #tpu.memory_space<hbm>>
        %dma_start3A_835 = tpu.memref_squeeze %dma_start3A_834 : memref<1x64xf32, #tpu.memory_space<hbm>> -> memref<64xf32, #tpu.memory_space<hbm>>
        tpu.enqueue_dma source(%dma_start3A_835 : memref<64xf32, #tpu.memory_space<hbm>>) target(%dma_start3A_832 : memref<64xf32, #tpu.memory_space<vmem>>) target_semaphore(%dma_start3A_829 : memref<!tpu.dma_semaphore, #tpu.memory_space<semaphore_mem>>)
        %slice3A_836 = vector.extract_strided_slice %get3A_115 {offsets = [12], sizes = [1], strides = [1]} : vector<16xi32> to vector<1xi32>
        %squeeze3A_837 = vector.extract %slice3A_836[0] : i32 from vector<1xi32>
        %add3A_838 = arith.constant 128 : i32
        %add3A_839 = arith.addi %add3A_838, %add3A_124 : i32
        %add3A_840 = arith.constant 12 : i32
        %add3A_841 = arith.addi %add3A_839, %add3A_840 : i32
        %dma_start3A_842 = arith.constant 0 : i32
        %dma_start3A_843 = tpu.memref_slice %arg7[%add3A_841, %dma_start3A_842] : memref<768x64xf32, #tpu.memory_space<vmem>> -> memref<1x64xf32, #tpu.memory_space<vmem>>
        %dma_start3A_844 = tpu.memref_squeeze %dma_start3A_843 : memref<1x64xf32, #tpu.memory_space<vmem>> -> memref<64xf32, #tpu.memory_space<vmem>>
        %dma_start3A_845 = arith.constant 0 : i32
        %dma_start3A_846 = tpu.memref_slice %arg4[%squeeze3A_837, %dma_start3A_845] : memref<100000x64xf32, #tpu.memory_space<hbm>> -> memref<1x64xf32, #tpu.memory_space<hbm>>
        %dma_start3A_847 = tpu.memref_squeeze %dma_start3A_846 : memref<1x64xf32, #tpu.memory_space<hbm>> -> memref<64xf32, #tpu.memory_space<hbm>>
        %dma_start3A_848 = tpu.memref_slice %arg9[%select_n3A_48] : memref<2x!tpu.dma_semaphore, #tpu.memory_space<semaphore_mem>> -> memref<1x!tpu.dma_semaphore, #tpu.memory_space<semaphore_mem>>
        %dma_start3A_849 = tpu.memref_squeeze %dma_start3A_848 : memref<1x!tpu.dma_semaphore, #tpu.memory_space<semaphore_mem>> -> memref<!tpu.dma_semaphore, #tpu.memory_space<semaphore_mem>>
        %dma_start3A_850 = arith.constant 0 : i32
        %dma_start3A_851 = tpu.memref_slice %arg7[%add3A_841, %dma_start3A_850] : memref<768x64xf32, #tpu.memory_space<vmem>> -> memref<1x64xf32, #tpu.memory_space<vmem>>
        %dma_start3A_852 = tpu.memref_squeeze %dma_start3A_851 : memref<1x64xf32, #tpu.memory_space<vmem>> -> memref<64xf32, #tpu.memory_space<vmem>>
        %dma_start3A_853 = arith.constant 0 : i32
        %dma_start3A_854 = tpu.memref_slice %arg4[%squeeze3A_837, %dma_start3A_853] : memref<100000x64xf32, #tpu.memory_space<hbm>> -> memref<1x64xf32, #tpu.memory_space<hbm>>
        %dma_start3A_855 = tpu.memref_squeeze %dma_start3A_854 : memref<1x64xf32, #tpu.memory_space<hbm>> -> memref<64xf32, #tpu.memory_space<hbm>>
        tpu.enqueue_dma source(%dma_start3A_855 : memref<64xf32, #tpu.memory_space<hbm>>) target(%dma_start3A_852 : memref<64xf32, #tpu.memory_space<vmem>>) target_semaphore(%dma_start3A_849 : memref<!tpu.dma_semaphore, #tpu.memory_space<semaphore_mem>>)
        %slice3A_856 = vector.extract_strided_slice %get3A_119 {offsets = [12], sizes = [1], strides = [1]} : vector<16xi32> to vector<1xi32>
        %squeeze3A_857 = vector.extract %slice3A_856[0] : i32 from vector<1xi32>
        %add3A_858 = arith.constant 256 : i32
        %add3A_859 = arith.addi %add3A_858, %add3A_124 : i32
        %add3A_860 = arith.constant 12 : i32
        %add3A_861 = arith.addi %add3A_859, %add3A_860 : i32
        %dma_start3A_862 = arith.constant 0 : i32
        %dma_start3A_863 = tpu.memref_slice %arg7[%add3A_861, %dma_start3A_862] : memref<768x64xf32, #tpu.memory_space<vmem>> -> memref<1x64xf32, #tpu.memory_space<vmem>>
        %dma_start3A_864 = tpu.memref_squeeze %dma_start3A_863 : memref<1x64xf32, #tpu.memory_space<vmem>> -> memref<64xf32, #tpu.memory_space<vmem>>
        %dma_start3A_865 = arith.constant 0 : i32
        %dma_start3A_866 = tpu.memref_slice %arg4[%squeeze3A_857, %dma_start3A_865] : memref<100000x64xf32, #tpu.memory_space<hbm>> -> memref<1x64xf32, #tpu.memory_space<hbm>>
        %dma_start3A_867 = tpu.memref_squeeze %dma_start3A_866 : memref<1x64xf32, #tpu.memory_space<hbm>> -> memref<64xf32, #tpu.memory_space<hbm>>
        %dma_start3A_868 = tpu.memref_slice %arg9[%select_n3A_48] : memref<2x!tpu.dma_semaphore, #tpu.memory_space<semaphore_mem>> -> memref<1x!tpu.dma_semaphore, #tpu.memory_space<semaphore_mem>>
        %dma_start3A_869 = tpu.memref_squeeze %dma_start3A_868 : memref<1x!tpu.dma_semaphore, #tpu.memory_space<semaphore_mem>> -> memref<!tpu.dma_semaphore, #tpu.memory_space<semaphore_mem>>
        %dma_start3A_870 = arith.constant 0 : i32
        %dma_start3A_871 = tpu.memref_slice %arg7[%add3A_861, %dma_start3A_870] : memref<768x64xf32, #tpu.memory_space<vmem>> -> memref<1x64xf32, #tpu.memory_space<vmem>>
        %dma_start3A_872 = tpu.memref_squeeze %dma_start3A_871 : memref<1x64xf32, #tpu.memory_space<vmem>> -> memref<64xf32, #tpu.memory_space<vmem>>
        %dma_start3A_873 = arith.constant 0 : i32
        %dma_start3A_874 = tpu.memref_slice %arg4[%squeeze3A_857, %dma_start3A_873] : memref<100000x64xf32, #tpu.memory_space<hbm>> -> memref<1x64xf32, #tpu.memory_space<hbm>>
        %dma_start3A_875 = tpu.memref_squeeze %dma_start3A_874 : memref<1x64xf32, #tpu.memory_space<hbm>> -> memref<64xf32, #tpu.memory_space<hbm>>
        tpu.enqueue_dma source(%dma_start3A_875 : memref<64xf32, #tpu.memory_space<hbm>>) target(%dma_start3A_872 : memref<64xf32, #tpu.memory_space<vmem>>) target_semaphore(%dma_start3A_869 : memref<!tpu.dma_semaphore, #tpu.memory_space<semaphore_mem>>)
        %slice3A_876 = vector.extract_strided_slice %get3A_111 {offsets = [13], sizes = [1], strides = [1]} : vector<16xi32> to vector<1xi32>
        %squeeze3A_877 = vector.extract %slice3A_876[0] : i32 from vector<1xi32>
        %add3A_878 = arith.constant 13 : i32
        %add3A_879 = arith.addi %add3A_124, %add3A_878 : i32
        %dma_start3A_880 = arith.constant 0 : i32
        %dma_start3A_881 = tpu.memref_slice %arg7[%add3A_879, %dma_start3A_880] : memref<768x64xf32, #tpu.memory_space<vmem>> -> memref<1x64xf32, #tpu.memory_space<vmem>>
        %dma_start3A_882 = tpu.memref_squeeze %dma_start3A_881 : memref<1x64xf32, #tpu.memory_space<vmem>> -> memref<64xf32, #tpu.memory_space<vmem>>
        %dma_start3A_883 = arith.constant 0 : i32
        %dma_start3A_884 = tpu.memref_slice %arg3[%squeeze3A_877, %dma_start3A_883] : memref<100000x64xf32, #tpu.memory_space<hbm>> -> memref<1x64xf32, #tpu.memory_space<hbm>>
        %dma_start3A_885 = tpu.memref_squeeze %dma_start3A_884 : memref<1x64xf32, #tpu.memory_space<hbm>> -> memref<64xf32, #tpu.memory_space<hbm>>
        %dma_start3A_886 = tpu.memref_slice %arg9[%select_n3A_48] : memref<2x!tpu.dma_semaphore, #tpu.memory_space<semaphore_mem>> -> memref<1x!tpu.dma_semaphore, #tpu.memory_space<semaphore_mem>>
        %dma_start3A_887 = tpu.memref_squeeze %dma_start3A_886 : memref<1x!tpu.dma_semaphore, #tpu.memory_space<semaphore_mem>> -> memref<!tpu.dma_semaphore, #tpu.memory_space<semaphore_mem>>
        %dma_start3A_888 = arith.constant 0 : i32
        %dma_start3A_889 = tpu.memref_slice %arg7[%add3A_879, %dma_start3A_888] : memref<768x64xf32, #tpu.memory_space<vmem>> -> memref<1x64xf32, #tpu.memory_space<vmem>>
        %dma_start3A_890 = tpu.memref_squeeze %dma_start3A_889 : memref<1x64xf32, #tpu.memory_space<vmem>> -> memref<64xf32, #tpu.memory_space<vmem>>
        %dma_start3A_891 = arith.constant 0 : i32
        %dma_start3A_892 = tpu.memref_slice %arg3[%squeeze3A_877, %dma_start3A_891] : memref<100000x64xf32, #tpu.memory_space<hbm>> -> memref<1x64xf32, #tpu.memory_space<hbm>>
        %dma_start3A_893 = tpu.memref_squeeze %dma_start3A_892 : memref<1x64xf32, #tpu.memory_space<hbm>> -> memref<64xf32, #tpu.memory_space<hbm>>
        tpu.enqueue_dma source(%dma_start3A_893 : memref<64xf32, #tpu.memory_space<hbm>>) target(%dma_start3A_890 : memref<64xf32, #tpu.memory_space<vmem>>) target_semaphore(%dma_start3A_887 : memref<!tpu.dma_semaphore, #tpu.memory_space<semaphore_mem>>)
        %slice3A_894 = vector.extract_strided_slice %get3A_115 {offsets = [13], sizes = [1], strides = [1]} : vector<16xi32> to vector<1xi32>
        %squeeze3A_895 = vector.extract %slice3A_894[0] : i32 from vector<1xi32>
        %add3A_896 = arith.constant 128 : i32
        %add3A_897 = arith.addi %add3A_896, %add3A_124 : i32
        %add3A_898 = arith.constant 13 : i32
        %add3A_899 = arith.addi %add3A_897, %add3A_898 : i32
        %dma_start3A_900 = arith.constant 0 : i32
        %dma_start3A_901 = tpu.memref_slice %arg7[%add3A_899, %dma_start3A_900] : memref<768x64xf32, #tpu.memory_space<vmem>> -> memref<1x64xf32, #tpu.memory_space<vmem>>
        %dma_start3A_902 = tpu.memref_squeeze %dma_start3A_901 : memref<1x64xf32, #tpu.memory_space<vmem>> -> memref<64xf32, #tpu.memory_space<vmem>>
        %dma_start3A_903 = arith.constant 0 : i32
        %dma_start3A_904 = tpu.memref_slice %arg4[%squeeze3A_895, %dma_start3A_903] : memref<100000x64xf32, #tpu.memory_space<hbm>> -> memref<1x64xf32, #tpu.memory_space<hbm>>
        %dma_start3A_905 = tpu.memref_squeeze %dma_start3A_904 : memref<1x64xf32, #tpu.memory_space<hbm>> -> memref<64xf32, #tpu.memory_space<hbm>>
        %dma_start3A_906 = tpu.memref_slice %arg9[%select_n3A_48] : memref<2x!tpu.dma_semaphore, #tpu.memory_space<semaphore_mem>> -> memref<1x!tpu.dma_semaphore, #tpu.memory_space<semaphore_mem>>
        %dma_start3A_907 = tpu.memref_squeeze %dma_start3A_906 : memref<1x!tpu.dma_semaphore, #tpu.memory_space<semaphore_mem>> -> memref<!tpu.dma_semaphore, #tpu.memory_space<semaphore_mem>>
        %dma_start3A_908 = arith.constant 0 : i32
        %dma_start3A_909 = tpu.memref_slice %arg7[%add3A_899, %dma_start3A_908] : memref<768x64xf32, #tpu.memory_space<vmem>> -> memref<1x64xf32, #tpu.memory_space<vmem>>
        %dma_start3A_910 = tpu.memref_squeeze %dma_start3A_909 : memref<1x64xf32, #tpu.memory_space<vmem>> -> memref<64xf32, #tpu.memory_space<vmem>>
        %dma_start3A_911 = arith.constant 0 : i32
        %dma_start3A_912 = tpu.memref_slice %arg4[%squeeze3A_895, %dma_start3A_911] : memref<100000x64xf32, #tpu.memory_space<hbm>> -> memref<1x64xf32, #tpu.memory_space<hbm>>
        %dma_start3A_913 = tpu.memref_squeeze %dma_start3A_912 : memref<1x64xf32, #tpu.memory_space<hbm>> -> memref<64xf32, #tpu.memory_space<hbm>>
        tpu.enqueue_dma source(%dma_start3A_913 : memref<64xf32, #tpu.memory_space<hbm>>) target(%dma_start3A_910 : memref<64xf32, #tpu.memory_space<vmem>>) target_semaphore(%dma_start3A_907 : memref<!tpu.dma_semaphore, #tpu.memory_space<semaphore_mem>>)
        %slice3A_914 = vector.extract_strided_slice %get3A_119 {offsets = [13], sizes = [1], strides = [1]} : vector<16xi32> to vector<1xi32>
        %squeeze3A_915 = vector.extract %slice3A_914[0] : i32 from vector<1xi32>
        %add3A_916 = arith.constant 256 : i32
        %add3A_917 = arith.addi %add3A_916, %add3A_124 : i32
        %add3A_918 = arith.constant 13 : i32
        %add3A_919 = arith.addi %add3A_917, %add3A_918 : i32
        %dma_start3A_920 = arith.constant 0 : i32
        %dma_start3A_921 = tpu.memref_slice %arg7[%add3A_919, %dma_start3A_920] : memref<768x64xf32, #tpu.memory_space<vmem>> -> memref<1x64xf32, #tpu.memory_space<vmem>>
        %dma_start3A_922 = tpu.memref_squeeze %dma_start3A_921 : memref<1x64xf32, #tpu.memory_space<vmem>> -> memref<64xf32, #tpu.memory_space<vmem>>
        %dma_start3A_923 = arith.constant 0 : i32
        %dma_start3A_924 = tpu.memref_slice %arg4[%squeeze3A_915, %dma_start3A_923] : memref<100000x64xf32, #tpu.memory_space<hbm>> -> memref<1x64xf32, #tpu.memory_space<hbm>>
        %dma_start3A_925 = tpu.memref_squeeze %dma_start3A_924 : memref<1x64xf32, #tpu.memory_space<hbm>> -> memref<64xf32, #tpu.memory_space<hbm>>
        %dma_start3A_926 = tpu.memref_slice %arg9[%select_n3A_48] : memref<2x!tpu.dma_semaphore, #tpu.memory_space<semaphore_mem>> -> memref<1x!tpu.dma_semaphore, #tpu.memory_space<semaphore_mem>>
        %dma_start3A_927 = tpu.memref_squeeze %dma_start3A_926 : memref<1x!tpu.dma_semaphore, #tpu.memory_space<semaphore_mem>> -> memref<!tpu.dma_semaphore, #tpu.memory_space<semaphore_mem>>
        %dma_start3A_928 = arith.constant 0 : i32
        %dma_start3A_929 = tpu.memref_slice %arg7[%add3A_919, %dma_start3A_928] : memref<768x64xf32, #tpu.memory_space<vmem>> -> memref<1x64xf32, #tpu.memory_space<vmem>>
        %dma_start3A_930 = tpu.memref_squeeze %dma_start3A_929 : memref<1x64xf32, #tpu.memory_space<vmem>> -> memref<64xf32, #tpu.memory_space<vmem>>
        %dma_start3A_931 = arith.constant 0 : i32
        %dma_start3A_932 = tpu.memref_slice %arg4[%squeeze3A_915, %dma_start3A_931] : memref<100000x64xf32, #tpu.memory_space<hbm>> -> memref<1x64xf32, #tpu.memory_space<hbm>>
        %dma_start3A_933 = tpu.memref_squeeze %dma_start3A_932 : memref<1x64xf32, #tpu.memory_space<hbm>> -> memref<64xf32, #tpu.memory_space<hbm>>
        tpu.enqueue_dma source(%dma_start3A_933 : memref<64xf32, #tpu.memory_space<hbm>>) target(%dma_start3A_930 : memref<64xf32, #tpu.memory_space<vmem>>) target_semaphore(%dma_start3A_927 : memref<!tpu.dma_semaphore, #tpu.memory_space<semaphore_mem>>)
        %slice3A_934 = vector.extract_strided_slice %get3A_111 {offsets = [14], sizes = [1], strides = [1]} : vector<16xi32> to vector<1xi32>
        %squeeze3A_935 = vector.extract %slice3A_934[0] : i32 from vector<1xi32>
        %add3A_936 = arith.constant 14 : i32
        %add3A_937 = arith.addi %add3A_124, %add3A_936 : i32
        %dma_start3A_938 = arith.constant 0 : i32
        %dma_start3A_939 = tpu.memref_slice %arg7[%add3A_937, %dma_start3A_938] : memref<768x64xf32, #tpu.memory_space<vmem>> -> memref<1x64xf32, #tpu.memory_space<vmem>>
        %dma_start3A_940 = tpu.memref_squeeze %dma_start3A_939 : memref<1x64xf32, #tpu.memory_space<vmem>> -> memref<64xf32, #tpu.memory_space<vmem>>
        %dma_start3A_941 = arith.constant 0 : i32
        %dma_start3A_942 = tpu.memref_slice %arg3[%squeeze3A_935, %dma_start3A_941] : memref<100000x64xf32, #tpu.memory_space<hbm>> -> memref<1x64xf32, #tpu.memory_space<hbm>>
        %dma_start3A_943 = tpu.memref_squeeze %dma_start3A_942 : memref<1x64xf32, #tpu.memory_space<hbm>> -> memref<64xf32, #tpu.memory_space<hbm>>
        %dma_start3A_944 = tpu.memref_slice %arg9[%select_n3A_48] : memref<2x!tpu.dma_semaphore, #tpu.memory_space<semaphore_mem>> -> memref<1x!tpu.dma_semaphore, #tpu.memory_space<semaphore_mem>>
        %dma_start3A_945 = tpu.memref_squeeze %dma_start3A_944 : memref<1x!tpu.dma_semaphore, #tpu.memory_space<semaphore_mem>> -> memref<!tpu.dma_semaphore, #tpu.memory_space<semaphore_mem>>
        %dma_start3A_946 = arith.constant 0 : i32
        %dma_start3A_947 = tpu.memref_slice %arg7[%add3A_937, %dma_start3A_946] : memref<768x64xf32, #tpu.memory_space<vmem>> -> memref<1x64xf32, #tpu.memory_space<vmem>>
        %dma_start3A_948 = tpu.memref_squeeze %dma_start3A_947 : memref<1x64xf32, #tpu.memory_space<vmem>> -> memref<64xf32, #tpu.memory_space<vmem>>
        %dma_start3A_949 = arith.constant 0 : i32
        %dma_start3A_950 = tpu.memref_slice %arg3[%squeeze3A_935, %dma_start3A_949] : memref<100000x64xf32, #tpu.memory_space<hbm>> -> memref<1x64xf32, #tpu.memory_space<hbm>>
        %dma_start3A_951 = tpu.memref_squeeze %dma_start3A_950 : memref<1x64xf32, #tpu.memory_space<hbm>> -> memref<64xf32, #tpu.memory_space<hbm>>
        tpu.enqueue_dma source(%dma_start3A_951 : memref<64xf32, #tpu.memory_space<hbm>>) target(%dma_start3A_948 : memref<64xf32, #tpu.memory_space<vmem>>) target_semaphore(%dma_start3A_945 : memref<!tpu.dma_semaphore, #tpu.memory_space<semaphore_mem>>)
        %slice3A_952 = vector.extract_strided_slice %get3A_115 {offsets = [14], sizes = [1], strides = [1]} : vector<16xi32> to vector<1xi32>
        %squeeze3A_953 = vector.extract %slice3A_952[0] : i32 from vector<1xi32>
        %add3A_954 = arith.constant 128 : i32
        %add3A_955 = arith.addi %add3A_954, %add3A_124 : i32
        %add3A_956 = arith.constant 14 : i32
        %add3A_957 = arith.addi %add3A_955, %add3A_956 : i32
        %dma_start3A_958 = arith.constant 0 : i32
        %dma_start3A_959 = tpu.memref_slice %arg7[%add3A_957, %dma_start3A_958] : memref<768x64xf32, #tpu.memory_space<vmem>> -> memref<1x64xf32, #tpu.memory_space<vmem>>
        %dma_start3A_960 = tpu.memref_squeeze %dma_start3A_959 : memref<1x64xf32, #tpu.memory_space<vmem>> -> memref<64xf32, #tpu.memory_space<vmem>>
        %dma_start3A_961 = arith.constant 0 : i32
        %dma_start3A_962 = tpu.memref_slice %arg4[%squeeze3A_953, %dma_start3A_961] : memref<100000x64xf32, #tpu.memory_space<hbm>> -> memref<1x64xf32, #tpu.memory_space<hbm>>
        %dma_start3A_963 = tpu.memref_squeeze %dma_start3A_962 : memref<1x64xf32, #tpu.memory_space<hbm>> -> memref<64xf32, #tpu.memory_space<hbm>>
        %dma_start3A_964 = tpu.memref_slice %arg9[%select_n3A_48] : memref<2x!tpu.dma_semaphore, #tpu.memory_space<semaphore_mem>> -> memref<1x!tpu.dma_semaphore, #tpu.memory_space<semaphore_mem>>
        %dma_start3A_965 = tpu.memref_squeeze %dma_start3A_964 : memref<1x!tpu.dma_semaphore, #tpu.memory_space<semaphore_mem>> -> memref<!tpu.dma_semaphore, #tpu.memory_space<semaphore_mem>>
        %dma_start3A_966 = arith.constant 0 : i32
        %dma_start3A_967 = tpu.memref_slice %arg7[%add3A_957, %dma_start3A_966] : memref<768x64xf32, #tpu.memory_space<vmem>> -> memref<1x64xf32, #tpu.memory_space<vmem>>
        %dma_start3A_968 = tpu.memref_squeeze %dma_start3A_967 : memref<1x64xf32, #tpu.memory_space<vmem>> -> memref<64xf32, #tpu.memory_space<vmem>>
        %dma_start3A_969 = arith.constant 0 : i32
        %dma_start3A_970 = tpu.memref_slice %arg4[%squeeze3A_953, %dma_start3A_969] : memref<100000x64xf32, #tpu.memory_space<hbm>> -> memref<1x64xf32, #tpu.memory_space<hbm>>
        %dma_start3A_971 = tpu.memref_squeeze %dma_start3A_970 : memref<1x64xf32, #tpu.memory_space<hbm>> -> memref<64xf32, #tpu.memory_space<hbm>>
        tpu.enqueue_dma source(%dma_start3A_971 : memref<64xf32, #tpu.memory_space<hbm>>) target(%dma_start3A_968 : memref<64xf32, #tpu.memory_space<vmem>>) target_semaphore(%dma_start3A_965 : memref<!tpu.dma_semaphore, #tpu.memory_space<semaphore_mem>>)
        %slice3A_972 = vector.extract_strided_slice %get3A_119 {offsets = [14], sizes = [1], strides = [1]} : vector<16xi32> to vector<1xi32>
        %squeeze3A_973 = vector.extract %slice3A_972[0] : i32 from vector<1xi32>
        %add3A_974 = arith.constant 256 : i32
        %add3A_975 = arith.addi %add3A_974, %add3A_124 : i32
        %add3A_976 = arith.constant 14 : i32
        %add3A_977 = arith.addi %add3A_975, %add3A_976 : i32
        %dma_start3A_978 = arith.constant 0 : i32
        %dma_start3A_979 = tpu.memref_slice %arg7[%add3A_977, %dma_start3A_978] : memref<768x64xf32, #tpu.memory_space<vmem>> -> memref<1x64xf32, #tpu.memory_space<vmem>>
        %dma_start3A_980 = tpu.memref_squeeze %dma_start3A_979 : memref<1x64xf32, #tpu.memory_space<vmem>> -> memref<64xf32, #tpu.memory_space<vmem>>
        %dma_start3A_981 = arith.constant 0 : i32
        %dma_start3A_982 = tpu.memref_slice %arg4[%squeeze3A_973, %dma_start3A_981] : memref<100000x64xf32, #tpu.memory_space<hbm>> -> memref<1x64xf32, #tpu.memory_space<hbm>>
        %dma_start3A_983 = tpu.memref_squeeze %dma_start3A_982 : memref<1x64xf32, #tpu.memory_space<hbm>> -> memref<64xf32, #tpu.memory_space<hbm>>
        %dma_start3A_984 = tpu.memref_slice %arg9[%select_n3A_48] : memref<2x!tpu.dma_semaphore, #tpu.memory_space<semaphore_mem>> -> memref<1x!tpu.dma_semaphore, #tpu.memory_space<semaphore_mem>>
        %dma_start3A_985 = tpu.memref_squeeze %dma_start3A_984 : memref<1x!tpu.dma_semaphore, #tpu.memory_space<semaphore_mem>> -> memref<!tpu.dma_semaphore, #tpu.memory_space<semaphore_mem>>
        %dma_start3A_986 = arith.constant 0 : i32
        %dma_start3A_987 = tpu.memref_slice %arg7[%add3A_977, %dma_start3A_986] : memref<768x64xf32, #tpu.memory_space<vmem>> -> memref<1x64xf32, #tpu.memory_space<vmem>>
        %dma_start3A_988 = tpu.memref_squeeze %dma_start3A_987 : memref<1x64xf32, #tpu.memory_space<vmem>> -> memref<64xf32, #tpu.memory_space<vmem>>
        %dma_start3A_989 = arith.constant 0 : i32
        %dma_start3A_990 = tpu.memref_slice %arg4[%squeeze3A_973, %dma_start3A_989] : memref<100000x64xf32, #tpu.memory_space<hbm>> -> memref<1x64xf32, #tpu.memory_space<hbm>>
        %dma_start3A_991 = tpu.memref_squeeze %dma_start3A_990 : memref<1x64xf32, #tpu.memory_space<hbm>> -> memref<64xf32, #tpu.memory_space<hbm>>
        tpu.enqueue_dma source(%dma_start3A_991 : memref<64xf32, #tpu.memory_space<hbm>>) target(%dma_start3A_988 : memref<64xf32, #tpu.memory_space<vmem>>) target_semaphore(%dma_start3A_985 : memref<!tpu.dma_semaphore, #tpu.memory_space<semaphore_mem>>)
        %slice3A_992 = vector.extract_strided_slice %get3A_111 {offsets = [15], sizes = [1], strides = [1]} : vector<16xi32> to vector<1xi32>
        %squeeze3A_993 = vector.extract %slice3A_992[0] : i32 from vector<1xi32>
        %add3A_994 = arith.constant 15 : i32
        %add3A_995 = arith.addi %add3A_124, %add3A_994 : i32
        %dma_start3A_996 = arith.constant 0 : i32
        %dma_start3A_997 = tpu.memref_slice %arg7[%add3A_995, %dma_start3A_996] : memref<768x64xf32, #tpu.memory_space<vmem>> -> memref<1x64xf32, #tpu.memory_space<vmem>>
        %dma_start3A_998 = tpu.memref_squeeze %dma_start3A_997 : memref<1x64xf32, #tpu.memory_space<vmem>> -> memref<64xf32, #tpu.memory_space<vmem>>
        %dma_start3A_999 = arith.constant 0 : i32
        %dma_start3A_1000 = tpu.memref_slice %arg3[%squeeze3A_993, %dma_start3A_999] : memref<100000x64xf32, #tpu.memory_space<hbm>> -> memref<1x64xf32, #tpu.memory_space<hbm>>
        %dma_start3A_1001 = tpu.memref_squeeze %dma_start3A_1000 : memref<1x64xf32, #tpu.memory_space<hbm>> -> memref<64xf32, #tpu.memory_space<hbm>>
        %dma_start3A_1002 = tpu.memref_slice %arg9[%select_n3A_48] : memref<2x!tpu.dma_semaphore, #tpu.memory_space<semaphore_mem>> -> memref<1x!tpu.dma_semaphore, #tpu.memory_space<semaphore_mem>>
        %dma_start3A_1003 = tpu.memref_squeeze %dma_start3A_1002 : memref<1x!tpu.dma_semaphore, #tpu.memory_space<semaphore_mem>> -> memref<!tpu.dma_semaphore, #tpu.memory_space<semaphore_mem>>
        %dma_start3A_1004 = arith.constant 0 : i32
        %dma_start3A_1005 = tpu.memref_slice %arg7[%add3A_995, %dma_start3A_1004] : memref<768x64xf32, #tpu.memory_space<vmem>> -> memref<1x64xf32, #tpu.memory_space<vmem>>
        %dma_start3A_1006 = tpu.memref_squeeze %dma_start3A_1005 : memref<1x64xf32, #tpu.memory_space<vmem>> -> memref<64xf32, #tpu.memory_space<vmem>>
        %dma_start3A_1007 = arith.constant 0 : i32
        %dma_start3A_1008 = tpu.memref_slice %arg3[%squeeze3A_993, %dma_start3A_1007] : memref<100000x64xf32, #tpu.memory_space<hbm>> -> memref<1x64xf32, #tpu.memory_space<hbm>>
        %dma_start3A_1009 = tpu.memref_squeeze %dma_start3A_1008 : memref<1x64xf32, #tpu.memory_space<hbm>> -> memref<64xf32, #tpu.memory_space<hbm>>
        tpu.enqueue_dma source(%dma_start3A_1009 : memref<64xf32, #tpu.memory_space<hbm>>) target(%dma_start3A_1006 : memref<64xf32, #tpu.memory_space<vmem>>) target_semaphore(%dma_start3A_1003 : memref<!tpu.dma_semaphore, #tpu.memory_space<semaphore_mem>>)
        %slice3A_1010 = vector.extract_strided_slice %get3A_115 {offsets = [15], sizes = [1], strides = [1]} : vector<16xi32> to vector<1xi32>
        %squeeze3A_1011 = vector.extract %slice3A_1010[0] : i32 from vector<1xi32>
        %add3A_1012 = arith.constant 128 : i32
        %add3A_1013 = arith.addi %add3A_1012, %add3A_124 : i32
        %add3A_1014 = arith.constant 15 : i32
        %add3A_1015 = arith.addi %add3A_1013, %add3A_1014 : i32
        %dma_start3A_1016 = arith.constant 0 : i32
        %dma_start3A_1017 = tpu.memref_slice %arg7[%add3A_1015, %dma_start3A_1016] : memref<768x64xf32, #tpu.memory_space<vmem>> -> memref<1x64xf32, #tpu.memory_space<vmem>>
        %dma_start3A_1018 = tpu.memref_squeeze %dma_start3A_1017 : memref<1x64xf32, #tpu.memory_space<vmem>> -> memref<64xf32, #tpu.memory_space<vmem>>
        %dma_start3A_1019 = arith.constant 0 : i32
        %dma_start3A_1020 = tpu.memref_slice %arg4[%squeeze3A_1011, %dma_start3A_1019] : memref<100000x64xf32, #tpu.memory_space<hbm>> -> memref<1x64xf32, #tpu.memory_space<hbm>>
        %dma_start3A_1021 = tpu.memref_squeeze %dma_start3A_1020 : memref<1x64xf32, #tpu.memory_space<hbm>> -> memref<64xf32, #tpu.memory_space<hbm>>
        %dma_start3A_1022 = tpu.memref_slice %arg9[%select_n3A_48] : memref<2x!tpu.dma_semaphore, #tpu.memory_space<semaphore_mem>> -> memref<1x!tpu.dma_semaphore, #tpu.memory_space<semaphore_mem>>
        %dma_start3A_1023 = tpu.memref_squeeze %dma_start3A_1022 : memref<1x!tpu.dma_semaphore, #tpu.memory_space<semaphore_mem>> -> memref<!tpu.dma_semaphore, #tpu.memory_space<semaphore_mem>>
        %dma_start3A_1024 = arith.constant 0 : i32
        %dma_start3A_1025 = tpu.memref_slice %arg7[%add3A_1015, %dma_start3A_1024] : memref<768x64xf32, #tpu.memory_space<vmem>> -> memref<1x64xf32, #tpu.memory_space<vmem>>
        %dma_start3A_1026 = tpu.memref_squeeze %dma_start3A_1025 : memref<1x64xf32, #tpu.memory_space<vmem>> -> memref<64xf32, #tpu.memory_space<vmem>>
        %dma_start3A_1027 = arith.constant 0 : i32
        %dma_start3A_1028 = tpu.memref_slice %arg4[%squeeze3A_1011, %dma_start3A_1027] : memref<100000x64xf32, #tpu.memory_space<hbm>> -> memref<1x64xf32, #tpu.memory_space<hbm>>
        %dma_start3A_1029 = tpu.memref_squeeze %dma_start3A_1028 : memref<1x64xf32, #tpu.memory_space<hbm>> -> memref<64xf32, #tpu.memory_space<hbm>>
        tpu.enqueue_dma source(%dma_start3A_1029 : memref<64xf32, #tpu.memory_space<hbm>>) target(%dma_start3A_1026 : memref<64xf32, #tpu.memory_space<vmem>>) target_semaphore(%dma_start3A_1023 : memref<!tpu.dma_semaphore, #tpu.memory_space<semaphore_mem>>)
        %slice3A_1030 = vector.extract_strided_slice %get3A_119 {offsets = [15], sizes = [1], strides = [1]} : vector<16xi32> to vector<1xi32>
        %squeeze3A_1031 = vector.extract %slice3A_1030[0] : i32 from vector<1xi32>
        %add3A_1032 = arith.constant 256 : i32
        %add3A_1033 = arith.addi %add3A_1032, %add3A_124 : i32
        %add3A_1034 = arith.constant 15 : i32
        %add3A_1035 = arith.addi %add3A_1033, %add3A_1034 : i32
        %dma_start3A_1036 = arith.constant 0 : i32
        %dma_start3A_1037 = tpu.memref_slice %arg7[%add3A_1035, %dma_start3A_1036] : memref<768x64xf32, #tpu.memory_space<vmem>> -> memref<1x64xf32, #tpu.memory_space<vmem>>
        %dma_start3A_1038 = tpu.memref_squeeze %dma_start3A_1037 : memref<1x64xf32, #tpu.memory_space<vmem>> -> memref<64xf32, #tpu.memory_space<vmem>>
        %dma_start3A_1039 = arith.constant 0 : i32
        %dma_start3A_1040 = tpu.memref_slice %arg4[%squeeze3A_1031, %dma_start3A_1039] : memref<100000x64xf32, #tpu.memory_space<hbm>> -> memref<1x64xf32, #tpu.memory_space<hbm>>
        %dma_start3A_1041 = tpu.memref_squeeze %dma_start3A_1040 : memref<1x64xf32, #tpu.memory_space<hbm>> -> memref<64xf32, #tpu.memory_space<hbm>>
        %dma_start3A_1042 = tpu.memref_slice %arg9[%select_n3A_48] : memref<2x!tpu.dma_semaphore, #tpu.memory_space<semaphore_mem>> -> memref<1x!tpu.dma_semaphore, #tpu.memory_space<semaphore_mem>>
        %dma_start3A_1043 = tpu.memref_squeeze %dma_start3A_1042 : memref<1x!tpu.dma_semaphore, #tpu.memory_space<semaphore_mem>> -> memref<!tpu.dma_semaphore, #tpu.memory_space<semaphore_mem>>
        %dma_start3A_1044 = arith.constant 0 : i32
        %dma_start3A_1045 = tpu.memref_slice %arg7[%add3A_1035, %dma_start3A_1044] : memref<768x64xf32, #tpu.memory_space<vmem>> -> memref<1x64xf32, #tpu.memory_space<vmem>>
        %dma_start3A_1046 = tpu.memref_squeeze %dma_start3A_1045 : memref<1x64xf32, #tpu.memory_space<vmem>> -> memref<64xf32, #tpu.memory_space<vmem>>
        %dma_start3A_1047 = arith.constant 0 : i32
        %dma_start3A_1048 = tpu.memref_slice %arg4[%squeeze3A_1031, %dma_start3A_1047] : memref<100000x64xf32, #tpu.memory_space<hbm>> -> memref<1x64xf32, #tpu.memory_space<hbm>>
        %dma_start3A_1049 = tpu.memref_squeeze %dma_start3A_1048 : memref<1x64xf32, #tpu.memory_space<hbm>> -> memref<64xf32, #tpu.memory_space<hbm>>
        tpu.enqueue_dma source(%dma_start3A_1049 : memref<64xf32, #tpu.memory_space<hbm>>) target(%dma_start3A_1046 : memref<64xf32, #tpu.memory_space<vmem>>) target_semaphore(%dma_start3A_1043 : memref<!tpu.dma_semaphore, #tpu.memory_space<semaphore_mem>>)
      }
      %scan3A_53 = arith.constant 8 : i32
      %jit3A_54 = arith.constant 2 : i32
      %eq3A_55 = arith.constant 0 : i32
      %eq3A_56 = arith.cmpi eq, %jit3A_54, %eq3A_55 : i32
      %jit3A_57 = arith.constant 1 : i32
      %select_n3A_58 = arith.select %eq3A_56, %jit3A_57, %jit3A_54 : i32
      %rem3A_59 = arith.remsi %scan3A_35, %select_n3A_58 : i32
      %ne3A_60 = arith.constant 0 : i32
      %ne3A_61 = arith.cmpi ne, %rem3A_59, %ne3A_60 : i32
      %lt3A_62 = arith.constant 0 : i32
      %lt3A_63 = arith.cmpi slt, %rem3A_59, %lt3A_62 : i32
      %lt3A_64 = arith.constant 0 : i32
      %lt3A_65 = arith.cmpi slt, %select_n3A_58, %lt3A_64 : i32
      %ne3A_66 = arith.xori %lt3A_63, %lt3A_65 : i1
      %and3A_67 = arith.andi %ne3A_66, %ne3A_61 : i1
      %add3A_68 = arith.addi %rem3A_59, %select_n3A_58 : i32
      %select_n3A_69 = arith.select %and3A_67, %add3A_68, %rem3A_59 : i32
      %mul3A_70 = arith.constant 384 : i32
      %mul3A_71 = arith.muli %select_n3A_69, %mul3A_70 : i32
      %dma_wait3A_72 = arith.constant 0 : i32
      %dma_wait3A_73 = tpu.memref_slice %arg7[%mul3A_71, %dma_wait3A_72] : memref<768x64xf32, #tpu.memory_space<vmem>> -> memref<384x64xf32, #tpu.memory_space<vmem>>
      %dma_wait3A_74 = arith.constant 0 : i32
      %dma_wait3A_75 = arith.constant 0 : i32
      %dma_wait3A_76 = tpu.memref_slice %arg3[%dma_wait3A_74, %dma_wait3A_75] : memref<100000x64xf32, #tpu.memory_space<hbm>> -> memref<384x64xf32, #tpu.memory_space<hbm>>
      %dma_wait3A_77 = tpu.memref_slice %arg9[%select_n3A_69] : memref<2x!tpu.dma_semaphore, #tpu.memory_space<semaphore_mem>> -> memref<1x!tpu.dma_semaphore, #tpu.memory_space<semaphore_mem>>
      %dma_wait3A_78 = tpu.memref_squeeze %dma_wait3A_77 : memref<1x!tpu.dma_semaphore, #tpu.memory_space<semaphore_mem>> -> memref<!tpu.dma_semaphore, #tpu.memory_space<semaphore_mem>>
      %dma_wait3A_79 = arith.constant 0 : i32
      %dma_wait3A_80 = tpu.memref_slice %arg7[%mul3A_71, %dma_wait3A_79] : memref<768x64xf32, #tpu.memory_space<vmem>> -> memref<384x64xf32, #tpu.memory_space<vmem>>
      %dma_wait3A_81 = arith.constant 0 : i32
      %dma_wait3A_82 = arith.constant 0 : i32
      %dma_wait3A_83 = tpu.memref_slice %arg3[%dma_wait3A_81, %dma_wait3A_82] : memref<100000x64xf32, #tpu.memory_space<hbm>> -> memref<384x64xf32, #tpu.memory_space<hbm>>
      tpu.wait_dma2 semaphore(%dma_wait3A_78 : memref<!tpu.dma_semaphore, #tpu.memory_space<semaphore_mem>>) src(%dma_wait3A_83 : memref<384x64xf32, #tpu.memory_space<hbm>>) dst(%dma_wait3A_80 : memref<384x64xf32, #tpu.memory_space<vmem>>)
      %jit3A_84 = arith.constant 2 : i32
      %eq3A_85 = arith.constant 0 : i32
      %eq3A_86 = arith.cmpi eq, %jit3A_84, %eq3A_85 : i32
      %jit3A_87 = arith.constant 1 : i32
      %select_n3A_88 = arith.select %eq3A_86, %jit3A_87, %jit3A_84 : i32
      %rem3A_89 = arith.remsi %scan3A_35, %select_n3A_88 : i32
      %ne3A_90 = arith.constant 0 : i32
      %ne3A_91 = arith.cmpi ne, %rem3A_89, %ne3A_90 : i32
      %lt3A_92 = arith.constant 0 : i32
      %lt3A_93 = arith.cmpi slt, %rem3A_89, %lt3A_92 : i32
      %lt3A_94 = arith.constant 0 : i32
      %lt3A_95 = arith.cmpi slt, %select_n3A_88, %lt3A_94 : i32
      %ne3A_96 = arith.xori %lt3A_93, %lt3A_95 : i1
      %and3A_97 = arith.andi %ne3A_96, %ne3A_91 : i1
      %add3A_98 = arith.addi %rem3A_89, %select_n3A_88 : i32
      %select_n3A_99 = arith.select %and3A_97, %add3A_98, %rem3A_89 : i32
      %scan3A_100 = arith.constant 0 : i32
      %scan3A_101 = arith.constant 8 : i32
      %scan3A_102 = arith.addi %scan3A_100, %scan3A_101 : i32
      %scan3A_103 = arith.constant 1 : i32
      scf.for %scan3A_105 = %scan3A_100 to %scan3A_102 step %scan3A_103  : i32 {
        %mul3A_106 = arith.constant 384 : i32
        %mul3A_107 = arith.muli %select_n3A_99, %mul3A_106 : i32
        %mul3A_108 = arith.constant 16 : i32
        %mul3A_109 = arith.muli %scan3A_105, %mul3A_108 : i32
        %add3A_110 = arith.addi %mul3A_107, %mul3A_109 : i32
        %add3A_111 = vector.broadcast %add3A_110 : i32 to vector<16xi32>
        %add3A_112 = arith.addi %iota3A, %add3A_111 : vector<16xi32>
        %broadcast_in_dim3A = arith.constant 0.000000e+00 : f32
        %broadcast_in_dim3A_113 = vector.broadcast %broadcast_in_dim3A : f32 to vector<16xf32>
        %scan3A_114 = arith.constant 0 : i32
        %scan3A_115 = arith.constant 8 : i32
        %scan3A_116 = arith.addi %scan3A_114, %scan3A_115 : i32
        %scan3A_117 = arith.constant 1 : i32
        %scan3A_118 = scf.for %scan3A_133 = %scan3A_114 to %scan3A_116 step %scan3A_117 iter_args(%scan3A_134 = %broadcast_in_dim3A_113) -> (vector<16xf32>)  : i32 {
          %broadcast_in_dim3A_135 = arith.constant 0 : i32
          %broadcast_in_dim3A_136 = vector.broadcast %broadcast_in_dim3A_135 : i32 to vector<16xi32>
          %mul3A_137 = arith.constant 8 : i32
          %mul3A_138 = arith.muli %scan3A_133, %mul3A_137 : i32
          %add3A_139 = vector.broadcast %mul3A_138 : i32 to vector<16xi32>
          %add3A_140 = arith.addi %broadcast_in_dim3A_136, %add3A_139 : vector<16xi32>
          %gather3A = tpu.vector_load_idx %arg7[%add3A_112, %add3A_140] : memref<768x64xf32, #tpu.memory_space<vmem>>[vector<16xi32>, vector<16xi32>], vector<16xf32>,
          %add3A_141 = arith.constant 128 : i32
          %add3A_142 = vector.broadcast %add3A_141 : i32 to vector<16xi32>
          %add3A_143 = arith.addi %add3A_112, %add3A_142 : vector<16xi32>
          %gather3A_144 = tpu.vector_load_idx %arg7[%add3A_143, %add3A_140] : memref<768x64xf32, #tpu.memory_space<vmem>>[vector<16xi32>, vector<16xi32>], vector<16xf32>,
          %add3A_145 = arith.constant 256 : i32
          %add3A_146 = vector.broadcast %add3A_145 : i32 to vector<16xi32>
          %add3A_147 = arith.addi %add3A_112, %add3A_146 : vector<16xi32>
          %gather3A_148 = tpu.vector_load_idx %arg7[%add3A_147, %add3A_140] : memref<768x64xf32, #tpu.memory_space<vmem>>[vector<16xi32>, vector<16xi32>], vector<16xf32>,
          %sub3A = arith.subf %gather3A, %gather3A_144 : vector<16xf32>
          %sub3A_149 = arith.subf %gather3A, %gather3A_148 : vector<16xf32>
          %mul3A_150 = arith.mulf %sub3A_149, %sub3A_149 : vector<16xf32>
          %mul3A_151 = arith.mulf %sub3A, %sub3A : vector<16xf32>
          %sub3A_152 = arith.subf %mul3A_150, %mul3A_151 : vector<16xf32>
          %add3A_153 = arith.addf %scan3A_134, %sub3A_152 : vector<16xf32>
          %broadcast_in_dim3A_154 = arith.constant 1 : i32
          %broadcast_in_dim3A_155 = vector.broadcast %broadcast_in_dim3A_154 : i32 to vector<16xi32>
          %mul3A_156 = arith.constant 8 : i32
          %mul3A_157 = arith.muli %scan3A_133, %mul3A_156 : i32
          %add3A_158 = vector.broadcast %mul3A_157 : i32 to vector<16xi32>
          %add3A_159 = arith.addi %broadcast_in_dim3A_155, %add3A_158 : vector<16xi32>
          %gather3A_160 = tpu.vector_load_idx %arg7[%add3A_112, %add3A_159] : memref<768x64xf32, #tpu.memory_space<vmem>>[vector<16xi32>, vector<16xi32>], vector<16xf32>,
          %add3A_161 = arith.constant 128 : i32
          %add3A_162 = vector.broadcast %add3A_161 : i32 to vector<16xi32>
          %add3A_163 = arith.addi %add3A_112, %add3A_162 : vector<16xi32>
          %gather3A_164 = tpu.vector_load_idx %arg7[%add3A_163, %add3A_159] : memref<768x64xf32, #tpu.memory_space<vmem>>[vector<16xi32>, vector<16xi32>], vector<16xf32>,
          %add3A_165 = arith.constant 256 : i32
          %add3A_166 = vector.broadcast %add3A_165 : i32 to vector<16xi32>
          %add3A_167 = arith.addi %add3A_112, %add3A_166 : vector<16xi32>
          %gather3A_168 = tpu.vector_load_idx %arg7[%add3A_167, %add3A_159] : memref<768x64xf32, #tpu.memory_space<vmem>>[vector<16xi32>, vector<16xi32>], vector<16xf32>,
          %sub3A_169 = arith.subf %gather3A_160, %gather3A_164 : vector<16xf32>
          %sub3A_170 = arith.subf %gather3A_160, %gather3A_168 : vector<16xf32>
          %mul3A_171 = arith.mulf %sub3A_170, %sub3A_170 : vector<16xf32>
          %mul3A_172 = arith.mulf %sub3A_169, %sub3A_169 : vector<16xf32>
          %sub3A_173 = arith.subf %mul3A_171, %mul3A_172 : vector<16xf32>
          %add3A_174 = arith.addf %add3A_153, %sub3A_173 : vector<16xf32>
          %broadcast_in_dim3A_175 = arith.constant 2 : i32
          %broadcast_in_dim3A_176 = vector.broadcast %broadcast_in_dim3A_175 : i32 to vector<16xi32>
          %mul3A_177 = arith.constant 8 : i32
          %mul3A_178 = arith.muli %scan3A_133, %mul3A_177 : i32
          %add3A_179 = vector.broadcast %mul3A_178 : i32 to vector<16xi32>
          %add3A_180 = arith.addi %broadcast_in_dim3A_176, %add3A_179 : vector<16xi32>
          %gather3A_181 = tpu.vector_load_idx %arg7[%add3A_112, %add3A_180] : memref<768x64xf32, #tpu.memory_space<vmem>>[vector<16xi32>, vector<16xi32>], vector<16xf32>,
          %add3A_182 = arith.constant 128 : i32
          %add3A_183 = vector.broadcast %add3A_182 : i32 to vector<16xi32>
          %add3A_184 = arith.addi %add3A_112, %add3A_183 : vector<16xi32>
          %gather3A_185 = tpu.vector_load_idx %arg7[%add3A_184, %add3A_180] : memref<768x64xf32, #tpu.memory_space<vmem>>[vector<16xi32>, vector<16xi32>], vector<16xf32>,
          %add3A_186 = arith.constant 256 : i32
          %add3A_187 = vector.broadcast %add3A_186 : i32 to vector<16xi32>
          %add3A_188 = arith.addi %add3A_112, %add3A_187 : vector<16xi32>
          %gather3A_189 = tpu.vector_load_idx %arg7[%add3A_188, %add3A_180] : memref<768x64xf32, #tpu.memory_space<vmem>>[vector<16xi32>, vector<16xi32>], vector<16xf32>,
          %sub3A_190 = arith.subf %gather3A_181, %gather3A_185 : vector<16xf32>
          %sub3A_191 = arith.subf %gather3A_181, %gather3A_189 : vector<16xf32>
          %mul3A_192 = arith.mulf %sub3A_191, %sub3A_191 : vector<16xf32>
          %mul3A_193 = arith.mulf %sub3A_190, %sub3A_190 : vector<16xf32>
          %sub3A_194 = arith.subf %mul3A_192, %mul3A_193 : vector<16xf32>
          %add3A_195 = arith.addf %add3A_174, %sub3A_194 : vector<16xf32>
          %broadcast_in_dim3A_196 = arith.constant 3 : i32
          %broadcast_in_dim3A_197 = vector.broadcast %broadcast_in_dim3A_196 : i32 to vector<16xi32>
          %mul3A_198 = arith.constant 8 : i32
          %mul3A_199 = arith.muli %scan3A_133, %mul3A_198 : i32
          %add3A_200 = vector.broadcast %mul3A_199 : i32 to vector<16xi32>
          %add3A_201 = arith.addi %broadcast_in_dim3A_197, %add3A_200 : vector<16xi32>
          %gather3A_202 = tpu.vector_load_idx %arg7[%add3A_112, %add3A_201] : memref<768x64xf32, #tpu.memory_space<vmem>>[vector<16xi32>, vector<16xi32>], vector<16xf32>,
          %add3A_203 = arith.constant 128 : i32
          %add3A_204 = vector.broadcast %add3A_203 : i32 to vector<16xi32>
          %add3A_205 = arith.addi %add3A_112, %add3A_204 : vector<16xi32>
          %gather3A_206 = tpu.vector_load_idx %arg7[%add3A_205, %add3A_201] : memref<768x64xf32, #tpu.memory_space<vmem>>[vector<16xi32>, vector<16xi32>], vector<16xf32>,
          %add3A_207 = arith.constant 256 : i32
          %add3A_208 = vector.broadcast %add3A_207 : i32 to vector<16xi32>
          %add3A_209 = arith.addi %add3A_112, %add3A_208 : vector<16xi32>
          %gather3A_210 = tpu.vector_load_idx %arg7[%add3A_209, %add3A_201] : memref<768x64xf32, #tpu.memory_space<vmem>>[vector<16xi32>, vector<16xi32>], vector<16xf32>,
          %sub3A_211 = arith.subf %gather3A_202, %gather3A_206 : vector<16xf32>
          %sub3A_212 = arith.subf %gather3A_202, %gather3A_210 : vector<16xf32>
          %mul3A_213 = arith.mulf %sub3A_212, %sub3A_212 : vector<16xf32>
          %mul3A_214 = arith.mulf %sub3A_211, %sub3A_211 : vector<16xf32>
          %sub3A_215 = arith.subf %mul3A_213, %mul3A_214 : vector<16xf32>
          %add3A_216 = arith.addf %add3A_195, %sub3A_215 : vector<16xf32>
          %broadcast_in_dim3A_217 = arith.constant 4 : i32
          %broadcast_in_dim3A_218 = vector.broadcast %broadcast_in_dim3A_217 : i32 to vector<16xi32>
          %mul3A_219 = arith.constant 8 : i32
          %mul3A_220 = arith.muli %scan3A_133, %mul3A_219 : i32
          %add3A_221 = vector.broadcast %mul3A_220 : i32 to vector<16xi32>
          %add3A_222 = arith.addi %broadcast_in_dim3A_218, %add3A_221 : vector<16xi32>
          %gather3A_223 = tpu.vector_load_idx %arg7[%add3A_112, %add3A_222] : memref<768x64xf32, #tpu.memory_space<vmem>>[vector<16xi32>, vector<16xi32>], vector<16xf32>,
          %add3A_224 = arith.constant 128 : i32
          %add3A_225 = vector.broadcast %add3A_224 : i32 to vector<16xi32>
          %add3A_226 = arith.addi %add3A_112, %add3A_225 : vector<16xi32>
          %gather3A_227 = tpu.vector_load_idx %arg7[%add3A_226, %add3A_222] : memref<768x64xf32, #tpu.memory_space<vmem>>[vector<16xi32>, vector<16xi32>], vector<16xf32>,
          %add3A_228 = arith.constant 256 : i32
          %add3A_229 = vector.broadcast %add3A_228 : i32 to vector<16xi32>
          %add3A_230 = arith.addi %add3A_112, %add3A_229 : vector<16xi32>
          %gather3A_231 = tpu.vector_load_idx %arg7[%add3A_230, %add3A_222] : memref<768x64xf32, #tpu.memory_space<vmem>>[vector<16xi32>, vector<16xi32>], vector<16xf32>,
          %sub3A_232 = arith.subf %gather3A_223, %gather3A_227 : vector<16xf32>
          %sub3A_233 = arith.subf %gather3A_223, %gather3A_231 : vector<16xf32>
          %mul3A_234 = arith.mulf %sub3A_233, %sub3A_233 : vector<16xf32>
          %mul3A_235 = arith.mulf %sub3A_232, %sub3A_232 : vector<16xf32>
          %sub3A_236 = arith.subf %mul3A_234, %mul3A_235 : vector<16xf32>
          %add3A_237 = arith.addf %add3A_216, %sub3A_236 : vector<16xf32>
          %broadcast_in_dim3A_238 = arith.constant 5 : i32
          %broadcast_in_dim3A_239 = vector.broadcast %broadcast_in_dim3A_238 : i32 to vector<16xi32>
          %mul3A_240 = arith.constant 8 : i32
          %mul3A_241 = arith.muli %scan3A_133, %mul3A_240 : i32
          %add3A_242 = vector.broadcast %mul3A_241 : i32 to vector<16xi32>
          %add3A_243 = arith.addi %broadcast_in_dim3A_239, %add3A_242 : vector<16xi32>
          %gather3A_244 = tpu.vector_load_idx %arg7[%add3A_112, %add3A_243] : memref<768x64xf32, #tpu.memory_space<vmem>>[vector<16xi32>, vector<16xi32>], vector<16xf32>,
          %add3A_245 = arith.constant 128 : i32
          %add3A_246 = vector.broadcast %add3A_245 : i32 to vector<16xi32>
          %add3A_247 = arith.addi %add3A_112, %add3A_246 : vector<16xi32>
          %gather3A_248 = tpu.vector_load_idx %arg7[%add3A_247, %add3A_243] : memref<768x64xf32, #tpu.memory_space<vmem>>[vector<16xi32>, vector<16xi32>], vector<16xf32>,
          %add3A_249 = arith.constant 256 : i32
          %add3A_250 = vector.broadcast %add3A_249 : i32 to vector<16xi32>
          %add3A_251 = arith.addi %add3A_112, %add3A_250 : vector<16xi32>
          %gather3A_252 = tpu.vector_load_idx %arg7[%add3A_251, %add3A_243] : memref<768x64xf32, #tpu.memory_space<vmem>>[vector<16xi32>, vector<16xi32>], vector<16xf32>,
          %sub3A_253 = arith.subf %gather3A_244, %gather3A_248 : vector<16xf32>
          %sub3A_254 = arith.subf %gather3A_244, %gather3A_252 : vector<16xf32>
          %mul3A_255 = arith.mulf %sub3A_254, %sub3A_254 : vector<16xf32>
          %mul3A_256 = arith.mulf %sub3A_253, %sub3A_253 : vector<16xf32>
          %sub3A_257 = arith.subf %mul3A_255, %mul3A_256 : vector<16xf32>
          %add3A_258 = arith.addf %add3A_237, %sub3A_257 : vector<16xf32>
          %broadcast_in_dim3A_259 = arith.constant 6 : i32
          %broadcast_in_dim3A_260 = vector.broadcast %broadcast_in_dim3A_259 : i32 to vector<16xi32>
          %mul3A_261 = arith.constant 8 : i32
          %mul3A_262 = arith.muli %scan3A_133, %mul3A_261 : i32
          %add3A_263 = vector.broadcast %mul3A_262 : i32 to vector<16xi32>
          %add3A_264 = arith.addi %broadcast_in_dim3A_260, %add3A_263 : vector<16xi32>
          %gather3A_265 = tpu.vector_load_idx %arg7[%add3A_112, %add3A_264] : memref<768x64xf32, #tpu.memory_space<vmem>>[vector<16xi32>, vector<16xi32>], vector<16xf32>,
          %add3A_266 = arith.constant 128 : i32
          %add3A_267 = vector.broadcast %add3A_266 : i32 to vector<16xi32>
          %add3A_268 = arith.addi %add3A_112, %add3A_267 : vector<16xi32>
          %gather3A_269 = tpu.vector_load_idx %arg7[%add3A_268, %add3A_264] : memref<768x64xf32, #tpu.memory_space<vmem>>[vector<16xi32>, vector<16xi32>], vector<16xf32>,
          %add3A_270 = arith.constant 256 : i32
          %add3A_271 = vector.broadcast %add3A_270 : i32 to vector<16xi32>
          %add3A_272 = arith.addi %add3A_112, %add3A_271 : vector<16xi32>
          %gather3A_273 = tpu.vector_load_idx %arg7[%add3A_272, %add3A_264] : memref<768x64xf32, #tpu.memory_space<vmem>>[vector<16xi32>, vector<16xi32>], vector<16xf32>,
          %sub3A_274 = arith.subf %gather3A_265, %gather3A_269 : vector<16xf32>
          %sub3A_275 = arith.subf %gather3A_265, %gather3A_273 : vector<16xf32>
          %mul3A_276 = arith.mulf %sub3A_275, %sub3A_275 : vector<16xf32>
          %mul3A_277 = arith.mulf %sub3A_274, %sub3A_274 : vector<16xf32>
          %sub3A_278 = arith.subf %mul3A_276, %mul3A_277 : vector<16xf32>
          %add3A_279 = arith.addf %add3A_258, %sub3A_278 : vector<16xf32>
          %broadcast_in_dim3A_280 = arith.constant 7 : i32
          %broadcast_in_dim3A_281 = vector.broadcast %broadcast_in_dim3A_280 : i32 to vector<16xi32>
          %mul3A_282 = arith.constant 8 : i32
          %mul3A_283 = arith.muli %scan3A_133, %mul3A_282 : i32
          %add3A_284 = vector.broadcast %mul3A_283 : i32 to vector<16xi32>
          %add3A_285 = arith.addi %broadcast_in_dim3A_281, %add3A_284 : vector<16xi32>
          %gather3A_286 = tpu.vector_load_idx %arg7[%add3A_112, %add3A_285] : memref<768x64xf32, #tpu.memory_space<vmem>>[vector<16xi32>, vector<16xi32>], vector<16xf32>,
          %add3A_287 = arith.constant 128 : i32
          %add3A_288 = vector.broadcast %add3A_287 : i32 to vector<16xi32>
          %add3A_289 = arith.addi %add3A_112, %add3A_288 : vector<16xi32>
          %gather3A_290 = tpu.vector_load_idx %arg7[%add3A_289, %add3A_285] : memref<768x64xf32, #tpu.memory_space<vmem>>[vector<16xi32>, vector<16xi32>], vector<16xf32>,
          %add3A_291 = arith.constant 256 : i32
          %add3A_292 = vector.broadcast %add3A_291 : i32 to vector<16xi32>
          %add3A_293 = arith.addi %add3A_112, %add3A_292 : vector<16xi32>
          %gather3A_294 = tpu.vector_load_idx %arg7[%add3A_293, %add3A_285] : memref<768x64xf32, #tpu.memory_space<vmem>>[vector<16xi32>, vector<16xi32>], vector<16xf32>,
          %sub3A_295 = arith.subf %gather3A_286, %gather3A_290 : vector<16xf32>
          %sub3A_296 = arith.subf %gather3A_286, %gather3A_294 : vector<16xf32>
          %mul3A_297 = arith.mulf %sub3A_296, %sub3A_296 : vector<16xf32>
          %mul3A_298 = arith.mulf %sub3A_295, %sub3A_295 : vector<16xf32>
          %sub3A_299 = arith.subf %mul3A_297, %mul3A_298 : vector<16xf32>
          %add3A_300 = arith.addf %add3A_279, %sub3A_299 : vector<16xf32>
          scf.yield %add3A_300 : vector<16xf32>
        }
        %scan3A_119 = arith.constant 8 : i32
        %neg3A = arith.constant 0.000000e+00 : f32
        %neg3A_120 = vector.broadcast %neg3A : f32 to vector<16xf32>
        %neg3A_121 = arith.subf %neg3A_120, %scan3A_118 : vector<16xf32>
        %exp3A = math.exp %neg3A_121 : vector<16xf32>
        %add3A_122 = arith.constant 1.000000e+00 : f32
        %add3A_123 = vector.broadcast %add3A_122 : f32 to vector<16xf32>
        %add3A_124 = arith.addf %add3A_123, %exp3A : vector<16xf32>
        %div3A = arith.constant 1.000000e+00 : f32
        %div3A_125 = vector.broadcast %div3A : f32 to vector<16xf32>
        %div3A_126 = arith.divf %div3A_125, %add3A_124 : vector<16xf32>
        %mul3A_127 = arith.constant 128 : i32
        %mul3A_128 = arith.muli %scan3A_35, %mul3A_127 : i32
        %mul3A_129 = arith.constant 16 : i32
        %mul3A_130 = arith.muli %scan3A_105, %mul3A_129 : i32
        %add3A_131 = arith.addi %mul3A_128, %mul3A_130 : i32
        %swap3A = arith.index_cast %add3A_131 : i32 to index
        %swap3A_132 = tpu.vector_load %arg8[%swap3A] {strides = array<i32>} : memref<512xf32, #tpu.memory_space<vmem>>, vector<16xf32>,
        tpu.vector_store %arg8[%swap3A], %div3A_126 {strides = array<i32>} : memref<512xf32, #tpu.memory_space<vmem>>, vector<16xf32>,
      }
      %scan3A_104 = arith.constant 8 : i32
    }
    %scan3A_15 = arith.constant 3 : i32
    %dma_wait3A = arith.constant 1 : i32
    %dma_wait3A_16 = arith.constant 384 : i32
    %dma_wait3A_17 = arith.constant 0 : i32
    %dma_wait3A_18 = tpu.memref_slice %arg7[%dma_wait3A_16, %dma_wait3A_17] : memref<768x64xf32, #tpu.memory_space<vmem>> -> memref<384x64xf32, #tpu.memory_space<vmem>>
    %dma_wait3A_19 = arith.constant 0 : i32
    %dma_wait3A_20 = arith.constant 0 : i32
    %dma_wait3A_21 = tpu.memref_slice %arg3[%dma_wait3A_19, %dma_wait3A_20] : memref<100000x64xf32, #tpu.memory_space<hbm>> -> memref<384x64xf32, #tpu.memory_space<hbm>>
    %dma_wait3A_22 = tpu.memref_slice %arg9[%dma_wait3A] : memref<2x!tpu.dma_semaphore, #tpu.memory_space<semaphore_mem>> -> memref<1x!tpu.dma_semaphore, #tpu.memory_space<semaphore_mem>>
    %dma_wait3A_23 = tpu.memref_squeeze %dma_wait3A_22 : memref<1x!tpu.dma_semaphore, #tpu.memory_space<semaphore_mem>> -> memref<!tpu.dma_semaphore, #tpu.memory_space<semaphore_mem>>
    %dma_wait3A_24 = arith.constant 384 : i32
    %dma_wait3A_25 = arith.constant 0 : i32
    %dma_wait3A_26 = tpu.memref_slice %arg7[%dma_wait3A_24, %dma_wait3A_25] : memref<768x64xf32, #tpu.memory_space<vmem>> -> memref<384x64xf32, #tpu.memory_space<vmem>>
    %dma_wait3A_27 = arith.constant 0 : i32
    %dma_wait3A_28 = arith.constant 0 : i32
    %dma_wait3A_29 = tpu.memref_slice %arg3[%dma_wait3A_27, %dma_wait3A_28] : memref<100000x64xf32, #tpu.memory_space<hbm>> -> memref<384x64xf32, #tpu.memory_space<hbm>>
    tpu.wait_dma2 semaphore(%dma_wait3A_23 : memref<!tpu.dma_semaphore, #tpu.memory_space<semaphore_mem>>) src(%dma_wait3A_29 : memref<384x64xf32, #tpu.memory_space<hbm>>) dst(%dma_wait3A_26 : memref<384x64xf32, #tpu.memory_space<vmem>>)
    %scan3A_30 = arith.constant 0 : i32
    %scan3A_31 = arith.constant 8 : i32
    %scan3A_32 = arith.addi %scan3A_30, %scan3A_31 : i32
    %scan3A_33 = arith.constant 1 : i32
    scf.for %scan3A_35 = %scan3A_30 to %scan3A_32 step %scan3A_33  : i32 {
      %mul3A_36 = arith.constant 16 : i32
      %mul3A_37 = arith.muli %scan3A_35, %mul3A_36 : i32
      %add3A_38 = arith.constant 384 : i32
      %add3A_39 = arith.addi %add3A_38, %mul3A_37 : i32
      %add3A_40 = vector.broadcast %add3A_39 : i32 to vector<16xi32>
      %add3A_41 = arith.addi %iota3A, %add3A_40 : vector<16xi32>
      %broadcast_in_dim3A = arith.constant 0.000000e+00 : f32
      %broadcast_in_dim3A_42 = vector.broadcast %broadcast_in_dim3A : f32 to vector<16xf32>
      %scan3A_43 = arith.constant 0 : i32
      %scan3A_44 = arith.constant 8 : i32
      %scan3A_45 = arith.addi %scan3A_43, %scan3A_44 : i32
      %scan3A_46 = arith.constant 1 : i32
      %scan3A_47 = scf.for %scan3A_61 = %scan3A_43 to %scan3A_45 step %scan3A_46 iter_args(%scan3A_62 = %broadcast_in_dim3A_42) -> (vector<16xf32>)  : i32 {
        %broadcast_in_dim3A_63 = arith.constant 0 : i32
        %broadcast_in_dim3A_64 = vector.broadcast %broadcast_in_dim3A_63 : i32 to vector<16xi32>
        %mul3A_65 = arith.constant 8 : i32
        %mul3A_66 = arith.muli %scan3A_61, %mul3A_65 : i32
        %add3A_67 = vector.broadcast %mul3A_66 : i32 to vector<16xi32>
        %add3A_68 = arith.addi %broadcast_in_dim3A_64, %add3A_67 : vector<16xi32>
        %gather3A = tpu.vector_load_idx %arg7[%add3A_41, %add3A_68] : memref<768x64xf32, #tpu.memory_space<vmem>>[vector<16xi32>, vector<16xi32>], vector<16xf32>,
        %add3A_69 = arith.constant 128 : i32
        %add3A_70 = vector.broadcast %add3A_69 : i32 to vector<16xi32>
        %add3A_71 = arith.addi %add3A_41, %add3A_70 : vector<16xi32>
        %gather3A_72 = tpu.vector_load_idx %arg7[%add3A_71, %add3A_68] : memref<768x64xf32, #tpu.memory_space<vmem>>[vector<16xi32>, vector<16xi32>], vector<16xf32>,
        %add3A_73 = arith.constant 256 : i32
        %add3A_74 = vector.broadcast %add3A_73 : i32 to vector<16xi32>
        %add3A_75 = arith.addi %add3A_41, %add3A_74 : vector<16xi32>
        %gather3A_76 = tpu.vector_load_idx %arg7[%add3A_75, %add3A_68] : memref<768x64xf32, #tpu.memory_space<vmem>>[vector<16xi32>, vector<16xi32>], vector<16xf32>,
        %sub3A = arith.subf %gather3A, %gather3A_72 : vector<16xf32>
        %sub3A_77 = arith.subf %gather3A, %gather3A_76 : vector<16xf32>
        %mul3A_78 = arith.mulf %sub3A_77, %sub3A_77 : vector<16xf32>
        %mul3A_79 = arith.mulf %sub3A, %sub3A : vector<16xf32>
        %sub3A_80 = arith.subf %mul3A_78, %mul3A_79 : vector<16xf32>
        %add3A_81 = arith.addf %scan3A_62, %sub3A_80 : vector<16xf32>
        %broadcast_in_dim3A_82 = arith.constant 1 : i32
        %broadcast_in_dim3A_83 = vector.broadcast %broadcast_in_dim3A_82 : i32 to vector<16xi32>
        %mul3A_84 = arith.constant 8 : i32
        %mul3A_85 = arith.muli %scan3A_61, %mul3A_84 : i32
        %add3A_86 = vector.broadcast %mul3A_85 : i32 to vector<16xi32>
        %add3A_87 = arith.addi %broadcast_in_dim3A_83, %add3A_86 : vector<16xi32>
        %gather3A_88 = tpu.vector_load_idx %arg7[%add3A_41, %add3A_87] : memref<768x64xf32, #tpu.memory_space<vmem>>[vector<16xi32>, vector<16xi32>], vector<16xf32>,
        %add3A_89 = arith.constant 128 : i32
        %add3A_90 = vector.broadcast %add3A_89 : i32 to vector<16xi32>
        %add3A_91 = arith.addi %add3A_41, %add3A_90 : vector<16xi32>
        %gather3A_92 = tpu.vector_load_idx %arg7[%add3A_91, %add3A_87] : memref<768x64xf32, #tpu.memory_space<vmem>>[vector<16xi32>, vector<16xi32>], vector<16xf32>,
        %add3A_93 = arith.constant 256 : i32
        %add3A_94 = vector.broadcast %add3A_93 : i32 to vector<16xi32>
        %add3A_95 = arith.addi %add3A_41, %add3A_94 : vector<16xi32>
        %gather3A_96 = tpu.vector_load_idx %arg7[%add3A_95, %add3A_87] : memref<768x64xf32, #tpu.memory_space<vmem>>[vector<16xi32>, vector<16xi32>], vector<16xf32>,
        %sub3A_97 = arith.subf %gather3A_88, %gather3A_92 : vector<16xf32>
        %sub3A_98 = arith.subf %gather3A_88, %gather3A_96 : vector<16xf32>
        %mul3A_99 = arith.mulf %sub3A_98, %sub3A_98 : vector<16xf32>
        %mul3A_100 = arith.mulf %sub3A_97, %sub3A_97 : vector<16xf32>
        %sub3A_101 = arith.subf %mul3A_99, %mul3A_100 : vector<16xf32>
        %add3A_102 = arith.addf %add3A_81, %sub3A_101 : vector<16xf32>
        %broadcast_in_dim3A_103 = arith.constant 2 : i32
        %broadcast_in_dim3A_104 = vector.broadcast %broadcast_in_dim3A_103 : i32 to vector<16xi32>
        %mul3A_105 = arith.constant 8 : i32
        %mul3A_106 = arith.muli %scan3A_61, %mul3A_105 : i32
        %add3A_107 = vector.broadcast %mul3A_106 : i32 to vector<16xi32>
        %add3A_108 = arith.addi %broadcast_in_dim3A_104, %add3A_107 : vector<16xi32>
        %gather3A_109 = tpu.vector_load_idx %arg7[%add3A_41, %add3A_108] : memref<768x64xf32, #tpu.memory_space<vmem>>[vector<16xi32>, vector<16xi32>], vector<16xf32>,
        %add3A_110 = arith.constant 128 : i32
        %add3A_111 = vector.broadcast %add3A_110 : i32 to vector<16xi32>
        %add3A_112 = arith.addi %add3A_41, %add3A_111 : vector<16xi32>
        %gather3A_113 = tpu.vector_load_idx %arg7[%add3A_112, %add3A_108] : memref<768x64xf32, #tpu.memory_space<vmem>>[vector<16xi32>, vector<16xi32>], vector<16xf32>,
        %add3A_114 = arith.constant 256 : i32
        %add3A_115 = vector.broadcast %add3A_114 : i32 to vector<16xi32>
        %add3A_116 = arith.addi %add3A_41, %add3A_115 : vector<16xi32>
        %gather3A_117 = tpu.vector_load_idx %arg7[%add3A_116, %add3A_108] : memref<768x64xf32, #tpu.memory_space<vmem>>[vector<16xi32>, vector<16xi32>], vector<16xf32>,
        %sub3A_118 = arith.subf %gather3A_109, %gather3A_113 : vector<16xf32>
        %sub3A_119 = arith.subf %gather3A_109, %gather3A_117 : vector<16xf32>
        %mul3A_120 = arith.mulf %sub3A_119, %sub3A_119 : vector<16xf32>
        %mul3A_121 = arith.mulf %sub3A_118, %sub3A_118 : vector<16xf32>
        %sub3A_122 = arith.subf %mul3A_120, %mul3A_121 : vector<16xf32>
        %add3A_123 = arith.addf %add3A_102, %sub3A_122 : vector<16xf32>
        %broadcast_in_dim3A_124 = arith.constant 3 : i32
        %broadcast_in_dim3A_125 = vector.broadcast %broadcast_in_dim3A_124 : i32 to vector<16xi32>
        %mul3A_126 = arith.constant 8 : i32
        %mul3A_127 = arith.muli %scan3A_61, %mul3A_126 : i32
        %add3A_128 = vector.broadcast %mul3A_127 : i32 to vector<16xi32>
        %add3A_129 = arith.addi %broadcast_in_dim3A_125, %add3A_128 : vector<16xi32>
        %gather3A_130 = tpu.vector_load_idx %arg7[%add3A_41, %add3A_129] : memref<768x64xf32, #tpu.memory_space<vmem>>[vector<16xi32>, vector<16xi32>], vector<16xf32>,
        %add3A_131 = arith.constant 128 : i32
        %add3A_132 = vector.broadcast %add3A_131 : i32 to vector<16xi32>
        %add3A_133 = arith.addi %add3A_41, %add3A_132 : vector<16xi32>
        %gather3A_134 = tpu.vector_load_idx %arg7[%add3A_133, %add3A_129] : memref<768x64xf32, #tpu.memory_space<vmem>>[vector<16xi32>, vector<16xi32>], vector<16xf32>,
        %add3A_135 = arith.constant 256 : i32
        %add3A_136 = vector.broadcast %add3A_135 : i32 to vector<16xi32>
        %add3A_137 = arith.addi %add3A_41, %add3A_136 : vector<16xi32>
        %gather3A_138 = tpu.vector_load_idx %arg7[%add3A_137, %add3A_129] : memref<768x64xf32, #tpu.memory_space<vmem>>[vector<16xi32>, vector<16xi32>], vector<16xf32>,
        %sub3A_139 = arith.subf %gather3A_130, %gather3A_134 : vector<16xf32>
        %sub3A_140 = arith.subf %gather3A_130, %gather3A_138 : vector<16xf32>
        %mul3A_141 = arith.mulf %sub3A_140, %sub3A_140 : vector<16xf32>
        %mul3A_142 = arith.mulf %sub3A_139, %sub3A_139 : vector<16xf32>
        %sub3A_143 = arith.subf %mul3A_141, %mul3A_142 : vector<16xf32>
        %add3A_144 = arith.addf %add3A_123, %sub3A_143 : vector<16xf32>
        %broadcast_in_dim3A_145 = arith.constant 4 : i32
        %broadcast_in_dim3A_146 = vector.broadcast %broadcast_in_dim3A_145 : i32 to vector<16xi32>
        %mul3A_147 = arith.constant 8 : i32
        %mul3A_148 = arith.muli %scan3A_61, %mul3A_147 : i32
        %add3A_149 = vector.broadcast %mul3A_148 : i32 to vector<16xi32>
        %add3A_150 = arith.addi %broadcast_in_dim3A_146, %add3A_149 : vector<16xi32>
        %gather3A_151 = tpu.vector_load_idx %arg7[%add3A_41, %add3A_150] : memref<768x64xf32, #tpu.memory_space<vmem>>[vector<16xi32>, vector<16xi32>], vector<16xf32>,
        %add3A_152 = arith.constant 128 : i32
        %add3A_153 = vector.broadcast %add3A_152 : i32 to vector<16xi32>
        %add3A_154 = arith.addi %add3A_41, %add3A_153 : vector<16xi32>
        %gather3A_155 = tpu.vector_load_idx %arg7[%add3A_154, %add3A_150] : memref<768x64xf32, #tpu.memory_space<vmem>>[vector<16xi32>, vector<16xi32>], vector<16xf32>,
        %add3A_156 = arith.constant 256 : i32
        %add3A_157 = vector.broadcast %add3A_156 : i32 to vector<16xi32>
        %add3A_158 = arith.addi %add3A_41, %add3A_157 : vector<16xi32>
        %gather3A_159 = tpu.vector_load_idx %arg7[%add3A_158, %add3A_150] : memref<768x64xf32, #tpu.memory_space<vmem>>[vector<16xi32>, vector<16xi32>], vector<16xf32>,
        %sub3A_160 = arith.subf %gather3A_151, %gather3A_155 : vector<16xf32>
        %sub3A_161 = arith.subf %gather3A_151, %gather3A_159 : vector<16xf32>
        %mul3A_162 = arith.mulf %sub3A_161, %sub3A_161 : vector<16xf32>
        %mul3A_163 = arith.mulf %sub3A_160, %sub3A_160 : vector<16xf32>
        %sub3A_164 = arith.subf %mul3A_162, %mul3A_163 : vector<16xf32>
        %add3A_165 = arith.addf %add3A_144, %sub3A_164 : vector<16xf32>
        %broadcast_in_dim3A_166 = arith.constant 5 : i32
        %broadcast_in_dim3A_167 = vector.broadcast %broadcast_in_dim3A_166 : i32 to vector<16xi32>
        %mul3A_168 = arith.constant 8 : i32
        %mul3A_169 = arith.muli %scan3A_61, %mul3A_168 : i32
        %add3A_170 = vector.broadcast %mul3A_169 : i32 to vector<16xi32>
        %add3A_171 = arith.addi %broadcast_in_dim3A_167, %add3A_170 : vector<16xi32>
        %gather3A_172 = tpu.vector_load_idx %arg7[%add3A_41, %add3A_171] : memref<768x64xf32, #tpu.memory_space<vmem>>[vector<16xi32>, vector<16xi32>], vector<16xf32>,
        %add3A_173 = arith.constant 128 : i32
        %add3A_174 = vector.broadcast %add3A_173 : i32 to vector<16xi32>
        %add3A_175 = arith.addi %add3A_41, %add3A_174 : vector<16xi32>
        %gather3A_176 = tpu.vector_load_idx %arg7[%add3A_175, %add3A_171] : memref<768x64xf32, #tpu.memory_space<vmem>>[vector<16xi32>, vector<16xi32>], vector<16xf32>,
        %add3A_177 = arith.constant 256 : i32
        %add3A_178 = vector.broadcast %add3A_177 : i32 to vector<16xi32>
        %add3A_179 = arith.addi %add3A_41, %add3A_178 : vector<16xi32>
        %gather3A_180 = tpu.vector_load_idx %arg7[%add3A_179, %add3A_171] : memref<768x64xf32, #tpu.memory_space<vmem>>[vector<16xi32>, vector<16xi32>], vector<16xf32>,
        %sub3A_181 = arith.subf %gather3A_172, %gather3A_176 : vector<16xf32>
        %sub3A_182 = arith.subf %gather3A_172, %gather3A_180 : vector<16xf32>
        %mul3A_183 = arith.mulf %sub3A_182, %sub3A_182 : vector<16xf32>
        %mul3A_184 = arith.mulf %sub3A_181, %sub3A_181 : vector<16xf32>
        %sub3A_185 = arith.subf %mul3A_183, %mul3A_184 : vector<16xf32>
        %add3A_186 = arith.addf %add3A_165, %sub3A_185 : vector<16xf32>
        %broadcast_in_dim3A_187 = arith.constant 6 : i32
        %broadcast_in_dim3A_188 = vector.broadcast %broadcast_in_dim3A_187 : i32 to vector<16xi32>
        %mul3A_189 = arith.constant 8 : i32
        %mul3A_190 = arith.muli %scan3A_61, %mul3A_189 : i32
        %add3A_191 = vector.broadcast %mul3A_190 : i32 to vector<16xi32>
        %add3A_192 = arith.addi %broadcast_in_dim3A_188, %add3A_191 : vector<16xi32>
        %gather3A_193 = tpu.vector_load_idx %arg7[%add3A_41, %add3A_192] : memref<768x64xf32, #tpu.memory_space<vmem>>[vector<16xi32>, vector<16xi32>], vector<16xf32>,
        %add3A_194 = arith.constant 128 : i32
        %add3A_195 = vector.broadcast %add3A_194 : i32 to vector<16xi32>
        %add3A_196 = arith.addi %add3A_41, %add3A_195 : vector<16xi32>
        %gather3A_197 = tpu.vector_load_idx %arg7[%add3A_196, %add3A_192] : memref<768x64xf32, #tpu.memory_space<vmem>>[vector<16xi32>, vector<16xi32>], vector<16xf32>,
        %add3A_198 = arith.constant 256 : i32
        %add3A_199 = vector.broadcast %add3A_198 : i32 to vector<16xi32>
        %add3A_200 = arith.addi %add3A_41, %add3A_199 : vector<16xi32>
        %gather3A_201 = tpu.vector_load_idx %arg7[%add3A_200, %add3A_192] : memref<768x64xf32, #tpu.memory_space<vmem>>[vector<16xi32>, vector<16xi32>], vector<16xf32>,
        %sub3A_202 = arith.subf %gather3A_193, %gather3A_197 : vector<16xf32>
        %sub3A_203 = arith.subf %gather3A_193, %gather3A_201 : vector<16xf32>
        %mul3A_204 = arith.mulf %sub3A_203, %sub3A_203 : vector<16xf32>
        %mul3A_205 = arith.mulf %sub3A_202, %sub3A_202 : vector<16xf32>
        %sub3A_206 = arith.subf %mul3A_204, %mul3A_205 : vector<16xf32>
        %add3A_207 = arith.addf %add3A_186, %sub3A_206 : vector<16xf32>
        %broadcast_in_dim3A_208 = arith.constant 7 : i32
        %broadcast_in_dim3A_209 = vector.broadcast %broadcast_in_dim3A_208 : i32 to vector<16xi32>
        %mul3A_210 = arith.constant 8 : i32
        %mul3A_211 = arith.muli %scan3A_61, %mul3A_210 : i32
        %add3A_212 = vector.broadcast %mul3A_211 : i32 to vector<16xi32>
        %add3A_213 = arith.addi %broadcast_in_dim3A_209, %add3A_212 : vector<16xi32>
        %gather3A_214 = tpu.vector_load_idx %arg7[%add3A_41, %add3A_213] : memref<768x64xf32, #tpu.memory_space<vmem>>[vector<16xi32>, vector<16xi32>], vector<16xf32>,
        %add3A_215 = arith.constant 128 : i32
        %add3A_216 = vector.broadcast %add3A_215 : i32 to vector<16xi32>
        %add3A_217 = arith.addi %add3A_41, %add3A_216 : vector<16xi32>
        %gather3A_218 = tpu.vector_load_idx %arg7[%add3A_217, %add3A_213] : memref<768x64xf32, #tpu.memory_space<vmem>>[vector<16xi32>, vector<16xi32>], vector<16xf32>,
        %add3A_219 = arith.constant 256 : i32
        %add3A_220 = vector.broadcast %add3A_219 : i32 to vector<16xi32>
        %add3A_221 = arith.addi %add3A_41, %add3A_220 : vector<16xi32>
        %gather3A_222 = tpu.vector_load_idx %arg7[%add3A_221, %add3A_213] : memref<768x64xf32, #tpu.memory_space<vmem>>[vector<16xi32>, vector<16xi32>], vector<16xf32>,
        %sub3A_223 = arith.subf %gather3A_214, %gather3A_218 : vector<16xf32>
        %sub3A_224 = arith.subf %gather3A_214, %gather3A_222 : vector<16xf32>
        %mul3A_225 = arith.mulf %sub3A_224, %sub3A_224 : vector<16xf32>
        %mul3A_226 = arith.mulf %sub3A_223, %sub3A_223 : vector<16xf32>
        %sub3A_227 = arith.subf %mul3A_225, %mul3A_226 : vector<16xf32>
        %add3A_228 = arith.addf %add3A_207, %sub3A_227 : vector<16xf32>
        scf.yield %add3A_228 : vector<16xf32>
      }
      %scan3A_48 = arith.constant 8 : i32
      %neg3A = arith.constant 0.000000e+00 : f32
      %neg3A_49 = vector.broadcast %neg3A : f32 to vector<16xf32>
      %neg3A_50 = arith.subf %neg3A_49, %scan3A_47 : vector<16xf32>
      %exp3A = math.exp %neg3A_50 : vector<16xf32>
      %add3A_51 = arith.constant 1.000000e+00 : f32
      %add3A_52 = vector.broadcast %add3A_51 : f32 to vector<16xf32>
      %add3A_53 = arith.addf %add3A_52, %exp3A : vector<16xf32>
      %div3A = arith.constant 1.000000e+00 : f32
      %div3A_54 = vector.broadcast %div3A : f32 to vector<16xf32>
      %div3A_55 = arith.divf %div3A_54, %add3A_53 : vector<16xf32>
      %mul3A_56 = arith.constant 16 : i32
      %mul3A_57 = arith.muli %scan3A_35, %mul3A_56 : i32
      %add3A_58 = arith.constant 384 : i32
      %add3A_59 = arith.addi %add3A_58, %mul3A_57 : i32
      %swap3A = arith.index_cast %add3A_59 : i32 to index
      %swap3A_60 = tpu.vector_load %arg8[%swap3A] {strides = array<i32>} : memref<512xf32, #tpu.memory_space<vmem>>, vector<16xf32>,
      tpu.vector_store %arg8[%swap3A], %div3A_55 {strides = array<i32>} : memref<512xf32, #tpu.memory_space<vmem>>, vector<16xf32>,
    }
    %scan3A_34 = arith.constant 8 : i32
    "tpu.region"() ({
      %run_scoped3A = tpu.sem_alloc : memref<!tpu.dma_semaphore, #tpu.memory_space<semaphore_mem>>
      %dma_start3A = tpu.memref_slice %arg5[%mul3A_2] : memref<16384xf32, #tpu.memory_space<hbm>> -> memref<512xf32, #tpu.memory_space<hbm>>
      %dma_start3A_35 = tpu.memref_slice %arg5[%mul3A_2] : memref<16384xf32, #tpu.memory_space<hbm>> -> memref<512xf32, #tpu.memory_space<hbm>>
      tpu.enqueue_dma source(%arg8 : memref<512xf32, #tpu.memory_space<vmem>>) target(%dma_start3A_35 : memref<512xf32, #tpu.memory_space<hbm>>) target_semaphore(%run_scoped3A : memref<!tpu.dma_semaphore, #tpu.memory_space<semaphore_mem>>)
      %dma_wait3A_36 = tpu.memref_slice %arg5[%mul3A_2] : memref<16384xf32, #tpu.memory_space<hbm>> -> memref<512xf32, #tpu.memory_space<hbm>>
      %dma_wait3A_37 = tpu.memref_slice %arg5[%mul3A_2] : memref<16384xf32, #tpu.memory_space<hbm>> -> memref<512xf32, #tpu.memory_space<hbm>>
      tpu.wait_dma2 semaphore(%run_scoped3A : memref<!tpu.dma_semaphore, #tpu.memory_space<semaphore_mem>>) src(%arg8 : memref<512xf32, #tpu.memory_space<vmem>>) dst(%dma_wait3A_37 : memref<512xf32, #tpu.memory_space<hbm>>)
      tpu.yield
    }) : () -> ()
    return
  }
}

</mosaic_0001>

<sc_bundles>
// kernel: kernel.3.cloned.1.call-start
scs
__scs_entry_jumppad:
0x0: {  	(pc) =	sbr.rel $0x88, $3  }
0x1: {  	(tag) =	ssettag $0x0;
	lr =	simm.s32 $0x1  }
0x2: {  	[smem:$0x3F9C] =	sst lr;
	_ =	strace $0xD0000000  }
0x3: {  	_ = 	snop  }
0x4: {  	_ = 	snop  }
0x5: {  	_ = 	snop  }
0x6: {  	_ = 	snop  }
0x7: {  	_ = 	snop  }
__scs_overlays_trampoline_lowered:
0x8: {  	[smem:$0x3FAB] =	sst s0  }
0x9: {  	[smem:$0x3FAC] =	sst s1  }
0xa: {  	[smem:$0x3FAD] =	sst s2  }
0xb: {  	[smem:$0x3FAE] =	sst s3  }
0xc: {  	[smem:$0x3FAF] =	sst s4  }
0xd: {  	[smem:$0x3FB0] =	sst s5  }
0xe: {  	[smem:$0x3FB1] =	sst s6  }
0xf: {  	[smem:$0x3FB2] =	sst s7  }
0x10: {  	[smem:$0x3FB3] =	sst s8  }
0x11: {  	[smem:$0x3FB4] =	sst s9;
	s0 =	simm.s32 @!p0 $0x0  }
0x12: {  	s1 =	sld [smem:$0x3F9A];
	s0 =	simm.s32 @p0 $0x1  }
0x13: {  	[smem:$0x3FB5] =	sst s0;
	s0 =	simm.s32 @!p1 $0x0  }
0x14: {  	s2 =	sld [smem:$0x3F99];
	s0 =	simm.s32 @p1 $0x1  }
0x15: {  	[smem:$0x3FB6] =	sst s0;
	s0 =	simm.s32 @!p2 $0x0  }
0x16: {  	s3 =	sld [smem:$0x3FDB];
	s0 =	simm.s32 @p2 $0x1  }
0x17: {  	s4 =	simm.s32 $0x1BF5;
	[smem:$0x3FB8] =	sst s0  }
0x18: {  	s0 =	sld [smem:$0x3F9B];
	_ =	swait.ge [sflag:s4], $0x0  }
0x19: {  	s7 =	sld [smem:$0x3F9C]  }
0x1a: {  	s8 =	sadd.s32 $0xFFFFE003, lr  }
0x1b: {  	s9 =	sadd.s32 $0xFFFFFEF7, lr;
	s5 =	simm.s32 $0xFFFFFFFF;
	p2 =	slt.u32 s8, $0xFFFFF086  }
0x1c: {  	p1 =	slt.u32 s9, $0xF7A;
	s5 =	simm.s32 @!p2 $0x0  }
0x1d: {  	s5 =	simm.s32 @p1 $0x1;
	p0 =	seq.s32 s7, s2  }
0x1e: {  	s7 =	smul.u32 @!p0 $0xF7A, s2;
	p2 =	seq.s32 @!p0 s5, $0x0  }
0x1f: {  	s9 =	smul.u32 $0xF7A, s1;
	s8 =	simm.s32 @!p0 $0x1BF5;
	p2 =	por !p2, p0  }
0x20: {  	[sflag:s8] =	ssyncset.s32 @!p0 $0xFFFFF086;
	s6 =	sadd.s32 @!p0 s3, s7;
	s7 =	simm.s32 @!p0 $0x108  }
0x21: {  	s3 =	sadd.s32 s3, s9;
	s6 =	sadd.s32 @!p0 $0x88, s6;
	s7 =	simm.s32 @p2 $0x1082  }
0x22: {  	[simem:s7], [sflag:s8] =	dma.local @!p0 [hbm:s6], $0xF7A  }
0x23: {  	s9 =	sor.u32 $0xD0000000, s2;
	s6 =	simm.s32 $0x108;
	_ =	swait.ge @!p0 [sflag:s8], $0x0  }
0x24: {  	s3 =	sadd.s32 $0x88, s3;
	s6 =	simm.s32 @!p1 $0x1082;
	[sflag:s4] =	ssyncset.s32 $0xFFFFF086  }
0x25: {  	[simem:s6], [sflag:s4] =	dma.local [hbm:s3], $0xF7A  }
0x26: {  	[smem:$0x3F9C] =	sst s1;
	(tag) =	ssettag s2;
	_ =	strace s9  }
0x27: {  	s1 =	sld [smem:$0x3FAC]  }
0x28: {  	s2 =	sld [smem:$0x3FAD]  }
0x29: {  	s4 =	sld [smem:$0x3FAF]  }
0x2a: {  	p0 =	seq.s32 s5, $0x0;
	s5 =	sld [smem:$0x3FB0]  }
0x2b: {  	s6 =	sld [smem:$0x3FB1]  }
0x2c: {  	s7 =	sld [smem:$0x3FB2]  }
0x2d: {  	s3 =	simm.s32 $0x108;
	s8 =	sld [smem:$0x3FB3]  }
0x2e: {  	s3 =	simm.s32 @!p0 $0x1082;
	s9 =	sld [smem:$0x3FB4]  }
0x2f: {  	lr =	sadd.s32 s0, s3;
	s0 =	sld [smem:$0x3FAB]  }
0x30: {  	s3 =	sld [smem:$0x3FAE]  }
0x31: {  	[smem:$0x3FB7] =	sst s10  }
0x32: {  	s10 =	sld [smem:$0x3FB5];
	_ =	sdelay $0x3  }
0x33: {  	p0 =	seq.s32 s10, $0x1;
	s10 =	sld [smem:$0x3FB7];
	_ =	sdelay $0x3  }
0x34: {  	[smem:$0x3FB7] =	sst s10  }
0x35: {  	s10 =	sld [smem:$0x3FB6];
	_ =	sdelay $0x3  }
0x36: {  	p1 =	seq.s32 s10, $0x1;
	s10 =	sld [smem:$0x3FB7];
	_ =	sdelay $0x3  }
0x37: {  	[smem:$0x3FB7] =	sst s10  }
0x38: {  	s10 =	sld [smem:$0x3FB8]  }
0x39: {  	_ = 	snop;
	(pc) =	sbr.ind lr, $3  }
0x3a: {  	_ = 	snop  }
0x3b: {  	_ = 	snop  }
0x3c: {  	p2 =	seq.s32 s10, $0x1;
	s10 =	sld [smem:$0x3FB7]  }
0x3d: {  	_ =	shalt  }
0x3e: {  	_ =	shalt  }
0x3f: {  	_ =	shalt  }
0x40: {  	_ =	shalt  }
0x41: {  	_ =	shalt  }
0x42: {  	_ =	shalt  }
0x43: {  	_ =	shalt  }
0x44: {  	_ =	shalt  }
0x45: {  	_ =	shalt  }
0x46: {  	_ =	shalt  }
0x47: {  	_ =	shalt  }
0x48: {  	_ =	shalt  }
0x49: {  	_ =	shalt  }
0x4a: {  	_ =	shalt  }
0x4b: {  	_ =	shalt  }
0x4c: {  	_ =	shalt  }
0x4d: {  	_ =	shalt  }
0x4e: {  	_ =	shalt  }
0x4f: {  	_ =	shalt  }
0x50: {  	_ =	shalt  }
0x51: {  	_ =	shalt  }
0x52: {  	_ =	shalt  }
0x53: {  	_ =	shalt  }
0x54: {  	_ =	shalt  }
0x55: {  	_ =	shalt  }
0x56: {  	_ =	shalt  }
0x57: {  	_ =	shalt  }
0x58: {  	_ =	shalt  }
0x59: {  	_ =	shalt  }
0x5a: {  	_ =	shalt  }
0x5b: {  	_ =	shalt  }
0x5c: {  	_ =	shalt  }
0x5d: {  	_ =	shalt  }
0x5e: {  	_ =	shalt  }
0x5f: {  	_ =	shalt  }
0x60: {  	_ =	shalt  }
0x61: {  	_ =	shalt  }
0x62: {  	_ =	shalt  }
0x63: {  	_ =	shalt  }
0x64: {  	_ =	shalt  }
0x65: {  	_ =	shalt  }
0x66: {  	_ =	shalt  }
0x67: {  	_ =	shalt  }
0x68: {  	_ =	shalt  }
0x69: {  	_ =	shalt  }
0x6a: {  	_ =	shalt  }
0x6b: {  	_ =	shalt  }
0x6c: {  	_ =	shalt  }
0x6d: {  	_ =	shalt  }
0x6e: {  	_ =	shalt  }
0x6f: {  	_ =	shalt  }
0x70: {  	_ =	shalt  }
0x71: {  	_ =	shalt  }
0x72: {  	_ =	shalt  }
0x73: {  	_ =	shalt  }
0x74: {  	_ =	shalt  }
0x75: {  	_ =	shalt  }
0x76: {  	_ =	shalt  }
0x77: {  	_ =	shalt  }
0x78: {  	_ =	shalt  }
0x79: {  	_ =	shalt  }
0x7a: {  	_ =	shalt  }
0x7b: {  	_ =	shalt  }
0x7c: {  	_ =	shalt  }
0x7d: {  	_ =	shalt  }
0x7e: {  	_ =	shalt  }
0x7f: {  	_ =	shalt  }
0x80: {  	_ =	shalt  }
0x81: {  	_ =	shalt  }
0x82: {  	_ =	shalt  }
0x83: {  	_ =	shalt  }
0x84: {  	_ =	shalt  }
0x85: {  	_ =	shalt  }
0x86: {  	_ =	shalt  }
0x87: {  	_ =	shalt  }
.Lfunc_end0:
.L_simem_size_0:
called_computation_lowered:
.L_overlay_start_0:
0x88: {  	s2 =	sld [smem:$0x3FD9]  }
0x89: {  	s3 =	sld [smem:$0x3FFE];
	_ =	sdelay $0x1  }
0x8a: {  	s1 =	srdreg.scid  }
0x8b: {  	s0 =	sand.u32 $0x1, s1  }
0x8c: {  	s17 =	sshll.u32 s0, $0xA;
	s2 =	sadd.s32 s3, s2  }
0x8d: {  	s2 =	sadd.s32 s2, s17  }
0x8e: {  	[smem:$0x3FC3] =	sst s2  }
0x8f: {  	_ = 	snop  }
0x90: {  	s2 =	sld [smem:$0x3FD0];
	(tm) =	ssettm $0x1  }
0x91: {  	s18 =	sld [smem:$0x3FFB];
	_ =	sdelay $0x3  }
0x92: {  	_ =	strace s18  }
0x93: {  	s3 =	sld [smem:$0x3FFC];
	_ =	sdelay $0x3  }
0x94: {  	_ =	strace s3  }
0x95: {  	s3 =	sld [smem:$0x3FFD];
	_ =	sdelay $0x3  }
0x96: {  	_ =	strace s3  }
0x97: {  	_ =	strace $0x8FFFFFFF  }
0x98: {  	s19 =	sld [smem:$0x3FDB];
	_ =	sdelay $0x1  }
0x99: {  	s4 =	simm.s32 $_scs_section_size  }
0x9a: {  	s5 =	simm.s32 $_size__tile_overlayer_lowered;
	s6 =	simm.s32 $_tile_overlayer_lowered  }
0x9b: {  	s22 =	simm.s32 $0x1BFF;
	s21 =	sshll.u32 s6, $0x1;
	s3 =	sadd.s32 s4, s19  }
0x9c: {  	s7 =	simm.s32 $0x0;
	s20 =	sshll.u32 s5, $0x1;
	s5 =	sadd.s32 s21, s3  }
0x9d: {  	[timem:s7], [sflag:s22] =	dma.local [hbm:s5], s20  }
0x9e: {  	_ =	swait.ge [sflag:s22], s20  }
0x9f: {  	s4 =	ssub.s32 $0x0, s20;
	[sflag:s22] =	ssyncset.done $0x0  }
0xa0: {  	[sflag:s22] =	ssyncadd.s32 s4;
	_ =	sdelay $0x1  }
0xa1: {  	s23 =	simm.s32 $0x1B8B  }
0xa2: {  	_ =	swait.ge [sflag:s23], $0x1  }
0xa3: {  	[sflag:s23] =	ssyncset.done $0x0  }
0xa4: {  	s25 =	simm.s32 $0x1B8E;
	s24 =	sld [smem:$0x3FFE];
	[sflag:s23] =	ssyncadd.s32 $0xFFFFFFFF  }
0xa5: {  	s26 =	simm.s32 $execute0_lowered;
	[smem:$0x3FD2] =	sst s25  }
0xa6: {  	s5 =	sshll.u32 s26, $0x1;
	_ =	strace $0x80000046;
	[dreg:$0x1] =	wrdreg $0xFFFFFFFF  }
0xa7: {  	s28 =	simm.s32 $_size_execute0_lowered;
	s3 =	sadd.s32 s3, s5;
	[dreg:$0x0] =	wrdreg $0x0  }
0xa8: {  	s5 =	sshll.u32 s28, $0x1;
	[dreg:$0x2] =	wrdreg s3  }
0xa9: {  	[dreg:$0x3] =	wrdreg s5  }
0xaa: {  	[dreg:$0x4] =	wrdreg $0xC0  }
0xab: {  	_ =	task [dreg:s7], $0x5FFFF  }
0xac: {  	[dreg:$0x1] =	wrdreg $0xFFFFFFFF  }
0xad: {  	[dreg:$0x0] =	wrdreg $0x60  }
0xae: {  	[dreg:$0x2] =	wrdreg s24  }
0xaf: {  	[dreg:$0x3] =	wrdreg s2  }
0xb0: {  	[dreg:$0x4] =	wrdreg $0x9  }
0xb1: {  	_ =	task.clear_ibuf [dreg:s7], $0x5FFFF;
	_ =	strace $0x90000046  }
0xb2: {  	s29 =	simm.s32 $0x9;
	_ =	strace $0x80000048  }
0xb3: {  	_ =	swait.ge [sflag:s29], $0x1  }
0xb4: {  	[sflag:s29] =	ssyncadd.s32 $0xFFFFFFFF  }
0xb5: {  	_ =	strace $0x90000048  }
0xb6: {  	_ =	sfence  }
0xb7: {  	s30 =	sld [smem:$0x0];
	_ =	sdelay $0x2  }
0xb8: {  	s31 =	sshll.u32 s1, $0xD;
	s1 =	sshrl.u32 s1, $0x2  }
0xb9: {  	s3 =	sand.u32 $0x4000, s31;
	s1 =	sadd.s32 s1, s30  }
0xba: {  	s0 =	sor.u32 s3, s0;
	s1 =	sshll.u32 s1, $0x11  }
0xbb: {  	s0 =	sor.u32 s1, s0  }
0xbc: {  	s0 =	sadd.s32 $0x8F2B, s0  }
0xbd: {  	[sflag:s0] =	ssyncadd.remote.s32 $0x1  }
0xbe: {  	_ =	sfence.sel $0xFFFF  }
0xbf: {  	[dreg:$0x0] =	wrdreg $0xFFFFFFFF;
	(pc) =	sbr.abs _section_cstart, $3  }
0xc0: {  	[dreg:$0x1] =	wrdreg $0xFFFFFFFF  }
0xc1: {  	_ =	task.clear_ibuf [dreg:s7], $0x2FFFF;
	_ =	strace $0x9FFFFFFF  }
0xc2: {  	(tm) =	ssettm $0x7FFFFFFF  }
0xc3: {  	_ =	shalt  }
tec
execute0_lowered:
.L_overlay_start_1:
0x0: {  	(tag) =	ssettag $0x1  }
0x1: {  	s0 =	rddreg [dreg:$0x0]  }
0x2: {  	s1 =	rddreg [dreg:$0x1]  }
0x3: {  	s2 =	srdreg.scid;
	s4 =	stileid.u32  }
0x4: {  	s3 =	sand.u32 $0x1, s2;
	s2 =	simm.s32 $0x0;
	s4 =	sshll.u32 s4, $0x7  }
0x5: {  	s26 =	sadd.s32 $0x2600, s0;
	s5 =	sshll.u32 s3, $0x6;
	[smem:$0x7FF] =	sst s2  }
0x6: {  	s3 =	ssub.s32 $0x2, s3;
	s5 =	sor.u32 s5, s4;
	_ =	strace $0x80000047  }
0x7: {  	[dreg:$0x4] =	wrdreg s26;
	s6 =	sadd.s32 s5, s0;
	s1 =	sadd.s32 s1, s5  }
0x8: {  	s4 =	sadd.s32 $0x189000, s0;
	s29 =	sadd.s32 $0x30FA00, s6;
	[smem:$0x7FC] =	sst s1  }
0x9: {  	v0 =	vlaneseq.u32;
	s28 =	sshrl.u32 s3, $0x1;
	s30 =	sadd.s32 $0x310200, s6;
	[smem:$0x7F9] =	sst s29  }
0xa: {  	v0 =	vmul.u32 $0x80, v0;
	s0 =	ssub.s32 s3, s28;
	s31 =	sadd.s32 $0x310A00, s6;
	[smem:$0x7FA] =	sst s30  }
0xb: {  	s12 =	simm.s32 $0x600;
	s0 =	smax.u32 s0, $0x1;
	[smem:$0x7FB] =	sst s31  }
0xc: {  	v1 =	vor.u32 $0x8000, v0;
	v2 =	vor.u32 $0x4000, v0;
	s3 =	simm.s32 $0x3;
	s1 =	simm.s32 $0x0;
	[smem:$0x7FD] =	sst s0  }
.LBB2_1:
0xd: {  	s0 =	sld [smem:$0x7F9];
	_ =	sdelay $0x1  }
0xe: {  	[smem:$0x7F8] =	sst s1  }
0xf: {  	[tilespmem:s2], [sflag:$0x3] =	stream.linear.gather [hbm4b:s0+s2], $0x200, $0x38;
	[tilespmem:$0x18800] =	vst v63  }
0x10: {  	_ =	swait.ge [sflag:s3], $0x200  }
0x11: {  	s13 =	sld [smem:$0x7FA]  }
0x12: {  	[sflag:s3] =	ssyncset.done $0x0  }
0x13: {  	s11 =	simm.s32 $0x200;
	[sflag:s3] =	ssyncadd.s32 $0xFFFFFE00  }
0x14: {  	[tilespmem:s11], [sflag:$0x3] =	stream.linear.gather [hbm4b:s13+s2], $0x200, $0x38;
	[tilespmem:$0x18800] =	vst v63  }
0x15: {  	_ =	swait.ge [sflag:s3], $0x200  }
0x16: {  	s14 =	sld [smem:$0x7FB]  }
0x17: {  	[sflag:s3] =	ssyncset.done $0x0  }
0x18: {  	s5 =	simm.s32 $0x400;
	[sflag:s3] =	ssyncadd.s32 $0xFFFFFE00  }
0x19: {  	[tilespmem:s5], [sflag:$0x3] =	stream.linear.gather [hbm4b:s14+s2], $0x200, $0x38;
	[tilespmem:$0x18800] =	vst v63  }
0x1a: {  	_ =	swait.ge [sflag:s3], $0x200  }
0x1b: {  	[sflag:s3] =	ssyncset.done $0x0  }
0x1c: {  	[sflag:s3] =	ssyncadd.s32 $0xFFFFFE00  }
0x1d: {  	v3 =	vld [tilespmem:s11+$0x0]  }
0x1e: {  	v4 =	vld [tilespmem:s11+$0xFFFFFE00]  }
0x1f: {  	v6 =	vld [tilespmem:s11+$0x200];
	_ =	sdelay $0x2  }
0x20: {  	v3 =	vshll.u32 v3, $0x4  }
0x21: {  	v5 =	vshll.u32 v4, $0x4;
	(v2sf) =	vpush v3, $0x0  }
0x22: {  	v63 =	vshll.u32 v6, $0x4;
	(v2sf) =	vpush v5, $0x0  }
0x23: {  	(v2sf) =	vpush v63, $0x0  }
0x24: {  	(v2sf) =	vpush v5, $0x1;
	_ =	sdelay $0x1  }
0x25: {  	(v2sf) =	vpush v3, $0x1  }
0x26: {  	(v2sf) =	vpush v63, $0x1;
	_ =	sdelay $0x1  }
0x27: {  	(v2sf) =	vpush v5, $0x2;
	_ =	sdelay $0x2  }
0x28: {  	p0 =	por $0x0, $0x0;
	s17 =	simm.s32 $0x0  }
0x29: {  	s24 =	simm.s32 $0x210;
	s15 =	simm.s32 $0x700;
	s6 =	simm.s32 $0x600  }
0x2a: {  	s19 =	simm.s32 $0x8C80;
	s8 =	simm.s32 $0x4600;
	s7 =	simm.s32 $0x4780  }
0x2b: {  	s21 =	simm.s32 $0x8600;
	s23 =	simm.s32 $0x680;
	s28 =	simm.s32 $0x4680  }
0x2c: {  	s1 =	simm.s32 $0xC00;
	s0 =	simm.s32 $0x8B80;
	s16 =	spop (v2sf)  }
0x2d: {  	s13 =	simm.s32 $0x2000;
	s3 =	simm.s32 $0x8780;
	(v2sf) =	vpush v3, $0x2;
	s18 =	spop (v2sf)  }
0x2e: {  	s11 =	simm.s32 $0x4C80;
	s9 =	sand.u32 $0x1FFFFFF0, s18;
	s20 =	spop (v2sf)  }
0x2f: {  	(v2sf) =	vpush v63, $0x2;
	s5 =	sand.u32 $0x1FFFFFF0, s16;
	s9 =	sadd.s32 s26, s9;
	s10 =	spop (v2sf)  }
0x30: {  	(v2sf) =	vpush v5, $0x3;
	[tilespmem:s6], [sflag:$0x1] =	stream.linear.gather [hbm4b:s9+s2], $0x80, $0x38;
	[tilespmem:$0x18800] =	vst v63  }
0x31: {  	s5 =	sadd.s32 s4, s5;
	s6 =	simm.s32 $0x800;
	s25 =	spop (v2sf)  }
0x32: {  	(v2sf) =	vpush v3, $0x3;
	s9 =	sand.u32 $0x1FFFFFF0, s20;
	s22 =	sand.u32 $0x1FFFFFF0, s10;
	s30 =	spop (v2sf)  }
0x33: {  	[tilespmem:s8], [sflag:$0x1] =	stream.linear.gather [hbm4b:s5+s2], $0x80, $0x38;
	[tilespmem:$0x18800] =	vst v63  }
0x34: {  	s9 =	sadd.s32 s4, s9;
	s29 =	sand.u32 $0x1FFFFFF0, s25;
	s31 =	spop (v2sf)  }
0x35: {  	(v2sf) =	vpush v63, $0x3;
	[tilespmem:s21], [sflag:$0x1] =	stream.linear.gather [hbm4b:s9+s2], $0x80, $0x38;
	[tilespmem:$0x18800] =	vst v63  }
0x36: {  	s8 =	sadd.s32 s26, s22;
	s5 =	simm.s32 $0x900;
	s10 =	sand.u32 $0x1FFFFFF0, s31  }
0x37: {  	(v2sf) =	vpush v5, $0x4;
	[tilespmem:s23], [sflag:$0x1] =	stream.linear.gather [hbm4b:s8+s2], $0x80, $0x38;
	[tilespmem:$0x18800] =	vst v63  }
0x38: {  	s31 =	simm.s32 $0x4800;
	s9 =	sand.u32 $0x1FFFFFF0, s30;
	s8 =	sadd.s32 s4, s29  }
0x39: {  	(v2sf) =	vpush v3, $0x4;
	[tilespmem:s28], [sflag:$0x1] =	stream.linear.gather [hbm4b:s8+s2], $0x80, $0x38;
	[tilespmem:$0x18800] =	vst v63  }
0x3a: {  	s21 =	simm.s32 $0x8700;
	s9 =	sadd.s32 s4, s9;
	s8 =	simm.s32 $0x8680  }
0x3b: {  	[tilespmem:s8], [sflag:$0x1] =	stream.linear.gather [hbm4b:s9+s2], $0x80, $0x38;
	[tilespmem:$0x18800] =	vst v63  }
0x3c: {  	s23 =	simm.s32 $0x780;
	s8 =	sadd.s32 s26, s10;
	s14 =	spop (v2sf)  }
0x3d: {  	(v2sf) =	vpush v63, $0x4;
	[tilespmem:s15], [sflag:$0x1] =	stream.linear.gather [hbm4b:s8+s2], $0x80, $0x38;
	[tilespmem:$0x18800] =	vst v63  }
0x3e: {  	s15 =	simm.s32 $0x4700;
	s16 =	sand.u32 $0x1FFFFFF0, s14;
	s18 =	spop (v2sf)  }
0x3f: {  	(v2sf) =	vpush v5, $0x5;
	s9 =	sand.u32 $0x1FFFFFF0, s18;
	s20 =	spop (v2sf);
	s8 =	sadd.s32 s4, s16  }
0x40: {  	(v2sf) =	vpush v3, $0x5;
	[tilespmem:s15], [sflag:$0x1] =	stream.linear.gather [hbm4b:s8+s2], $0x80, $0x38;
	[tilespmem:$0x18800] =	vst v63  }
0x41: {  	s22 =	sand.u32 $0x1FFFFFF0, s20;
	s9 =	sadd.s32 s4, s9;
	s25 =	spop (v2sf)  }
0x42: {  	(v2sf) =	vpush v63, $0x5;
	s15 =	simm.s32 $0x4880;
	s8 =	sadd.s32 s26, s22;
	s28 =	sand.u32 $0x1FFFFFF0, s25  }
0x43: {  	[tilespmem:s21], [sflag:$0x1] =	stream.linear.gather [hbm4b:s9+s2], $0x80, $0x38;
	[tilespmem:$0x18800] =	vst v63  }
0x44: {  	s29 =	spop (v2sf);
	s22 =	simm.s32 $0x8800;
	s25 =	simm.s32 $0x880  }
0x45: {  	(v2sf) =	vpush v5, $0x6;
	[tilespmem:s23], [sflag:$0x1] =	stream.linear.gather [hbm4b:s8+s2], $0x80, $0x38;
	[tilespmem:$0x18800] =	vst v63  }
0x46: {  	s9 =	sand.u32 $0x1FFFFFF0, s29;
	s30 =	spop (v2sf);
	s8 =	sadd.s32 s4, s28  }
0x47: {  	(v2sf) =	vpush v3, $0x6;
	[tilespmem:s7], [sflag:$0x1] =	stream.linear.gather [hbm4b:s8+s2], $0x80, $0x38;
	[tilespmem:$0x18800] =	vst v63  }
0x48: {  	s14 =	sand.u32 $0x1FFFFFF0, s30;
	s9 =	sadd.s32 s4, s9;
	s16 =	spop (v2sf)  }
0x49: {  	(v2sf) =	vpush v63, $0x6;
	[tilespmem:s3], [sflag:$0x1] =	stream.linear.gather [hbm4b:s9+s2], $0x80, $0x38;
	[tilespmem:$0x18800] =	vst v63  }
0x4a: {  	s18 =	sand.u32 $0x1FFFFFF0, s16;
	s16 =	simm.s32 $0x980;
	s8 =	sadd.s32 s26, s14  }
0x4b: {  	(v2sf) =	vpush v5, $0x7;
	[tilespmem:s6], [sflag:$0x1] =	stream.linear.gather [hbm4b:s8+s2], $0x80, $0x38;
	[tilespmem:$0x18800] =	vst v63  }
0x4c: {  	s7 =	simm.s32 $0x8980;
	s8 =	sadd.s32 s4, s18;
	s20 =	spop (v2sf)  }
0x4d: {  	[tilespmem:s31], [sflag:$0x1] =	stream.linear.gather [hbm4b:s8+s2], $0x80, $0x38;
	[tilespmem:$0x18800] =	vst v63  }
0x4e: {  	s14 =	simm.s32 $0x8880;
	s9 =	sand.u32 $0x1FFFFFF0, s20;
	s21 =	spop (v2sf)  }
0x4f: {  	s6 =	simm.s32 $0x4C00;
	(v2sf) =	vpush v3, $0x7;
	s9 =	sadd.s32 s4, s9;
	s28 =	spop (v2sf)  }
0x50: {  	[tilespmem:s22], [sflag:$0x1] =	stream.linear.gather [hbm4b:s9+s2], $0x80, $0x38;
	[tilespmem:$0x18800] =	vst v63  }
0x51: {  	s20 =	simm.s32 $0x4900;
	s23 =	sand.u32 $0x1FFFFFF0, s21;
	(v2sf) =	vpush v63, $0x7;
	s30 =	spop (v2sf)  }
0x52: {  	s8 =	sadd.s32 s26, s23;
	s29 =	sand.u32 $0x1FFFFFF0, s28;
	s9 =	sand.u32 $0x1FFFFFF0, s30  }
0x53: {  	[tilespmem:s25], [sflag:$0x1] =	stream.linear.gather [hbm4b:s8+s2], $0x80, $0x38;
	[tilespmem:$0x18800] =	vst v63  }
0x54: {  	(v2sf) =	vpush v5, $0x8;
	s31 =	spop (v2sf);
	s8 =	sadd.s32 s4, s29;
	s9 =	sadd.s32 s4, s9  }
0x55: {  	(v2sf) =	vpush v3, $0x8;
	[tilespmem:s15], [sflag:$0x1] =	stream.linear.gather [hbm4b:s8+s2], $0x80, $0x38;
	[tilespmem:$0x18800] =	vst v63  }
0x56: {  	s18 =	spop (v2sf);
	s25 =	simm.s32 $0x8900;
	s15 =	sand.u32 $0x1FFFFFF0, s31  }
0x57: {  	(v2sf) =	vpush v63, $0x8;
	[tilespmem:s14], [sflag:$0x1] =	stream.linear.gather [hbm4b:s9+s2], $0x80, $0x38;
	[tilespmem:$0x18800] =	vst v63  }
0x58: {  	s21 =	sand.u32 $0x1FFFFFF0, s18;
	s22 =	spop (v2sf);
	s8 =	sadd.s32 s26, s15  }
0x59: {  	(v2sf) =	vpush v5, $0x9;
	[tilespmem:s5], [sflag:$0x1] =	stream.linear.gather [hbm4b:s8+s2], $0x80, $0x38;
	[tilespmem:$0x18800] =	vst v63  }
0x5a: {  	s23 =	spop (v2sf);
	s9 =	sand.u32 $0x1FFFFFF0, s22;
	s8 =	sadd.s32 s4, s21  }
0x5b: {  	(v2sf) =	vpush v3, $0x9;
	[tilespmem:s20], [sflag:$0x1] =	stream.linear.gather [hbm4b:s8+s2], $0x80, $0x38;
	[tilespmem:$0x18800] =	vst v63  }
0x5c: {  	s29 =	simm.s32 $0x4A00;
	s28 =	sand.u32 $0x1FFFFFF0, s23;
	s9 =	sadd.s32 s4, s9  }
0x5d: {  	[tilespmem:s25], [sflag:$0x1] =	stream.linear.gather [hbm4b:s9+s2], $0x80, $0x38;
	[tilespmem:$0x18800] =	vst v63  }
0x5e: {  	s18 =	simm.s32 $0xA00;
	s8 =	sadd.s32 s26, s28;
	s30 =	spop (v2sf)  }
0x5f: {  	(v2sf) =	vpush v63, $0x9;
	[tilespmem:s16], [sflag:$0x1] =	stream.linear.gather [hbm4b:s8+s2], $0x80, $0x38;
	[tilespmem:$0x18800] =	vst v63  }
0x60: {  	s31 =	simm.s32 $0x4980;
	s9 =	sand.u32 $0x1FFFFFF0, s30;
	s10 =	spop (v2sf)  }
0x61: {  	s15 =	simm.s32 $0x4A80;
	s9 =	sadd.s32 s4, s9;
	s8 =	sand.u32 $0x1FFFFFF0, s10  }
0x62: {  	(v2sf) =	vpush v5, $0xA;
	[tilespmem:s31], [sflag:$0x1] =	stream.linear.gather [hbm4b:s9+s2], $0x80, $0x38;
	[tilespmem:$0x18800] =	vst v63  }
0x63: {  	s23 =	simm.s32 $0x8A00;
	s14 =	spop (v2sf);
	s8 =	sadd.s32 s4, s8  }
0x64: {  	(v2sf) =	vpush v3, $0xA;
	s16 =	sand.u32 $0x1FFFFFF0, s14;
	s20 =	spop (v2sf);
	s31 =	simm.s32 $0x4B00  }
0x65: {  	(v2sf) =	vpush v63, $0xA;
	[tilespmem:s7], [sflag:$0x1] =	stream.linear.gather [hbm4b:s8+s2], $0x80, $0x38;
	[tilespmem:$0x18800] =	vst v63  }
0x66: {  	s9 =	sadd.s32 s26, s16;
	s21 =	spop (v2sf);
	s8 =	sand.u32 $0x1FFFFFF0, s20  }
0x67: {  	(v2sf) =	vpush v5, $0xB;
	[tilespmem:s18], [sflag:$0x1] =	stream.linear.gather [hbm4b:s9+s2], $0x80, $0x38;
	[tilespmem:$0x18800] =	vst v63  }
0x68: {  	s22 =	spop (v2sf);
	s8 =	sadd.s32 s4, s8;
	s9 =	sand.u32 $0x1FFFFFF0, s21  }
0x69: {  	(v2sf) =	vpush v3, $0xB;
	[tilespmem:s29], [sflag:$0x1] =	stream.linear.gather [hbm4b:s8+s2], $0x80, $0x38;
	[tilespmem:$0x18800] =	vst v63  }
0x6a: {  	s28 =	sand.u32 $0x1FFFFFF0, s22;
	s30 =	spop (v2sf);
	s25 =	sadd.s32 s4, s9  }
0x6b: {  	(v2sf) =	vpush v63, $0xB;
	[tilespmem:s23], [sflag:$0x1] =	stream.linear.gather [hbm4b:s25+s2], $0x80, $0x38;
	[tilespmem:$0x18800] =	vst v63  }
0x6c: {  	s7 =	simm.s32 $0xB00;
	s9 =	sadd.s32 s26, s28;
	s29 =	simm.s32 $0xA80  }
0x6d: {  	[tilespmem:s29], [sflag:$0x1] =	stream.linear.gather [hbm4b:s9+s2], $0x80, $0x38;
	[tilespmem:$0x18800] =	vst v63  }
0x6e: {  	s18 =	simm.s32 $0x8B00;
	s8 =	sand.u32 $0x1FFFFFF0, s30;
	s10 =	spop (v2sf)  }
0x6f: {  	s21 =	simm.s32 $0xB80;
	s8 =	sadd.s32 s4, s8;
	s9 =	sand.u32 $0x1FFFFFF0, s10  }
0x70: {  	[tilespmem:s15], [sflag:$0x1] =	stream.linear.gather [hbm4b:s8+s2], $0x80, $0x38;
	[tilespmem:$0x18800] =	vst v63  }
0x71: {  	(v2sf) =	vpush v5, $0xC;
	s14 =	spop (v2sf);
	s15 =	simm.s32 $0x8A80;
	s9 =	sadd.s32 s4, s9  }
0x72: {  	(v2sf) =	vpush v3, $0xC;
	[tilespmem:s15], [sflag:$0x1] =	stream.linear.gather [hbm4b:s9+s2], $0x80, $0x38;
	[tilespmem:$0x18800] =	vst v63  }
0x73: {  	s28 =	simm.s32 $0x4B80;
	s16 =	sand.u32 $0x1FFFFFF0, s14;
	(v2sf) =	vpush v63, $0xC;
	s20 =	spop (v2sf)  }
0x74: {  	s8 =	sadd.s32 s26, s16;
	s22 =	sand.u32 $0x1FFFFFF0, s20;
	s23 =	spop (v2sf)  }
0x75: {  	[tilespmem:s7], [sflag:$0x1] =	stream.linear.gather [hbm4b:s8+s2], $0x80, $0x38;
	[tilespmem:$0x18800] =	vst v63  }
0x76: {  	s8 =	sadd.s32 s4, s22;
	s9 =	sand.u32 $0x1FFFFFF0, s23;
	s25 =	spop (v2sf)  }
0x77: {  	(v2sf) =	vpush v5, $0xD;
	[tilespmem:s31], [sflag:$0x1] =	stream.linear.gather [hbm4b:s8+s2], $0x80, $0x38;
	[tilespmem:$0x18800] =	vst v63  }
0x78: {  	s29 =	sadd.s32 s4, s9;
	s30 =	sand.u32 $0x1FFFFFF0, s25;
	s31 =	spop (v2sf)  }
0x79: {  	(v2sf) =	vpush v3, $0xD;
	[tilespmem:s18], [sflag:$0x1] =	stream.linear.gather [hbm4b:s29+s2], $0x80, $0x38;
	[tilespmem:$0x18800] =	vst v63  }
0x7a: {  	s9 =	sadd.s32 s26, s30;
	s3 =	sand.u32 $0x1FFFFFF0, s31;
	s10 =	spop (v2sf)  }
0x7b: {  	[tilespmem:s21], [sflag:$0x1] =	stream.linear.gather [hbm4b:s9+s2], $0x80, $0x38;
	[tilespmem:$0x18800] =	vst v63  }
0x7c: {  	s20 =	simm.s32 $0x4D80;
	s3 =	sadd.s32 s4, s3;
	s7 =	sand.u32 $0x1FFFFFF0, s10  }
0x7d: {  	[tilespmem:s28], [sflag:$0x1] =	stream.linear.gather [hbm4b:s3+s2], $0x80, $0x38;
	[tilespmem:$0x18800] =	vst v63  }
0x7e: {  	s30 =	simm.s32 $0x8C00;
	s8 =	simm.s32 $0x0;
	s15 =	sadd.s32 s4, s7  }
0x7f: {  	[tilespmem:s0], [sflag:$0x1] =	stream.linear.gather [hbm4b:s15+s2], $0x80, $0x38;
	[tilespmem:$0x18800] =	vst v63  }
0x80: {  	s21 =	simm.s32 $0xD80;
	s14 =	spop (v2sf);
	s0 =	simm.s32 $0xD00  }
0x81: {  	s16 =	sand.u32 $0x1FFFFFF0, s14;
	s18 =	spop (v2sf);
	s14 =	simm.s32 $0x8D00  }
0x82: {  	(v2sf) =	vpush v63, $0xD;
	s22 =	sadd.s32 s26, s16;
	s23 =	sand.u32 $0x1FFFFFF0, s18;
	s25 =	spop (v2sf)  }
0x83: {  	(v2sf) =	vpush v5, $0xE;
	[tilespmem:s1], [sflag:$0x1] =	stream.linear.gather [hbm4b:s22+s2], $0x80, $0x38;
	[tilespmem:$0x18800] =	vst v63  }
.Ltmp0:
0x84: {  	(v2sf) =	vpush v3, $0xE;
	s28 =	sadd.s32 s4, s23;
	s29 =	sand.u32 $0x1FFFFFF0, s25;
	(pc) =	sbr.rel @p0 .LBB2_3-.Ltmp0, $4  }
0x85: {  	(v2sf) =	vpush v63, $0xE;
	[tilespmem:s6], [sflag:$0x1] =	stream.linear.gather [hbm4b:s28+s2], $0x80, $0x38;
	[tilespmem:$0x18800] =	vst v63  }
0x86: {  	s16 =	simm.s32 $0x4D00;
	(v2sf) =	vpush v5, $0xF;
	s31 =	spop (v2sf);
	s1 =	sadd.s32 s4, s29  }
0x87: {  	(v2sf) =	vpush v3, $0xF;
	[tilespmem:s30], [sflag:$0x1] =	stream.linear.gather [hbm4b:s1+s2], $0x80, $0x38;
	[tilespmem:$0x18800] =	vst v63  }
0x88: {  	s3 =	sand.u32 $0x1FFFFFF0, s31;
	(v2sf) =	vpush v63, $0xF;
	s5 =	spop (v2sf);
	s1 =	simm.s32 $0xC80  }
.LBB2_2:
0x89: {  	_ =	sdelay $0x3  }
0x8a: {  	s6 =	sadd.s32 s26, s3;
	s5 =	sand.u32 $0x1FFFFFF0, s5  }
0x8b: {  	[tilespmem:s1], [sflag:$0x1] =	stream.linear.gather [hbm4b:s6+s8], $0x80, $0x38;
	[tilespmem:$0x18800] =	vst v63  }
0x8c: {  	s23 =	sadd.s32 s4, s5  }
0x8d: {  	[tilespmem:s11], [sflag:$0x1] =	stream.linear.gather [hbm4b:s23+s8], $0x80, $0x38;
	[tilespmem:$0x18800] =	vst v63  }
0x8e: {  	s7 =	spop (v2sf)  }
0x8f: {  	s25 =	sand.u32 $0x1FFFFFF0, s7;
	s28 =	spop (v2sf)  }
0x90: {  	s29 =	sadd.s32 s4, s25;
	s30 =	sand.u32 $0x1FFFFFF0, s28;
	s31 =	spop (v2sf)  }
0x91: {  	[tilespmem:s19], [sflag:$0x1] =	stream.linear.gather [hbm4b:s29+s8], $0x80, $0x38;
	[tilespmem:$0x18800] =	vst v63  }
0x92: {  	s3 =	smov.u32 s13;
	s7 =	sadd.s32 s26, s30;
	s9 =	sand.u32 $0x1FFFFFF0, s31  }
0x93: {  	s10 =	spop (v2sf);
	s30 =	sadd.s32 $0x8D80, s17;
	s17 =	sshra.s32 s3, $0x2  }
0x94: {  	[tilespmem:s0], [sflag:$0x1] =	stream.linear.gather [hbm4b:s7+s8], $0x80, $0x38;
	[tilespmem:$0x18800] =	vst v63  }
0x95: {  	s11 =	sadd.s32 s4, s9;
	s15 =	sand.u32 $0x1FFFFFF0, s10;
	s18 =	spop (v2sf)  }
0x96: {  	[tilespmem:s16], [sflag:$0x1] =	stream.linear.gather [hbm4b:s11+s8], $0x80, $0x38;
	[tilespmem:$0x18800] =	vst v63  }
0x97: {  	s19 =	sadd.s32 s4, s15;
	s22 =	sand.u32 $0x1FFFFFF0, s18;
	s23 =	spop (v2sf)  }
0x98: {  	[tilespmem:s14], [sflag:$0x1] =	stream.linear.gather [hbm4b:s19+s8], $0x80, $0x38;
	[tilespmem:$0x18800] =	vst v63  }
0x99: {  	s25 =	sadd.s32 s26, s22;
	s26 =	sand.u32 $0x1FFFFFF0, s23;
	s28 =	spop (v2sf)  }
0x9a: {  	[tilespmem:s21], [sflag:$0x1] =	stream.linear.gather [hbm4b:s25+s8], $0x80, $0x38;
	[tilespmem:$0x18800] =	vst v63  }
0x9b: {  	s1 =	sadd.s32 $0x8B80, s17;
	s29 =	sadd.s32 s4, s26;
	s5 =	sand.u32 $0x1FFFFFF0, s28  }
0x9c: {  	[tilespmem:s20], [sflag:$0x1] =	stream.linear.gather [hbm4b:s29+s8], $0x80, $0x38;
	[tilespmem:$0x18800] =	vst v63  }
0x9d: {  	s3 =	sadd.s32 $0x900, s17;
	[dreg:$0x7] =	wrdreg s1;
	s31 =	sadd.s32 s4, s5  }
0x9e: {  	[tilespmem:s30], [sflag:$0x1] =	stream.linear.gather [hbm4b:s31+s8], $0x80, $0x38;
	[tilespmem:$0x18800] =	vst v63  }
0x9f: {  	s6 =	sadd.s32 $0x4800, s17;
	[smem:$0x7F2] =	sst s3;
	v3 =	vld [tilespmem:s24+$0x0]  }
0xa0: {  	[smem:$0x7F0] =	sst s6;
	s7 =	sadd.s32 $0x4880, s17;
	v5 =	vld [tilespmem:s24+$0xFFFFFE00]  }
0xa1: {  	s15 =	sadd.s32 $0x8980, s17;
	[smem:$0x7F1] =	sst s7  }
0xa2: {  	p0 =	seq.s32 s13, $0xE000;
	s18 =	sadd.s32 $0x980, s17;
	[dreg:$0x1d] =	wrdreg s15;
	v6 =	vld [tilespmem:s24+$0x200]  }
0xa3: {  	s13 =	sadd.s32 $0x2000, s13;
	s1 =	sadd.s32 $0x8B00, s17;
	[smem:$0x7F5] =	sst s18  }
0xa4: {  	s10 =	sadd.s32 $0x600, s17;
	s22 =	sadd.s32 $0x4A80, s17;
	[dreg:$0x10] =	wrdreg s1;
	v4 =	vshll.u32 v3, $0x4  }
0xa5: {  	s9 =	sadd.s32 $0x4600, s17;
	s23 =	sadd.s32 $0x8900, s17;
	[dreg:$0x15] =	wrdreg s22;
	v5 =	vshll.u32 v5, $0x4;
	(v2sf) =	vpush v4, $0x0  }
0xa6: {  	s6 =	sadd.s32 $0x8680, s17;
	s7 =	sadd.s32 $0xA80, s17;
	[smem:$0x7F4] =	sst s23;
	(v2sf) =	vpush v5, $0x0  }
0xa7: {  	s3 =	sadd.s32 $0x680, s17;
	s18 =	sadd.s32 $0xB80, s17;
	[dreg:$0x1b] =	wrdreg s7;
	v3 =	vshll.u32 v6, $0x4  }
0xa8: {  	s0 =	smov.u32 s13;
	s13 =	sadd.s32 $0x4700, s17;
	[dreg:$0xf] =	wrdreg s18;
	(v2sf) =	vpush v3, $0x0  }
0xa9: {  	s15 =	sadd.s32 $0x4680, s17;
	s26 =	sadd.s32 $0xB00, s17;
	s18 =	rddreg [dreg:$0x4]  }
0xaa: {  	s1 =	sadd.s32 $0x880, s17;
	s28 =	sadd.s32 $0x4B00, s17;
	[dreg:$0x12] =	wrdreg s26;
	(v2sf) =	vpush v5, $0x1  }
0xab: {  	s11 =	sadd.s32 $0x4C80, s17;
	s22 =	sadd.s32 $0x4980, s17;
	[dreg:$0x11] =	wrdreg s28  }
0xac: {  	s16 =	sadd.s32 $0x8780, s17;
	s23 =	sadd.s32 $0x8A00, s17;
	[smem:$0x7F6] =	sst s22;
	(v2sf) =	vpush v4, $0x1  }
0xad: {  	s7 =	sadd.s32 $0x8700, s17;
	s5 =	sadd.s32 $0xC00, s17;
	[dreg:$0x1e] =	wrdreg s23  }
0xae: {  	s26 =	sadd.s32 $0x8600, s17;
	[dreg:$0x6] =	wrdreg s5;
	s21 =	sadd.s32 $0x4900, s17;
	(v2sf) =	vpush v3, $0x1  }
0xaf: {  	s19 =	sadd.s32 $0x8C80, s17;
	[smem:$0x7F3] =	sst s21;
	s21 =	sadd.s32 $0x4B80, s17;
	(v2sf) =	vpush v5, $0x2  }
0xb0: {  	s14 =	sadd.s32 $0x800, s17;
	s20 =	sadd.s32 $0x4A00, s17;
	[dreg:$0xd] =	wrdreg s21  }
0xb1: {  	s5 =	sadd.s32 $0x780, s17;
	s29 =	sadd.s32 $0x8A80, s17;
	[dreg:$0x1a] =	wrdreg s20  }
0xb2: {  	s25 =	sadd.s32 $0x4780, s17;
	s21 =	sadd.s32 $0xD80, s17;
	[dreg:$0x17] =	wrdreg s29;
	(v2sf) =	vpush v4, $0x2  }
0xb3: {  	s20 =	sadd.s32 $0xA00, s17;
	s30 =	simm.s32 $0x0;
	s31 =	sadd.s32 $0x700, s17  }
0xb4: {  	s8 =	sadd.s32 $0x4C00, s17;
	[smem:$0x7F7] =	sst s20;
	(v2sf) =	vpush v3, $0x2;
	s22 =	spop (v2sf)  }
0xb5: {  	s20 =	sadd.s32 $0x4D80, s17;
	s24 =	sadd.s32 $0x10, s24;
	s23 =	spop (v2sf)  }
0xb6: {  	[dreg:$0x5] =	wrdreg s8;
	s8 =	sadd.s32 $0x8800, s17;
	(v2sf) =	vpush v5, $0x3;
	s23 =	sand.u32 $0x1FFFFFF0, s23  }
0xb7: {  	s28 =	sand.u32 $0x1FFFFFF0, s22;
	s29 =	spop (v2sf);
	s23 =	sadd.s32 s18, s23  }
0xb8: {  	(v2sf) =	vpush v4, $0x3;
	[tilespmem:s10], [sflag:$0x1] =	stream.linear.gather [hbm4b:s23+s30], $0x80, $0x38;
	[tilespmem:$0x18800] =	vst v63  }
0xb9: {  	s28 =	sadd.s32 s4, s28;
	s29 =	sand.u32 $0x1FFFFFF0, s29;
	s18 =	spop (v2sf)  }
0xba: {  	(v2sf) =	vpush v3, $0x3;
	[tilespmem:s9], [sflag:$0x1] =	stream.linear.gather [hbm4b:s28+s30], $0x80, $0x38;
	[tilespmem:$0x18800] =	vst v63  }
0xbb: {  	s22 =	sadd.s32 $0x8880, s17;
	s23 =	spop (v2sf);
	s28 =	sadd.s32 s4, s29  }
0xbc: {  	(v2sf) =	vpush v5, $0x4;
	[tilespmem:s26], [sflag:$0x1] =	stream.linear.gather [hbm4b:s28+s30], $0x80, $0x38;
	[tilespmem:$0x18800] =	vst v63  }
0xbd: {  	s18 =	sand.u32 $0x1FFFFFF0, s18;
	s29 =	spop (v2sf);
	s28 =	rddreg [dreg:$0x4]  }
0xbe: {  	(v2sf) =	vpush v4, $0x4;
	s9 =	sadd.s32 s28, s18;
	s18 =	sand.u32 $0x1FFFFFF0, s29;
	s29 =	spop (v2sf)  }
0xbf: {  	[tilespmem:s3], [sflag:$0x1] =	stream.linear.gather [hbm4b:s9+s30], $0x80, $0x38;
	[tilespmem:$0x18800] =	vst v63  }
0xc0: {  	s10 =	sand.u32 $0x1FFFFFF0, s23;
	s26 =	rddreg [dreg:$0x4];
	(v2sf) =	vpush v3, $0x4;
	s28 =	sand.u32 $0x1FFFFFF0, s29  }
0xc1: {  	s10 =	sadd.s32 s4, s10;
	s29 =	spop (v2sf);
	(v2sf) =	vpush v5, $0x5;
	s23 =	sadd.s32 s26, s28  }
0xc2: {  	[tilespmem:s15], [sflag:$0x1] =	stream.linear.gather [hbm4b:s10+s30], $0x80, $0x38;
	[tilespmem:$0x18800] =	vst v63  }
0xc3: {  	s15 =	sadd.s32 s4, s18;
	s10 =	sand.u32 $0x1FFFFFF0, s29;
	s18 =	spop (v2sf)  }
0xc4: {  	[tilespmem:s6], [sflag:$0x1] =	stream.linear.gather [hbm4b:s15+s30], $0x80, $0x38;
	[tilespmem:$0x18800] =	vst v63  }
0xc5: {  	(v2sf) =	vpush v4, $0x5;
	s28 =	sand.u32 $0x1FFFFFF0, s18;
	s10 =	sadd.s32 s4, s10;
	s29 =	spop (v2sf)  }
0xc6: {  	[tilespmem:s31], [sflag:$0x1] =	stream.linear.gather [hbm4b:s23+s30], $0x80, $0x38;
	[tilespmem:$0x18800] =	vst v63  }
0xc7: {  	s18 =	sadd.s32 s4, s28;
	(v2sf) =	vpush v3, $0x5;
	s9 =	sand.u32 $0x1FFFFFF0, s29;
	s15 =	spop (v2sf)  }
0xc8: {  	[tilespmem:s13], [sflag:$0x1] =	stream.linear.gather [hbm4b:s10+s30], $0x80, $0x38;
	[tilespmem:$0x18800] =	vst v63  }
0xc9: {  	(v2sf) =	vpush v5, $0x6;
	s29 =	sadd.s32 s26, s9;
	s13 =	smov.u32 s0;
	s28 =	spop (v2sf)  }
0xca: {  	(v2sf) =	vpush v4, $0x6;
	[tilespmem:s7], [sflag:$0x1] =	stream.linear.gather [hbm4b:s18+s30], $0x80, $0x38;
	[tilespmem:$0x18800] =	vst v63  }
0xcb: {  	s23 =	sand.u32 $0x1FFFFFF0, s15;
	s31 =	sand.u32 $0x1FFFFFF0, s28;
	s0 =	spop (v2sf)  }
0xcc: {  	[tilespmem:s5], [sflag:$0x1] =	stream.linear.gather [hbm4b:s29+s30], $0x80, $0x38;
	[tilespmem:$0x18800] =	vst v63  }
0xcd: {  	(v2sf) =	vpush v3, $0x6;
	s6 =	sadd.s32 s4, s23;
	s9 =	sand.u32 $0x1FFFFFF0, s0;
	s10 =	spop (v2sf)  }
0xce: {  	[tilespmem:s25], [sflag:$0x1] =	stream.linear.gather [hbm4b:s6+s30], $0x80, $0x38;
	[tilespmem:$0x18800] =	vst v63  }
0xcf: {  	s15 =	sadd.s32 s4, s31;
	s0 =	sadd.s32 $0xD00, s17;
	(v2sf) =	vpush v5, $0x7;
	s18 =	spop (v2sf)  }
0xd0: {  	s23 =	sadd.s32 s26, s9;
	s6 =	sand.u32 $0x1FFFFFF0, s10;
	s28 =	spop (v2sf)  }
0xd1: {  	[tilespmem:s16], [sflag:$0x1] =	stream.linear.gather [hbm4b:s15+s30], $0x80, $0x38;
	[tilespmem:$0x18800] =	vst v63  }
0xd2: {  	(v2sf) =	vpush v4, $0x7;
	s10 =	sld [smem:$0x7F0];
	s25 =	sand.u32 $0x1FFFFFF0, s18;
	s31 =	sand.u32 $0x1FFFFFF0, s28  }
0xd3: {  	[tilespmem:s14], [sflag:$0x1] =	stream.linear.gather [hbm4b:s23+s30], $0x80, $0x38;
	[tilespmem:$0x18800] =	vst v63  }
0xd4: {  	(v2sf) =	vpush v3, $0x7;
	s29 =	sadd.s32 s4, s6;
	s9 =	spop (v2sf);
	s18 =	sadd.s32 s26, s31  }
0xd5: {  	[tilespmem:s10], [sflag:$0x1] =	stream.linear.gather [hbm4b:s29+s30], $0x80, $0x38;
	[tilespmem:$0x18800] =	vst v63  }
0xd6: {  	s14 =	sadd.s32 s4, s25;
	s15 =	sand.u32 $0x1FFFFFF0, s9;
	s16 =	spop (v2sf)  }
0xd7: {  	[tilespmem:s8], [sflag:$0x1] =	stream.linear.gather [hbm4b:s14+s30], $0x80, $0x38;
	[tilespmem:$0x18800] =	vst v63  }
0xd8: {  	s31 =	sld [smem:$0x7F1];
	s25 =	sadd.s32 s4, s15;
	s23 =	spop (v2sf)  }
0xd9: {  	(v2sf) =	vpush v5, $0x8;
	s10 =	sld [smem:$0x7F2];
	s5 =	sand.u32 $0x1FFFFFF0, s16;
	s29 =	spop (v2sf)  }
0xda: {  	[tilespmem:s1], [sflag:$0x1] =	stream.linear.gather [hbm4b:s18+s30], $0x80, $0x38;
	[tilespmem:$0x18800] =	vst v63  }
0xdb: {  	(v2sf) =	vpush v4, $0x8;
	s5 =	sadd.s32 s4, s5;
	s28 =	sand.u32 $0x1FFFFFF0, s23;
	s3 =	sand.u32 $0x1FFFFFF0, s29  }
0xdc: {  	s6 =	spop (v2sf);
	s7 =	sadd.s32 s26, s28;
	s18 =	sld [smem:$0x7F3]  }
0xdd: {  	(v2sf) =	vpush v3, $0x8;
	[tilespmem:s31], [sflag:$0x1] =	stream.linear.gather [hbm4b:s25+s30], $0x80, $0x38;
	[tilespmem:$0x18800] =	vst v63  }
0xde: {  	s8 =	sand.u32 $0x1FFFFFF0, s6;
	s9 =	spop (v2sf);
	s25 =	sld [smem:$0x7F4]  }
0xdf: {  	s14 =	sadd.s32 s4, s3;
	s31 =	sld [smem:$0x7F5];
	s15 =	sand.u32 $0x1FFFFFF0, s9  }
0xe0: {  	(v2sf) =	vpush v5, $0x9;
	[tilespmem:s22], [sflag:$0x1] =	stream.linear.gather [hbm4b:s5+s30], $0x80, $0x38;
	[tilespmem:$0x18800] =	vst v63  }
0xe1: {  	s22 =	sadd.s32 s4, s8;
	s28 =	sadd.s32 s26, s15;
	s16 =	spop (v2sf)  }
0xe2: {  	(v2sf) =	vpush v4, $0x9;
	[tilespmem:s10], [sflag:$0x1] =	stream.linear.gather [hbm4b:s7+s30], $0x80, $0x38;
	[tilespmem:$0x18800] =	vst v63  }
0xe3: {  	s15 =	rddreg [dreg:$0x1d];
	s23 =	spop (v2sf);
	s29 =	sand.u32 $0x1FFFFFF0, s16  }
0xe4: {  	(v2sf) =	vpush v3, $0x9;
	s16 =	sadd.s32 $0x4D00, s17;
	s7 =	sld [smem:$0x7F6];
	s1 =	sand.u32 $0x1FFFFFF0, s23  }
0xe5: {  	[tilespmem:s18], [sflag:$0x1] =	stream.linear.gather [hbm4b:s14+s30], $0x80, $0x38;
	[tilespmem:$0x18800] =	vst v63  }
0xe6: {  	(v2sf) =	vpush v5, $0xA;
	s5 =	sadd.s32 s4, s29;
	s14 =	sadd.s32 $0x8D00, s17;
	s8 =	sadd.s32 s4, s1  }
0xe7: {  	[tilespmem:s25], [sflag:$0x1] =	stream.linear.gather [hbm4b:s22+s30], $0x80, $0x38;
	[tilespmem:$0x18800] =	vst v63  }
0xe8: {  	s1 =	sadd.s32 $0xC80, s17;
	s25 =	sld [smem:$0x7F7];
	s6 =	spop (v2sf)  }
0xe9: {  	[tilespmem:s31], [sflag:$0x1] =	stream.linear.gather [hbm4b:s28+s30], $0x80, $0x38;
	[tilespmem:$0x18800] =	vst v63  }
0xea: {  	(v2sf) =	vpush v4, $0xA;
	s9 =	sand.u32 $0x1FFFFFF0, s6;
	s6 =	rddreg [dreg:$0x1a];
	s10 =	spop (v2sf)  }
0xeb: {  	[tilespmem:s7], [sflag:$0x1] =	stream.linear.gather [hbm4b:s5+s30], $0x80, $0x38;
	[tilespmem:$0x18800] =	vst v63  }
0xec: {  	(v2sf) =	vpush v3, $0xA;
	s18 =	sadd.s32 s26, s9;
	s22 =	sand.u32 $0x1FFFFFF0, s10;
	s23 =	spop (v2sf)  }
0xed: {  	s10 =	rddreg [dreg:$0x1e];
	s28 =	sadd.s32 s4, s22;
	s29 =	sand.u32 $0x1FFFFFF0, s23  }
0xee: {  	[tilespmem:s15], [sflag:$0x1] =	stream.linear.gather [hbm4b:s8+s30], $0x80, $0x38;
	[tilespmem:$0x18800] =	vst v63  }
0xef: {  	(v2sf) =	vpush v5, $0xB;
	s31 =	spop (v2sf);
	s23 =	rddreg [dreg:$0x1b];
	s7 =	sadd.s32 s4, s29  }
0xf0: {  	(v2sf) =	vpush v4, $0xB;
	[tilespmem:s25], [sflag:$0x1] =	stream.linear.gather [hbm4b:s18+s30], $0x80, $0x38;
	[tilespmem:$0x18800] =	vst v63  }
0xf1: {  	s8 =	sand.u32 $0x1FFFFFF0, s31;
	s29 =	rddreg [dreg:$0x15];
	s9 =	spop (v2sf)  }
0xf2: {  	(v2sf) =	vpush v3, $0xB;
	[tilespmem:s6], [sflag:$0x1] =	stream.linear.gather [hbm4b:s28+s30], $0x80, $0x38;
	[tilespmem:$0x18800] =	vst v63  }
0xf3: {  	s15 =	sadd.s32 s26, s8;
	s18 =	sand.u32 $0x1FFFFFF0, s9;
	s22 =	spop (v2sf)  }
0xf4: {  	[tilespmem:s10], [sflag:$0x1] =	stream.linear.gather [hbm4b:s7+s30], $0x80, $0x38;
	[tilespmem:$0x18800] =	vst v63  }
0xf5: {  	s8 =	rddreg [dreg:$0x17];
	s28 =	sadd.s32 s4, s18;
	s25 =	spop (v2sf)  }
0xf6: {  	(v2sf) =	vpush v5, $0xC;
	[tilespmem:s23], [sflag:$0x1] =	stream.linear.gather [hbm4b:s15+s30], $0x80, $0x38;
	[tilespmem:$0x18800] =	vst v63  }
0xf7: {  	s6 =	sadd.s32 $0x8C00, s17;
	s3 =	sand.u32 $0x1FFFFFF0, s22;
	s5 =	sand.u32 $0x1FFFFFF0, s25  }
0xf8: {  	(v2sf) =	vpush v4, $0xC;
	[tilespmem:s29], [sflag:$0x1] =	stream.linear.gather [hbm4b:s28+s30], $0x80, $0x38;
	[tilespmem:$0x18800] =	vst v63  }
0xf9: {  	s3 =	sadd.s32 s4, s3;
	s15 =	rddreg [dreg:$0x12];
	s31 =	spop (v2sf)  }
0xfa: {  	[tilespmem:s8], [sflag:$0x1] =	stream.linear.gather [hbm4b:s3+s30], $0x80, $0x38;
	[tilespmem:$0x18800] =	vst v63  }
0xfb: {  	s5 =	sadd.s32 s26, s5;
	s23 =	rddreg [dreg:$0x11];
	s10 =	spop (v2sf)  }
0xfc: {  	(v2sf) =	vpush v3, $0xC;
	s9 =	sand.u32 $0x1FFFFFF0, s31;
	s31 =	rddreg [dreg:$0x10];
	s18 =	sand.u32 $0x1FFFFFF0, s10  }
0xfd: {  	(v2sf) =	vpush v5, $0xD;
	[tilespmem:s15], [sflag:$0x1] =	stream.linear.gather [hbm4b:s5+s30], $0x80, $0x38;
	[tilespmem:$0x18800] =	vst v63  }
0xfe: {  	s3 =	sadd.s32 s4, s9;
	s22 =	spop (v2sf);
	s25 =	sadd.s32 s4, s18  }
0xff: {  	(v2sf) =	vpush v4, $0xD;
	s28 =	sand.u32 $0x1FFFFFF0, s22;
	s29 =	spop (v2sf);
	s15 =	rddreg [dreg:$0xf]  }
0x100: {  	[tilespmem:s23], [sflag:$0x1] =	stream.linear.gather [hbm4b:s3+s30], $0x80, $0x38;
	[tilespmem:$0x18800] =	vst v63  }
0x101: {  	s8 =	sadd.s32 s26, s28;
	s9 =	sand.u32 $0x1FFFFFF0, s29;
	s10 =	spop (v2sf)  }
0x102: {  	[tilespmem:s31], [sflag:$0x1] =	stream.linear.gather [hbm4b:s25+s30], $0x80, $0x38;
	[tilespmem:$0x18800] =	vst v63  }
0x103: {  	s18 =	sadd.s32 s4, s9;
	s9 =	rddreg [dreg:$0x7];
	s22 =	sand.u32 $0x1FFFFFF0, s10  }
0x104: {  	[tilespmem:s15], [sflag:$0x1] =	stream.linear.gather [hbm4b:s8+s30], $0x80, $0x38;
	[tilespmem:$0x18800] =	vst v63  }
0x105: {  	s25 =	rddreg [dreg:$0xd];
	s28 =	sadd.s32 s4, s22;
	s23 =	spop (v2sf)  }
0x106: {  	[tilespmem:s25], [sflag:$0x1] =	stream.linear.gather [hbm4b:s18+s30], $0x80, $0x38;
	[tilespmem:$0x18800] =	vst v63  }
0x107: {  	s22 =	rddreg [dreg:$0x6];
	s29 =	sand.u32 $0x1FFFFFF0, s23;
	s31 =	spop (v2sf)  }
0x108: {  	[tilespmem:s9], [sflag:$0x1] =	stream.linear.gather [hbm4b:s28+s30], $0x80, $0x38;
	[tilespmem:$0x18800] =	vst v63  }
0x109: {  	(v2sf) =	vpush v3, $0xD;
	s8 =	simm.s32 $0x0;
	s10 =	sadd.s32 s26, s29;
	s29 =	rddreg [dreg:$0x5]  }
0x10a: {  	(v2sf) =	vpush v5, $0xE;
	[tilespmem:s22], [sflag:$0x1] =	stream.linear.gather [hbm4b:s10+s30], $0x80, $0x38;
	[tilespmem:$0x18800] =	vst v63  }
.Ltmp1:
0x10b: {  	(v2sf) =	vpush v4, $0xE;
	s15 =	sand.u32 $0x1FFFFFF0, s31;
	s18 =	spop (v2sf);
	(pc) =	sbr.rel @!p0 .LBB2_2-.Ltmp1, $4  }
0x10c: {  	(v2sf) =	vpush v3, $0xE;
	s23 =	sadd.s32 s4, s15;
	s25 =	sand.u32 $0x1FFFFFF0, s18;
	s28 =	spop (v2sf)  }
0x10d: {  	(v2sf) =	vpush v5, $0xF;
	[tilespmem:s29], [sflag:$0x1] =	stream.linear.gather [hbm4b:s23+s30], $0x80, $0x38;
	[tilespmem:$0x18800] =	vst v63  }
0x10e: {  	(v2sf) =	vpush v4, $0xF;
	s31 =	sadd.s32 s4, s25;
	s3 =	sand.u32 $0x1FFFFFF0, s28;
	s5 =	spop (v2sf)  }
0x10f: {  	(v2sf) =	vpush v3, $0xF;
	[tilespmem:s6], [sflag:$0x1] =	stream.linear.gather [hbm4b:s31+s30], $0x80, $0x38;
	[tilespmem:$0x18800] =	vst v63  }
.LBB2_3:
0x110: {  	_ =	sdelay $0x3  }
0x111: {  	s3 =	sadd.s32 s26, s3;
	s5 =	sand.u32 $0x1FFFFFF0, s5  }
0x112: {  	[tilespmem:s1], [sflag:$0x1] =	stream.linear.gather [hbm4b:s3+s8], $0x80, $0x38;
	[tilespmem:$0x18800] =	vst v63  }
0x113: {  	s29 =	sadd.s32 s4, s5  }
0x114: {  	[tilespmem:s11], [sflag:$0x1] =	stream.linear.gather [hbm4b:s29+s8], $0x80, $0x38;
	[tilespmem:$0x18800] =	vst v63  }
0x115: {  	s6 =	spop (v2sf)  }
0x116: {  	s30 =	sand.u32 $0x1FFFFFF0, s6;
	s31 =	spop (v2sf)  }
0x117: {  	s3 =	sadd.s32 s4, s30;
	s6 =	sand.u32 $0x1FFFFFF0, s31;
	s7 =	spop (v2sf)  }
0x118: {  	[tilespmem:s19], [sflag:$0x1] =	stream.linear.gather [hbm4b:s3+s8], $0x80, $0x38;
	[tilespmem:$0x18800] =	vst v63  }
0x119: {  	s9 =	sadd.s32 s26, s6;
	s10 =	sand.u32 $0x1FFFFFF0, s7;
	s11 =	spop (v2sf)  }
0x11a: {  	[tilespmem:s0], [sflag:$0x1] =	stream.linear.gather [hbm4b:s9+s8], $0x80, $0x38;
	[tilespmem:$0x18800] =	vst v63  }
0x11b: {  	s13 =	sadd.s32 s4, s10;
	s15 =	sand.u32 $0x1FFFFFF0, s11;
	s18 =	spop (v2sf)  }
0x11c: {  	[tilespmem:s16], [sflag:$0x1] =	stream.linear.gather [hbm4b:s13+s8], $0x80, $0x38;
	[tilespmem:$0x18800] =	vst v63  }
0x11d: {  	s19 =	sadd.s32 s4, s15;
	s22 =	sand.u32 $0x1FFFFFF0, s18;
	s23 =	spop (v2sf)  }
0x11e: {  	[tilespmem:s14], [sflag:$0x1] =	stream.linear.gather [hbm4b:s19+s8], $0x80, $0x38;
	[tilespmem:$0x18800] =	vst v63  }
0x11f: {  	s24 =	sadd.s32 s26, s22;
	s25 =	sand.u32 $0x1FFFFFF0, s23;
	s28 =	spop (v2sf)  }
0x120: {  	[tilespmem:s21], [sflag:$0x1] =	stream.linear.gather [hbm4b:s24+s8], $0x80, $0x38;
	[tilespmem:$0x18800] =	vst v63  }
0x121: {  	s29 =	sadd.s32 s4, s25;
	s30 =	sand.u32 $0x1FFFFFF0, s28  }
0x122: {  	[tilespmem:s20], [sflag:$0x1] =	stream.linear.gather [hbm4b:s29+s8], $0x80, $0x38;
	[tilespmem:$0x18800] =	vst v63  }
0x123: {  	p0 =	por $0x1, $0x1;
	s31 =	sadd.s32 $0x8D80, s17;
	s1 =	sadd.s32 s4, s30  }
0x124: {  	[tilespmem:s31], [sflag:$0x1] =	stream.linear.gather [hbm4b:s1+s8], $0x80, $0x38;
	[tilespmem:$0x18800] =	vst v63  }
0x125: {  	[smem:$0x7EF] =	sst s8;
	s16 =	simm.s32 $0x280;
	s1 =	smov.u32 s8  }
.LBB2_5:
0x126: {  	v3 =	vld [tilespmem:s16+$0xFFFFFE00];
	_ =	sdelay $0x1  }
0x127: {  	v4 =	vld [tilespmem:s16+$0x0];
	_ =	sdelay $0x1  }
0x128: {  	v6 =	vld [tilespmem:s16+$0x200]  }
0x129: {  	v5 =	vshll.u32 v3, $0x4  }
0x12a: {  	(v2sf) =	vpush v5, $0x0  }
0x12b: {  	v4 =	vshll.u32 v4, $0x4  }
0x12c: {  	(v2sf) =	vpush v4, $0x0  }
0x12d: {  	s0 =	simm.s32 $0x1;
	v3 =	vshll.u32 v6, $0x4  }
0x12e: {  	s0 =	simm.s32 @!p0 $0x0;
	(v2sf) =	vpush v3, $0x0  }
0x12f: {  	s0 =	smul.u32 $0x30000, s0;
	(v2sf) =	vpush v5, $0x1;
	_ =	sdelay $0x1  }
0x130: {  	[smem:$0x7EC] =	sst s1;
	s0 =	sshrl.u32 s0, $0x2;
	(v2sf) =	vpush v4, $0x1  }
0x131: {  	[smem:$0x7ED] =	sst s16;
	s0 =	sor.u32 $0x600, s0;
	(v2sf) =	vpush v3, $0x1  }
0x132: {  	s10 =	sadd.s32 $0x1, s1;
	s3 =	sshra.s32 s8, $0x2;
	[dreg:$0x3] =	wrdreg s0  }
0x133: {  	p1 =	sne.s32 s8, $0xE000;
	s22 =	sadd.s32 $0x2000, s8;
	s0 =	rddreg [dreg:$0x3];
	(v2sf) =	vpush v5, $0x2  }
0x134: {  	[smem:$0x7EE] =	sst s10;
	s1 =	sand.u32 $0x1, s10;
	s21 =	sadd.s32 s3, s0;
	(v2sf) =	vpush v4, $0x2  }
0x135: {  	s20 =	sadd.s32 $0x1, s1;
	s5 =	sadd.s32 $0x4000, s21;
	s7 =	sadd.s32 $0x8280, s21  }
0x136: {  	s3 =	sadd.s32 $0x480, s21;
	s9 =	sadd.s32 $0x8200, s21;
	s8 =	sadd.s32 $0x280, s21;
	(v2sf) =	vpush v3, $0x2  }
0x137: {  	s1 =	sadd.s32 $0x8500, s21;
	s6 =	sadd.s32 $0x8180, s21;
	s10 =	sadd.s32 $0x200, s21  }
0x138: {  	s14 =	sadd.s32 $0x8000, s21;
	s17 =	sadd.s32 $0x80, s21;
	(v2sf) =	vpush v5, $0x3;
	s11 =	spop (v2sf)  }
0x139: {  	s19 =	sadd.s32 $0x4080, s21;
	s25 =	sadd.s32 $0x8080, s21;
	s0 =	sand.u32 $0x1FFFFFF0, s11  }
0x13a: {  	s30 =	sadd.s32 $0x100, s21;
	s11 =	spop (v2sf);
	s0 =	sadd.s32 s26, s0  }
0x13b: {  	[tilespmem:s21], [sflag:s20] =	stream.linear.gather [hbm4b:s0+s2], $0x80, $0x38;
	[tilespmem:$0x18800] =	vst v63  }
0x13c: {  	s11 =	sand.u32 $0x1FFFFFF0, s11;
	s13 =	spop (v2sf);
	s0 =	sadd.s32 $0x4580, s21  }
0x13d: {  	s11 =	sadd.s32 s4, s11;
	s13 =	sand.u32 $0x1FFFFFF0, s13;
	s15 =	spop (v2sf)  }
0x13e: {  	(v2sf) =	vpush v4, $0x3;
	[tilespmem:s5], [sflag:s20] =	stream.linear.gather [hbm4b:s11+s2], $0x80, $0x38;
	[tilespmem:$0x18800] =	vst v63  }
0x13f: {  	(v2sf) =	vpush v3, $0x3;
	s18 =	spop (v2sf);
	s5 =	sadd.s32 $0x8100, s21;
	s11 =	sadd.s32 s4, s13  }
0x140: {  	s13 =	sand.u32 $0x1FFFFFF0, s15;
	s23 =	sand.u32 $0x1FFFFFF0, s18;
	s24 =	spop (v2sf)  }
0x141: {  	(v2sf) =	vpush v5, $0x4;
	[tilespmem:s14], [sflag:s20] =	stream.linear.gather [hbm4b:s11+s2], $0x80, $0x38;
	[tilespmem:$0x18800] =	vst v63  }
0x142: {  	(v2sf) =	vpush v4, $0x4;
	s13 =	sadd.s32 s26, s13;
	s15 =	spop (v2sf);
	s14 =	sand.u32 $0x1FFFFFF0, s24  }
0x143: {  	s29 =	sand.u32 $0x1FFFFFF0, s15;
	s31 =	spop (v2sf);
	s15 =	sadd.s32 $0x4100, s21  }
0x144: {  	(v2sf) =	vpush v3, $0x4;
	[tilespmem:s17], [sflag:s20] =	stream.linear.gather [hbm4b:s13+s2], $0x80, $0x38;
	[tilespmem:$0x18800] =	vst v63  }
0x145: {  	s11 =	sadd.s32 $0x8380, s21;
	s13 =	sadd.s32 s4, s23;
	s17 =	spop (v2sf)  }
0x146: {  	(v2sf) =	vpush v5, $0x5;
	[tilespmem:s19], [sflag:s20] =	stream.linear.gather [hbm4b:s13+s2], $0x80, $0x38;
	[tilespmem:$0x18800] =	vst v63  }
0x147: {  	s28 =	sadd.s32 s4, s14;
	s14 =	sadd.s32 s26, s29;
	s18 =	spop (v2sf)  }
0x148: {  	[tilespmem:s25], [sflag:s20] =	stream.linear.gather [hbm4b:s28+s2], $0x80, $0x38;
	[tilespmem:$0x18800] =	vst v63  }
0x149: {  	s13 =	sand.u32 $0x1FFFFFF0, s31;
	s19 =	sadd.s32 $0x180, s21;
	s24 =	sand.u32 $0x1FFFFFF0, s18  }
0x14a: {  	(v2sf) =	vpush v4, $0x5;
	[tilespmem:s30], [sflag:s20] =	stream.linear.gather [hbm4b:s14+s2], $0x80, $0x38;
	[tilespmem:$0x18800] =	vst v63  }
0x14b: {  	s31 =	sadd.s32 $0x4200, s21;
	s13 =	sadd.s32 s4, s13;
	s14 =	sand.u32 $0x1FFFFFF0, s17  }
0x14c: {  	[tilespmem:s15], [sflag:s20] =	stream.linear.gather [hbm4b:s13+s2], $0x80, $0x38;
	[tilespmem:$0x18800] =	vst v63  }
0x14d: {  	s28 =	sadd.s32 $0x4180, s21;
	s23 =	sadd.s32 s4, s14;
	s25 =	spop (v2sf)  }
0x14e: {  	s14 =	sadd.s32 s26, s24;
	s15 =	sadd.s32 $0x8600, s21;
	s29 =	spop (v2sf)  }
0x14f: {  	(v2sf) =	vpush v3, $0x5;
	[tilespmem:s5], [sflag:s20] =	stream.linear.gather [hbm4b:s23+s2], $0x80, $0x38;
	[tilespmem:$0x18800] =	vst v63  }
0x150: {  	s13 =	sand.u32 $0x1FFFFFF0, s25;
	s5 =	sadd.s32 $0x8580, s21;
	s30 =	spop (v2sf)  }
0x151: {  	(v2sf) =	vpush v5, $0x6;
	s13 =	sadd.s32 s4, s13;
	s17 =	sand.u32 $0x1FFFFFF0, s30;
	s18 =	spop (v2sf)  }
0x152: {  	(v2sf) =	vpush v4, $0x6;
	[tilespmem:s19], [sflag:s20] =	stream.linear.gather [hbm4b:s14+s2], $0x80, $0x38;
	[tilespmem:$0x18800] =	vst v63  }
0x153: {  	s14 =	sand.u32 $0x1FFFFFF0, s29;
	s19 =	sadd.s32 $0x4280, s21;
	s23 =	spop (v2sf)  }
0x154: {  	[tilespmem:s28], [sflag:s20] =	stream.linear.gather [hbm4b:s13+s2], $0x80, $0x38;
	[tilespmem:$0x18800] =	vst v63  }
0x155: {  	s14 =	sadd.s32 s4, s14;
	s24 =	spop (v2sf);
	s13 =	sand.u32 $0x1FFFFFF0, s18  }
0x156: {  	(v2sf) =	vpush v3, $0x6;
	[tilespmem:s6], [sflag:s20] =	stream.linear.gather [hbm4b:s14+s2], $0x80, $0x38;
	[tilespmem:$0x18800] =	vst v63  }
0x157: {  	s28 =	sand.u32 $0x1FFFFFF0, s24;
	s13 =	sadd.s32 s4, s13;
	s14 =	sadd.s32 s26, s17  }
0x158: {  	(v2sf) =	vpush v5, $0x7;
	[tilespmem:s10], [sflag:s20] =	stream.linear.gather [hbm4b:s14+s2], $0x80, $0x38;
	[tilespmem:$0x18800] =	vst v63  }
0x159: {  	s29 =	spop (v2sf);
	s30 =	sadd.s32 s26, s28;
	s14 =	sand.u32 $0x1FFFFFF0, s23  }
0x15a: {  	(v2sf) =	vpush v4, $0x7;
	[tilespmem:s31], [sflag:s20] =	stream.linear.gather [hbm4b:s13+s2], $0x80, $0x38;
	[tilespmem:$0x18800] =	vst v63  }
0x15b: {  	s6 =	sadd.s32 $0x600, s21;
	s23 =	sadd.s32 $0x680, s21;
	s25 =	sadd.s32 s4, s14  }
0x15c: {  	(v2sf) =	vpush v3, $0x7;
	[tilespmem:s9], [sflag:s20] =	stream.linear.gather [hbm4b:s25+s2], $0x80, $0x38;
	[tilespmem:$0x18800] =	vst v63  }
0x15d: {  	s31 =	sadd.s32 $0x300, s21;
	s9 =	sand.u32 $0x1FFFFFF0, s29;
	s25 =	sadd.s32 $0x8300, s21  }
0x15e: {  	(v2sf) =	vpush v5, $0x8;
	s29 =	sadd.s32 $0x4300, s21;
	s17 =	spop (v2sf);
	s9 =	sadd.s32 s4, s9  }
0x15f: {  	[tilespmem:s8], [sflag:s20] =	stream.linear.gather [hbm4b:s30+s2], $0x80, $0x38;
	[tilespmem:$0x18800] =	vst v63  }
0x160: {  	s13 =	sand.u32 $0x1FFFFFF0, s17;
	s18 =	spop (v2sf);
	s17 =	sadd.s32 $0x380, s21  }
0x161: {  	s24 =	sand.u32 $0x1FFFFFF0, s18;
	s28 =	spop (v2sf);
	s18 =	sadd.s32 $0x4680, s21  }
0x162: {  	(v2sf) =	vpush v4, $0x8;
	[tilespmem:s19], [sflag:s20] =	stream.linear.gather [hbm4b:s9+s2], $0x80, $0x38;
	[tilespmem:$0x18800] =	vst v63  }
0x163: {  	(v2sf) =	vpush v3, $0x8;
	s19 =	sadd.s32 s4, s13;
	s10 =	sadd.s32 s26, s24;
	s9 =	sand.u32 $0x1FFFFFF0, s28  }
0x164: {  	[tilespmem:s7], [sflag:s20] =	stream.linear.gather [hbm4b:s19+s2], $0x80, $0x38;
	[tilespmem:$0x18800] =	vst v63  }
0x165: {  	(v2sf) =	vpush v5, $0x9;
	s30 =	spop (v2sf);
	s24 =	sadd.s32 $0x4380, s21;
	s13 =	sadd.s32 $0x4400, s21  }
0x166: {  	(v2sf) =	vpush v4, $0x9;
	[tilespmem:s31], [sflag:s20] =	stream.linear.gather [hbm4b:s10+s2], $0x80, $0x38;
	[tilespmem:$0x18800] =	vst v63  }
0x167: {  	s9 =	sadd.s32 s4, s9;
	s10 =	sand.u32 $0x1FFFFFF0, s30;
	s31 =	spop (v2sf)  }
0x168: {  	[tilespmem:s29], [sflag:s20] =	stream.linear.gather [hbm4b:s9+s2], $0x80, $0x38;
	[tilespmem:$0x18800] =	vst v63  }
0x169: {  	s10 =	sadd.s32 s4, s10;
	s14 =	sand.u32 $0x1FFFFFF0, s31;
	s19 =	spop (v2sf)  }
0x16a: {  	(v2sf) =	vpush v3, $0x9;
	[tilespmem:s25], [sflag:s20] =	stream.linear.gather [hbm4b:s10+s2], $0x80, $0x38;
	[tilespmem:$0x18800] =	vst v63  }
0x16b: {  	s9 =	sadd.s32 s26, s14;
	s8 =	sand.u32 $0x1FFFFFF0, s19;
	s25 =	spop (v2sf)  }
0x16c: {  	(v2sf) =	vpush v5, $0xA;
	[tilespmem:s17], [sflag:s20] =	stream.linear.gather [hbm4b:s9+s2], $0x80, $0x38;
	[tilespmem:$0x18800] =	vst v63  }
0x16d: {  	s8 =	sadd.s32 s4, s8;
	s28 =	spop (v2sf);
	s9 =	sand.u32 $0x1FFFFFF0, s25  }
0x16e: {  	[tilespmem:s24], [sflag:s20] =	stream.linear.gather [hbm4b:s8+s2], $0x80, $0x38;
	[tilespmem:$0x18800] =	vst v63  }
0x16f: {  	s29 =	sadd.s32 $0x8400, s21;
	s31 =	sand.u32 $0x1FFFFFF0, s28;
	s30 =	sadd.s32 s4, s9  }
0x170: {  	(v2sf) =	vpush v4, $0xA;
	[tilespmem:s11], [sflag:s20] =	stream.linear.gather [hbm4b:s30+s2], $0x80, $0x38;
	[tilespmem:$0x18800] =	vst v63  }
0x171: {  	s10 =	sadd.s32 $0x400, s21;
	s9 =	sadd.s32 s26, s31;
	s11 =	spop (v2sf)  }
0x172: {  	s24 =	sadd.s32 $0x4480, s21;
	(v2sf) =	vpush v3, $0xA;
	s14 =	sand.u32 $0x1FFFFFF0, s11;
	s17 =	spop (v2sf)  }
0x173: {  	(v2sf) =	vpush v5, $0xB;
	[tilespmem:s10], [sflag:s20] =	stream.linear.gather [hbm4b:s9+s2], $0x80, $0x38;
	[tilespmem:$0x18800] =	vst v63  }
0x174: {  	s9 =	sadd.s32 s4, s14;
	s10 =	sand.u32 $0x1FFFFFF0, s17;
	s19 =	spop (v2sf)  }
0x175: {  	s25 =	sadd.s32 s4, s10;
	s28 =	sand.u32 $0x1FFFFFF0, s19;
	s30 =	spop (v2sf)  }
0x176: {  	[tilespmem:s13], [sflag:s20] =	stream.linear.gather [hbm4b:s9+s2], $0x80, $0x38;
	[tilespmem:$0x18800] =	vst v63  }
0x177: {  	(v2sf) =	vpush v4, $0xB;
	s19 =	sadd.s32 $0x4600, s21;
	s10 =	sadd.s32 s26, s28;
	s31 =	sand.u32 $0x1FFFFFF0, s30  }
0x178: {  	(v2sf) =	vpush v3, $0xB;
	[tilespmem:s29], [sflag:s20] =	stream.linear.gather [hbm4b:s25+s2], $0x80, $0x38;
	[tilespmem:$0x18800] =	vst v63  }
0x179: {  	(v2sf) =	vpush v5, $0xC;
	s13 =	sadd.s32 $0x500, s21;
	s7 =	spop (v2sf);
	s29 =	sadd.s32 $0x8480, s21  }
0x17a: {  	[tilespmem:s3], [sflag:s20] =	stream.linear.gather [hbm4b:s10+s2], $0x80, $0x38;
	[tilespmem:$0x18800] =	vst v63  }
0x17b: {  	(v2sf) =	vpush v4, $0xC;
	s9 =	sand.u32 $0x1FFFFFF0, s7;
	s8 =	spop (v2sf);
	s3 =	sadd.s32 s4, s31  }
0x17c: {  	[tilespmem:s24], [sflag:s20] =	stream.linear.gather [hbm4b:s3+s2], $0x80, $0x38;
	[tilespmem:$0x18800] =	vst v63  }
0x17d: {  	s25 =	sadd.s32 $0x10, s16;
	s14 =	sadd.s32 s4, s9;
	s17 =	sand.u32 $0x1FFFFFF0, s8  }
0x17e: {  	[tilespmem:s29], [sflag:s20] =	stream.linear.gather [hbm4b:s14+s2], $0x80, $0x38;
	[tilespmem:$0x18800] =	vst v63  }
0x17f: {  	(v2sf) =	vpush v3, $0xC;
	s9 =	sadd.s32 s26, s17;
	s10 =	sadd.s32 $0x8700, s21;
	s28 =	spop (v2sf)  }
0x180: {  	[tilespmem:s13], [sflag:s20] =	stream.linear.gather [hbm4b:s9+s2], $0x80, $0x38;
	[tilespmem:$0x18800] =	vst v63  }
0x181: {  	(v2sf) =	vpush v5, $0xD;
	s7 =	sand.u32 $0x1FFFFFF0, s28;
	s29 =	sadd.s32 $0x4500, s21;
	s30 =	spop (v2sf)  }
0x182: {  	s7 =	sadd.s32 s4, s7;
	s9 =	sand.u32 $0x1FFFFFF0, s30;
	s31 =	spop (v2sf)  }
0x183: {  	[tilespmem:s29], [sflag:s20] =	stream.linear.gather [hbm4b:s7+s2], $0x80, $0x38;
	[tilespmem:$0x18800] =	vst v63  }
0x184: {  	s24 =	sadd.s32 $0x580, s21;
	s8 =	sadd.s32 s4, s9;
	s9 =	sand.u32 $0x1FFFFFF0, s31  }
0x185: {  	[tilespmem:s1], [sflag:s20] =	stream.linear.gather [hbm4b:s8+s2], $0x80, $0x38;
	[tilespmem:$0x18800] =	vst v63  }
0x186: {  	s13 =	spop (v2sf);
	s14 =	sadd.s32 s26, s9;
	s8 =	sadd.s32 $0x780, s21  }
0x187: {  	s3 =	sand.u32 $0x1FFFFFF0, s13;
	s16 =	spop (v2sf);
	s9 =	sadd.s32 $0x4700, s21  }
0x188: {  	s3 =	sadd.s32 s4, s3;
	s1 =	sand.u32 $0x1FFFFFF0, s16;
	s17 =	spop (v2sf)  }
0x189: {  	[tilespmem:s24], [sflag:s20] =	stream.linear.gather [hbm4b:s14+s2], $0x80, $0x38;
	[tilespmem:$0x18800] =	vst v63  }
0x18a: {  	(v2sf) =	vpush v4, $0xD;
	s24 =	sadd.s32 s4, s1;
	s28 =	sand.u32 $0x1FFFFFF0, s17;
	s29 =	spop (v2sf)  }
0x18b: {  	(v2sf) =	vpush v3, $0xD;
	[tilespmem:s0], [sflag:s20] =	stream.linear.gather [hbm4b:s3+s2], $0x80, $0x38;
	[tilespmem:$0x18800] =	vst v63  }
.Ltmp2:
0x18c: {  	(v2sf) =	vpush v5, $0xE;
	s14 =	sadd.s32 $0x8680, s21;
	s30 =	sand.u32 $0x1FFFFFF0, s29;
	(pc) =	sbr.rel @!p1 .LBB2_7-.Ltmp2, $4  }
0x18d: {  	(v2sf) =	vpush v4, $0xE;
	[tilespmem:s5], [sflag:s20] =	stream.linear.gather [hbm4b:s24+s2], $0x80, $0x38;
	[tilespmem:$0x18800] =	vst v63  }
0x18e: {  	(v2sf) =	vpush v3, $0xE;
	s31 =	spop (v2sf);
	s0 =	sadd.s32 $0x700, s21;
	s3 =	sadd.s32 s26, s28  }
0x18f: {  	(v2sf) =	vpush v5, $0xF;
	[tilespmem:s6], [sflag:s20] =	stream.linear.gather [hbm4b:s3+s2], $0x80, $0x38;
	[tilespmem:$0x18800] =	vst v63  }
0x190: {  	(v2sf) =	vpush v4, $0xF;
	s5 =	spop (v2sf);
	s6 =	sadd.s32 s4, s30;
	s3 =	sand.u32 $0x1FFFFFF0, s31  }
.LBB2_6:
0x191: {  	_ =	sdelay $0x2  }
0x192: {  	[tilespmem:s19], [sflag:s20] =	stream.linear.gather [hbm4b:s6+s2], $0x80, $0x38;
	[tilespmem:$0x18800] =	vst v63  }
0x193: {  	s3 =	sadd.s32 s4, s3;
	s5 =	sand.u32 $0x1FFFFFF0, s5  }
0x194: {  	[tilespmem:s15], [sflag:s20] =	stream.linear.gather [hbm4b:s3+s2], $0x80, $0x38;
	[tilespmem:$0x18800] =	vst v63  }
0x195: {  	(v2sf) =	vpush v3, $0xF;
	s13 =	sadd.s32 s26, s5  }
0x196: {  	[tilespmem:s23], [sflag:s20] =	stream.linear.gather [hbm4b:s13+s2], $0x80, $0x38;
	[tilespmem:$0x18800] =	vst v63  }
0x197: {  	s11 =	spop (v2sf)  }
0x198: {  	s15 =	sand.u32 $0x1FFFFFF0, s11;
	s16 =	spop (v2sf)  }
0x199: {  	s17 =	sadd.s32 s4, s15;
	s19 =	sand.u32 $0x1FFFFFF0, s16;
	s23 =	spop (v2sf)  }
0x19a: {  	[tilespmem:s18], [sflag:s20] =	stream.linear.gather [hbm4b:s17+s2], $0x80, $0x38;
	[tilespmem:$0x18800] =	vst v63  }
0x19b: {  	s24 =	sadd.s32 s4, s19;
	s28 =	sand.u32 $0x1FFFFFF0, s23  }
0x19c: {  	s29 =	spop (v2sf);
	s17 =	sadd.s32 $0x4780, s21;
	s19 =	sadd.s32 $0x8780, s21  }
0x19d: {  	[tilespmem:s14], [sflag:s20] =	stream.linear.gather [hbm4b:s24+s2], $0x80, $0x38;
	[tilespmem:$0x18800] =	vst v63  }
0x19e: {  	s30 =	sadd.s32 s26, s28;
	s31 =	sand.u32 $0x1FFFFFF0, s29;
	s1 =	spop (v2sf)  }
0x19f: {  	[tilespmem:s0], [sflag:s20] =	stream.linear.gather [hbm4b:s30+s2], $0x80, $0x38;
	[tilespmem:$0x18800] =	vst v63  }
0x1a0: {  	s5 =	sadd.s32 s4, s31;
	s6 =	sand.u32 $0x1FFFFFF0, s1;
	s7 =	spop (v2sf)  }
0x1a1: {  	[tilespmem:s9], [sflag:s20] =	stream.linear.gather [hbm4b:s5+s2], $0x80, $0x38;
	[tilespmem:$0x18800] =	vst v63  }
0x1a2: {  	s11 =	sand.u32 $0x1FFFFFF0, s7;
	s13 =	spop (v2sf);
	s9 =	sadd.s32 s4, s6  }
0x1a3: {  	[tilespmem:s10], [sflag:s20] =	stream.linear.gather [hbm4b:s9+s2], $0x80, $0x38;
	[tilespmem:$0x18800] =	vst v63  }
0x1a4: {  	s14 =	sadd.s32 s26, s11;
	s15 =	sand.u32 $0x1FFFFFF0, s13;
	s16 =	spop (v2sf)  }
0x1a5: {  	[tilespmem:s8], [sflag:s20] =	stream.linear.gather [hbm4b:s14+s2], $0x80, $0x38;
	[tilespmem:$0x18800] =	vst v63  }
0x1a6: {  	s23 =	smov.u32 s22;
	s1 =	sadd.s32 s4, s15;
	s18 =	sand.u32 $0x1FFFFFF0, s16  }
0x1a7: {  	[tilespmem:s17], [sflag:s20] =	stream.linear.gather [hbm4b:s1+s2], $0x80, $0x38;
	[tilespmem:$0x18800] =	vst v63  }
0x1a8: {  	s24 =	rddreg [dreg:$0x3];
	s0 =	sshra.s32 s23, $0x2;
	s21 =	sadd.s32 s4, s18  }
0x1a9: {  	[tilespmem:s19], [sflag:s20] =	stream.linear.gather [hbm4b:s21+s2], $0x80, $0x38;
	[tilespmem:$0x18800] =	vst v63  }
0x1aa: {  	s21 =	sadd.s32 s0, s24  }
0x1ab: {  	s0 =	sadd.s32 $0x8280, s21  }
0x1ac: {  	s26 =	sadd.s32 $0x480, s21;
	[dreg:$0x1f] =	wrdreg s0  }
0x1ad: {  	s28 =	sadd.s32 $0x8200, s21;
	[dreg:$0xc] =	wrdreg s26  }
0x1ae: {  	v3 =	vld [tilespmem:s25+$0xFFFFFE00];
	s29 =	sadd.s32 $0x280, s21;
	[smem:$0x7E3] =	sst s28  }
0x1af: {  	v4 =	vld [tilespmem:s25+$0x0];
	s30 =	sadd.s32 $0x8500, s21;
	[smem:$0x7E4] =	sst s29  }
0x1b0: {  	p1 =	sne.s32 s22, $0xE000;
	v6 =	vld [tilespmem:s25+$0x200];
	s31 =	sadd.s32 $0x200, s21;
	[dreg:$0xb] =	wrdreg s30  }
0x1b1: {  	s22 =	sadd.s32 $0x2000, s22;
	s1 =	sadd.s32 $0x4580, s21;
	[smem:$0x7E2] =	sst s31  }
0x1b2: {  	s14 =	sadd.s32 $0x4000, s21;
	s2 =	sadd.s32 $0x8580, s21;
	[dreg:$0xa] =	wrdreg s1  }
0x1b3: {  	s10 =	sadd.s32 $0x8180, s21;
	s3 =	sadd.s32 $0x600, s21;
	[dreg:$0x9] =	wrdreg s2;
	v5 =	vshll.u32 v3, $0x4  }
0x1b4: {  	s24 =	sadd.s32 $0x8100, s21;
	s6 =	sadd.s32 $0x4280, s21;
	[dreg:$0x8] =	wrdreg s3;
	v4 =	vshll.u32 v4, $0x4;
	(v2sf) =	vpush v5, $0x0  }
0x1b5: {  	s5 =	sadd.s32 $0x180, s21;
	s7 =	sadd.s32 $0x8380, s21;
	[smem:$0x7E5] =	sst s6;
	v3 =	vshll.u32 v6, $0x4;
	(v2sf) =	vpush v4, $0x0  }
0x1b6: {  	s13 =	sadd.s32 $0x4200, s21;
	s8 =	sadd.s32 $0x300, s21;
	[dreg:$0x1c] =	wrdreg s7;
	(v2sf) =	vpush v3, $0x0  }
0x1b7: {  	s15 =	sadd.s32 $0x8600, s21;
	s9 =	sadd.s32 $0x8300, s21;
	[smem:$0x7E6] =	sst s8  }
0x1b8: {  	s17 =	sadd.s32 $0x8000, s21;
	s11 =	sadd.s32 $0x8400, s21;
	[smem:$0x7E8] =	sst s9  }
0x1b9: {  	s23 =	sadd.s32 $0x680, s21;
	s16 =	sadd.s32 $0x4480, s21;
	[dreg:$0x19] =	wrdreg s11  }
0x1ba: {  	s18 =	sadd.s32 $0x4680, s21;
	s19 =	sadd.s32 $0x8480, s21;
	[dreg:$0x18] =	wrdreg s16;
	(v2sf) =	vpush v5, $0x1  }
0x1bb: {  	s25 =	sadd.s32 $0x10, s25;
	[dreg:$0x16] =	wrdreg s19;
	s29 =	sadd.s32 $0x4300, s21  }
0x1bc: {  	s31 =	simm.s32 $0x0;
	s30 =	sadd.s32 $0x500, s21;
	[smem:$0x7E7] =	sst s29;
	(v2sf) =	vpush v4, $0x1  }
0x1bd: {  	s2 =	sadd.s32 $0x100, s21;
	s3 =	sadd.s32 $0x580, s21;
	[dreg:$0x14] =	wrdreg s30;
	(v2sf) =	vpush v3, $0x1  }
0x1be: {  	s28 =	sadd.s32 $0x4100, s21;
	s6 =	sadd.s32 $0x4500, s21;
	[dreg:$0xe] =	wrdreg s3  }
0x1bf: {  	s26 =	sadd.s32 $0x4180, s21;
	s7 =	sadd.s32 $0x380, s21;
	[dreg:$0x13] =	wrdreg s6  }
0x1c0: {  	s1 =	sadd.s32 $0x80, s21;
	s8 =	sadd.s32 $0x4380, s21;
	[smem:$0x7E9] =	sst s7;
	(v2sf) =	vpush v5, $0x2  }
0x1c1: {  	s19 =	sadd.s32 $0x4600, s21;
	s9 =	sadd.s32 $0x400, s21;
	[smem:$0x7EA] =	sst s8  }
0x1c2: {  	s16 =	sadd.s32 $0x8080, s21;
	s29 =	sadd.s32 $0x4080, s21;
	[smem:$0x7EB] =	sst s9;
	(v2sf) =	vpush v4, $0x2  }
0x1c3: {  	s6 =	sadd.s32 $0x8700, s21;
	s8 =	sadd.s32 $0x780, s21;
	s11 =	spop (v2sf)  }
0x1c4: {  	s7 =	rddreg [dreg:$0x4];
	(v2sf) =	vpush v3, $0x2;
	s0 =	sand.u32 $0x1FFFFFF0, s11;
	s30 =	spop (v2sf)  }
0x1c5: {  	s0 =	sadd.s32 s7, s0;
	s30 =	sand.u32 $0x1FFFFFF0, s30;
	s11 =	spop (v2sf)  }
0x1c6: {  	(v2sf) =	vpush v5, $0x3;
	[tilespmem:s21], [sflag:s20] =	stream.linear.gather [hbm4b:s0+s31], $0x80, $0x38;
	[tilespmem:$0x18800] =	vst v63  }
0x1c7: {  	s9 =	sadd.s32 $0x4700, s21;
	s30 =	sadd.s32 s4, s30;
	s11 =	sand.u32 $0x1FFFFFF0, s11  }
0x1c8: {  	(v2sf) =	vpush v4, $0x3;
	[tilespmem:s14], [sflag:s20] =	stream.linear.gather [hbm4b:s30+s31], $0x80, $0x38;
	[tilespmem:$0x18800] =	vst v63  }
0x1c9: {  	s3 =	sadd.s32 $0x4400, s21;
	s7 =	spop (v2sf);
	s11 =	sadd.s32 s4, s11  }
0x1ca: {  	[tilespmem:s17], [sflag:s20] =	stream.linear.gather [hbm4b:s11+s31], $0x80, $0x38;
	[tilespmem:$0x18800] =	vst v63  }
0x1cb: {  	(v2sf) =	vpush v3, $0x3;
	s30 =	sand.u32 $0x1FFFFFF0, s7;
	s7 =	spop (v2sf);
	s17 =	rddreg [dreg:$0x4]  }
0x1cc: {  	s0 =	sadd.s32 $0x700, s21;
	s11 =	sadd.s32 s17, s30;
	s30 =	spop (v2sf)  }
0x1cd: {  	(v2sf) =	vpush v5, $0x4;
	[tilespmem:s1], [sflag:s20] =	stream.linear.gather [hbm4b:s11+s31], $0x80, $0x38;
	[tilespmem:$0x18800] =	vst v63  }
0x1ce: {  	s14 =	sadd.s32 $0x8680, s21;
	s7 =	sand.u32 $0x1FFFFFF0, s7;
	s17 =	sand.u32 $0x1FFFFFF0, s30  }
0x1cf: {  	(v2sf) =	vpush v4, $0x4;
	s11 =	sadd.s32 s4, s7;
	s30 =	spop (v2sf);
	s7 =	sadd.s32 s4, s17  }
0x1d0: {  	[tilespmem:s29], [sflag:s20] =	stream.linear.gather [hbm4b:s11+s31], $0x80, $0x38;
	[tilespmem:$0x18800] =	vst v63  }
0x1d1: {  	s17 =	sand.u32 $0x1FFFFFF0, s30;
	s30 =	rddreg [dreg:$0x4];
	s29 =	spop (v2sf)  }
0x1d2: {  	(v2sf) =	vpush v3, $0x4;
	[tilespmem:s16], [sflag:s20] =	stream.linear.gather [hbm4b:s7+s31], $0x80, $0x38;
	[tilespmem:$0x18800] =	vst v63  }
0x1d3: {  	(v2sf) =	vpush v5, $0x5;
	s1 =	sadd.s32 s30, s17;
	s16 =	sand.u32 $0x1FFFFFF0, s29;
	s17 =	spop (v2sf)  }
0x1d4: {  	[tilespmem:s2], [sflag:s20] =	stream.linear.gather [hbm4b:s1+s31], $0x80, $0x38;
	[tilespmem:$0x18800] =	vst v63  }
0x1d5: {  	s29 =	sadd.s32 s4, s16;
	s30 =	sand.u32 $0x1FFFFFF0, s17;
	s2 =	spop (v2sf)  }
0x1d6: {  	[tilespmem:s28], [sflag:s20] =	stream.linear.gather [hbm4b:s29+s31], $0x80, $0x38;
	[tilespmem:$0x18800] =	vst v63  }
0x1d7: {  	(v2sf) =	vpush v4, $0x5;
	s7 =	sadd.s32 s4, s30;
	s16 =	sand.u32 $0x1FFFFFF0, s2;
	s17 =	spop (v2sf)  }
0x1d8: {  	s28 =	rddreg [dreg:$0x4];
	s2 =	simm.s32 $0x0;
	s29 =	sand.u32 $0x1FFFFFF0, s17  }
0x1d9: {  	(v2sf) =	vpush v3, $0x5;
	[tilespmem:s24], [sflag:s20] =	stream.linear.gather [hbm4b:s7+s31], $0x80, $0x38;
	[tilespmem:$0x18800] =	vst v63  }
0x1da: {  	s1 =	sadd.s32 s28, s16;
	s30 =	spop (v2sf);
	s16 =	sadd.s32 s4, s29  }
0x1db: {  	[tilespmem:s5], [sflag:s20] =	stream.linear.gather [hbm4b:s1+s31], $0x80, $0x38;
	[tilespmem:$0x18800] =	vst v63  }
0x1dc: {  	(v2sf) =	vpush v5, $0x6;
	s17 =	sand.u32 $0x1FFFFFF0, s30;
	s30 =	rddreg [dreg:$0x4];
	s24 =	spop (v2sf)  }
0x1dd: {  	(v2sf) =	vpush v4, $0x6;
	[tilespmem:s26], [sflag:s20] =	stream.linear.gather [hbm4b:s16+s2], $0x80, $0x38;
	[tilespmem:$0x18800] =	vst v63  }
0x1de: {  	s28 =	sand.u32 $0x1FFFFFF0, s24;
	s5 =	rddreg [dreg:$0x4];
	s29 =	spop (v2sf)  }
0x1df: {  	(v2sf) =	vpush v3, $0x6;
	s26 =	sadd.s32 s4, s17;
	s16 =	sld [smem:$0x7E2];
	s31 =	sand.u32 $0x1FFFFFF0, s29  }
0x1e0: {  	[tilespmem:s10], [sflag:s20] =	stream.linear.gather [hbm4b:s26+s2], $0x80, $0x38;
	[tilespmem:$0x18800] =	vst v63  }
0x1e1: {  	s1 =	sadd.s32 s30, s28;
	(v2sf) =	vpush v5, $0x7;
	s10 =	spop (v2sf);
	s17 =	sadd.s32 s4, s31  }
0x1e2: {  	s31 =	sld [smem:$0x7E3];
	s24 =	sand.u32 $0x1FFFFFF0, s10;
	s26 =	spop (v2sf)  }
0x1e3: {  	[tilespmem:s16], [sflag:s20] =	stream.linear.gather [hbm4b:s1+s2], $0x80, $0x38;
	[tilespmem:$0x18800] =	vst v63  }
0x1e4: {  	(v2sf) =	vpush v4, $0x7;
	s10 =	smov.u32 s6;
	s29 =	sand.u32 $0x1FFFFFF0, s26;
	s26 =	rddreg [dreg:$0x4]  }
0x1e5: {  	[tilespmem:s13], [sflag:s20] =	stream.linear.gather [hbm4b:s17+s2], $0x80, $0x38;
	[tilespmem:$0x18800] =	vst v63  }
0x1e6: {  	(v2sf) =	vpush v3, $0x7;
	s28 =	sadd.s32 s4, s24;
	s13 =	sld [smem:$0x7E4];
	s30 =	spop (v2sf)  }
0x1e7: {  	[tilespmem:s31], [sflag:s20] =	stream.linear.gather [hbm4b:s28+s2], $0x80, $0x38;
	[tilespmem:$0x18800] =	vst v63  }
0x1e8: {  	s1 =	sadd.s32 s5, s29;
	s7 =	sand.u32 $0x1FFFFFF0, s30;
	s11 =	spop (v2sf)  }
0x1e9: {  	s28 =	sld [smem:$0x7E5];
	s16 =	sadd.s32 s4, s7;
	s17 =	sand.u32 $0x1FFFFFF0, s11  }
0x1ea: {  	(v2sf) =	vpush v5, $0x8;
	[tilespmem:s13], [sflag:s20] =	stream.linear.gather [hbm4b:s1+s2], $0x80, $0x38;
	[tilespmem:$0x18800] =	vst v63  }
0x1eb: {  	(v2sf) =	vpush v4, $0x8;
	s24 =	spop (v2sf);
	s11 =	rddreg [dreg:$0x1f];
	s29 =	sadd.s32 s4, s17  }
0x1ec: {  	s30 =	sand.u32 $0x1FFFFFF0, s24;
	s31 =	spop (v2sf);
	s24 =	sld [smem:$0x7E6]  }
0x1ed: {  	(v2sf) =	vpush v3, $0x8;
	[tilespmem:s28], [sflag:s20] =	stream.linear.gather [hbm4b:s16+s2], $0x80, $0x38;
	[tilespmem:$0x18800] =	vst v63  }
0x1ee: {  	(v2sf) =	vpush v5, $0x9;
	s13 =	sadd.s32 s26, s30;
	s16 =	sand.u32 $0x1FFFFFF0, s31;
	s17 =	spop (v2sf)  }
0x1ef: {  	[tilespmem:s11], [sflag:s20] =	stream.linear.gather [hbm4b:s29+s2], $0x80, $0x38;
	[tilespmem:$0x18800] =	vst v63  }
0x1f0: {  	s31 =	sld [smem:$0x7E7];
	s29 =	sand.u32 $0x1FFFFFF0, s17;
	s30 =	spop (v2sf)  }
0x1f1: {  	[tilespmem:s24], [sflag:s20] =	stream.linear.gather [hbm4b:s13+s2], $0x80, $0x38;
	[tilespmem:$0x18800] =	vst v63  }
0x1f2: {  	(v2sf) =	vpush v4, $0x9;
	s28 =	sadd.s32 s4, s16;
	s6 =	sadd.s32 s4, s29;
	s7 =	sand.u32 $0x1FFFFFF0, s30  }
0x1f3: {  	s13 =	sld [smem:$0x7E8];
	s11 =	spop (v2sf);
	s16 =	sadd.s32 s26, s7  }
0x1f4: {  	(v2sf) =	vpush v3, $0x9;
	[tilespmem:s31], [sflag:s20] =	stream.linear.gather [hbm4b:s28+s2], $0x80, $0x38;
	[tilespmem:$0x18800] =	vst v63  }
0x1f5: {  	s17 =	sand.u32 $0x1FFFFFF0, s11;
	s24 =	spop (v2sf);
	s28 =	sld [smem:$0x7E9]  }
0x1f6: {  	(v2sf) =	vpush v5, $0xA;
	[tilespmem:s13], [sflag:s20] =	stream.linear.gather [hbm4b:s6+s2], $0x80, $0x38;
	[tilespmem:$0x18800] =	vst v63  }
0x1f7: {  	(v2sf) =	vpush v4, $0xA;
	s11 =	sld [smem:$0x7EA];
	s29 =	sadd.s32 s4, s17;
	s30 =	sand.u32 $0x1FFFFFF0, s24  }
0x1f8: {  	[tilespmem:s28], [sflag:s20] =	stream.linear.gather [hbm4b:s16+s2], $0x80, $0x38;
	[tilespmem:$0x18800] =	vst v63  }
0x1f9: {  	s24 =	rddreg [dreg:$0x1c];
	s13 =	sadd.s32 s4, s30;
	s31 =	spop (v2sf)  }
0x1fa: {  	s16 =	sand.u32 $0x1FFFFFF0, s31;
	s17 =	spop (v2sf);
	s31 =	sld [smem:$0x7EB]  }
0x1fb: {  	(v2sf) =	vpush v3, $0xA;
	[tilespmem:s11], [sflag:s20] =	stream.linear.gather [hbm4b:s29+s2], $0x80, $0x38;
	[tilespmem:$0x18800] =	vst v63  }
0x1fc: {  	s28 =	sadd.s32 s26, s16;
	s29 =	sand.u32 $0x1FFFFFF0, s17;
	s30 =	spop (v2sf)  }
0x1fd: {  	(v2sf) =	vpush v5, $0xB;
	s5 =	sadd.s32 s4, s29;
	s7 =	sand.u32 $0x1FFFFFF0, s30;
	s11 =	spop (v2sf)  }
0x1fe: {  	(v2sf) =	vpush v4, $0xB;
	[tilespmem:s24], [sflag:s20] =	stream.linear.gather [hbm4b:s13+s2], $0x80, $0x38;
	[tilespmem:$0x18800] =	vst v63  }
0x1ff: {  	s13 =	sadd.s32 s4, s7;
	s16 =	sand.u32 $0x1FFFFFF0, s11;
	s24 =	rddreg [dreg:$0x19]  }
0x200: {  	(v2sf) =	vpush v3, $0xB;
	[tilespmem:s31], [sflag:s20] =	stream.linear.gather [hbm4b:s28+s2], $0x80, $0x38;
	[tilespmem:$0x18800] =	vst v63  }
0x201: {  	s11 =	rddreg [dreg:$0x18];
	s17 =	spop (v2sf);
	s28 =	sadd.s32 s26, s16  }
0x202: {  	[tilespmem:s3], [sflag:s20] =	stream.linear.gather [hbm4b:s5+s2], $0x80, $0x38;
	[tilespmem:$0x18800] =	vst v63  }
0x203: {  	s29 =	sand.u32 $0x1FFFFFF0, s17;
	s31 =	rddreg [dreg:$0xc];
	s30 =	spop (v2sf)  }
0x204: {  	(v2sf) =	vpush v5, $0xC;
	[tilespmem:s24], [sflag:s20] =	stream.linear.gather [hbm4b:s13+s2], $0x80, $0x38;
	[tilespmem:$0x18800] =	vst v63  }
0x205: {  	s3 =	sadd.s32 s4, s29;
	s5 =	sand.u32 $0x1FFFFFF0, s30;
	s7 =	spop (v2sf)  }
0x206: {  	s13 =	sadd.s32 s4, s5;
	s16 =	sand.u32 $0x1FFFFFF0, s7;
	s17 =	spop (v2sf)  }
0x207: {  	[tilespmem:s31], [sflag:s20] =	stream.linear.gather [hbm4b:s28+s2], $0x80, $0x38;
	[tilespmem:$0x18800] =	vst v63  }
0x208: {  	(v2sf) =	vpush v4, $0xC;
	s24 =	rddreg [dreg:$0x16];
	s28 =	sadd.s32 s26, s16;
	s29 =	sand.u32 $0x1FFFFFF0, s17  }
0x209: {  	(v2sf) =	vpush v3, $0xC;
	[tilespmem:s11], [sflag:s20] =	stream.linear.gather [hbm4b:s3+s2], $0x80, $0x38;
	[tilespmem:$0x18800] =	vst v63  }
0x20a: {  	s31 =	rddreg [dreg:$0x14];
	s3 =	sadd.s32 s4, s29;
	s30 =	spop (v2sf)  }
0x20b: {  	(v2sf) =	vpush v5, $0xD;
	[tilespmem:s24], [sflag:s20] =	stream.linear.gather [hbm4b:s13+s2], $0x80, $0x38;
	[tilespmem:$0x18800] =	vst v63  }
0x20c: {  	s11 =	rddreg [dreg:$0x13];
	s5 =	sand.u32 $0x1FFFFFF0, s30;
	s7 =	spop (v2sf)  }
0x20d: {  	s24 =	rddreg [dreg:$0xb];
	s16 =	sand.u32 $0x1FFFFFF0, s7;
	s17 =	spop (v2sf)  }
0x20e: {  	[tilespmem:s31], [sflag:s20] =	stream.linear.gather [hbm4b:s28+s2], $0x80, $0x38;
	[tilespmem:$0x18800] =	vst v63  }
0x20f: {  	s13 =	sadd.s32 s4, s5;
	s28 =	sadd.s32 s26, s16;
	s30 =	spop (v2sf)  }
0x210: {  	[tilespmem:s11], [sflag:s20] =	stream.linear.gather [hbm4b:s3+s2], $0x80, $0x38;
	[tilespmem:$0x18800] =	vst v63  }
0x211: {  	s29 =	sand.u32 $0x1FFFFFF0, s17;
	s31 =	rddreg [dreg:$0xe];
	s5 =	sand.u32 $0x1FFFFFF0, s30  }
0x212: {  	[tilespmem:s24], [sflag:s20] =	stream.linear.gather [hbm4b:s13+s2], $0x80, $0x38;
	[tilespmem:$0x18800] =	vst v63  }
0x213: {  	s3 =	sadd.s32 s4, s29;
	s7 =	spop (v2sf);
	s11 =	rddreg [dreg:$0xa]  }
0x214: {  	[tilespmem:s31], [sflag:s20] =	stream.linear.gather [hbm4b:s28+s2], $0x80, $0x38;
	[tilespmem:$0x18800] =	vst v63  }
0x215: {  	(v2sf) =	vpush v4, $0xD;
	s16 =	sand.u32 $0x1FFFFFF0, s7;
	s13 =	sadd.s32 s4, s5;
	s24 =	rddreg [dreg:$0x9]  }
0x216: {  	(v2sf) =	vpush v3, $0xD;
	[tilespmem:s11], [sflag:s20] =	stream.linear.gather [hbm4b:s3+s2], $0x80, $0x38;
	[tilespmem:$0x18800] =	vst v63  }
.Ltmp3:
0x217: {  	(v2sf) =	vpush v5, $0xE;
	s17 =	spop (v2sf);
	s28 =	sadd.s32 s26, s16;
	(pc) =	sbr.rel @p1 .LBB2_6-.Ltmp3, $4  }
0x218: {  	(v2sf) =	vpush v4, $0xE;
	s29 =	sand.u32 $0x1FFFFFF0, s17;
	s31 =	rddreg [dreg:$0x8];
	s30 =	spop (v2sf)  }
0x219: {  	(v2sf) =	vpush v3, $0xE;
	[tilespmem:s24], [sflag:s20] =	stream.linear.gather [hbm4b:s13+s2], $0x80, $0x38;
	[tilespmem:$0x18800] =	vst v63  }
0x21a: {  	(v2sf) =	vpush v5, $0xF;
	s6 =	sadd.s32 s4, s29;
	s3 =	sand.u32 $0x1FFFFFF0, s30;
	s5 =	spop (v2sf)  }
0x21b: {  	(v2sf) =	vpush v4, $0xF;
	[tilespmem:s31], [sflag:s20] =	stream.linear.gather [hbm4b:s28+s2], $0x80, $0x38;
	[tilespmem:$0x18800] =	vst v63  }
.LBB2_7:
0x21c: {  	_ =	sdelay $0x2  }
0x21d: {  	[tilespmem:s19], [sflag:s20] =	stream.linear.gather [hbm4b:s6+s2], $0x80, $0x38;
	[tilespmem:$0x18800] =	vst v63  }
0x21e: {  	s1 =	sadd.s32 s4, s3;
	s13 =	sand.u32 $0x1FFFFFF0, s5  }
0x21f: {  	[tilespmem:s15], [sflag:s20] =	stream.linear.gather [hbm4b:s1+s2], $0x80, $0x38;
	[tilespmem:$0x18800] =	vst v63  }
0x220: {  	(v2sf) =	vpush v3, $0xF;
	s17 =	sadd.s32 s26, s13  }
0x221: {  	[tilespmem:s23], [sflag:s20] =	stream.linear.gather [hbm4b:s17+s2], $0x80, $0x38;
	[tilespmem:$0x18800] =	vst v63  }
0x222: {  	s16 =	spop (v2sf)  }
0x223: {  	s23 =	sadd.s32 $0x4780, s21;
	s19 =	sand.u32 $0x1FFFFFF0, s16;
	s22 =	spop (v2sf)  }
0x224: {  	s24 =	sadd.s32 s4, s19;
	s25 =	sand.u32 $0x1FFFFFF0, s22;
	s28 =	spop (v2sf)  }
0x225: {  	[tilespmem:s18], [sflag:s20] =	stream.linear.gather [hbm4b:s24+s2], $0x80, $0x38;
	[tilespmem:$0x18800] =	vst v63  }
0x226: {  	s29 =	sadd.s32 s4, s25;
	s30 =	sand.u32 $0x1FFFFFF0, s28;
	s31 =	spop (v2sf)  }
0x227: {  	s24 =	sadd.s32 $0x8780, s21;
	s28 =	sld [smem:$0x7EC];
	s21 =	simm.s32 $0x0  }
0x228: {  	[tilespmem:s14], [sflag:s20] =	stream.linear.gather [hbm4b:s29+s2], $0x80, $0x38;
	[tilespmem:$0x18800] =	vst v63  }
0x229: {  	s3 =	sadd.s32 s26, s30;
	s6 =	sand.u32 $0x1FFFFFF0, s31;
	s7 =	spop (v2sf)  }
0x22a: {  	[tilespmem:s0], [sflag:s20] =	stream.linear.gather [hbm4b:s3+s2], $0x80, $0x38;
	[tilespmem:$0x18800] =	vst v63  }
0x22b: {  	s11 =	sadd.s32 s4, s6;
	s13 =	sand.u32 $0x1FFFFFF0, s7;
	s14 =	spop (v2sf)  }
0x22c: {  	[tilespmem:s9], [sflag:s20] =	stream.linear.gather [hbm4b:s11+s2], $0x80, $0x38;
	[tilespmem:$0x18800] =	vst v63  }
0x22d: {  	s15 =	sadd.s32 s4, s13;
	s16 =	sand.u32 $0x1FFFFFF0, s14;
	s17 =	spop (v2sf)  }
0x22e: {  	[tilespmem:s10], [sflag:s20] =	stream.linear.gather [hbm4b:s15+s2], $0x80, $0x38;
	[tilespmem:$0x18800] =	vst v63  }
0x22f: {  	s18 =	sadd.s32 s26, s16;
	s19 =	sand.u32 $0x1FFFFFF0, s17;
	s22 =	spop (v2sf)  }
0x230: {  	[tilespmem:s8], [sflag:s20] =	stream.linear.gather [hbm4b:s18+s2], $0x80, $0x38;
	[tilespmem:$0x18800] =	vst v63  }
0x231: {  	s29 =	sand.u32 $0x1, s28;
	s1 =	sadd.s32 s4, s19;
	s3 =	sand.u32 $0x1FFFFFF0, s22  }
0x232: {  	[tilespmem:s23], [sflag:s20] =	stream.linear.gather [hbm4b:s1+s2], $0x80, $0x38;
	[tilespmem:$0x18800] =	vst v63  }
0x233: {  	s30 =	sadd.s32 $0x1, s29;
	s25 =	sadd.s32 s4, s3;
	s3 =	sshll.u32 s28, $0x7  }
0x234: {  	[tilespmem:s24], [sflag:s20] =	stream.linear.gather [hbm4b:s25+s2], $0x80, $0x38;
	[tilespmem:$0x18800] =	vst v63  }
0x235: {  	s19 =	smul.u32 $0x180, s29;
	s3 =	sand.u32 $0x3FFFFF80, s3;
	_ =	swait.ge [sflag:s30], $0xC000  }
0x236: {  	s31 =	sadd.s32 $0x18600, s3;
	[sflag:s30] =	ssyncset.done $0x0;
	s8 =	sld [smem:$0x7EF]  }
0x237: {  	v3 =	vmov s31;
	s20 =	simm.s32 $0x0;
	s16 =	sld [smem:$0x7ED];
	[sflag:s30] =	ssyncadd.s32 $0xFFFF4000  }
.LBB2_8:
0x238: {  	s22 =	sshll.u32 s21, $0x4  }
0x239: {  	s0 =	sadd.s32 s19, s22  }
0x23a: {  	v4 =	vmov s0  }
0x23b: {  	v4 =	vshll.u32 v4, $0x7  }
0x23c: {  	v6 =	vor.u32 v0, v4  }
0x23d: {  	v5 =	vadd.s32 v2, v4;
	v7 =	vor.u32 s20, v6  }
0x23e: {  	v8 =	vmov s20;
	v4 =	vadd.s32 v1, v4;
	v9 =	vor.u32 s20, v5  }
0x23f: {  	v13 =	vor.u32 $0x7, v8;
	v10 =	vor.u32 s20, v4  }
0x240: {  	v16 =	vor.u32 $0x6, v8;
	v11 =	vor.u32 v6, v13  }
0x241: {  	v17 =	vor.u32 $0x5, v8;
	v12 =	vor.u32 v6, v16  }
0x242: {  	v14 =	vor.u32 $0x4, v8;
	v15 =	vor.u32 v6, v17;
	v18 =	vld.idx.msk [tilespmem:v7+s12+$0x0], $0xffff  }
0x243: {  	v19 =	vor.u32 v6, v14;
	v9 =	vld.idx.msk [tilespmem:v9+s12+$0x0], $0xffff  }
0x244: {  	v38 =	vor.u32 v5, v14;
	v22 =	vld.idx.msk [tilespmem:v10+s12+$0x0], $0xffff  }
0x245: {  	v20 =	vor.u32 $0x2, v8;
	v39 =	vor.u32 v4, v14;
	v23 =	vld.idx.msk [tilespmem:v11+s12+$0x0], $0xffff  }
0x246: {  	v10 =	vor.u32 v6, v20;
	v24 =	vld.idx.msk [tilespmem:v12+s12+$0x0], $0xffff  }
0x247: {  	v11 =	vor.u32 v5, v20;
	v26 =	vld.idx.msk [tilespmem:v15+s12+$0x0], $0xffff  }
0x248: {  	v7 =	vor.u32 $0x3, v8;
	v8 =	vor.u32 $0x1, v8;
	v30 =	vld.idx.msk [tilespmem:v19+s12+$0x0], $0xffff;
	v20 =	vor.u32 v4, v20  }
0x249: {  	v38 =	vld.idx.msk [tilespmem:v38+s12+$0x0], $0xffff;
	v25 =	vor.u32 v6, v8  }
0x24a: {  	s31 =	simm.s32 $0x8;
	v39 =	vld.idx.msk [tilespmem:v39+s12+$0x0], $0xffff;
	v29 =	vor.u32 v5, v8  }
0x24b: {  	v27 =	vimm.f32 $0.0e+00;
	v28 =	vmov s31;
	v19 =	vor.u32 v4, v8;
	v33 =	vld.idx.msk [tilespmem:v10+s12+$0x0], $0xffff  }
0x24c: {  	v31 =	vor.u32 s31, v6;
	v32 =	vor.u32 s31, v5;
	v21 =	vor.u32 v6, v7;
	v36 =	vld.idx.msk [tilespmem:v11+s12+$0x0], $0xffff  }
0x24d: {  	v34 =	vor.u32 s31, v4;
	v14 =	vor.u32 $0x1, v28;
	v35 =	vor.u32 v5, v7;
	v20 =	vld.idx.msk [tilespmem:v20+s12+$0x0], $0xffff  }
0x24e: {  	v40 =	vor.u32 v5, v17;
	v41 =	vor.u32 v4, v17;
	v37 =	vor.u32 v4, v7;
	v25 =	vld.idx.msk [tilespmem:v25+s12+$0x0], $0xffff  }
0x24f: {  	v42 =	vor.u32 v5, v13;
	v13 =	vor.u32 v4, v13;
	v44 =	vor.u32 v5, v16;
	v29 =	vld.idx.msk [tilespmem:v29+s12+$0x0], $0xffff  }
0x250: {  	v16 =	vor.u32 v4, v16;
	v22 =	vsub.f32 v18, v22;
	v9 =	vsub.f32 v18, v9;
	v19 =	vld.idx.msk [tilespmem:v19+s12+$0x0], $0xffff  }
0x251: {  	v12 =	vor.u32 $0x7, v28;
	v15 =	vor.u32 $0x5, v28;
	v7 =	vor.u32 $0x4, v28;
	v21 =	vld.idx.msk [tilespmem:v21+s12+$0x0], $0xffff  }
0x252: {  	v8 =	vor.u32 $0x3, v28;
	v35 =	vld.idx.msk [tilespmem:v35+s12+$0x0], $0xffff;
	v22 =	vmul.f32 v22, v22;
	v9 =	vmul.f32 v9, v9  }
0x253: {  	v45 =	vor.u32 v6, v15;
	v17 =	vor.u32 v6, v8;
	v61 =	vsub.f32 v30, v38;
	v37 =	vld.idx.msk [tilespmem:v37+s12+$0x0], $0xffff  }
0x254: {  	v10 =	vor.u32 $0x6, v28;
	v30 =	vsub.f32 v30, v39;
	v9 =	vsub.f32 v22, v9  }
0x255: {  	v16 =	vld.idx.msk [tilespmem:v16+s12+$0x0], $0xffff;
	v11 =	vor.u32 $0x2, v28;
	v29 =	vsub.f32 v25, v29;
	v25 =	vsub.f32 v25, v19  }
0x256: {  	v40 =	vld.idx.msk [tilespmem:v40+s12+$0x0], $0xffff;
	v28 =	vor.u32 v6, v12;
	v36 =	vsub.f32 v33, v36;
	v20 =	vsub.f32 v33, v20  }
0x257: {  	v60 =	vld.idx.msk [tilespmem:v41+s12+$0x0], $0xffff;
	v35 =	vsub.f32 v21, v35;
	v22 =	vmul.f32 v25, v25;
	v25 =	vmul.f32 v29, v29  }
0x258: {  	v18 =	vor.u32 v6, v7;
	v21 =	vsub.f32 v21, v37;
	v9 =	vadd.f32 v9, v27  }
0x259: {  	v20 =	vmul.f32 v20, v20;
	v29 =	vld.idx.msk [tilespmem:v44+s12+$0x0], $0xffff;
	v22 =	vsub.f32 v22, v25;
	v25 =	vmul.f32 v36, v36  }
0x25a: {  	v13 =	vld.idx.msk [tilespmem:v13+s12+$0x0], $0xffff;
	v16 =	vsub.f32 v24, v16;
	v43 =	vor.u32 v6, v10;
	v21 =	vmul.f32 v21, v21  }
0x25b: {  	v27 =	vld.idx.msk [tilespmem:v42+s12+$0x0], $0xffff;
	v9 =	vadd.f32 v22, v9;
	v20 =	vsub.f32 v20, v25;
	v22 =	vmul.f32 v35, v35  }
0x25c: {  	v25 =	vmul.f32 v30, v30;
	v30 =	vsub.f32 v26, v40;
	v26 =	vsub.f32 v26, v60  }
0x25d: {  	v62 =	vmul.f32 v61, v61;
	v9 =	vadd.f32 v20, v9;
	v22 =	vsub.f32 v21, v22  }
0x25e: {  	v19 =	vor.u32 v6, v11;
	v29 =	vsub.f32 v24, v29;
	v20 =	vld.idx.msk [tilespmem:v31+s12+$0x0], $0xffff;
	v26 =	vmul.f32 v26, v26  }
0x25f: {  	v21 =	vld.idx.msk [tilespmem:v32+s12+$0x0], $0xffff;
	v25 =	vsub.f32 v25, v62;
	v30 =	vmul.f32 v30, v30;
	v24 =	vadd.f32 v22, v9  }
0x260: {  	v63 =	vsub.f32 v23, v27;
	v31 =	vmul.f32 v16, v16;
	v16 =	vsub.f32 v23, v13;
	v13 =	vld.idx.msk [tilespmem:v43+s12+$0x0], $0xffff  }
0x261: {  	v9 =	vld.idx.msk [tilespmem:v28+s12+$0x0], $0xffff;
	v26 =	vsub.f32 v26, v30;
	v28 =	vmul.f32 v29, v29;
	v27 =	vadd.f32 v25, v24  }
0x262: {  	v23 =	vor.u32 v6, v14;
	v22 =	vld.idx.msk [tilespmem:v34+s12+$0x0], $0xffff;
	v24 =	vor.u32 v5, v11;
	v25 =	vmul.f32 v16, v16  }
0x263: {  	s0 =	simm.s32 $0x10;
	v16 =	vld.idx.msk [tilespmem:v45+s12+$0x0], $0xffff;
	v26 =	vadd.f32 v26, v27;
	v27 =	vsub.f32 v31, v28;
	v28 =	vmul.f32 v63, v63  }
.LBB2_9:
0x264: {  	v29 =	vmov s0;
	p1 =	sne.s32 s0, $0x38;
	v30 =	vor.u32 v5, v14;
	v31 =	vld.idx.msk [tilespmem:v18+s12+$0x0], $0xffff  }
0x265: {  	v14 =	vor.u32 v4, v14;
	v32 =	vld.idx.msk [tilespmem:v17+s12+$0x0], $0xffff;
	v17 =	vadd.f32 v27, v26;
	v18 =	vsub.f32 v25, v28  }
0x266: {  	v25 =	vor.u32 s0, v6;
	v26 =	vor.u32 s0, v5;
	v27 =	vld.idx.msk [tilespmem:v19+s12+$0x0], $0xffff;
	v19 =	vor.u32 v4, v11  }
0x267: {  	v33 =	vor.u32 v5, v8;
	v28 =	vor.u32 s0, v4;
	v24 =	vld.idx.msk [tilespmem:v24+s12+$0x0], $0xffff;
	v34 =	vadd.f32 v18, v17  }
0x268: {  	v35 =	vor.u32 $0x6, v29;
	v36 =	vor.u32 $0x7, v29;
	v17 =	vor.u32 v4, v8;
	v23 =	vld.idx.msk [tilespmem:v23+s12+$0x0], $0xffff  }
0x269: {  	v38 =	vor.u32 v5, v7;
	v37 =	vor.u32 $0x5, v29;
	v18 =	vor.u32 $0x4, v29;
	v30 =	vld.idx.msk [tilespmem:v30+s12+$0x0], $0xffff  }
0x26a: {  	v40 =	vor.u32 v4, v7;
	v11 =	vor.u32 $0x2, v29;
	v8 =	vor.u32 $0x3, v29;
	v7 =	vmovc v18;
	v39 =	vld.idx.msk [tilespmem:v14+s12+$0x0], $0xffff  }
0x26b: {  	v14 =	vor.u32 $0x1, v29;
	v29 =	vor.u32 v6, v36;
	v41 =	vld.idx.msk [tilespmem:v19+s12+$0x0], $0xffff;
	v19 =	vor.u32 v5, v15  }
0x26c: {  	v42 =	vor.u32 v5, v12;
	v12 =	vor.u32 v4, v12;
	v15 =	vor.u32 v4, v15;
	v33 =	vld.idx.msk [tilespmem:v33+s12+$0x0], $0xffff  }
0x26d: {  	v45 =	vor.u32 v5, v10;
	v22 =	vsub.f32 v20, v22;
	v43 =	vor.u32 v6, v35;
	v44 =	vld.idx.msk [tilespmem:v17+s12+$0x0], $0xffff  }
0x26e: {  	v10 =	vor.u32 v4, v10;
	v20 =	vsub.f32 v20, v21;
	v46 =	vor.u32 v6, v37;
	v21 =	vld.idx.msk [tilespmem:v38+s12+$0x0], $0xffff  }
0x26f: {  	v22 =	vmul.f32 v22, v22;
	v18 =	vor.u32 v6, v7;
	v17 =	vor.u32 v6, v8;
	v38 =	vld.idx.msk [tilespmem:v40+s12+$0x0], $0xffff  }
0x270: {  	v20 =	vmul.f32 v20, v20;
	v30 =	vsub.f32 v23, v30;
	v23 =	vsub.f32 v23, v39;
	v39 =	vld.idx.msk [tilespmem:v19+s12+$0x0], $0xffff  }
0x271: {  	v24 =	vsub.f32 v27, v24;
	v19 =	vor.u32 v6, v11;
	v27 =	vsub.f32 v27, v41;
	v15 =	vld.idx.msk [tilespmem:v15+s12+$0x0], $0xffff  }
0x272: {  	v20 =	vsub.f32 v22, v20;
	v22 =	vmul.f32 v23, v23;
	v23 =	vmul.f32 v30, v30;
	v30 =	vld.idx.msk [tilespmem:v45+s12+$0x0], $0xffff  }
0x273: {  	v33 =	vsub.f32 v32, v33;
	v27 =	vmul.f32 v27, v27;
	v32 =	vsub.f32 v32, v44;
	v40 =	vld.idx.msk [tilespmem:v10+s12+$0x0], $0xffff  }
0x274: {  	v34 =	vadd.f32 v20, v34;
	v20 =	vsub.f32 v22, v23;
	v22 =	vmul.f32 v24, v24;
	v23 =	vld.idx.msk [tilespmem:v42+s12+$0x0], $0xffff  }
0x275: {  	v21 =	vsub.f32 v31, v21;
	v24 =	vmul.f32 v32, v32;
	v31 =	vsub.f32 v31, v38;
	v32 =	vld.idx.msk [tilespmem:v12+s12+$0x0], $0xffff  }
0x276: {  	v10 =	vmovc v35;
	v20 =	vadd.f32 v20, v34;
	v22 =	vsub.f32 v27, v22;
	v27 =	vmul.f32 v33, v33  }
0x277: {  	v33 =	vsub.f32 v16, v39;
	v12 =	vmovc v36;
	v31 =	vmul.f32 v31, v31;
	v16 =	vsub.f32 v16, v15  }
0x278: {  	v15 =	vmovc v37;
	v22 =	vadd.f32 v22, v20;
	v24 =	vsub.f32 v24, v27;
	v27 =	vmul.f32 v21, v21  }
0x279: {  	v16 =	vmul.f32 v16, v16;
	v20 =	vld.idx.msk [tilespmem:v25+s12+$0x0], $0xffff;
	v25 =	vsub.f32 v13, v30;
	v13 =	vsub.f32 v13, v40  }
.Ltmp4:
0x27a: {  	v24 =	vadd.f32 v24, v22;
	v21 =	vld.idx.msk [tilespmem:v26+s12+$0x0], $0xffff;
	v26 =	vsub.f32 v31, v27;
	v27 =	vmul.f32 v33, v33;
	(pc) =	sbr.rel @p1 .LBB2_9-.Ltmp4, $4  }
0x27b: {  	v30 =	vsub.f32 v9, v23;
	v31 =	vsub.f32 v9, v32;
	v22 =	vld.idx.msk [tilespmem:v28+s12+$0x0], $0xffff;
	v28 =	vmul.f32 v13, v13  }
0x27c: {  	v9 =	vld.idx.msk [tilespmem:v29+s12+$0x0], $0xffff;
	v26 =	vadd.f32 v26, v24;
	v27 =	vsub.f32 v16, v27;
	v29 =	vmul.f32 v25, v25  }
0x27d: {  	v23 =	vor.u32 v6, v14;
	v24 =	vor.u32 v5, v11;
	v25 =	vmul.f32 v31, v31;
	v13 =	vld.idx.msk [tilespmem:v43+s12+$0x0], $0xffff  }
0x27e: {  	s0 =	sadd.s32 $0x8, s0;
	v16 =	vld.idx.msk [tilespmem:v46+s12+$0x0], $0xffff;
	v26 =	vadd.f32 v27, v26;
	v27 =	vsub.f32 v28, v29;
	v28 =	vmul.f32 v30, v30  }
0x27f: {  	_ =	sdelay $0x3  }
0x280: {  	v6 =	vor.u32 v5, v14;
	v18 =	vld.idx.msk [tilespmem:v18+s12+$0x0], $0xffff  }
0x281: {  	v38 =	vor.u32 v4, v14;
	v17 =	vld.idx.msk [tilespmem:v17+s12+$0x0], $0xffff  }
0x282: {  	v19 =	vld.idx.msk [tilespmem:v19+s12+$0x0], $0xffff;
	v11 =	vor.u32 v4, v11  }
0x283: {  	v24 =	vld.idx.msk [tilespmem:v24+s12+$0x0], $0xffff;
	v29 =	vor.u32 v5, v8  }
0x284: {  	v23 =	vld.idx.msk [tilespmem:v23+s12+$0x0], $0xffff;
	v39 =	vor.u32 v4, v8  }
0x285: {  	v30 =	vor.u32 v5, v7;
	v6 =	vld.idx.msk [tilespmem:v6+s12+$0x0], $0xffff  }
0x286: {  	v40 =	vor.u32 v4, v7;
	v14 =	vld.idx.msk [tilespmem:v38+s12+$0x0], $0xffff  }
0x287: {  	v41 =	vor.u32 v5, v15;
	v45 =	vsub.f32 v20, v21;
	v26 =	vadd.f32 v27, v26;
	v11 =	vld.idx.msk [tilespmem:v11+s12+$0x0], $0xffff  }
0x288: {  	v43 =	vor.u32 v4, v15;
	v25 =	vsub.f32 v25, v28;
	v22 =	vsub.f32 v20, v22;
	v42 =	vld.idx.msk [tilespmem:v29+s12+$0x0], $0xffff  }
0x289: {  	v44 =	vor.u32 v5, v10;
	v47 =	vor.u32 v4, v10;
	v8 =	vld.idx.msk [tilespmem:v39+s12+$0x0], $0xffff  }
0x28a: {  	v20 =	vmul.f32 v45, v45;
	v25 =	vadd.f32 v25, v26;
	v22 =	vmul.f32 v22, v22;
	v46 =	vld.idx.msk [tilespmem:v30+s12+$0x0], $0xffff  }
0x28b: {  	v5 =	vor.u32 v5, v12;
	v7 =	vld.idx.msk [tilespmem:v40+s12+$0x0], $0xffff;
	v6 =	vsub.f32 v23, v6;
	v14 =	vsub.f32 v23, v14  }
0x28c: {  	v4 =	vor.u32 v4, v12;
	v48 =	vld.idx.msk [tilespmem:v41+s12+$0x0], $0xffff;
	v49 =	vsub.f32 v19, v24;
	v50 =	vsub.f32 v22, v20  }
0x28d: {  	v15 =	vld.idx.msk [tilespmem:v43+s12+$0x0], $0xffff;
	v11 =	vsub.f32 v19, v11;
	v14 =	vmul.f32 v14, v14;
	v6 =	vmul.f32 v6, v6  }
0x28e: {  	v51 =	vld.idx.msk [tilespmem:v44+s12+$0x0], $0xffff;
	v53 =	vadd.f32 v50, v25;
	v54 =	vmul.f32 v49, v49;
	v8 =	vsub.f32 v17, v8  }
0x28f: {  	v10 =	vld.idx.msk [tilespmem:v47+s12+$0x0], $0xffff;
	v52 =	vsub.f32 v17, v42;
	v11 =	vmul.f32 v11, v11;
	v6 =	vsub.f32 v14, v6  }
0x290: {  	v5 =	vld.idx.msk [tilespmem:v5+s12+$0x0], $0xffff;
	v55 =	vsub.f32 v18, v46;
	v7 =	vsub.f32 v18, v7;
	v8 =	vmul.f32 v8, v8  }
0x291: {  	v4 =	vld.idx.msk [tilespmem:v4+s12+$0x0], $0xffff;
	v56 =	vmul.f32 v52, v52;
	v11 =	vsub.f32 v11, v54;
	v6 =	vadd.f32 v6, v53  }
0x292: {  	v12 =	vsub.f32 v16, v48;
	v15 =	vsub.f32 v16, v15;
	v7 =	vmul.f32 v7, v7  }
0x293: {  	v57 =	vmul.f32 v55, v55;
	v8 =	vsub.f32 v8, v56;
	v6 =	vadd.f32 v11, v6  }
0x294: {  	v59 =	vsub.f32 v13, v51;
	v10 =	vsub.f32 v13, v10;
	v58 =	vmul.f32 v15, v15  }
0x295: {  	v60 =	vmul.f32 v12, v12;
	v7 =	vsub.f32 v7, v57;
	v6 =	vadd.f32 v8, v6  }
0x296: {  	v5 =	vsub.f32 v9, v5;
	v4 =	vsub.f32 v9, v4;
	v10 =	vmul.f32 v10, v10  }
0x297: {  	v62 =	vmul.f32 v59, v59;
	v61 =	vsub.f32 v58, v60;
	v6 =	vadd.f32 v7, v6  }
0x298: {  	v4 =	vmul.f32 v4, v4  }
0x299: {  	v5 =	vmul.f32 v5, v5;
	v63 =	vsub.f32 v10, v62;
	v6 =	vadd.f32 v61, v6;
	_ =	sdelay $0x1  }
0x29a: {  	v4 =	vsub.f32 v4, v5;
	v6 =	vadd.f32 v63, v6;
	_ =	sdelay $0x1  }
0x29b: {  	v4 =	vadd.f32 v4, v6;
	_ =	sdelay $0x1  }
0x29c: {  	v4 =	vsub.f32 $0.0e+00, v4;
	_ =	sdelay $0x1  }
0x29d: {  	v4 =	vmul.f32 $1.442695020e+00, v4;
	_ =	sdelay $0x1  }
0x29e: {  	(erf) = vpow2.f32 v4;
	_ =	sdelay $0x8  }
0x29f: {  	v4 =	vpop (erf)  }
0x2a0: {  	v4 =	vadd.f32 $1.000000000e+00, v4;
	_ =	sdelay $0x1  }
0x2a1: {  	(erf) = vrcp.f32 v4;
	_ =	sdelay $0x3  }
0x2a2: {  	s21 =	sadd.s32 $0x1, s21  }
0x2a3: {  	p1 =	seq.s32 s21, $0x8  }
.Ltmp5:
0x2a4: {  	_ = 	snop;
	(pc) =	sbr.rel @!p1 .LBB2_8-.Ltmp5, $3  }
0x2a5: {  	_ =	sdelay $0x1  }
0x2a6: {  	v4 =	vpop (erf)  }
0x2a7: {  	[tilespmem:v3+s22+$0x0 ss:$0x1] =	vst.idx.msk $0xffff, v4  }
0x2a8: {  	s1 =	sld [smem:$0x7EE];
	_ =	sdelay $0x2  }
0x2a9: {  	p1 =	seq.s32 s1, $0x3  }
.Ltmp6:
0x2aa: {  	_ = 	snop;
	(pc) =	sbr.rel @!p1 .LBB2_5-.Ltmp6, $2  }
0x2ab: {  	_ =	sdelay $0x2  }
0x2ac: {  	p0 =	por !p0, !p0;
	s16 =	sadd.s32 $0x80, s16  }
0x2ad: {  	s0 =	simm.s32 $0x2  }
0x2ae: {  	_ =	swait.ge [sflag:s0], $0xC000  }
0x2af: {  	s16 =	simm.s32 $0x0;
	[sflag:s0] =	ssyncset.done $0x0  }
0x2b0: {  	s17 =	simm.s32 $0x0;
	s3 =	simm.s32 $0x3;
	[sflag:s0] =	ssyncadd.s32 $0xFFFF4000  }
.LBB2_12:
0x2b1: {  	s18 =	sshll.u32 s17, $0x4  }
0x2b2: {  	s0 =	sor.u32 $0x180, s18  }
0x2b3: {  	v3 =	vmov s0  }
0x2b4: {  	v3 =	vshll.u32 v3, $0x7  }
0x2b5: {  	v5 =	vor.u32 v0, v3  }
0x2b6: {  	v4 =	vadd.s32 v2, v3;
	v6 =	vor.u32 s16, v5  }
0x2b7: {  	v7 =	vmov s16;
	v3 =	vadd.s32 v1, v3;
	v8 =	vor.u32 s16, v4  }
0x2b8: {  	v12 =	vor.u32 $0x7, v7;
	v9 =	vor.u32 s16, v3  }
0x2b9: {  	v15 =	vor.u32 $0x6, v7;
	v10 =	vor.u32 v5, v12  }
0x2ba: {  	v16 =	vor.u32 $0x5, v7;
	v11 =	vor.u32 v5, v15  }
0x2bb: {  	v13 =	vor.u32 $0x4, v7;
	v14 =	vor.u32 v5, v16;
	v17 =	vld.idx.msk [tilespmem:v6+s12+$0x0], $0xffff  }
0x2bc: {  	v18 =	vor.u32 v5, v13;
	v8 =	vld.idx.msk [tilespmem:v8+s12+$0x0], $0xffff  }
0x2bd: {  	v37 =	vor.u32 v4, v13;
	v21 =	vld.idx.msk [tilespmem:v9+s12+$0x0], $0xffff  }
0x2be: {  	v19 =	vor.u32 $0x2, v7;
	v38 =	vor.u32 v3, v13;
	v22 =	vld.idx.msk [tilespmem:v10+s12+$0x0], $0xffff  }
0x2bf: {  	v9 =	vor.u32 v5, v19;
	v23 =	vld.idx.msk [tilespmem:v11+s12+$0x0], $0xffff  }
0x2c0: {  	v10 =	vor.u32 v4, v19;
	v25 =	vld.idx.msk [tilespmem:v14+s12+$0x0], $0xffff  }
0x2c1: {  	v6 =	vor.u32 $0x3, v7;
	v7 =	vor.u32 $0x1, v7;
	v29 =	vld.idx.msk [tilespmem:v18+s12+$0x0], $0xffff;
	v19 =	vor.u32 v3, v19  }
0x2c2: {  	v37 =	vld.idx.msk [tilespmem:v37+s12+$0x0], $0xffff;
	v24 =	vor.u32 v5, v7  }
0x2c3: {  	s31 =	simm.s32 $0x8;
	v38 =	vld.idx.msk [tilespmem:v38+s12+$0x0], $0xffff;
	v28 =	vor.u32 v4, v7  }
0x2c4: {  	v26 =	vimm.f32 $0.0e+00;
	v27 =	vmov s31;
	v18 =	vor.u32 v3, v7;
	v32 =	vld.idx.msk [tilespmem:v9+s12+$0x0], $0xffff  }
0x2c5: {  	v30 =	vor.u32 s31, v5;
	v31 =	vor.u32 s31, v4;
	v20 =	vor.u32 v5, v6;
	v35 =	vld.idx.msk [tilespmem:v10+s12+$0x0], $0xffff  }
0x2c6: {  	v33 =	vor.u32 s31, v3;
	v13 =	vor.u32 $0x1, v27;
	v34 =	vor.u32 v4, v6;
	v19 =	vld.idx.msk [tilespmem:v19+s12+$0x0], $0xffff  }
0x2c7: {  	v39 =	vor.u32 v4, v16;
	v40 =	vor.u32 v3, v16;
	v36 =	vor.u32 v3, v6;
	v24 =	vld.idx.msk [tilespmem:v24+s12+$0x0], $0xffff  }
0x2c8: {  	v41 =	vor.u32 v4, v12;
	v12 =	vor.u32 v3, v12;
	v43 =	vor.u32 v4, v15;
	v28 =	vld.idx.msk [tilespmem:v28+s12+$0x0], $0xffff  }
0x2c9: {  	v15 =	vor.u32 v3, v15;
	v21 =	vsub.f32 v17, v21;
	v8 =	vsub.f32 v17, v8;
	v18 =	vld.idx.msk [tilespmem:v18+s12+$0x0], $0xffff  }
0x2ca: {  	v11 =	vor.u32 $0x7, v27;
	v14 =	vor.u32 $0x5, v27;
	v6 =	vor.u32 $0x4, v27;
	v20 =	vld.idx.msk [tilespmem:v20+s12+$0x0], $0xffff  }
0x2cb: {  	v7 =	vor.u32 $0x3, v27;
	v34 =	vld.idx.msk [tilespmem:v34+s12+$0x0], $0xffff;
	v21 =	vmul.f32 v21, v21;
	v8 =	vmul.f32 v8, v8  }
0x2cc: {  	v44 =	vor.u32 v5, v14;
	v9 =	vor.u32 $0x6, v27;
	v60 =	vsub.f32 v29, v37;
	v36 =	vld.idx.msk [tilespmem:v36+s12+$0x0], $0xffff  }
0x2cd: {  	v10 =	vor.u32 $0x2, v27;
	v29 =	vsub.f32 v29, v38;
	v8 =	vsub.f32 v21, v8  }
0x2ce: {  	v15 =	vld.idx.msk [tilespmem:v15+s12+$0x0], $0xffff;
	v27 =	vor.u32 v5, v11;
	v28 =	vsub.f32 v24, v28;
	v24 =	vsub.f32 v24, v18  }
0x2cf: {  	v39 =	vld.idx.msk [tilespmem:v39+s12+$0x0], $0xffff;
	v17 =	vor.u32 v5, v6;
	v35 =	vsub.f32 v32, v35;
	v19 =	vsub.f32 v32, v19  }
0x2d0: {  	v59 =	vld.idx.msk [tilespmem:v40+s12+$0x0], $0xffff;
	v34 =	vsub.f32 v20, v34;
	v21 =	vmul.f32 v24, v24;
	v24 =	vmul.f32 v28, v28  }
0x2d1: {  	v12 =	vld.idx.msk [tilespmem:v12+s12+$0x0], $0xffff;
	v42 =	vor.u32 v5, v9;
	v20 =	vsub.f32 v20, v36;
	v8 =	vadd.f32 v8, v26  }
0x2d2: {  	v19 =	vmul.f32 v19, v19;
	v28 =	vld.idx.msk [tilespmem:v43+s12+$0x0], $0xffff;
	v21 =	vsub.f32 v21, v24;
	v24 =	vmul.f32 v35, v35  }
0x2d3: {  	v15 =	vsub.f32 v23, v15;
	v61 =	vmul.f32 v60, v60;
	v20 =	vmul.f32 v20, v20  }
0x2d4: {  	v26 =	vld.idx.msk [tilespmem:v41+s12+$0x0], $0xffff;
	v8 =	vadd.f32 v21, v8;
	v19 =	vsub.f32 v19, v24;
	v21 =	vmul.f32 v34, v34  }
0x2d5: {  	v24 =	vmul.f32 v29, v29;
	v29 =	vsub.f32 v25, v39;
	v25 =	vsub.f32 v25, v59  }
0x2d6: {  	v62 =	vmul.f32 v15, v15;
	v8 =	vadd.f32 v19, v8;
	v21 =	vsub.f32 v20, v21  }
0x2d7: {  	v15 =	vsub.f32 v22, v12;
	v12 =	vld.idx.msk [tilespmem:v42+s12+$0x0], $0xffff;
	v28 =	vsub.f32 v23, v28;
	v25 =	vmul.f32 v25, v25  }
0x2d8: {  	v19 =	vld.idx.msk [tilespmem:v30+s12+$0x0], $0xffff;
	v24 =	vsub.f32 v24, v61;
	v29 =	vmul.f32 v29, v29;
	v23 =	vadd.f32 v21, v8  }
0x2d9: {  	v16 =	vor.u32 v5, v7;
	v18 =	vor.u32 v5, v10;
	v63 =	vsub.f32 v22, v26;
	v20 =	vld.idx.msk [tilespmem:v31+s12+$0x0], $0xffff  }
0x2da: {  	v8 =	vld.idx.msk [tilespmem:v27+s12+$0x0], $0xffff;
	v25 =	vsub.f32 v25, v29;
	v27 =	vmul.f32 v28, v28;
	v26 =	vadd.f32 v24, v23  }
0x2db: {  	v22 =	vor.u32 v5, v13;
	v21 =	vld.idx.msk [tilespmem:v33+s12+$0x0], $0xffff;
	v23 =	vor.u32 v4, v10;
	v24 =	vmul.f32 v15, v15  }
0x2dc: {  	s0 =	simm.s32 $0x10;
	v15 =	vld.idx.msk [tilespmem:v44+s12+$0x0], $0xffff;
	v25 =	vadd.f32 v25, v26;
	v26 =	vsub.f32 v62, v27;
	v27 =	vmul.f32 v63, v63  }
.LBB2_13:
0x2dd: {  	v28 =	vmov s0;
	p0 =	sne.s32 s0, $0x38;
	v29 =	vor.u32 v4, v13;
	v30 =	vld.idx.msk [tilespmem:v17+s12+$0x0], $0xffff  }
0x2de: {  	v13 =	vor.u32 v3, v13;
	v31 =	vld.idx.msk [tilespmem:v16+s12+$0x0], $0xffff;
	v16 =	vadd.f32 v26, v25;
	v17 =	vsub.f32 v24, v27  }
0x2df: {  	v24 =	vor.u32 s0, v5;
	v25 =	vor.u32 s0, v4;
	v26 =	vld.idx.msk [tilespmem:v18+s12+$0x0], $0xffff;
	v18 =	vor.u32 v3, v10  }
0x2e0: {  	v32 =	vor.u32 v4, v7;
	v27 =	vor.u32 s0, v3;
	v23 =	vld.idx.msk [tilespmem:v23+s12+$0x0], $0xffff;
	v33 =	vadd.f32 v17, v16  }
0x2e1: {  	v34 =	vor.u32 $0x6, v28;
	v35 =	vor.u32 $0x7, v28;
	v16 =	vor.u32 v3, v7;
	v22 =	vld.idx.msk [tilespmem:v22+s12+$0x0], $0xffff  }
0x2e2: {  	v37 =	vor.u32 v4, v6;
	v36 =	vor.u32 $0x5, v28;
	v17 =	vor.u32 $0x4, v28;
	v29 =	vld.idx.msk [tilespmem:v29+s12+$0x0], $0xffff  }
0x2e3: {  	v39 =	vor.u32 v3, v6;
	v10 =	vor.u32 $0x2, v28;
	v7 =	vor.u32 $0x3, v28;
	v6 =	vmovc v17;
	v38 =	vld.idx.msk [tilespmem:v13+s12+$0x0], $0xffff  }
0x2e4: {  	v13 =	vor.u32 $0x1, v28;
	v28 =	vor.u32 v5, v35;
	v40 =	vld.idx.msk [tilespmem:v18+s12+$0x0], $0xffff;
	v18 =	vor.u32 v4, v14  }
0x2e5: {  	v41 =	vor.u32 v4, v11;
	v11 =	vor.u32 v3, v11;
	v14 =	vor.u32 v3, v14;
	v32 =	vld.idx.msk [tilespmem:v32+s12+$0x0], $0xffff  }
0x2e6: {  	v44 =	vor.u32 v4, v9;
	v21 =	vsub.f32 v19, v21;
	v42 =	vor.u32 v5, v34;
	v43 =	vld.idx.msk [tilespmem:v16+s12+$0x0], $0xffff  }
0x2e7: {  	v9 =	vor.u32 v3, v9;
	v19 =	vsub.f32 v19, v20;
	v45 =	vor.u32 v5, v36;
	v20 =	vld.idx.msk [tilespmem:v37+s12+$0x0], $0xffff  }
0x2e8: {  	v21 =	vmul.f32 v21, v21;
	v17 =	vor.u32 v5, v6;
	v16 =	vor.u32 v5, v7;
	v37 =	vld.idx.msk [tilespmem:v39+s12+$0x0], $0xffff  }
0x2e9: {  	v19 =	vmul.f32 v19, v19;
	v29 =	vsub.f32 v22, v29;
	v22 =	vsub.f32 v22, v38;
	v38 =	vld.idx.msk [tilespmem:v18+s12+$0x0], $0xffff  }
0x2ea: {  	v23 =	vsub.f32 v26, v23;
	v18 =	vor.u32 v5, v10;
	v26 =	vsub.f32 v26, v40;
	v14 =	vld.idx.msk [tilespmem:v14+s12+$0x0], $0xffff  }
0x2eb: {  	v19 =	vsub.f32 v21, v19;
	v21 =	vmul.f32 v22, v22;
	v22 =	vmul.f32 v29, v29;
	v29 =	vld.idx.msk [tilespmem:v44+s12+$0x0], $0xffff  }
0x2ec: {  	v32 =	vsub.f32 v31, v32;
	v26 =	vmul.f32 v26, v26;
	v31 =	vsub.f32 v31, v43;
	v39 =	vld.idx.msk [tilespmem:v9+s12+$0x0], $0xffff  }
0x2ed: {  	v33 =	vadd.f32 v19, v33;
	v19 =	vsub.f32 v21, v22;
	v21 =	vmul.f32 v23, v23;
	v22 =	vld.idx.msk [tilespmem:v41+s12+$0x0], $0xffff  }
0x2ee: {  	v20 =	vsub.f32 v30, v20;
	v23 =	vmul.f32 v31, v31;
	v30 =	vsub.f32 v30, v37;
	v31 =	vld.idx.msk [tilespmem:v11+s12+$0x0], $0xffff  }
0x2ef: {  	v9 =	vmovc v34;
	v19 =	vadd.f32 v19, v33;
	v21 =	vsub.f32 v26, v21;
	v26 =	vmul.f32 v32, v32  }
0x2f0: {  	v32 =	vsub.f32 v15, v38;
	v11 =	vmovc v35;
	v30 =	vmul.f32 v30, v30;
	v15 =	vsub.f32 v15, v14  }
0x2f1: {  	v14 =	vmovc v36;
	v21 =	vadd.f32 v21, v19;
	v23 =	vsub.f32 v23, v26;
	v26 =	vmul.f32 v20, v20  }
0x2f2: {  	v15 =	vmul.f32 v15, v15;
	v19 =	vld.idx.msk [tilespmem:v24+s12+$0x0], $0xffff;
	v24 =	vsub.f32 v12, v29;
	v12 =	vsub.f32 v12, v39  }
.Ltmp7:
0x2f3: {  	v23 =	vadd.f32 v23, v21;
	v20 =	vld.idx.msk [tilespmem:v25+s12+$0x0], $0xffff;
	v25 =	vsub.f32 v30, v26;
	v26 =	vmul.f32 v32, v32;
	(pc) =	sbr.rel @p0 .LBB2_13-.Ltmp7, $4  }
0x2f4: {  	v29 =	vsub.f32 v8, v22;
	v30 =	vsub.f32 v8, v31;
	v21 =	vld.idx.msk [tilespmem:v27+s12+$0x0], $0xffff;
	v27 =	vmul.f32 v12, v12  }
0x2f5: {  	v8 =	vld.idx.msk [tilespmem:v28+s12+$0x0], $0xffff;
	v25 =	vadd.f32 v25, v23;
	v26 =	vsub.f32 v15, v26;
	v28 =	vmul.f32 v24, v24  }
0x2f6: {  	v22 =	vor.u32 v5, v13;
	v23 =	vor.u32 v4, v10;
	v24 =	vmul.f32 v30, v30;
	v12 =	vld.idx.msk [tilespmem:v42+s12+$0x0], $0xffff  }
0x2f7: {  	s0 =	sadd.s32 $0x8, s0;
	v15 =	vld.idx.msk [tilespmem:v45+s12+$0x0], $0xffff;
	v25 =	vadd.f32 v26, v25;
	v26 =	vsub.f32 v27, v28;
	v27 =	vmul.f32 v29, v29  }
0x2f8: {  	_ =	sdelay $0x3  }
0x2f9: {  	v5 =	vor.u32 v4, v13;
	v17 =	vld.idx.msk [tilespmem:v17+s12+$0x0], $0xffff  }
0x2fa: {  	v37 =	vor.u32 v3, v13;
	v16 =	vld.idx.msk [tilespmem:v16+s12+$0x0], $0xffff  }
0x2fb: {  	v18 =	vld.idx.msk [tilespmem:v18+s12+$0x0], $0xffff;
	v10 =	vor.u32 v3, v10  }
0x2fc: {  	v23 =	vld.idx.msk [tilespmem:v23+s12+$0x0], $0xffff;
	v28 =	vor.u32 v4, v7  }
0x2fd: {  	v22 =	vld.idx.msk [tilespmem:v22+s12+$0x0], $0xffff;
	v38 =	vor.u32 v3, v7  }
0x2fe: {  	v29 =	vor.u32 v4, v6;
	v5 =	vld.idx.msk [tilespmem:v5+s12+$0x0], $0xffff  }
0x2ff: {  	v39 =	vor.u32 v3, v6;
	v13 =	vld.idx.msk [tilespmem:v37+s12+$0x0], $0xffff  }
0x300: {  	v40 =	vor.u32 v4, v14;
	v44 =	vsub.f32 v19, v20;
	v25 =	vadd.f32 v26, v25;
	v10 =	vld.idx.msk [tilespmem:v10+s12+$0x0], $0xffff  }
0x301: {  	v42 =	vor.u32 v3, v14;
	v24 =	vsub.f32 v24, v27;
	v21 =	vsub.f32 v19, v21;
	v41 =	vld.idx.msk [tilespmem:v28+s12+$0x0], $0xffff  }
0x302: {  	v43 =	vor.u32 v4, v9;
	v47 =	vor.u32 v3, v9;
	v7 =	vld.idx.msk [tilespmem:v38+s12+$0x0], $0xffff  }
0x303: {  	v19 =	vmul.f32 v44, v44;
	v24 =	vadd.f32 v24, v25;
	v21 =	vmul.f32 v21, v21;
	v46 =	vld.idx.msk [tilespmem:v29+s12+$0x0], $0xffff  }
0x304: {  	v45 =	vor.u32 v4, v11;
	v6 =	vld.idx.msk [tilespmem:v39+s12+$0x0], $0xffff;
	v5 =	vsub.f32 v22, v5;
	v13 =	vsub.f32 v22, v13  }
0x305: {  	v3 =	vor.u32 v3, v11;
	v48 =	vld.idx.msk [tilespmem:v40+s12+$0x0], $0xffff;
	v49 =	vsub.f32 v18, v23;
	v50 =	vsub.f32 v21, v19  }
0x306: {  	v14 =	vld.idx.msk [tilespmem:v42+s12+$0x0], $0xffff;
	v10 =	vsub.f32 v18, v10;
	v13 =	vmul.f32 v13, v13;
	v5 =	vmul.f32 v5, v5  }
0x307: {  	v51 =	vld.idx.msk [tilespmem:v43+s12+$0x0], $0xffff;
	v53 =	vadd.f32 v50, v24;
	v54 =	vmul.f32 v49, v49;
	v7 =	vsub.f32 v16, v7  }
0x308: {  	v9 =	vld.idx.msk [tilespmem:v47+s12+$0x0], $0xffff;
	v52 =	vsub.f32 v16, v41;
	v10 =	vmul.f32 v10, v10;
	v5 =	vsub.f32 v13, v5  }
0x309: {  	v4 =	vld.idx.msk [tilespmem:v45+s12+$0x0], $0xffff;
	v55 =	vsub.f32 v17, v46;
	v6 =	vsub.f32 v17, v6;
	v7 =	vmul.f32 v7, v7  }
0x30a: {  	v3 =	vld.idx.msk [tilespmem:v3+s12+$0x0], $0xffff;
	v56 =	vmul.f32 v52, v52;
	v10 =	vsub.f32 v10, v54;
	v5 =	vadd.f32 v5, v53  }
0x30b: {  	v11 =	vsub.f32 v15, v48;
	v14 =	vsub.f32 v15, v14;
	v6 =	vmul.f32 v6, v6  }
0x30c: {  	v57 =	vmul.f32 v55, v55;
	v7 =	vsub.f32 v7, v56;
	v5 =	vadd.f32 v10, v5  }
0x30d: {  	v59 =	vsub.f32 v12, v51;
	v9 =	vsub.f32 v12, v9;
	v58 =	vmul.f32 v14, v14  }
0x30e: {  	v60 =	vmul.f32 v11, v11;
	v6 =	vsub.f32 v6, v57;
	v5 =	vadd.f32 v7, v5  }
0x30f: {  	v4 =	vsub.f32 v8, v4;
	v3 =	vsub.f32 v8, v3;
	v9 =	vmul.f32 v9, v9  }
0x310: {  	v62 =	vmul.f32 v59, v59;
	v61 =	vsub.f32 v58, v60;
	v5 =	vadd.f32 v6, v5  }
0x311: {  	v3 =	vmul.f32 v3, v3  }
0x312: {  	v4 =	vmul.f32 v4, v4;
	v63 =	vsub.f32 v9, v62;
	v5 =	vadd.f32 v61, v5;
	_ =	sdelay $0x1  }
0x313: {  	v3 =	vsub.f32 v3, v4;
	v5 =	vadd.f32 v63, v5;
	_ =	sdelay $0x1  }
0x314: {  	v3 =	vadd.f32 v3, v5;
	_ =	sdelay $0x1  }
0x315: {  	v3 =	vsub.f32 $0.0e+00, v3;
	_ =	sdelay $0x1  }
0x316: {  	v3 =	vmul.f32 $1.442695020e+00, v3;
	_ =	sdelay $0x1  }
0x317: {  	(erf) = vpow2.f32 v3;
	_ =	sdelay $0x8  }
0x318: {  	v3 =	vpop (erf)  }
0x319: {  	v3 =	vadd.f32 $1.000000000e+00, v3;
	_ =	sdelay $0x1  }
0x31a: {  	(erf) = vrcp.f32 v3;
	_ =	sdelay $0x3  }
0x31b: {  	s17 =	sadd.s32 $0x1, s17  }
0x31c: {  	p0 =	sne.s32 s17, $0x8  }
.Ltmp8:
0x31d: {  	_ = 	snop;
	(pc) =	sbr.rel @p0 .LBB2_12-.Ltmp8, $3  }
0x31e: {  	_ =	sdelay $0x1  }
0x31f: {  	v3 =	vpop (erf)  }
0x320: {  	[tilespmem:s18+$0x18780] =	vst v3  }
0x321: {  	s0 =	sld [smem:$0x7FC];
	_ =	sdelay $0x1  }
0x322: {  	s1 =	simm.s32 $0x18600  }
0x323: {  	[hbm4b:s0+s2] =	stream.linear.scatter [tilespmem:s1], [sflag:$0x3], $0x200, $0x38;
	[tilespmem:$0x18800] =	vst v63  }
0x324: {  	_ =	swait.ge [sflag:s3], $0x200  }
0x325: {  	s30 =	sld [smem:$0x7F8]  }
0x326: {  	s31 =	sld [smem:$0x7FD];
	_ =	sdelay $0x1  }
0x327: {  	s1 =	sadd.s32 $0x1, s30  }
0x328: {  	p0 =	sne.s32 s1, s31  }
.Ltmp9:
0x329: {  	_ = 	snop;
	(pc) =	sbr.rel @p0 .LBB2_1-.Ltmp9, $3  }
0x32a: {  	_ =	sdelay $0x1  }
0x32b: {  	[sflag:s3] =	ssyncset.done $0x0  }
0x32c: {  	[sflag:s3] =	ssyncadd.s32 $0xFFFFFE00  }
0x32d: {  	_ =	sfence.sel $0x180000  }
0x32e: {  	[bflag:$0x0] =	sbarrier.arrive $0xFFFF  }
0x32f: {  	_ =	strace $0x90000047  }
0x330: {  	s0 =	stileid.u32;
	[bflag:$0x2] =	sbarrier.arrive $0xFFFF  }
0x331: {  	p0 =	sne.s32 s0, $0x0;
	s0 =	rddreg [dreg:$0x2]  }
0x332: {  	s0 =	sadd.s32 @!p0 $0x100000, s0  }
0x333: {  	[sflag:s0] =	ssyncadd.tile.s32 @!p0 $0x1;
	_ =	shalt  }
.Lfunc_end2:
_tile_overlayer_lowered:
.L_overlay_start_2:
0x334: {  	(tag) =	ssettag $0x2  }
0x335: {  	s0 =	rddreg [dreg:$0x0];
	s2 =	stileid.u32  }
0x336: {  	s1 =	rddreg [dreg:$0x1];
	p0 =	sne.s32 s2, $0x0  }
0x337: {  	s3 =	rddreg [dreg:$0x2];
	[bflag:$0x3] =	sbarrier.arrive $0xFFFF;
	s2 =	simm.s32 @!p0 $0x1C03  }
0x338: {  	[timem:s3], [sflag:s2] =	dma.local @!p0 [hbm:s0], s1  }
0x339: {  	s0 =	simm.s32 @!p0 $0x3  }
0x33a: {  	_ =	swait.ge @!p0 [sflag:s0], s1  }
0x33b: {  	s1 =	ssub.s32 @!p0 $0x0, s1;
	[sflag:s0] =	ssyncset.done @!p0 $0x0  }
0x33c: {  	[sflag:s0] =	ssyncadd.s32 @!p0 s1  }
0x33d: {  	[bflag:$0x3] =	sbarrier.arrive $0xFFFF  }
0x33e: {  	_ =	shalt  }

</sc_bundles>
